<compile_context>
chip_gen: v7x
topology: tpu7x:2x2x1
jax: 0.10.2.dev20260603
libtpu: 0.0.44.dev20260713+nightly
codegen_flags: <defaults>
</compile_context>

<pallas_src>
import functools

import jax
import jax.numpy as jnp
from jax import lax
from jax.experimental import pallas as pl
from jax.experimental.pallas import tpu as pltpu
from jax.experimental.pallas import tpu_sc as plsc

NN = 15000
DD = 128
DE = 16
HH = 256
NC = 2
NS = 16
ROWS_PER_TILE = 944
LAST_ROWS = 848
NPAD = 15 * ROWS_PER_TILE + LAST_ROWS
KE = 40



def _sc_body(has_e, nchunk, epw, *refs):
    if has_e:
        (h_hbm, src_hbm, dst_hbm, e_hbm, z_hbm, out_hbm,
         shared, idx_s, idx_d, rows, erows, sem) = refs
    else:
        (h_hbm, src_hbm, dst_hbm, z_hbm, out_hbm,
         shared, idx_s, idx_d, rows, sem) = refs
    c = lax.axis_index("c")
    s = lax.axis_index("s")
    wid = c * NS + s

    off_rows = pl.multiple_of(s * ROWS_PER_TILE, 8)

    @pl.when(s < NS - 1)
    def _():
        pltpu.sync_copy(z_hbm, shared.at[pl.ds(off_rows, ROWS_PER_TILE)])

    @pl.when(s == NS - 1)
    def _():
        pltpu.sync_copy(z_hbm.at[pl.ds(0, LAST_ROWS)],
                        shared.at[pl.ds(off_rows, LAST_ROWS)])

    plsc.subcore_barrier()

    base = wid * epw

    def chunk(i, carry):
        off = pl.multiple_of(base + i * KE, 8)
        pltpu.sync_copy(src_hbm.at[pl.ds(off, KE)], idx_s)
        pltpu.sync_copy(dst_hbm.at[pl.ds(off, KE)], idx_d)
        pltpu.async_copy(h_hbm.at[idx_s], rows, sem).wait()
        if has_e:
            pltpu.sync_copy(e_hbm.at[pl.ds(off, KE)], erows)

            def rowloop(r, cc):
                for j in range(DD // 16):
                    sl = pl.ds(j * 16, 16)
                    rows[r, sl] = jnp.maximum(rows[r, sl] + erows[r, sl], 0.0)
                return cc

            lax.fori_loop(0, KE, rowloop, 0)
        pltpu.sync_copy(rows, shared.at[idx_d], add=True)
        return carry

    lax.fori_loop(0, nchunk, chunk, 0)
    plsc.subcore_barrier()

    @pl.when(s < NS - 1)
    def _():
        pltpu.sync_copy(shared.at[pl.ds(off_rows, ROWS_PER_TILE)],
                        out_hbm.at[c, pl.ds(off_rows, ROWS_PER_TILE)])

    @pl.when(s == NS - 1)
    def _():
        pltpu.sync_copy(shared.at[pl.ds(off_rows, LAST_ROWS)],
                        out_hbm.at[c, pl.ds(off_rows, LAST_ROWS)])


@functools.lru_cache(maxsize=None)
def _make_sc_pass(num_edges, has_e):
    epw = num_edges // (NC * NS)
    assert epw * NC * NS == num_edges and epw % KE == 0
    nchunk = epw // KE
    scratch = [
        pltpu.VMEM_SHARED((NPAD, DD), jnp.float32),
        pltpu.VMEM((KE,), jnp.int32),
        pltpu.VMEM((KE,), jnp.int32),
        pltpu.VMEM((KE, DD), jnp.float32),
    ]
    if has_e:
        scratch.append(pltpu.VMEM((KE, DD), jnp.float32))
    scratch.append(pltpu.SemaphoreType.DMA)
    return pl.kernel(
        functools.partial(_sc_body, has_e, nchunk, epw),
        out_type=jax.ShapeDtypeStruct((NC, NPAD, DD), jnp.float32),
        mesh=plsc.VectorSubcoreMesh(core_axis_name="c", subcore_axis_name="s"),
        scratch_types=scratch,
    )



NBLK = 1000


def _h0_body(m_ref, e_ref, o_ref):
    o_ref[...] = m_ref[...] * e_ref[...]


def _h0(mask2d, emb):
    return pl.pallas_call(
        _h0_body,
        grid=(NN // NBLK,),
        in_specs=[pl.BlockSpec((NBLK, 1), lambda i: (i, 0)),
                  pl.BlockSpec((1, DD), lambda i: (0, 0))],
        out_specs=pl.BlockSpec((NBLK, DD), lambda i: (i, 0)),
        out_shape=jax.ShapeDtypeStruct((NN, DD), jnp.float32),
    )(mask2d, emb)


def _edge_matmul_body(a_ref, w_ref, b_ref, o_ref):
    o_ref[...] = jnp.dot(a_ref[...], w_ref[...],
                         preferred_element_type=jnp.float32) + b_ref[...]


def _edge_matmul(edge_attr, W, b):
    E = edge_attr.shape[0]
    blk = 4000
    return pl.pallas_call(
        _edge_matmul_body,
        grid=(E // blk,),
        in_specs=[pl.BlockSpec((blk, DE), lambda i: (i, 0)),
                  pl.BlockSpec((DE, DD), lambda i: (0, 0)),
                  pl.BlockSpec((1, DD), lambda i: (0, 0))],
        out_specs=pl.BlockSpec((blk, DD), lambda i: (i, 0)),
        out_shape=jax.ShapeDtypeStruct((E, DD), jnp.float32),
    )(edge_attr, W, b.reshape(1, DD))


def _mlp_body(relu_out, emit_masked, s_ref, h_ref, p_ref0, p_ref1,
              w1_ref, b1_ref, w2_ref, b2_ref, *rest):
    if emit_masked:
        m_ref, o_ref, om_ref = rest
    else:
        (o_ref,) = rest
    z = s_ref[0, 0] * h_ref[...] + p_ref0[0] + p_ref1[0]
    a = jnp.maximum(
        jnp.dot(z, w1_ref[...], preferred_element_type=jnp.float32)
        + b1_ref[...], 0.0)
    y = jnp.dot(a, w2_ref[...], preferred_element_type=jnp.float32) + b2_ref[...]
    if relu_out:
        y = jnp.maximum(y, 0.0)
    o_ref[...] = y
    if emit_masked:
        om_ref[...] = y * m_ref[...]


def _node_mlp(h, parts, eps, W1, b1, W2f, b2f, relu_out, mask2d=None):
    emit_masked = mask2d is not None
    scale = (1.0 + eps).reshape(1, 1)
    in_specs = [
        pl.BlockSpec(memory_space=pltpu.SMEM),
        pl.BlockSpec((NBLK, DD), lambda i: (i, 0)),
        pl.BlockSpec((1, NBLK, DD), lambda i: (0, i, 0)),
        pl.BlockSpec((1, NBLK, DD), lambda i: (1, i, 0)),
        pl.BlockSpec((DD, HH), lambda i: (0, 0)),
        pl.BlockSpec((1, HH), lambda i: (0, 0)),
        pl.BlockSpec((HH, DD), lambda i: (0, 0)),
        pl.BlockSpec((1, DD), lambda i: (0, 0)),
    ]
    args = [scale, h, parts, parts, W1, b1.reshape(1, HH), W2f,
            b2f.reshape(1, DD)]
    if emit_masked:
        in_specs.append(pl.BlockSpec((NBLK, 1), lambda i: (i, 0)))
        args.append(mask2d)
        out_specs = [pl.BlockSpec((NBLK, DD), lambda i: (i, 0))] * 2
        out_shape = [jax.ShapeDtypeStruct((NN, DD), jnp.float32)] * 2
    else:
        out_specs = pl.BlockSpec((NBLK, DD), lambda i: (i, 0))
        out_shape = jax.ShapeDtypeStruct((NN, DD), jnp.float32)
    return pl.pallas_call(
        functools.partial(_mlp_body, relu_out, emit_masked),
        grid=(NN // NBLK,),
        in_specs=in_specs,
        out_specs=out_specs,
        out_shape=out_shape,
    )(*args)


def _add_relu_body(h_ref, p_ref0, p_ref1, oh_ref, og_ref):
    t = h_ref[...] + p_ref0[0] + p_ref1[0]
    oh_ref[...] = t
    og_ref[...] = jnp.maximum(t, 0.0)


def _add_relu(h, parts):
    return pl.pallas_call(
        _add_relu_body,
        grid=(NN // NBLK,),
        in_specs=[pl.BlockSpec((NBLK, DD), lambda i: (i, 0)),
                  pl.BlockSpec((1, NBLK, DD), lambda i: (0, i, 0)),
                  pl.BlockSpec((1, NBLK, DD), lambda i: (1, i, 0))],
        out_specs=[pl.BlockSpec((NBLK, DD), lambda i: (i, 0))] * 2,
        out_shape=[jax.ShapeDtypeStruct((NN, DD), jnp.float32)] * 2,
    )(h, parts, parts)



def kernel(x, edge_index, edge_attr, batch, expander_edge_index,
           expander_node_mask, num_nodes, emb, Wedge, bedge, eps_main,
           W1, b1, W2, b2, bn_g, bn_b, eps_r, rW1, rb1, rW2, rb2,
           rbn_g, rbn_b):
    src, dst = edge_index[0], edge_index[1]
    esrc, edst = expander_edge_index[0], expander_edge_index[1]
    mask2d = expander_node_mask.reshape(NN, 1)
    zeros = jnp.zeros((ROWS_PER_TILE, DD), jnp.float32)
    bns = 1.0 / jnp.sqrt(1.0 + 1e-5)

    E = src.shape[0]
    EE = esrc.shape[0]
    sc_main = _make_sc_pass(E, True)
    sc_plain = _make_sc_pass(EE, False)

    h = _h0(mask2d, emb)
    for l in range(3):
        e_emb = _edge_matmul(edge_attr, Wedge[l], bedge[l])
        part = sc_main(h, src, dst, e_emb, zeros)
        W2f = W2[l] * (bn_g[l] * bns)[None, :]
        b2f = b2[l] * (bn_g[l] * bns) + bn_b[l]
        if l < 2:
            _, hm = _node_mlp(h, part, eps_main[l], W1[l], b1[l], W2f, b2f,
                              relu_out=True, mask2d=mask2d)
            part2 = sc_plain(hm, esrc, edst, zeros)
            h_after, g = _add_relu(hm, part2)
            part3 = sc_plain(g, edst, esrc, zeros)
            rW2f = rW2[l] * (rbn_g[l] * bns)[None, :]
            rb2f = rb2[l] * (rbn_g[l] * bns) + rbn_b[l]
            h = _node_mlp(h_after, part3, eps_r[l], rW1[l], rb1[l],
                          rW2f, rb2f, relu_out=True)
        else:
            h = _node_mlp(h, part, eps_main[l], W1[l], b1[l], W2f, b2f,
                          relu_out=False)
    return h

# --- scband reference (transcript-rebuilt; emitter-appended) ---
"""Pipeline reference for scband-gnn-node-expander-29506425324086 (READ-ONLY COPY).

The authoritative reference and input builder live on the scoring server;
editing this copy changes nothing except your own understanding.
"""

import jax, jax.numpy as jnp
import numpy as np

N = 15000
E = 320000
EE = 160000
D = 128
DE = 16
H = 256
L = 3


def _gin(h, src, dst, eps, W1, b1, W2, b2, e=None):
    msg = h[src]
    if e is not None:
        msg = msg + e
    msg = jax.nn.relu(msg)
    aggr = jax.ops.segment_sum(msg, dst, num_segments=h.shape[0])
    z = (1.0 + eps) * h + aggr
    z = jax.nn.relu(z @ W1 + b1) @ W2 + b2
    return z


def _bn(z, g, b):
    # eval-mode batchnorm with running_mean=0, running_var=1
    return g * (z / jnp.sqrt(1.0 + 1e-5)) + b


def setup_inputs(seed: int = 0):
    key = jax.random.key(seed)
    ks = jax.random.split(key, 16)
    s = 0.05
    inp = {}
    inp['x'] = jnp.zeros((N,), dtype=jnp.int32)
    inp['edge_index'] = jax.random.randint(ks[0], (2, E), 0, N, dtype=jnp.int32)
    inp['edge_attr'] = jax.random.normal(ks[1], (E, DE), dtype=jnp.float32)
    inp['batch'] = jnp.zeros((N,), dtype=jnp.int32)
    inp['expander_edge_index'] = jax.random.randint(ks[2], (2, EE), 0, N, dtype=jnp.int32)
    inp['expander_node_mask'] = jax.random.randint(ks[3], (N,), 0, 2).astype(jnp.float32)
    inp['num_nodes'] = N
    inp['emb'] = jax.random.normal(ks[4], (1, D), dtype=jnp.float32) * s
    inp['Wedge'] = jax.random.normal(ks[5], (L, DE, D), dtype=jnp.float32) * s
    inp['bedge'] = jnp.zeros((L, D), dtype=jnp.float32)
    inp['eps_main'] = jnp.zeros((L,), dtype=jnp.float32)
    inp['W1'] = jax.random.normal(ks[6], (L, D, H), dtype=jnp.float32) * s
    inp['b1'] = jnp.zeros((L, H), dtype=jnp.float32)
    inp['W2'] = jax.random.normal(ks[7], (L, H, D), dtype=jnp.float32) * s
    inp['b2'] = jnp.zeros((L, D), dtype=jnp.float32)
    inp['bn_g'] = jnp.ones((L, D), dtype=jnp.float32)
    inp['bn_b'] = jnp.zeros((L, D), dtype=jnp.float32)
    inp['eps_r'] = jnp.zeros((L - 1,), dtype=jnp.float32)
    inp['rW1'] = jax.random.normal(ks[8], (L - 1, D, H), dtype=jnp.float32) * s
    inp['rb1'] = jnp.zeros((L - 1, H), dtype=jnp.float32)
    inp['rW2'] = jax.random.normal(ks[9], (L - 1, H, D), dtype=jnp.float32) * s
    inp['rb2'] = jnp.zeros((L - 1, D), dtype=jnp.float32)
    inp['rbn_g'] = jnp.ones((L - 1, D), dtype=jnp.float32)
    inp['rbn_b'] = jnp.zeros((L - 1, D), dtype=jnp.float32)
    return inp


def reference(x, edge_index, edge_attr, batch, expander_edge_index, expander_node_mask, num_nodes, emb, Wedge, bedge, eps_main, W1, b1, W2, b2, bn_g, bn_b, eps_r, rW1, rb1, rW2, rb2, rbn_g, rbn_b):
    h = emb[x]
    mask = expander_node_mask[:, None]
    h = h * mask
    src, dst = edge_index[0], edge_index[1]
    esrc, edst = expander_edge_index[0], expander_edge_index[1]
    for layer in range(L):
        e_emb = edge_attr @ Wedge[layer] + bedge[layer]
        z = _gin(h, src, dst, eps_main[layer], W1[layer], b1[layer], W2[layer], b2[layer], e=e_emb)
        z = _bn(z, bn_g[layer], bn_b[layer])
        if layer == L - 1:
            h = z  # no activation on last layer; dropout disabled (eval)
        else:
            h = jax.nn.relu(z)
            # expander_edge_handling == 'summation': SumConv (plain scatter-sum)
            h = h * mask
            h_edge = jax.ops.segment_sum(h[esrc], edst, num_segments=h.shape[0])
            h = h + h_edge
            # reverse expander edge propagation (expander_right_conv)
            z = _gin(h, edst, esrc, eps_r[layer], rW1[layer], rb1[layer], rW2[layer], rb2[layer])
            z = _bn(z, rbn_g[layer], rbn_b[layer])
            h = jax.nn.relu(z)
    return h  # JK == 'last'

if __name__ == "__main__":
    import jax
    _d = setup_inputs()
    print(jax.jit(kernel)(*tuple(_d.values())))

</pallas_src>

<mosaic_0001>
#map = affine_map<(d0, d1) -> (0, 0)>
#map1 = affine_map<(d0, d1) -> (0)>
#map2 = affine_map<(d0, d1) -> (0, 0, 0)>
module attributes {stable_mosaic.version = 14 : i64} {
  func.func @_sc_body(%arg0: i32, %arg1: i32, %arg2: memref<15000x128xf32, #tpu.memory_space<hbm>>, %arg3: memref<160000xi32, #tpu.memory_space<hbm>>, %arg4: memref<160000xi32, #tpu.memory_space<hbm>>, %arg5: memref<944x128xf32, #tpu.memory_space<hbm>>, %arg6: memref<2x15008x128xf32, #tpu.memory_space<hbm>>, %arg7: memref<15008x128xf32, #tpu.memory_space<vmem_shared>>, %arg8: memref<40xi32, #tpu.memory_space<vmem>>, %arg9: memref<40xi32, #tpu.memory_space<vmem>>, %arg10: memref<40x128xf32, #tpu.memory_space<vmem>>, %arg11: memref<!tpu.dma_semaphore, #tpu.memory_space<semaphore_mem>>) attributes {dimension_semantics = [#tpu.dimension_semantics<core_parallel>, #tpu.dimension_semantics<subcore_parallel>], iteration_bounds = array<i64: 2, 16>, scalar_prefetch = 0 : i64, scratch_operands = 5 : i64, tpu.core_type = #tpu.core_type<sc_vector_subcore>, window_params = [{transform_indices = #map}, {transform_indices = #map1}, {transform_indices = #map1}, {transform_indices = #map}, {transform_indices = #map2}]} {
    %mul3A = arith.constant 16 : i32
    %mul3A_0 = arith.muli %arg0, %mul3A : i32
    %add3A = arith.addi %mul3A_0, %arg1 : i32
    %mul3A_1 = arith.constant 944 : i32
    %mul3A_2 = arith.muli %arg1, %mul3A_1 : i32
    %multiple_of3A = tpu.assume_multiple %mul3A_2, 8 : i32
    %lt3A = arith.constant 15 : i32
    %lt3A_3 = arith.cmpi slt, %arg1, %lt3A : i32
    %convert_element_type3A = arith.extui %lt3A_3 : i1 to i32
    %cond3A = arith.constant 0 : i32
    %cond3A_4 = arith.cmpi ne, %convert_element_type3A, %cond3A : i32
    scf.if %cond3A_4 {
      "tpu.region"() ({
        %run_scoped3A = tpu.sem_alloc : memref<!tpu.dma_semaphore, #tpu.memory_space<semaphore_mem>>
        %dma_start3A = arith.constant 0 : i32
        %dma_start3A_27 = tpu.memref_slice %arg7[%multiple_of3A, %dma_start3A] : memref<15008x128xf32, #tpu.memory_space<vmem_shared>> -> memref<944x128xf32, #tpu.memory_space<vmem_shared>>
        tpu.enqueue_dma source(%arg5 : memref<944x128xf32, #tpu.memory_space<hbm>>) target(%dma_start3A_27 : memref<944x128xf32, #tpu.memory_space<vmem_shared>>) target_semaphore(%run_scoped3A : memref<!tpu.dma_semaphore, #tpu.memory_space<semaphore_mem>>)
        %dma_wait3A = arith.constant 0 : i32
        %dma_wait3A_28 = tpu.memref_slice %arg7[%multiple_of3A, %dma_wait3A] : memref<15008x128xf32, #tpu.memory_space<vmem_shared>> -> memref<944x128xf32, #tpu.memory_space<vmem_shared>>
        tpu.wait_dma2 semaphore(%run_scoped3A : memref<!tpu.dma_semaphore, #tpu.memory_space<semaphore_mem>>) src(%arg5 : memref<944x128xf32, #tpu.memory_space<hbm>>) dst(%dma_wait3A_28 : memref<944x128xf32, #tpu.memory_space<vmem_shared>>)
        tpu.yield
      }) : () -> ()
    } else {
    }
    %eq3A = arith.constant 15 : i32
    %eq3A_5 = arith.cmpi eq, %arg1, %eq3A : i32
    %convert_element_type3A_6 = arith.extui %eq3A_5 : i1 to i32
    %cond3A_7 = arith.constant 0 : i32
    %cond3A_8 = arith.cmpi ne, %convert_element_type3A_6, %cond3A_7 : i32
    scf.if %cond3A_8 {
      "tpu.region"() ({
        %run_scoped3A = tpu.sem_alloc : memref<!tpu.dma_semaphore, #tpu.memory_space<semaphore_mem>>
        %dma_start3A = arith.constant 0 : i32
        %dma_start3A_27 = tpu.memref_slice %arg7[%multiple_of3A, %dma_start3A] : memref<15008x128xf32, #tpu.memory_space<vmem_shared>> -> memref<848x128xf32, #tpu.memory_space<vmem_shared>>
        %dma_start3A_28 = arith.constant 0 : i32
        %dma_start3A_29 = arith.constant 0 : i32
        %dma_start3A_30 = tpu.memref_slice %arg5[%dma_start3A_28, %dma_start3A_29] : memref<944x128xf32, #tpu.memory_space<hbm>> -> memref<848x128xf32, #tpu.memory_space<hbm>>
        tpu.enqueue_dma source(%dma_start3A_30 : memref<848x128xf32, #tpu.memory_space<hbm>>) target(%dma_start3A_27 : memref<848x128xf32, #tpu.memory_space<vmem_shared>>) target_semaphore(%run_scoped3A : memref<!tpu.dma_semaphore, #tpu.memory_space<semaphore_mem>>)
        %dma_wait3A = arith.constant 0 : i32
        %dma_wait3A_31 = tpu.memref_slice %arg7[%multiple_of3A, %dma_wait3A] : memref<15008x128xf32, #tpu.memory_space<vmem_shared>> -> memref<848x128xf32, #tpu.memory_space<vmem_shared>>
        %dma_wait3A_32 = arith.constant 0 : i32
        %dma_wait3A_33 = arith.constant 0 : i32
        %dma_wait3A_34 = tpu.memref_slice %arg5[%dma_wait3A_32, %dma_wait3A_33] : memref<944x128xf32, #tpu.memory_space<hbm>> -> memref<848x128xf32, #tpu.memory_space<hbm>>
        tpu.wait_dma2 semaphore(%run_scoped3A : memref<!tpu.dma_semaphore, #tpu.memory_space<semaphore_mem>>) src(%dma_wait3A_34 : memref<848x128xf32, #tpu.memory_space<hbm>>) dst(%dma_wait3A_31 : memref<848x128xf32, #tpu.memory_space<vmem_shared>>)
        tpu.yield
      }) : () -> ()
    } else {
    }
    %barrier3A = arith.constant 0 : index
    tpu.barrier barrier_id(%barrier3A)
    %mul3A_9 = arith.constant 5000 : i32
    %mul3A_10 = arith.muli %add3A, %mul3A_9 : i32
    %scan3A = arith.constant 0 : i32
    %scan3A_11 = arith.constant 0 : i32
    %scan3A_12 = arith.constant 125 : i32
    %scan3A_13 = arith.addi %scan3A_11, %scan3A_12 : i32
    %scan3A_14 = arith.constant 1 : i32
    scf.for %scan3A_27 = %scan3A_11 to %scan3A_13 step %scan3A_14  : i32 {
      %mul3A_28 = arith.constant 40 : i32
      %mul3A_29 = arith.muli %scan3A_27, %mul3A_28 : i32
      %add3A_30 = arith.addi %mul3A_10, %mul3A_29 : i32
      %multiple_of3A_31 = tpu.assume_multiple %add3A_30, 8 : i32
      "tpu.region"() ({
        %run_scoped3A = tpu.sem_alloc : memref<!tpu.dma_semaphore, #tpu.memory_space<semaphore_mem>>
        %dma_start3A_36 = tpu.memref_slice %arg3[%multiple_of3A_31] : memref<160000xi32, #tpu.memory_space<hbm>> -> memref<40xi32, #tpu.memory_space<hbm>>
        %dma_start3A_37 = tpu.memref_slice %arg3[%multiple_of3A_31] : memref<160000xi32, #tpu.memory_space<hbm>> -> memref<40xi32, #tpu.memory_space<hbm>>
        tpu.enqueue_dma source(%dma_start3A_37 : memref<40xi32, #tpu.memory_space<hbm>>) target(%arg8 : memref<40xi32, #tpu.memory_space<vmem>>) target_semaphore(%run_scoped3A : memref<!tpu.dma_semaphore, #tpu.memory_space<semaphore_mem>>)
        %dma_wait3A_38 = tpu.memref_slice %arg3[%multiple_of3A_31] : memref<160000xi32, #tpu.memory_space<hbm>> -> memref<40xi32, #tpu.memory_space<hbm>>
        %dma_wait3A_39 = tpu.memref_slice %arg3[%multiple_of3A_31] : memref<160000xi32, #tpu.memory_space<hbm>> -> memref<40xi32, #tpu.memory_space<hbm>>
        tpu.wait_dma2 semaphore(%run_scoped3A : memref<!tpu.dma_semaphore, #tpu.memory_space<semaphore_mem>>) src(%dma_wait3A_39 : memref<40xi32, #tpu.memory_space<hbm>>) dst(%arg8 : memref<40xi32, #tpu.memory_space<vmem>>)
        tpu.yield
      }) : () -> ()
      "tpu.region"() ({
        %run_scoped3A = tpu.sem_alloc : memref<!tpu.dma_semaphore, #tpu.memory_space<semaphore_mem>>
        %dma_start3A_36 = tpu.memref_slice %arg4[%multiple_of3A_31] : memref<160000xi32, #tpu.memory_space<hbm>> -> memref<40xi32, #tpu.memory_space<hbm>>
        %dma_start3A_37 = tpu.memref_slice %arg4[%multiple_of3A_31] : memref<160000xi32, #tpu.memory_space<hbm>> -> memref<40xi32, #tpu.memory_space<hbm>>
        tpu.enqueue_dma source(%dma_start3A_37 : memref<40xi32, #tpu.memory_space<hbm>>) target(%arg9 : memref<40xi32, #tpu.memory_space<vmem>>) target_semaphore(%run_scoped3A : memref<!tpu.dma_semaphore, #tpu.memory_space<semaphore_mem>>)
        %dma_wait3A_38 = tpu.memref_slice %arg4[%multiple_of3A_31] : memref<160000xi32, #tpu.memory_space<hbm>> -> memref<40xi32, #tpu.memory_space<hbm>>
        %dma_wait3A_39 = tpu.memref_slice %arg4[%multiple_of3A_31] : memref<160000xi32, #tpu.memory_space<hbm>> -> memref<40xi32, #tpu.memory_space<hbm>>
        tpu.wait_dma2 semaphore(%run_scoped3A : memref<!tpu.dma_semaphore, #tpu.memory_space<semaphore_mem>>) src(%dma_wait3A_39 : memref<40xi32, #tpu.memory_space<hbm>>) dst(%arg9 : memref<40xi32, #tpu.memory_space<vmem>>)
        tpu.yield
      }) : () -> ()
      %dma_start3A = arith.constant 0 : i32
      %dma_start3A_32 = arith.constant 0 : i32
      %dma_start3A_33 = tpu.memref_slice %arg2[%dma_start3A, %dma_start3A_32] : memref<15000x128xf32, #tpu.memory_space<hbm>> -> memref<15000x128xf32, #tpu.memory_space<hbm>>
      tpu.enqueue_indirect_dma source(%dma_start3A_33 : memref<15000x128xf32, #tpu.memory_space<hbm>>) target(%arg10 : memref<40x128xf32, #tpu.memory_space<vmem>>) offsets(%arg8 : memref<40xi32, #tpu.memory_space<vmem>>) semaphore(%arg11 : memref<!tpu.dma_semaphore, #tpu.memory_space<semaphore_mem>>)
      %dma_wait3A = arith.constant 0 : i32
      %dma_wait3A_34 = arith.constant 0 : i32
      %dma_wait3A_35 = tpu.memref_slice %arg2[%dma_wait3A, %dma_wait3A_34] : memref<15000x128xf32, #tpu.memory_space<hbm>> -> memref<15000x128xf32, #tpu.memory_space<hbm>>
      tpu.wait_indirect_dma semaphore(%arg11 : memref<!tpu.dma_semaphore, #tpu.memory_space<semaphore_mem>>) src(%dma_wait3A_35 : memref<15000x128xf32, #tpu.memory_space<hbm>>) dst(%arg10 : memref<40x128xf32, #tpu.memory_space<vmem>>)
      "tpu.region"() ({
        %run_scoped3A = tpu.sem_alloc : memref<!tpu.dma_semaphore, #tpu.memory_space<semaphore_mem>>
        %dma_start3A_36 = arith.constant 0 : i32
        %dma_start3A_37 = arith.constant 0 : i32
        %dma_start3A_38 = tpu.memref_slice %arg7[%dma_start3A_36, %dma_start3A_37] : memref<15008x128xf32, #tpu.memory_space<vmem_shared>> -> memref<15008x128xf32, #tpu.memory_space<vmem_shared>>
        tpu.enqueue_indirect_dma source(%arg10 : memref<40x128xf32, #tpu.memory_space<vmem>>) target(%dma_start3A_38 : memref<15008x128xf32, #tpu.memory_space<vmem_shared>>) offsets(%arg9 : memref<40xi32, #tpu.memory_space<vmem>>) semaphore(%run_scoped3A : memref<!tpu.dma_semaphore, #tpu.memory_space<semaphore_mem>>) {add = true}
        %dma_wait3A_39 = arith.constant 0 : i32
        %dma_wait3A_40 = arith.constant 0 : i32
        %dma_wait3A_41 = tpu.memref_slice %arg7[%dma_wait3A_39, %dma_wait3A_40] : memref<15008x128xf32, #tpu.memory_space<vmem_shared>> -> memref<15008x128xf32, #tpu.memory_space<vmem_shared>>
        tpu.wait_indirect_dma semaphore(%run_scoped3A : memref<!tpu.dma_semaphore, #tpu.memory_space<semaphore_mem>>) src(%arg10 : memref<40x128xf32, #tpu.memory_space<vmem>>) dst(%dma_wait3A_41 : memref<15008x128xf32, #tpu.memory_space<vmem_shared>>)
        tpu.yield
      }) : () -> ()
    }
    %scan3A_15 = arith.constant 125 : i32
    %barrier3A_16 = arith.constant 0 : index
    tpu.barrier barrier_id(%barrier3A_16)
    %lt3A_17 = arith.constant 15 : i32
    %lt3A_18 = arith.cmpi slt, %arg1, %lt3A_17 : i32
    %convert_element_type3A_19 = arith.extui %lt3A_18 : i1 to i32
    %cond3A_20 = arith.constant 0 : i32
    %cond3A_21 = arith.cmpi ne, %convert_element_type3A_19, %cond3A_20 : i32
    scf.if %cond3A_21 {
      "tpu.region"() ({
        %run_scoped3A = tpu.sem_alloc : memref<!tpu.dma_semaphore, #tpu.memory_space<semaphore_mem>>
        %dma_start3A = arith.constant 0 : i32
        %dma_start3A_27 = tpu.memref_slice %arg6[%arg0, %multiple_of3A, %dma_start3A] : memref<2x15008x128xf32, #tpu.memory_space<hbm>> -> memref<1x944x128xf32, #tpu.memory_space<hbm>>
        %dma_start3A_28 = tpu.memref_squeeze %dma_start3A_27 : memref<1x944x128xf32, #tpu.memory_space<hbm>> -> memref<944x128xf32, #tpu.memory_space<hbm>>
        %dma_start3A_29 = arith.constant 0 : i32
        %dma_start3A_30 = tpu.memref_slice %arg7[%multiple_of3A, %dma_start3A_29] : memref<15008x128xf32, #tpu.memory_space<vmem_shared>> -> memref<944x128xf32, #tpu.memory_space<vmem_shared>>
        tpu.enqueue_dma source(%dma_start3A_30 : memref<944x128xf32, #tpu.memory_space<vmem_shared>>) target(%dma_start3A_28 : memref<944x128xf32, #tpu.memory_space<hbm>>) target_semaphore(%run_scoped3A : memref<!tpu.dma_semaphore, #tpu.memory_space<semaphore_mem>>)
        %dma_wait3A = arith.constant 0 : i32
        %dma_wait3A_31 = tpu.memref_slice %arg6[%arg0, %multiple_of3A, %dma_wait3A] : memref<2x15008x128xf32, #tpu.memory_space<hbm>> -> memref<1x944x128xf32, #tpu.memory_space<hbm>>
        %dma_wait3A_32 = tpu.memref_squeeze %dma_wait3A_31 : memref<1x944x128xf32, #tpu.memory_space<hbm>> -> memref<944x128xf32, #tpu.memory_space<hbm>>
        %dma_wait3A_33 = arith.constant 0 : i32
        %dma_wait3A_34 = tpu.memref_slice %arg7[%multiple_of3A, %dma_wait3A_33] : memref<15008x128xf32, #tpu.memory_space<vmem_shared>> -> memref<944x128xf32, #tpu.memory_space<vmem_shared>>
        tpu.wait_dma2 semaphore(%run_scoped3A : memref<!tpu.dma_semaphore, #tpu.memory_space<semaphore_mem>>) src(%dma_wait3A_34 : memref<944x128xf32, #tpu.memory_space<vmem_shared>>) dst(%dma_wait3A_32 : memref<944x128xf32, #tpu.memory_space<hbm>>)
        tpu.yield
      }) : () -> ()
    } else {
    }
    %eq3A_22 = arith.constant 15 : i32
    %eq3A_23 = arith.cmpi eq, %arg1, %eq3A_22 : i32
    %convert_element_type3A_24 = arith.extui %eq3A_23 : i1 to i32
    %cond3A_25 = arith.constant 0 : i32
    %cond3A_26 = arith.cmpi ne, %convert_element_type3A_24, %cond3A_25 : i32
    scf.if %cond3A_26 {
      "tpu.region"() ({
        %run_scoped3A = tpu.sem_alloc : memref<!tpu.dma_semaphore, #tpu.memory_space<semaphore_mem>>
        %dma_start3A = arith.constant 0 : i32
        %dma_start3A_27 = tpu.memref_slice %arg6[%arg0, %multiple_of3A, %dma_start3A] : memref<2x15008x128xf32, #tpu.memory_space<hbm>> -> memref<1x848x128xf32, #tpu.memory_space<hbm>>
        %dma_start3A_28 = tpu.memref_squeeze %dma_start3A_27 : memref<1x848x128xf32, #tpu.memory_space<hbm>> -> memref<848x128xf32, #tpu.memory_space<hbm>>
        %dma_start3A_29 = arith.constant 0 : i32
        %dma_start3A_30 = tpu.memref_slice %arg7[%multiple_of3A, %dma_start3A_29] : memref<15008x128xf32, #tpu.memory_space<vmem_shared>> -> memref<848x128xf32, #tpu.memory_space<vmem_shared>>
        tpu.enqueue_dma source(%dma_start3A_30 : memref<848x128xf32, #tpu.memory_space<vmem_shared>>) target(%dma_start3A_28 : memref<848x128xf32, #tpu.memory_space<hbm>>) target_semaphore(%run_scoped3A : memref<!tpu.dma_semaphore, #tpu.memory_space<semaphore_mem>>)
        %dma_wait3A = arith.constant 0 : i32
        %dma_wait3A_31 = tpu.memref_slice %arg6[%arg0, %multiple_of3A, %dma_wait3A] : memref<2x15008x128xf32, #tpu.memory_space<hbm>> -> memref<1x848x128xf32, #tpu.memory_space<hbm>>
        %dma_wait3A_32 = tpu.memref_squeeze %dma_wait3A_31 : memref<1x848x128xf32, #tpu.memory_space<hbm>> -> memref<848x128xf32, #tpu.memory_space<hbm>>
        %dma_wait3A_33 = arith.constant 0 : i32
        %dma_wait3A_34 = tpu.memref_slice %arg7[%multiple_of3A, %dma_wait3A_33] : memref<15008x128xf32, #tpu.memory_space<vmem_shared>> -> memref<848x128xf32, #tpu.memory_space<vmem_shared>>
        tpu.wait_dma2 semaphore(%run_scoped3A : memref<!tpu.dma_semaphore, #tpu.memory_space<semaphore_mem>>) src(%dma_wait3A_34 : memref<848x128xf32, #tpu.memory_space<vmem_shared>>) dst(%dma_wait3A_32 : memref<848x128xf32, #tpu.memory_space<hbm>>)
        tpu.yield
      }) : () -> ()
    } else {
    }
    return
  }
}

#map = affine_map<(d0, d1) -> (0, 0)>
#map1 = affine_map<(d0, d1) -> (0)>
#map2 = affine_map<(d0, d1) -> (0, 0, 0)>
module attributes {stable_mosaic.version = 14 : i64} {
  func.func @_sc_body(%arg0: i32, %arg1: i32, %arg2: memref<15000x128xf32, #tpu.memory_space<hbm>>, %arg3: memref<320000xi32, #tpu.memory_space<hbm>>, %arg4: memref<320000xi32, #tpu.memory_space<hbm>>, %arg5: memref<320000x128xf32, #tpu.memory_space<hbm>>, %arg6: memref<944x128xf32, #tpu.memory_space<hbm>>, %arg7: memref<2x15008x128xf32, #tpu.memory_space<hbm>>, %arg8: memref<15008x128xf32, #tpu.memory_space<vmem_shared>>, %arg9: memref<40xi32, #tpu.memory_space<vmem>>, %arg10: memref<40xi32, #tpu.memory_space<vmem>>, %arg11: memref<40x128xf32, #tpu.memory_space<vmem>>, %arg12: memref<40x128xf32, #tpu.memory_space<vmem>>, %arg13: memref<!tpu.dma_semaphore, #tpu.memory_space<semaphore_mem>>) attributes {dimension_semantics = [#tpu.dimension_semantics<core_parallel>, #tpu.dimension_semantics<subcore_parallel>], iteration_bounds = array<i64: 2, 16>, scalar_prefetch = 0 : i64, scratch_operands = 6 : i64, tpu.core_type = #tpu.core_type<sc_vector_subcore>, window_params = [{transform_indices = #map}, {transform_indices = #map1}, {transform_indices = #map1}, {transform_indices = #map}, {transform_indices = #map}, {transform_indices = #map2}]} {
    %mul3A = arith.constant 16 : i32
    %mul3A_0 = arith.muli %arg0, %mul3A : i32
    %add3A = arith.addi %mul3A_0, %arg1 : i32
    %mul3A_1 = arith.constant 944 : i32
    %mul3A_2 = arith.muli %arg1, %mul3A_1 : i32
    %multiple_of3A = tpu.assume_multiple %mul3A_2, 8 : i32
    %lt3A = arith.constant 15 : i32
    %lt3A_3 = arith.cmpi slt, %arg1, %lt3A : i32
    %convert_element_type3A = arith.extui %lt3A_3 : i1 to i32
    %cond3A = arith.constant 0 : i32
    %cond3A_4 = arith.cmpi ne, %convert_element_type3A, %cond3A : i32
    scf.if %cond3A_4 {
      "tpu.region"() ({
        %run_scoped3A = tpu.sem_alloc : memref<!tpu.dma_semaphore, #tpu.memory_space<semaphore_mem>>
        %dma_start3A = arith.constant 0 : i32
        %dma_start3A_27 = tpu.memref_slice %arg8[%multiple_of3A, %dma_start3A] : memref<15008x128xf32, #tpu.memory_space<vmem_shared>> -> memref<944x128xf32, #tpu.memory_space<vmem_shared>>
        tpu.enqueue_dma source(%arg6 : memref<944x128xf32, #tpu.memory_space<hbm>>) target(%dma_start3A_27 : memref<944x128xf32, #tpu.memory_space<vmem_shared>>) target_semaphore(%run_scoped3A : memref<!tpu.dma_semaphore, #tpu.memory_space<semaphore_mem>>)
        %dma_wait3A = arith.constant 0 : i32
        %dma_wait3A_28 = tpu.memref_slice %arg8[%multiple_of3A, %dma_wait3A] : memref<15008x128xf32, #tpu.memory_space<vmem_shared>> -> memref<944x128xf32, #tpu.memory_space<vmem_shared>>
        tpu.wait_dma2 semaphore(%run_scoped3A : memref<!tpu.dma_semaphore, #tpu.memory_space<semaphore_mem>>) src(%arg6 : memref<944x128xf32, #tpu.memory_space<hbm>>) dst(%dma_wait3A_28 : memref<944x128xf32, #tpu.memory_space<vmem_shared>>)
        tpu.yield
      }) : () -> ()
    } else {
    }
    %eq3A = arith.constant 15 : i32
    %eq3A_5 = arith.cmpi eq, %arg1, %eq3A : i32
    %convert_element_type3A_6 = arith.extui %eq3A_5 : i1 to i32
    %cond3A_7 = arith.constant 0 : i32
    %cond3A_8 = arith.cmpi ne, %convert_element_type3A_6, %cond3A_7 : i32
    scf.if %cond3A_8 {
      "tpu.region"() ({
        %run_scoped3A = tpu.sem_alloc : memref<!tpu.dma_semaphore, #tpu.memory_space<semaphore_mem>>
        %dma_start3A = arith.constant 0 : i32
        %dma_start3A_27 = tpu.memref_slice %arg8[%multiple_of3A, %dma_start3A] : memref<15008x128xf32, #tpu.memory_space<vmem_shared>> -> memref<848x128xf32, #tpu.memory_space<vmem_shared>>
        %dma_start3A_28 = arith.constant 0 : i32
        %dma_start3A_29 = arith.constant 0 : i32
        %dma_start3A_30 = tpu.memref_slice %arg6[%dma_start3A_28, %dma_start3A_29] : memref<944x128xf32, #tpu.memory_space<hbm>> -> memref<848x128xf32, #tpu.memory_space<hbm>>
        tpu.enqueue_dma source(%dma_start3A_30 : memref<848x128xf32, #tpu.memory_space<hbm>>) target(%dma_start3A_27 : memref<848x128xf32, #tpu.memory_space<vmem_shared>>) target_semaphore(%run_scoped3A : memref<!tpu.dma_semaphore, #tpu.memory_space<semaphore_mem>>)
        %dma_wait3A = arith.constant 0 : i32
        %dma_wait3A_31 = tpu.memref_slice %arg8[%multiple_of3A, %dma_wait3A] : memref<15008x128xf32, #tpu.memory_space<vmem_shared>> -> memref<848x128xf32, #tpu.memory_space<vmem_shared>>
        %dma_wait3A_32 = arith.constant 0 : i32
        %dma_wait3A_33 = arith.constant 0 : i32
        %dma_wait3A_34 = tpu.memref_slice %arg6[%dma_wait3A_32, %dma_wait3A_33] : memref<944x128xf32, #tpu.memory_space<hbm>> -> memref<848x128xf32, #tpu.memory_space<hbm>>
        tpu.wait_dma2 semaphore(%run_scoped3A : memref<!tpu.dma_semaphore, #tpu.memory_space<semaphore_mem>>) src(%dma_wait3A_34 : memref<848x128xf32, #tpu.memory_space<hbm>>) dst(%dma_wait3A_31 : memref<848x128xf32, #tpu.memory_space<vmem_shared>>)
        tpu.yield
      }) : () -> ()
    } else {
    }
    %barrier3A = arith.constant 0 : index
    tpu.barrier barrier_id(%barrier3A)
    %mul3A_9 = arith.constant 10000 : i32
    %mul3A_10 = arith.muli %add3A, %mul3A_9 : i32
    %scan3A = arith.constant 0 : i32
    %scan3A_11 = arith.constant 0 : i32
    %scan3A_12 = arith.constant 250 : i32
    %scan3A_13 = arith.addi %scan3A_11, %scan3A_12 : i32
    %scan3A_14 = arith.constant 1 : i32
    scf.for %scan3A_27 = %scan3A_11 to %scan3A_13 step %scan3A_14  : i32 {
      %mul3A_28 = arith.constant 40 : i32
      %mul3A_29 = arith.muli %scan3A_27, %mul3A_28 : i32
      %add3A_30 = arith.addi %mul3A_10, %mul3A_29 : i32
      %multiple_of3A_31 = tpu.assume_multiple %add3A_30, 8 : i32
      "tpu.region"() ({
        %run_scoped3A = tpu.sem_alloc : memref<!tpu.dma_semaphore, #tpu.memory_space<semaphore_mem>>
        %dma_start3A_42 = tpu.memref_slice %arg3[%multiple_of3A_31] : memref<320000xi32, #tpu.memory_space<hbm>> -> memref<40xi32, #tpu.memory_space<hbm>>
        %dma_start3A_43 = tpu.memref_slice %arg3[%multiple_of3A_31] : memref<320000xi32, #tpu.memory_space<hbm>> -> memref<40xi32, #tpu.memory_space<hbm>>
        tpu.enqueue_dma source(%dma_start3A_43 : memref<40xi32, #tpu.memory_space<hbm>>) target(%arg9 : memref<40xi32, #tpu.memory_space<vmem>>) target_semaphore(%run_scoped3A : memref<!tpu.dma_semaphore, #tpu.memory_space<semaphore_mem>>)
        %dma_wait3A_44 = tpu.memref_slice %arg3[%multiple_of3A_31] : memref<320000xi32, #tpu.memory_space<hbm>> -> memref<40xi32, #tpu.memory_space<hbm>>
        %dma_wait3A_45 = tpu.memref_slice %arg3[%multiple_of3A_31] : memref<320000xi32, #tpu.memory_space<hbm>> -> memref<40xi32, #tpu.memory_space<hbm>>
        tpu.wait_dma2 semaphore(%run_scoped3A : memref<!tpu.dma_semaphore, #tpu.memory_space<semaphore_mem>>) src(%dma_wait3A_45 : memref<40xi32, #tpu.memory_space<hbm>>) dst(%arg9 : memref<40xi32, #tpu.memory_space<vmem>>)
        tpu.yield
      }) : () -> ()
      "tpu.region"() ({
        %run_scoped3A = tpu.sem_alloc : memref<!tpu.dma_semaphore, #tpu.memory_space<semaphore_mem>>
        %dma_start3A_42 = tpu.memref_slice %arg4[%multiple_of3A_31] : memref<320000xi32, #tpu.memory_space<hbm>> -> memref<40xi32, #tpu.memory_space<hbm>>
        %dma_start3A_43 = tpu.memref_slice %arg4[%multiple_of3A_31] : memref<320000xi32, #tpu.memory_space<hbm>> -> memref<40xi32, #tpu.memory_space<hbm>>
        tpu.enqueue_dma source(%dma_start3A_43 : memref<40xi32, #tpu.memory_space<hbm>>) target(%arg10 : memref<40xi32, #tpu.memory_space<vmem>>) target_semaphore(%run_scoped3A : memref<!tpu.dma_semaphore, #tpu.memory_space<semaphore_mem>>)
        %dma_wait3A_44 = tpu.memref_slice %arg4[%multiple_of3A_31] : memref<320000xi32, #tpu.memory_space<hbm>> -> memref<40xi32, #tpu.memory_space<hbm>>
        %dma_wait3A_45 = tpu.memref_slice %arg4[%multiple_of3A_31] : memref<320000xi32, #tpu.memory_space<hbm>> -> memref<40xi32, #tpu.memory_space<hbm>>
        tpu.wait_dma2 semaphore(%run_scoped3A : memref<!tpu.dma_semaphore, #tpu.memory_space<semaphore_mem>>) src(%dma_wait3A_45 : memref<40xi32, #tpu.memory_space<hbm>>) dst(%arg10 : memref<40xi32, #tpu.memory_space<vmem>>)
        tpu.yield
      }) : () -> ()
      %dma_start3A = arith.constant 0 : i32
      %dma_start3A_32 = arith.constant 0 : i32
      %dma_start3A_33 = tpu.memref_slice %arg2[%dma_start3A, %dma_start3A_32] : memref<15000x128xf32, #tpu.memory_space<hbm>> -> memref<15000x128xf32, #tpu.memory_space<hbm>>
      tpu.enqueue_indirect_dma source(%dma_start3A_33 : memref<15000x128xf32, #tpu.memory_space<hbm>>) target(%arg11 : memref<40x128xf32, #tpu.memory_space<vmem>>) offsets(%arg9 : memref<40xi32, #tpu.memory_space<vmem>>) semaphore(%arg13 : memref<!tpu.dma_semaphore, #tpu.memory_space<semaphore_mem>>)
      %dma_wait3A = arith.constant 0 : i32
      %dma_wait3A_34 = arith.constant 0 : i32
      %dma_wait3A_35 = tpu.memref_slice %arg2[%dma_wait3A, %dma_wait3A_34] : memref<15000x128xf32, #tpu.memory_space<hbm>> -> memref<15000x128xf32, #tpu.memory_space<hbm>>
      tpu.wait_indirect_dma semaphore(%arg13 : memref<!tpu.dma_semaphore, #tpu.memory_space<semaphore_mem>>) src(%dma_wait3A_35 : memref<15000x128xf32, #tpu.memory_space<hbm>>) dst(%arg11 : memref<40x128xf32, #tpu.memory_space<vmem>>)
      "tpu.region"() ({
        %run_scoped3A = tpu.sem_alloc : memref<!tpu.dma_semaphore, #tpu.memory_space<semaphore_mem>>
        %dma_start3A_42 = arith.constant 0 : i32
        %dma_start3A_43 = tpu.memref_slice %arg5[%multiple_of3A_31, %dma_start3A_42] : memref<320000x128xf32, #tpu.memory_space<hbm>> -> memref<40x128xf32, #tpu.memory_space<hbm>>
        %dma_start3A_44 = arith.constant 0 : i32
        %dma_start3A_45 = tpu.memref_slice %arg5[%multiple_of3A_31, %dma_start3A_44] : memref<320000x128xf32, #tpu.memory_space<hbm>> -> memref<40x128xf32, #tpu.memory_space<hbm>>
        tpu.enqueue_dma source(%dma_start3A_45 : memref<40x128xf32, #tpu.memory_space<hbm>>) target(%arg12 : memref<40x128xf32, #tpu.memory_space<vmem>>) target_semaphore(%run_scoped3A : memref<!tpu.dma_semaphore, #tpu.memory_space<semaphore_mem>>)
        %dma_wait3A_46 = arith.constant 0 : i32
        %dma_wait3A_47 = tpu.memref_slice %arg5[%multiple_of3A_31, %dma_wait3A_46] : memref<320000x128xf32, #tpu.memory_space<hbm>> -> memref<40x128xf32, #tpu.memory_space<hbm>>
        %dma_wait3A_48 = arith.constant 0 : i32
        %dma_wait3A_49 = tpu.memref_slice %arg5[%multiple_of3A_31, %dma_wait3A_48] : memref<320000x128xf32, #tpu.memory_space<hbm>> -> memref<40x128xf32, #tpu.memory_space<hbm>>
        tpu.wait_dma2 semaphore(%run_scoped3A : memref<!tpu.dma_semaphore, #tpu.memory_space<semaphore_mem>>) src(%dma_wait3A_49 : memref<40x128xf32, #tpu.memory_space<hbm>>) dst(%arg12 : memref<40x128xf32, #tpu.memory_space<vmem>>)
        tpu.yield
      }) : () -> ()
      %scan3A_36 = arith.constant 0 : i32
      %scan3A_37 = arith.constant 0 : i32
      %scan3A_38 = arith.constant 40 : i32
      %scan3A_39 = arith.addi %scan3A_37, %scan3A_38 : i32
      %scan3A_40 = arith.constant 1 : i32
      scf.for %scan3A_42 = %scan3A_37 to %scan3A_39 step %scan3A_40  : i32 {
        %get3A = arith.index_cast %scan3A_42 : i32 to index
        %get3A_43 = arith.constant 0 : index
        %get3A_44 = tpu.vector_load %arg11[%get3A, %get3A_43] {strides = array<i32>} : memref<40x128xf32, #tpu.memory_space<vmem>>, vector<1x16xf32>,
        %get3A_45 = vector.shape_cast %get3A_44 : vector<1x16xf32> to vector<16xf32>
        %get3A_46 = arith.index_cast %scan3A_42 : i32 to index
        %get3A_47 = arith.constant 0 : index
        %get3A_48 = tpu.vector_load %arg12[%get3A_46, %get3A_47] {strides = array<i32>} : memref<40x128xf32, #tpu.memory_space<vmem>>, vector<1x16xf32>,
        %get3A_49 = vector.shape_cast %get3A_48 : vector<1x16xf32> to vector<16xf32>
        %add3A_50 = arith.addf %get3A_45, %get3A_49 : vector<16xf32>
        %max3A = arith.constant 0.000000e+00 : f32
        %max3A_51 = vector.broadcast %max3A : f32 to vector<16xf32>
        %max3A_52 = arith.maximumf %add3A_50, %max3A_51 : vector<16xf32>
        %swap3A = arith.index_cast %scan3A_42 : i32 to index
        %swap3A_53 = arith.constant 0 : index
        %swap3A_54 = tpu.vector_load %arg11[%swap3A, %swap3A_53] {strides = array<i32>} : memref<40x128xf32, #tpu.memory_space<vmem>>, vector<1x16xf32>,
        %swap3A_55 = vector.shape_cast %swap3A_54 : vector<1x16xf32> to vector<16xf32>
        %swap3A_56 = vector.shape_cast %max3A_52 : vector<16xf32> to vector<1x16xf32>
        tpu.vector_store %arg11[%swap3A, %swap3A_53], %swap3A_56 {strides = array<i32>} : memref<40x128xf32, #tpu.memory_space<vmem>>, vector<1x16xf32>,
        %get3A_57 = arith.index_cast %scan3A_42 : i32 to index
        %get3A_58 = arith.constant 16 : index
        %get3A_59 = tpu.vector_load %arg11[%get3A_57, %get3A_58] {strides = array<i32>} : memref<40x128xf32, #tpu.memory_space<vmem>>, vector<1x16xf32>,
        %get3A_60 = vector.shape_cast %get3A_59 : vector<1x16xf32> to vector<16xf32>
        %get3A_61 = arith.index_cast %scan3A_42 : i32 to index
        %get3A_62 = arith.constant 16 : index
        %get3A_63 = tpu.vector_load %arg12[%get3A_61, %get3A_62] {strides = array<i32>} : memref<40x128xf32, #tpu.memory_space<vmem>>, vector<1x16xf32>,
        %get3A_64 = vector.shape_cast %get3A_63 : vector<1x16xf32> to vector<16xf32>
        %add3A_65 = arith.addf %get3A_60, %get3A_64 : vector<16xf32>
        %max3A_66 = arith.constant 0.000000e+00 : f32
        %max3A_67 = vector.broadcast %max3A_66 : f32 to vector<16xf32>
        %max3A_68 = arith.maximumf %add3A_65, %max3A_67 : vector<16xf32>
        %swap3A_69 = arith.index_cast %scan3A_42 : i32 to index
        %swap3A_70 = arith.constant 16 : index
        %swap3A_71 = tpu.vector_load %arg11[%swap3A_69, %swap3A_70] {strides = array<i32>} : memref<40x128xf32, #tpu.memory_space<vmem>>, vector<1x16xf32>,
        %swap3A_72 = vector.shape_cast %swap3A_71 : vector<1x16xf32> to vector<16xf32>
        %swap3A_73 = vector.shape_cast %max3A_68 : vector<16xf32> to vector<1x16xf32>
        tpu.vector_store %arg11[%swap3A_69, %swap3A_70], %swap3A_73 {strides = array<i32>} : memref<40x128xf32, #tpu.memory_space<vmem>>, vector<1x16xf32>,
        %get3A_74 = arith.index_cast %scan3A_42 : i32 to index
        %get3A_75 = arith.constant 32 : index
        %get3A_76 = tpu.vector_load %arg11[%get3A_74, %get3A_75] {strides = array<i32>} : memref<40x128xf32, #tpu.memory_space<vmem>>, vector<1x16xf32>,
        %get3A_77 = vector.shape_cast %get3A_76 : vector<1x16xf32> to vector<16xf32>
        %get3A_78 = arith.index_cast %scan3A_42 : i32 to index
        %get3A_79 = arith.constant 32 : index
        %get3A_80 = tpu.vector_load %arg12[%get3A_78, %get3A_79] {strides = array<i32>} : memref<40x128xf32, #tpu.memory_space<vmem>>, vector<1x16xf32>,
        %get3A_81 = vector.shape_cast %get3A_80 : vector<1x16xf32> to vector<16xf32>
        %add3A_82 = arith.addf %get3A_77, %get3A_81 : vector<16xf32>
        %max3A_83 = arith.constant 0.000000e+00 : f32
        %max3A_84 = vector.broadcast %max3A_83 : f32 to vector<16xf32>
        %max3A_85 = arith.maximumf %add3A_82, %max3A_84 : vector<16xf32>
        %swap3A_86 = arith.index_cast %scan3A_42 : i32 to index
        %swap3A_87 = arith.constant 32 : index
        %swap3A_88 = tpu.vector_load %arg11[%swap3A_86, %swap3A_87] {strides = array<i32>} : memref<40x128xf32, #tpu.memory_space<vmem>>, vector<1x16xf32>,
        %swap3A_89 = vector.shape_cast %swap3A_88 : vector<1x16xf32> to vector<16xf32>
        %swap3A_90 = vector.shape_cast %max3A_85 : vector<16xf32> to vector<1x16xf32>
        tpu.vector_store %arg11[%swap3A_86, %swap3A_87], %swap3A_90 {strides = array<i32>} : memref<40x128xf32, #tpu.memory_space<vmem>>, vector<1x16xf32>,
        %get3A_91 = arith.index_cast %scan3A_42 : i32 to index
        %get3A_92 = arith.constant 48 : index
        %get3A_93 = tpu.vector_load %arg11[%get3A_91, %get3A_92] {strides = array<i32>} : memref<40x128xf32, #tpu.memory_space<vmem>>, vector<1x16xf32>,
        %get3A_94 = vector.shape_cast %get3A_93 : vector<1x16xf32> to vector<16xf32>
        %get3A_95 = arith.index_cast %scan3A_42 : i32 to index
        %get3A_96 = arith.constant 48 : index
        %get3A_97 = tpu.vector_load %arg12[%get3A_95, %get3A_96] {strides = array<i32>} : memref<40x128xf32, #tpu.memory_space<vmem>>, vector<1x16xf32>,
        %get3A_98 = vector.shape_cast %get3A_97 : vector<1x16xf32> to vector<16xf32>
        %add3A_99 = arith.addf %get3A_94, %get3A_98 : vector<16xf32>
        %max3A_100 = arith.constant 0.000000e+00 : f32
        %max3A_101 = vector.broadcast %max3A_100 : f32 to vector<16xf32>
        %max3A_102 = arith.maximumf %add3A_99, %max3A_101 : vector<16xf32>
        %swap3A_103 = arith.index_cast %scan3A_42 : i32 to index
        %swap3A_104 = arith.constant 48 : index
        %swap3A_105 = tpu.vector_load %arg11[%swap3A_103, %swap3A_104] {strides = array<i32>} : memref<40x128xf32, #tpu.memory_space<vmem>>, vector<1x16xf32>,
        %swap3A_106 = vector.shape_cast %swap3A_105 : vector<1x16xf32> to vector<16xf32>
        %swap3A_107 = vector.shape_cast %max3A_102 : vector<16xf32> to vector<1x16xf32>
        tpu.vector_store %arg11[%swap3A_103, %swap3A_104], %swap3A_107 {strides = array<i32>} : memref<40x128xf32, #tpu.memory_space<vmem>>, vector<1x16xf32>,
        %get3A_108 = arith.index_cast %scan3A_42 : i32 to index
        %get3A_109 = arith.constant 64 : index
        %get3A_110 = tpu.vector_load %arg11[%get3A_108, %get3A_109] {strides = array<i32>} : memref<40x128xf32, #tpu.memory_space<vmem>>, vector<1x16xf32>,
        %get3A_111 = vector.shape_cast %get3A_110 : vector<1x16xf32> to vector<16xf32>
        %get3A_112 = arith.index_cast %scan3A_42 : i32 to index
        %get3A_113 = arith.constant 64 : index
        %get3A_114 = tpu.vector_load %arg12[%get3A_112, %get3A_113] {strides = array<i32>} : memref<40x128xf32, #tpu.memory_space<vmem>>, vector<1x16xf32>,
        %get3A_115 = vector.shape_cast %get3A_114 : vector<1x16xf32> to vector<16xf32>
        %add3A_116 = arith.addf %get3A_111, %get3A_115 : vector<16xf32>
        %max3A_117 = arith.constant 0.000000e+00 : f32
        %max3A_118 = vector.broadcast %max3A_117 : f32 to vector<16xf32>
        %max3A_119 = arith.maximumf %add3A_116, %max3A_118 : vector<16xf32>
        %swap3A_120 = arith.index_cast %scan3A_42 : i32 to index
        %swap3A_121 = arith.constant 64 : index
        %swap3A_122 = tpu.vector_load %arg11[%swap3A_120, %swap3A_121] {strides = array<i32>} : memref<40x128xf32, #tpu.memory_space<vmem>>, vector<1x16xf32>,
        %swap3A_123 = vector.shape_cast %swap3A_122 : vector<1x16xf32> to vector<16xf32>
        %swap3A_124 = vector.shape_cast %max3A_119 : vector<16xf32> to vector<1x16xf32>
        tpu.vector_store %arg11[%swap3A_120, %swap3A_121], %swap3A_124 {strides = array<i32>} : memref<40x128xf32, #tpu.memory_space<vmem>>, vector<1x16xf32>,
        %get3A_125 = arith.index_cast %scan3A_42 : i32 to index
        %get3A_126 = arith.constant 80 : index
        %get3A_127 = tpu.vector_load %arg11[%get3A_125, %get3A_126] {strides = array<i32>} : memref<40x128xf32, #tpu.memory_space<vmem>>, vector<1x16xf32>,
        %get3A_128 = vector.shape_cast %get3A_127 : vector<1x16xf32> to vector<16xf32>
        %get3A_129 = arith.index_cast %scan3A_42 : i32 to index
        %get3A_130 = arith.constant 80 : index
        %get3A_131 = tpu.vector_load %arg12[%get3A_129, %get3A_130] {strides = array<i32>} : memref<40x128xf32, #tpu.memory_space<vmem>>, vector<1x16xf32>,
        %get3A_132 = vector.shape_cast %get3A_131 : vector<1x16xf32> to vector<16xf32>
        %add3A_133 = arith.addf %get3A_128, %get3A_132 : vector<16xf32>
        %max3A_134 = arith.constant 0.000000e+00 : f32
        %max3A_135 = vector.broadcast %max3A_134 : f32 to vector<16xf32>
        %max3A_136 = arith.maximumf %add3A_133, %max3A_135 : vector<16xf32>
        %swap3A_137 = arith.index_cast %scan3A_42 : i32 to index
        %swap3A_138 = arith.constant 80 : index
        %swap3A_139 = tpu.vector_load %arg11[%swap3A_137, %swap3A_138] {strides = array<i32>} : memref<40x128xf32, #tpu.memory_space<vmem>>, vector<1x16xf32>,
        %swap3A_140 = vector.shape_cast %swap3A_139 : vector<1x16xf32> to vector<16xf32>
        %swap3A_141 = vector.shape_cast %max3A_136 : vector<16xf32> to vector<1x16xf32>
        tpu.vector_store %arg11[%swap3A_137, %swap3A_138], %swap3A_141 {strides = array<i32>} : memref<40x128xf32, #tpu.memory_space<vmem>>, vector<1x16xf32>,
        %get3A_142 = arith.index_cast %scan3A_42 : i32 to index
        %get3A_143 = arith.constant 96 : index
        %get3A_144 = tpu.vector_load %arg11[%get3A_142, %get3A_143] {strides = array<i32>} : memref<40x128xf32, #tpu.memory_space<vmem>>, vector<1x16xf32>,
        %get3A_145 = vector.shape_cast %get3A_144 : vector<1x16xf32> to vector<16xf32>
        %get3A_146 = arith.index_cast %scan3A_42 : i32 to index
        %get3A_147 = arith.constant 96 : index
        %get3A_148 = tpu.vector_load %arg12[%get3A_146, %get3A_147] {strides = array<i32>} : memref<40x128xf32, #tpu.memory_space<vmem>>, vector<1x16xf32>,
        %get3A_149 = vector.shape_cast %get3A_148 : vector<1x16xf32> to vector<16xf32>
        %add3A_150 = arith.addf %get3A_145, %get3A_149 : vector<16xf32>
        %max3A_151 = arith.constant 0.000000e+00 : f32
        %max3A_152 = vector.broadcast %max3A_151 : f32 to vector<16xf32>
        %max3A_153 = arith.maximumf %add3A_150, %max3A_152 : vector<16xf32>
        %swap3A_154 = arith.index_cast %scan3A_42 : i32 to index
        %swap3A_155 = arith.constant 96 : index
        %swap3A_156 = tpu.vector_load %arg11[%swap3A_154, %swap3A_155] {strides = array<i32>} : memref<40x128xf32, #tpu.memory_space<vmem>>, vector<1x16xf32>,
        %swap3A_157 = vector.shape_cast %swap3A_156 : vector<1x16xf32> to vector<16xf32>
        %swap3A_158 = vector.shape_cast %max3A_153 : vector<16xf32> to vector<1x16xf32>
        tpu.vector_store %arg11[%swap3A_154, %swap3A_155], %swap3A_158 {strides = array<i32>} : memref<40x128xf32, #tpu.memory_space<vmem>>, vector<1x16xf32>,
        %get3A_159 = arith.index_cast %scan3A_42 : i32 to index
        %get3A_160 = arith.constant 112 : index
        %get3A_161 = tpu.vector_load %arg11[%get3A_159, %get3A_160] {strides = array<i32>} : memref<40x128xf32, #tpu.memory_space<vmem>>, vector<1x16xf32>,
        %get3A_162 = vector.shape_cast %get3A_161 : vector<1x16xf32> to vector<16xf32>
        %get3A_163 = arith.index_cast %scan3A_42 : i32 to index
        %get3A_164 = arith.constant 112 : index
        %get3A_165 = tpu.vector_load %arg12[%get3A_163, %get3A_164] {strides = array<i32>} : memref<40x128xf32, #tpu.memory_space<vmem>>, vector<1x16xf32>,
        %get3A_166 = vector.shape_cast %get3A_165 : vector<1x16xf32> to vector<16xf32>
        %add3A_167 = arith.addf %get3A_162, %get3A_166 : vector<16xf32>
        %max3A_168 = arith.constant 0.000000e+00 : f32
        %max3A_169 = vector.broadcast %max3A_168 : f32 to vector<16xf32>
        %max3A_170 = arith.maximumf %add3A_167, %max3A_169 : vector<16xf32>
        %swap3A_171 = arith.index_cast %scan3A_42 : i32 to index
        %swap3A_172 = arith.constant 112 : index
        %swap3A_173 = tpu.vector_load %arg11[%swap3A_171, %swap3A_172] {strides = array<i32>} : memref<40x128xf32, #tpu.memory_space<vmem>>, vector<1x16xf32>,
        %swap3A_174 = vector.shape_cast %swap3A_173 : vector<1x16xf32> to vector<16xf32>
        %swap3A_175 = vector.shape_cast %max3A_170 : vector<16xf32> to vector<1x16xf32>
        tpu.vector_store %arg11[%swap3A_171, %swap3A_172], %swap3A_175 {strides = array<i32>} : memref<40x128xf32, #tpu.memory_space<vmem>>, vector<1x16xf32>,
      }
      %scan3A_41 = arith.constant 40 : i32
      "tpu.region"() ({
        %run_scoped3A = tpu.sem_alloc : memref<!tpu.dma_semaphore, #tpu.memory_space<semaphore_mem>>
        %dma_start3A_42 = arith.constant 0 : i32
        %dma_start3A_43 = arith.constant 0 : i32
        %dma_start3A_44 = tpu.memref_slice %arg8[%dma_start3A_42, %dma_start3A_43] : memref<15008x128xf32, #tpu.memory_space<vmem_shared>> -> memref<15008x128xf32, #tpu.memory_space<vmem_shared>>
        tpu.enqueue_indirect_dma source(%arg11 : memref<40x128xf32, #tpu.memory_space<vmem>>) target(%dma_start3A_44 : memref<15008x128xf32, #tpu.memory_space<vmem_shared>>) offsets(%arg10 : memref<40xi32, #tpu.memory_space<vmem>>) semaphore(%run_scoped3A : memref<!tpu.dma_semaphore, #tpu.memory_space<semaphore_mem>>) {add = true}
        %dma_wait3A_45 = arith.constant 0 : i32
        %dma_wait3A_46 = arith.constant 0 : i32
        %dma_wait3A_47 = tpu.memref_slice %arg8[%dma_wait3A_45, %dma_wait3A_46] : memref<15008x128xf32, #tpu.memory_space<vmem_shared>> -> memref<15008x128xf32, #tpu.memory_space<vmem_shared>>
        tpu.wait_indirect_dma semaphore(%run_scoped3A : memref<!tpu.dma_semaphore, #tpu.memory_space<semaphore_mem>>) src(%arg11 : memref<40x128xf32, #tpu.memory_space<vmem>>) dst(%dma_wait3A_47 : memref<15008x128xf32, #tpu.memory_space<vmem_shared>>)
        tpu.yield
      }) : () -> ()
    }
    %scan3A_15 = arith.constant 250 : i32
    %barrier3A_16 = arith.constant 0 : index
    tpu.barrier barrier_id(%barrier3A_16)
    %lt3A_17 = arith.constant 15 : i32
    %lt3A_18 = arith.cmpi slt, %arg1, %lt3A_17 : i32
    %convert_element_type3A_19 = arith.extui %lt3A_18 : i1 to i32
    %cond3A_20 = arith.constant 0 : i32
    %cond3A_21 = arith.cmpi ne, %convert_element_type3A_19, %cond3A_20 : i32
    scf.if %cond3A_21 {
      "tpu.region"() ({
        %run_scoped3A = tpu.sem_alloc : memref<!tpu.dma_semaphore, #tpu.memory_space<semaphore_mem>>
        %dma_start3A = arith.constant 0 : i32
        %dma_start3A_27 = tpu.memref_slice %arg7[%arg0, %multiple_of3A, %dma_start3A] : memref<2x15008x128xf32, #tpu.memory_space<hbm>> -> memref<1x944x128xf32, #tpu.memory_space<hbm>>
        %dma_start3A_28 = tpu.memref_squeeze %dma_start3A_27 : memref<1x944x128xf32, #tpu.memory_space<hbm>> -> memref<944x128xf32, #tpu.memory_space<hbm>>
        %dma_start3A_29 = arith.constant 0 : i32
        %dma_start3A_30 = tpu.memref_slice %arg8[%multiple_of3A, %dma_start3A_29] : memref<15008x128xf32, #tpu.memory_space<vmem_shared>> -> memref<944x128xf32, #tpu.memory_space<vmem_shared>>
        tpu.enqueue_dma source(%dma_start3A_30 : memref<944x128xf32, #tpu.memory_space<vmem_shared>>) target(%dma_start3A_28 : memref<944x128xf32, #tpu.memory_space<hbm>>) target_semaphore(%run_scoped3A : memref<!tpu.dma_semaphore, #tpu.memory_space<semaphore_mem>>)
        %dma_wait3A = arith.constant 0 : i32
        %dma_wait3A_31 = tpu.memref_slice %arg7[%arg0, %multiple_of3A, %dma_wait3A] : memref<2x15008x128xf32, #tpu.memory_space<hbm>> -> memref<1x944x128xf32, #tpu.memory_space<hbm>>
        %dma_wait3A_32 = tpu.memref_squeeze %dma_wait3A_31 : memref<1x944x128xf32, #tpu.memory_space<hbm>> -> memref<944x128xf32, #tpu.memory_space<hbm>>
        %dma_wait3A_33 = arith.constant 0 : i32
        %dma_wait3A_34 = tpu.memref_slice %arg8[%multiple_of3A, %dma_wait3A_33] : memref<15008x128xf32, #tpu.memory_space<vmem_shared>> -> memref<944x128xf32, #tpu.memory_space<vmem_shared>>
        tpu.wait_dma2 semaphore(%run_scoped3A : memref<!tpu.dma_semaphore, #tpu.memory_space<semaphore_mem>>) src(%dma_wait3A_34 : memref<944x128xf32, #tpu.memory_space<vmem_shared>>) dst(%dma_wait3A_32 : memref<944x128xf32, #tpu.memory_space<hbm>>)
        tpu.yield
      }) : () -> ()
    } else {
    }
    %eq3A_22 = arith.constant 15 : i32
    %eq3A_23 = arith.cmpi eq, %arg1, %eq3A_22 : i32
    %convert_element_type3A_24 = arith.extui %eq3A_23 : i1 to i32
    %cond3A_25 = arith.constant 0 : i32
    %cond3A_26 = arith.cmpi ne, %convert_element_type3A_24, %cond3A_25 : i32
    scf.if %cond3A_26 {
      "tpu.region"() ({
        %run_scoped3A = tpu.sem_alloc : memref<!tpu.dma_semaphore, #tpu.memory_space<semaphore_mem>>
        %dma_start3A = arith.constant 0 : i32
        %dma_start3A_27 = tpu.memref_slice %arg7[%arg0, %multiple_of3A, %dma_start3A] : memref<2x15008x128xf32, #tpu.memory_space<hbm>> -> memref<1x848x128xf32, #tpu.memory_space<hbm>>
        %dma_start3A_28 = tpu.memref_squeeze %dma_start3A_27 : memref<1x848x128xf32, #tpu.memory_space<hbm>> -> memref<848x128xf32, #tpu.memory_space<hbm>>
        %dma_start3A_29 = arith.constant 0 : i32
        %dma_start3A_30 = tpu.memref_slice %arg8[%multiple_of3A, %dma_start3A_29] : memref<15008x128xf32, #tpu.memory_space<vmem_shared>> -> memref<848x128xf32, #tpu.memory_space<vmem_shared>>
        tpu.enqueue_dma source(%dma_start3A_30 : memref<848x128xf32, #tpu.memory_space<vmem_shared>>) target(%dma_start3A_28 : memref<848x128xf32, #tpu.memory_space<hbm>>) target_semaphore(%run_scoped3A : memref<!tpu.dma_semaphore, #tpu.memory_space<semaphore_mem>>)
        %dma_wait3A = arith.constant 0 : i32
        %dma_wait3A_31 = tpu.memref_slice %arg7[%arg0, %multiple_of3A, %dma_wait3A] : memref<2x15008x128xf32, #tpu.memory_space<hbm>> -> memref<1x848x128xf32, #tpu.memory_space<hbm>>
        %dma_wait3A_32 = tpu.memref_squeeze %dma_wait3A_31 : memref<1x848x128xf32, #tpu.memory_space<hbm>> -> memref<848x128xf32, #tpu.memory_space<hbm>>
        %dma_wait3A_33 = arith.constant 0 : i32
        %dma_wait3A_34 = tpu.memref_slice %arg8[%multiple_of3A, %dma_wait3A_33] : memref<15008x128xf32, #tpu.memory_space<vmem_shared>> -> memref<848x128xf32, #tpu.memory_space<vmem_shared>>
        tpu.wait_dma2 semaphore(%run_scoped3A : memref<!tpu.dma_semaphore, #tpu.memory_space<semaphore_mem>>) src(%dma_wait3A_34 : memref<848x128xf32, #tpu.memory_space<vmem_shared>>) dst(%dma_wait3A_32 : memref<848x128xf32, #tpu.memory_space<hbm>>)
        tpu.yield
      }) : () -> ()
    } else {
    }
    return
  }
}

#map = affine_map<(d0, d1) -> (0, 0)>
#map1 = affine_map<(d0, d1) -> (0)>
#map2 = affine_map<(d0, d1) -> (0, 0, 0)>
module attributes {stable_mosaic.version = 14 : i64} {
  func.func @_sc_body(%arg0: i32, %arg1: i32, %arg2: memref<15000x128xf32, #tpu.memory_space<hbm>>, %arg3: memref<320000xi32, #tpu.memory_space<hbm>>, %arg4: memref<320000xi32, #tpu.memory_space<hbm>>, %arg5: memref<320000x128xf32, #tpu.memory_space<hbm>>, %arg6: memref<944x128xf32, #tpu.memory_space<hbm>>, %arg7: memref<2x15008x128xf32, #tpu.memory_space<hbm>>, %arg8: memref<15008x128xf32, #tpu.memory_space<vmem_shared>>, %arg9: memref<40xi32, #tpu.memory_space<vmem>>, %arg10: memref<40xi32, #tpu.memory_space<vmem>>, %arg11: memref<40x128xf32, #tpu.memory_space<vmem>>, %arg12: memref<40x128xf32, #tpu.memory_space<vmem>>, %arg13: memref<!tpu.dma_semaphore, #tpu.memory_space<semaphore_mem>>) attributes {dimension_semantics = [#tpu.dimension_semantics<core_parallel>, #tpu.dimension_semantics<subcore_parallel>], iteration_bounds = array<i64: 2, 16>, scalar_prefetch = 0 : i64, scratch_operands = 6 : i64, tpu.core_type = #tpu.core_type<sc_vector_subcore>, window_params = [{transform_indices = #map}, {transform_indices = #map1}, {transform_indices = #map1}, {transform_indices = #map}, {transform_indices = #map}, {transform_indices = #map2}]} {
    %mul3A = arith.constant 16 : i32
    %mul3A_0 = arith.muli %arg0, %mul3A : i32
    %add3A = arith.addi %mul3A_0, %arg1 : i32
    %mul3A_1 = arith.constant 944 : i32
    %mul3A_2 = arith.muli %arg1, %mul3A_1 : i32
    %multiple_of3A = tpu.assume_multiple %mul3A_2, 8 : i32
    %lt3A = arith.constant 15 : i32
    %lt3A_3 = arith.cmpi slt, %arg1, %lt3A : i32
    %convert_element_type3A = arith.extui %lt3A_3 : i1 to i32
    %cond3A = arith.constant 0 : i32
    %cond3A_4 = arith.cmpi ne, %convert_element_type3A, %cond3A : i32
    scf.if %cond3A_4 {
      "tpu.region"() ({
        %run_scoped3A = tpu.sem_alloc : memref<!tpu.dma_semaphore, #tpu.memory_space<semaphore_mem>>
        %dma_start3A = arith.constant 0 : i32
        %dma_start3A_27 = tpu.memref_slice %arg8[%multiple_of3A, %dma_start3A] : memref<15008x128xf32, #tpu.memory_space<vmem_shared>> -> memref<944x128xf32, #tpu.memory_space<vmem_shared>>
        tpu.enqueue_dma source(%arg6 : memref<944x128xf32, #tpu.memory_space<hbm>>) target(%dma_start3A_27 : memref<944x128xf32, #tpu.memory_space<vmem_shared>>) target_semaphore(%run_scoped3A : memref<!tpu.dma_semaphore, #tpu.memory_space<semaphore_mem>>)
        %dma_wait3A = arith.constant 0 : i32
        %dma_wait3A_28 = tpu.memref_slice %arg8[%multiple_of3A, %dma_wait3A] : memref<15008x128xf32, #tpu.memory_space<vmem_shared>> -> memref<944x128xf32, #tpu.memory_space<vmem_shared>>
        tpu.wait_dma2 semaphore(%run_scoped3A : memref<!tpu.dma_semaphore, #tpu.memory_space<semaphore_mem>>) src(%arg6 : memref<944x128xf32, #tpu.memory_space<hbm>>) dst(%dma_wait3A_28 : memref<944x128xf32, #tpu.memory_space<vmem_shared>>)
        tpu.yield
      }) : () -> ()
    } else {
    }
    %eq3A = arith.constant 15 : i32
    %eq3A_5 = arith.cmpi eq, %arg1, %eq3A : i32
    %convert_element_type3A_6 = arith.extui %eq3A_5 : i1 to i32
    %cond3A_7 = arith.constant 0 : i32
    %cond3A_8 = arith.cmpi ne, %convert_element_type3A_6, %cond3A_7 : i32
    scf.if %cond3A_8 {
      "tpu.region"() ({
        %run_scoped3A = tpu.sem_alloc : memref<!tpu.dma_semaphore, #tpu.memory_space<semaphore_mem>>
        %dma_start3A = arith.constant 0 : i32
        %dma_start3A_27 = tpu.memref_slice %arg8[%multiple_of3A, %dma_start3A] : memref<15008x128xf32, #tpu.memory_space<vmem_shared>> -> memref<848x128xf32, #tpu.memory_space<vmem_shared>>
        %dma_start3A_28 = arith.constant 0 : i32
        %dma_start3A_29 = arith.constant 0 : i32
        %dma_start3A_30 = tpu.memref_slice %arg6[%dma_start3A_28, %dma_start3A_29] : memref<944x128xf32, #tpu.memory_space<hbm>> -> memref<848x128xf32, #tpu.memory_space<hbm>>
        tpu.enqueue_dma source(%dma_start3A_30 : memref<848x128xf32, #tpu.memory_space<hbm>>) target(%dma_start3A_27 : memref<848x128xf32, #tpu.memory_space<vmem_shared>>) target_semaphore(%run_scoped3A : memref<!tpu.dma_semaphore, #tpu.memory_space<semaphore_mem>>)
        %dma_wait3A = arith.constant 0 : i32
        %dma_wait3A_31 = tpu.memref_slice %arg8[%multiple_of3A, %dma_wait3A] : memref<15008x128xf32, #tpu.memory_space<vmem_shared>> -> memref<848x128xf32, #tpu.memory_space<vmem_shared>>
        %dma_wait3A_32 = arith.constant 0 : i32
        %dma_wait3A_33 = arith.constant 0 : i32
        %dma_wait3A_34 = tpu.memref_slice %arg6[%dma_wait3A_32, %dma_wait3A_33] : memref<944x128xf32, #tpu.memory_space<hbm>> -> memref<848x128xf32, #tpu.memory_space<hbm>>
        tpu.wait_dma2 semaphore(%run_scoped3A : memref<!tpu.dma_semaphore, #tpu.memory_space<semaphore_mem>>) src(%dma_wait3A_34 : memref<848x128xf32, #tpu.memory_space<hbm>>) dst(%dma_wait3A_31 : memref<848x128xf32, #tpu.memory_space<vmem_shared>>)
        tpu.yield
      }) : () -> ()
    } else {
    }
    %barrier3A = arith.constant 0 : index
    tpu.barrier barrier_id(%barrier3A)
    %mul3A_9 = arith.constant 10000 : i32
    %mul3A_10 = arith.muli %add3A, %mul3A_9 : i32
    %scan3A = arith.constant 0 : i32
    %scan3A_11 = arith.constant 0 : i32
    %scan3A_12 = arith.constant 250 : i32
    %scan3A_13 = arith.addi %scan3A_11, %scan3A_12 : i32
    %scan3A_14 = arith.constant 1 : i32
    scf.for %scan3A_27 = %scan3A_11 to %scan3A_13 step %scan3A_14  : i32 {
      %mul3A_28 = arith.constant 40 : i32
      %mul3A_29 = arith.muli %scan3A_27, %mul3A_28 : i32
      %add3A_30 = arith.addi %mul3A_10, %mul3A_29 : i32
      %multiple_of3A_31 = tpu.assume_multiple %add3A_30, 8 : i32
      "tpu.region"() ({
        %run_scoped3A = tpu.sem_alloc : memref<!tpu.dma_semaphore, #tpu.memory_space<semaphore_mem>>
        %dma_start3A_42 = tpu.memref_slice %arg3[%multiple_of3A_31] : memref<320000xi32, #tpu.memory_space<hbm>> -> memref<40xi32, #tpu.memory_space<hbm>>
        %dma_start3A_43 = tpu.memref_slice %arg3[%multiple_of3A_31] : memref<320000xi32, #tpu.memory_space<hbm>> -> memref<40xi32, #tpu.memory_space<hbm>>
        tpu.enqueue_dma source(%dma_start3A_43 : memref<40xi32, #tpu.memory_space<hbm>>) target(%arg9 : memref<40xi32, #tpu.memory_space<vmem>>) target_semaphore(%run_scoped3A : memref<!tpu.dma_semaphore, #tpu.memory_space<semaphore_mem>>)
        %dma_wait3A_44 = tpu.memref_slice %arg3[%multiple_of3A_31] : memref<320000xi32, #tpu.memory_space<hbm>> -> memref<40xi32, #tpu.memory_space<hbm>>
        %dma_wait3A_45 = tpu.memref_slice %arg3[%multiple_of3A_31] : memref<320000xi32, #tpu.memory_space<hbm>> -> memref<40xi32, #tpu.memory_space<hbm>>
        tpu.wait_dma2 semaphore(%run_scoped3A : memref<!tpu.dma_semaphore, #tpu.memory_space<semaphore_mem>>) src(%dma_wait3A_45 : memref<40xi32, #tpu.memory_space<hbm>>) dst(%arg9 : memref<40xi32, #tpu.memory_space<vmem>>)
        tpu.yield
      }) : () -> ()
      "tpu.region"() ({
        %run_scoped3A = tpu.sem_alloc : memref<!tpu.dma_semaphore, #tpu.memory_space<semaphore_mem>>
        %dma_start3A_42 = tpu.memref_slice %arg4[%multiple_of3A_31] : memref<320000xi32, #tpu.memory_space<hbm>> -> memref<40xi32, #tpu.memory_space<hbm>>
        %dma_start3A_43 = tpu.memref_slice %arg4[%multiple_of3A_31] : memref<320000xi32, #tpu.memory_space<hbm>> -> memref<40xi32, #tpu.memory_space<hbm>>
        tpu.enqueue_dma source(%dma_start3A_43 : memref<40xi32, #tpu.memory_space<hbm>>) target(%arg10 : memref<40xi32, #tpu.memory_space<vmem>>) target_semaphore(%run_scoped3A : memref<!tpu.dma_semaphore, #tpu.memory_space<semaphore_mem>>)
        %dma_wait3A_44 = tpu.memref_slice %arg4[%multiple_of3A_31] : memref<320000xi32, #tpu.memory_space<hbm>> -> memref<40xi32, #tpu.memory_space<hbm>>
        %dma_wait3A_45 = tpu.memref_slice %arg4[%multiple_of3A_31] : memref<320000xi32, #tpu.memory_space<hbm>> -> memref<40xi32, #tpu.memory_space<hbm>>
        tpu.wait_dma2 semaphore(%run_scoped3A : memref<!tpu.dma_semaphore, #tpu.memory_space<semaphore_mem>>) src(%dma_wait3A_45 : memref<40xi32, #tpu.memory_space<hbm>>) dst(%arg10 : memref<40xi32, #tpu.memory_space<vmem>>)
        tpu.yield
      }) : () -> ()
      %dma_start3A = arith.constant 0 : i32
      %dma_start3A_32 = arith.constant 0 : i32
      %dma_start3A_33 = tpu.memref_slice %arg2[%dma_start3A, %dma_start3A_32] : memref<15000x128xf32, #tpu.memory_space<hbm>> -> memref<15000x128xf32, #tpu.memory_space<hbm>>
      tpu.enqueue_indirect_dma source(%dma_start3A_33 : memref<15000x128xf32, #tpu.memory_space<hbm>>) target(%arg11 : memref<40x128xf32, #tpu.memory_space<vmem>>) offsets(%arg9 : memref<40xi32, #tpu.memory_space<vmem>>) semaphore(%arg13 : memref<!tpu.dma_semaphore, #tpu.memory_space<semaphore_mem>>)
      %dma_wait3A = arith.constant 0 : i32
      %dma_wait3A_34 = arith.constant 0 : i32
      %dma_wait3A_35 = tpu.memref_slice %arg2[%dma_wait3A, %dma_wait3A_34] : memref<15000x128xf32, #tpu.memory_space<hbm>> -> memref<15000x128xf32, #tpu.memory_space<hbm>>
      tpu.wait_indirect_dma semaphore(%arg13 : memref<!tpu.dma_semaphore, #tpu.memory_space<semaphore_mem>>) src(%dma_wait3A_35 : memref<15000x128xf32, #tpu.memory_space<hbm>>) dst(%arg11 : memref<40x128xf32, #tpu.memory_space<vmem>>)
      "tpu.region"() ({
        %run_scoped3A = tpu.sem_alloc : memref<!tpu.dma_semaphore, #tpu.memory_space<semaphore_mem>>
        %dma_start3A_42 = arith.constant 0 : i32
        %dma_start3A_43 = tpu.memref_slice %arg5[%multiple_of3A_31, %dma_start3A_42] : memref<320000x128xf32, #tpu.memory_space<hbm>> -> memref<40x128xf32, #tpu.memory_space<hbm>>
        %dma_start3A_44 = arith.constant 0 : i32
        %dma_start3A_45 = tpu.memref_slice %arg5[%multiple_of3A_31, %dma_start3A_44] : memref<320000x128xf32, #tpu.memory_space<hbm>> -> memref<40x128xf32, #tpu.memory_space<hbm>>
        tpu.enqueue_dma source(%dma_start3A_45 : memref<40x128xf32, #tpu.memory_space<hbm>>) target(%arg12 : memref<40x128xf32, #tpu.memory_space<vmem>>) target_semaphore(%run_scoped3A : memref<!tpu.dma_semaphore, #tpu.memory_space<semaphore_mem>>)
        %dma_wait3A_46 = arith.constant 0 : i32
        %dma_wait3A_47 = tpu.memref_slice %arg5[%multiple_of3A_31, %dma_wait3A_46] : memref<320000x128xf32, #tpu.memory_space<hbm>> -> memref<40x128xf32, #tpu.memory_space<hbm>>
        %dma_wait3A_48 = arith.constant 0 : i32
        %dma_wait3A_49 = tpu.memref_slice %arg5[%multiple_of3A_31, %dma_wait3A_48] : memref<320000x128xf32, #tpu.memory_space<hbm>> -> memref<40x128xf32, #tpu.memory_space<hbm>>
        tpu.wait_dma2 semaphore(%run_scoped3A : memref<!tpu.dma_semaphore, #tpu.memory_space<semaphore_mem>>) src(%dma_wait3A_49 : memref<40x128xf32, #tpu.memory_space<hbm>>) dst(%arg12 : memref<40x128xf32, #tpu.memory_space<vmem>>)
        tpu.yield
      }) : () -> ()
      %scan3A_36 = arith.constant 0 : i32
      %scan3A_37 = arith.constant 0 : i32
      %scan3A_38 = arith.constant 40 : i32
      %scan3A_39 = arith.addi %scan3A_37, %scan3A_38 : i32
      %scan3A_40 = arith.constant 1 : i32
      scf.for %scan3A_42 = %scan3A_37 to %scan3A_39 step %scan3A_40  : i32 {
        %get3A = arith.index_cast %scan3A_42 : i32 to index
        %get3A_43 = arith.constant 0 : index
        %get3A_44 = tpu.vector_load %arg11[%get3A, %get3A_43] {strides = array<i32>} : memref<40x128xf32, #tpu.memory_space<vmem>>, vector<1x16xf32>,
        %get3A_45 = vector.shape_cast %get3A_44 : vector<1x16xf32> to vector<16xf32>
        %get3A_46 = arith.index_cast %scan3A_42 : i32 to index
        %get3A_47 = arith.constant 0 : index
        %get3A_48 = tpu.vector_load %arg12[%get3A_46, %get3A_47] {strides = array<i32>} : memref<40x128xf32, #tpu.memory_space<vmem>>, vector<1x16xf32>,
        %get3A_49 = vector.shape_cast %get3A_48 : vector<1x16xf32> to vector<16xf32>
        %add3A_50 = arith.addf %get3A_45, %get3A_49 : vector<16xf32>
        %max3A = arith.constant 0.000000e+00 : f32
        %max3A_51 = vector.broadcast %max3A : f32 to vector<16xf32>
        %max3A_52 = arith.maximumf %add3A_50, %max3A_51 : vector<16xf32>
        %swap3A = arith.index_cast %scan3A_42 : i32 to index
        %swap3A_53 = arith.constant 0 : index
        %swap3A_54 = tpu.vector_load %arg11[%swap3A, %swap3A_53] {strides = array<i32>} : memref<40x128xf32, #tpu.memory_space<vmem>>, vector<1x16xf32>,
        %swap3A_55 = vector.shape_cast %swap3A_54 : vector<1x16xf32> to vector<16xf32>
        %swap3A_56 = vector.shape_cast %max3A_52 : vector<16xf32> to vector<1x16xf32>
        tpu.vector_store %arg11[%swap3A, %swap3A_53], %swap3A_56 {strides = array<i32>} : memref<40x128xf32, #tpu.memory_space<vmem>>, vector<1x16xf32>,
        %get3A_57 = arith.index_cast %scan3A_42 : i32 to index
        %get3A_58 = arith.constant 16 : index
        %get3A_59 = tpu.vector_load %arg11[%get3A_57, %get3A_58] {strides = array<i32>} : memref<40x128xf32, #tpu.memory_space<vmem>>, vector<1x16xf32>,
        %get3A_60 = vector.shape_cast %get3A_59 : vector<1x16xf32> to vector<16xf32>
        %get3A_61 = arith.index_cast %scan3A_42 : i32 to index
        %get3A_62 = arith.constant 16 : index
        %get3A_63 = tpu.vector_load %arg12[%get3A_61, %get3A_62] {strides = array<i32>} : memref<40x128xf32, #tpu.memory_space<vmem>>, vector<1x16xf32>,
        %get3A_64 = vector.shape_cast %get3A_63 : vector<1x16xf32> to vector<16xf32>
        %add3A_65 = arith.addf %get3A_60, %get3A_64 : vector<16xf32>
        %max3A_66 = arith.constant 0.000000e+00 : f32
        %max3A_67 = vector.broadcast %max3A_66 : f32 to vector<16xf32>
        %max3A_68 = arith.maximumf %add3A_65, %max3A_67 : vector<16xf32>
        %swap3A_69 = arith.index_cast %scan3A_42 : i32 to index
        %swap3A_70 = arith.constant 16 : index
        %swap3A_71 = tpu.vector_load %arg11[%swap3A_69, %swap3A_70] {strides = array<i32>} : memref<40x128xf32, #tpu.memory_space<vmem>>, vector<1x16xf32>,
        %swap3A_72 = vector.shape_cast %swap3A_71 : vector<1x16xf32> to vector<16xf32>
        %swap3A_73 = vector.shape_cast %max3A_68 : vector<16xf32> to vector<1x16xf32>
        tpu.vector_store %arg11[%swap3A_69, %swap3A_70], %swap3A_73 {strides = array<i32>} : memref<40x128xf32, #tpu.memory_space<vmem>>, vector<1x16xf32>,
        %get3A_74 = arith.index_cast %scan3A_42 : i32 to index
        %get3A_75 = arith.constant 32 : index
        %get3A_76 = tpu.vector_load %arg11[%get3A_74, %get3A_75] {strides = array<i32>} : memref<40x128xf32, #tpu.memory_space<vmem>>, vector<1x16xf32>,
        %get3A_77 = vector.shape_cast %get3A_76 : vector<1x16xf32> to vector<16xf32>
        %get3A_78 = arith.index_cast %scan3A_42 : i32 to index
        %get3A_79 = arith.constant 32 : index
        %get3A_80 = tpu.vector_load %arg12[%get3A_78, %get3A_79] {strides = array<i32>} : memref<40x128xf32, #tpu.memory_space<vmem>>, vector<1x16xf32>,
        %get3A_81 = vector.shape_cast %get3A_80 : vector<1x16xf32> to vector<16xf32>
        %add3A_82 = arith.addf %get3A_77, %get3A_81 : vector<16xf32>
        %max3A_83 = arith.constant 0.000000e+00 : f32
        %max3A_84 = vector.broadcast %max3A_83 : f32 to vector<16xf32>
        %max3A_85 = arith.maximumf %add3A_82, %max3A_84 : vector<16xf32>
        %swap3A_86 = arith.index_cast %scan3A_42 : i32 to index
        %swap3A_87 = arith.constant 32 : index
        %swap3A_88 = tpu.vector_load %arg11[%swap3A_86, %swap3A_87] {strides = array<i32>} : memref<40x128xf32, #tpu.memory_space<vmem>>, vector<1x16xf32>,
        %swap3A_89 = vector.shape_cast %swap3A_88 : vector<1x16xf32> to vector<16xf32>
        %swap3A_90 = vector.shape_cast %max3A_85 : vector<16xf32> to vector<1x16xf32>
        tpu.vector_store %arg11[%swap3A_86, %swap3A_87], %swap3A_90 {strides = array<i32>} : memref<40x128xf32, #tpu.memory_space<vmem>>, vector<1x16xf32>,
        %get3A_91 = arith.index_cast %scan3A_42 : i32 to index
        %get3A_92 = arith.constant 48 : index
        %get3A_93 = tpu.vector_load %arg11[%get3A_91, %get3A_92] {strides = array<i32>} : memref<40x128xf32, #tpu.memory_space<vmem>>, vector<1x16xf32>,
        %get3A_94 = vector.shape_cast %get3A_93 : vector<1x16xf32> to vector<16xf32>
        %get3A_95 = arith.index_cast %scan3A_42 : i32 to index
        %get3A_96 = arith.constant 48 : index
        %get3A_97 = tpu.vector_load %arg12[%get3A_95, %get3A_96] {strides = array<i32>} : memref<40x128xf32, #tpu.memory_space<vmem>>, vector<1x16xf32>,
        %get3A_98 = vector.shape_cast %get3A_97 : vector<1x16xf32> to vector<16xf32>
        %add3A_99 = arith.addf %get3A_94, %get3A_98 : vector<16xf32>
        %max3A_100 = arith.constant 0.000000e+00 : f32
        %max3A_101 = vector.broadcast %max3A_100 : f32 to vector<16xf32>
        %max3A_102 = arith.maximumf %add3A_99, %max3A_101 : vector<16xf32>
        %swap3A_103 = arith.index_cast %scan3A_42 : i32 to index
        %swap3A_104 = arith.constant 48 : index
        %swap3A_105 = tpu.vector_load %arg11[%swap3A_103, %swap3A_104] {strides = array<i32>} : memref<40x128xf32, #tpu.memory_space<vmem>>, vector<1x16xf32>,
        %swap3A_106 = vector.shape_cast %swap3A_105 : vector<1x16xf32> to vector<16xf32>
        %swap3A_107 = vector.shape_cast %max3A_102 : vector<16xf32> to vector<1x16xf32>
        tpu.vector_store %arg11[%swap3A_103, %swap3A_104], %swap3A_107 {strides = array<i32>} : memref<40x128xf32, #tpu.memory_space<vmem>>, vector<1x16xf32>,
        %get3A_108 = arith.index_cast %scan3A_42 : i32 to index
        %get3A_109 = arith.constant 64 : index
        %get3A_110 = tpu.vector_load %arg11[%get3A_108, %get3A_109] {strides = array<i32>} : memref<40x128xf32, #tpu.memory_space<vmem>>, vector<1x16xf32>,
        %get3A_111 = vector.shape_cast %get3A_110 : vector<1x16xf32> to vector<16xf32>
        %get3A_112 = arith.index_cast %scan3A_42 : i32 to index
        %get3A_113 = arith.constant 64 : index
        %get3A_114 = tpu.vector_load %arg12[%get3A_112, %get3A_113] {strides = array<i32>} : memref<40x128xf32, #tpu.memory_space<vmem>>, vector<1x16xf32>,
        %get3A_115 = vector.shape_cast %get3A_114 : vector<1x16xf32> to vector<16xf32>
        %add3A_116 = arith.addf %get3A_111, %get3A_115 : vector<16xf32>
        %max3A_117 = arith.constant 0.000000e+00 : f32
        %max3A_118 = vector.broadcast %max3A_117 : f32 to vector<16xf32>
        %max3A_119 = arith.maximumf %add3A_116, %max3A_118 : vector<16xf32>
        %swap3A_120 = arith.index_cast %scan3A_42 : i32 to index
        %swap3A_121 = arith.constant 64 : index
        %swap3A_122 = tpu.vector_load %arg11[%swap3A_120, %swap3A_121] {strides = array<i32>} : memref<40x128xf32, #tpu.memory_space<vmem>>, vector<1x16xf32>,
        %swap3A_123 = vector.shape_cast %swap3A_122 : vector<1x16xf32> to vector<16xf32>
        %swap3A_124 = vector.shape_cast %max3A_119 : vector<16xf32> to vector<1x16xf32>
        tpu.vector_store %arg11[%swap3A_120, %swap3A_121], %swap3A_124 {strides = array<i32>} : memref<40x128xf32, #tpu.memory_space<vmem>>, vector<1x16xf32>,
        %get3A_125 = arith.index_cast %scan3A_42 : i32 to index
        %get3A_126 = arith.constant 80 : index
        %get3A_127 = tpu.vector_load %arg11[%get3A_125, %get3A_126] {strides = array<i32>} : memref<40x128xf32, #tpu.memory_space<vmem>>, vector<1x16xf32>,
        %get3A_128 = vector.shape_cast %get3A_127 : vector<1x16xf32> to vector<16xf32>
        %get3A_129 = arith.index_cast %scan3A_42 : i32 to index
        %get3A_130 = arith.constant 80 : index
        %get3A_131 = tpu.vector_load %arg12[%get3A_129, %get3A_130] {strides = array<i32>} : memref<40x128xf32, #tpu.memory_space<vmem>>, vector<1x16xf32>,
        %get3A_132 = vector.shape_cast %get3A_131 : vector<1x16xf32> to vector<16xf32>
        %add3A_133 = arith.addf %get3A_128, %get3A_132 : vector<16xf32>
        %max3A_134 = arith.constant 0.000000e+00 : f32
        %max3A_135 = vector.broadcast %max3A_134 : f32 to vector<16xf32>
        %max3A_136 = arith.maximumf %add3A_133, %max3A_135 : vector<16xf32>
        %swap3A_137 = arith.index_cast %scan3A_42 : i32 to index
        %swap3A_138 = arith.constant 80 : index
        %swap3A_139 = tpu.vector_load %arg11[%swap3A_137, %swap3A_138] {strides = array<i32>} : memref<40x128xf32, #tpu.memory_space<vmem>>, vector<1x16xf32>,
        %swap3A_140 = vector.shape_cast %swap3A_139 : vector<1x16xf32> to vector<16xf32>
        %swap3A_141 = vector.shape_cast %max3A_136 : vector<16xf32> to vector<1x16xf32>
        tpu.vector_store %arg11[%swap3A_137, %swap3A_138], %swap3A_141 {strides = array<i32>} : memref<40x128xf32, #tpu.memory_space<vmem>>, vector<1x16xf32>,
        %get3A_142 = arith.index_cast %scan3A_42 : i32 to index
        %get3A_143 = arith.constant 96 : index
        %get3A_144 = tpu.vector_load %arg11[%get3A_142, %get3A_143] {strides = array<i32>} : memref<40x128xf32, #tpu.memory_space<vmem>>, vector<1x16xf32>,
        %get3A_145 = vector.shape_cast %get3A_144 : vector<1x16xf32> to vector<16xf32>
        %get3A_146 = arith.index_cast %scan3A_42 : i32 to index
        %get3A_147 = arith.constant 96 : index
        %get3A_148 = tpu.vector_load %arg12[%get3A_146, %get3A_147] {strides = array<i32>} : memref<40x128xf32, #tpu.memory_space<vmem>>, vector<1x16xf32>,
        %get3A_149 = vector.shape_cast %get3A_148 : vector<1x16xf32> to vector<16xf32>
        %add3A_150 = arith.addf %get3A_145, %get3A_149 : vector<16xf32>
        %max3A_151 = arith.constant 0.000000e+00 : f32
        %max3A_152 = vector.broadcast %max3A_151 : f32 to vector<16xf32>
        %max3A_153 = arith.maximumf %add3A_150, %max3A_152 : vector<16xf32>
        %swap3A_154 = arith.index_cast %scan3A_42 : i32 to index
        %swap3A_155 = arith.constant 96 : index
        %swap3A_156 = tpu.vector_load %arg11[%swap3A_154, %swap3A_155] {strides = array<i32>} : memref<40x128xf32, #tpu.memory_space<vmem>>, vector<1x16xf32>,
        %swap3A_157 = vector.shape_cast %swap3A_156 : vector<1x16xf32> to vector<16xf32>
        %swap3A_158 = vector.shape_cast %max3A_153 : vector<16xf32> to vector<1x16xf32>
        tpu.vector_store %arg11[%swap3A_154, %swap3A_155], %swap3A_158 {strides = array<i32>} : memref<40x128xf32, #tpu.memory_space<vmem>>, vector<1x16xf32>,
        %get3A_159 = arith.index_cast %scan3A_42 : i32 to index
        %get3A_160 = arith.constant 112 : index
        %get3A_161 = tpu.vector_load %arg11[%get3A_159, %get3A_160] {strides = array<i32>} : memref<40x128xf32, #tpu.memory_space<vmem>>, vector<1x16xf32>,
        %get3A_162 = vector.shape_cast %get3A_161 : vector<1x16xf32> to vector<16xf32>
        %get3A_163 = arith.index_cast %scan3A_42 : i32 to index
        %get3A_164 = arith.constant 112 : index
        %get3A_165 = tpu.vector_load %arg12[%get3A_163, %get3A_164] {strides = array<i32>} : memref<40x128xf32, #tpu.memory_space<vmem>>, vector<1x16xf32>,
        %get3A_166 = vector.shape_cast %get3A_165 : vector<1x16xf32> to vector<16xf32>
        %add3A_167 = arith.addf %get3A_162, %get3A_166 : vector<16xf32>
        %max3A_168 = arith.constant 0.000000e+00 : f32
        %max3A_169 = vector.broadcast %max3A_168 : f32 to vector<16xf32>
        %max3A_170 = arith.maximumf %add3A_167, %max3A_169 : vector<16xf32>
        %swap3A_171 = arith.index_cast %scan3A_42 : i32 to index
        %swap3A_172 = arith.constant 112 : index
        %swap3A_173 = tpu.vector_load %arg11[%swap3A_171, %swap3A_172] {strides = array<i32>} : memref<40x128xf32, #tpu.memory_space<vmem>>, vector<1x16xf32>,
        %swap3A_174 = vector.shape_cast %swap3A_173 : vector<1x16xf32> to vector<16xf32>
        %swap3A_175 = vector.shape_cast %max3A_170 : vector<16xf32> to vector<1x16xf32>
        tpu.vector_store %arg11[%swap3A_171, %swap3A_172], %swap3A_175 {strides = array<i32>} : memref<40x128xf32, #tpu.memory_space<vmem>>, vector<1x16xf32>,
      }
      %scan3A_41 = arith.constant 40 : i32
      "tpu.region"() ({
        %run_scoped3A = tpu.sem_alloc : memref<!tpu.dma_semaphore, #tpu.memory_space<semaphore_mem>>
        %dma_start3A_42 = arith.constant 0 : i32
        %dma_start3A_43 = arith.constant 0 : i32
        %dma_start3A_44 = tpu.memref_slice %arg8[%dma_start3A_42, %dma_start3A_43] : memref<15008x128xf32, #tpu.memory_space<vmem_shared>> -> memref<15008x128xf32, #tpu.memory_space<vmem_shared>>
        tpu.enqueue_indirect_dma source(%arg11 : memref<40x128xf32, #tpu.memory_space<vmem>>) target(%dma_start3A_44 : memref<15008x128xf32, #tpu.memory_space<vmem_shared>>) offsets(%arg10 : memref<40xi32, #tpu.memory_space<vmem>>) semaphore(%run_scoped3A : memref<!tpu.dma_semaphore, #tpu.memory_space<semaphore_mem>>) {add = true}
        %dma_wait3A_45 = arith.constant 0 : i32
        %dma_wait3A_46 = arith.constant 0 : i32
        %dma_wait3A_47 = tpu.memref_slice %arg8[%dma_wait3A_45, %dma_wait3A_46] : memref<15008x128xf32, #tpu.memory_space<vmem_shared>> -> memref<15008x128xf32, #tpu.memory_space<vmem_shared>>
        tpu.wait_indirect_dma semaphore(%run_scoped3A : memref<!tpu.dma_semaphore, #tpu.memory_space<semaphore_mem>>) src(%arg11 : memref<40x128xf32, #tpu.memory_space<vmem>>) dst(%dma_wait3A_47 : memref<15008x128xf32, #tpu.memory_space<vmem_shared>>)
        tpu.yield
      }) : () -> ()
    }
    %scan3A_15 = arith.constant 250 : i32
    %barrier3A_16 = arith.constant 0 : index
    tpu.barrier barrier_id(%barrier3A_16)
    %lt3A_17 = arith.constant 15 : i32
    %lt3A_18 = arith.cmpi slt, %arg1, %lt3A_17 : i32
    %convert_element_type3A_19 = arith.extui %lt3A_18 : i1 to i32
    %cond3A_20 = arith.constant 0 : i32
    %cond3A_21 = arith.cmpi ne, %convert_element_type3A_19, %cond3A_20 : i32
    scf.if %cond3A_21 {
      "tpu.region"() ({
        %run_scoped3A = tpu.sem_alloc : memref<!tpu.dma_semaphore, #tpu.memory_space<semaphore_mem>>
        %dma_start3A = arith.constant 0 : i32
        %dma_start3A_27 = tpu.memref_slice %arg7[%arg0, %multiple_of3A, %dma_start3A] : memref<2x15008x128xf32, #tpu.memory_space<hbm>> -> memref<1x944x128xf32, #tpu.memory_space<hbm>>
        %dma_start3A_28 = tpu.memref_squeeze %dma_start3A_27 : memref<1x944x128xf32, #tpu.memory_space<hbm>> -> memref<944x128xf32, #tpu.memory_space<hbm>>
        %dma_start3A_29 = arith.constant 0 : i32
        %dma_start3A_30 = tpu.memref_slice %arg8[%multiple_of3A, %dma_start3A_29] : memref<15008x128xf32, #tpu.memory_space<vmem_shared>> -> memref<944x128xf32, #tpu.memory_space<vmem_shared>>
        tpu.enqueue_dma source(%dma_start3A_30 : memref<944x128xf32, #tpu.memory_space<vmem_shared>>) target(%dma_start3A_28 : memref<944x128xf32, #tpu.memory_space<hbm>>) target_semaphore(%run_scoped3A : memref<!tpu.dma_semaphore, #tpu.memory_space<semaphore_mem>>)
        %dma_wait3A = arith.constant 0 : i32
        %dma_wait3A_31 = tpu.memref_slice %arg7[%arg0, %multiple_of3A, %dma_wait3A] : memref<2x15008x128xf32, #tpu.memory_space<hbm>> -> memref<1x944x128xf32, #tpu.memory_space<hbm>>
        %dma_wait3A_32 = tpu.memref_squeeze %dma_wait3A_31 : memref<1x944x128xf32, #tpu.memory_space<hbm>> -> memref<944x128xf32, #tpu.memory_space<hbm>>
        %dma_wait3A_33 = arith.constant 0 : i32
        %dma_wait3A_34 = tpu.memref_slice %arg8[%multiple_of3A, %dma_wait3A_33] : memref<15008x128xf32, #tpu.memory_space<vmem_shared>> -> memref<944x128xf32, #tpu.memory_space<vmem_shared>>
        tpu.wait_dma2 semaphore(%run_scoped3A : memref<!tpu.dma_semaphore, #tpu.memory_space<semaphore_mem>>) src(%dma_wait3A_34 : memref<944x128xf32, #tpu.memory_space<vmem_shared>>) dst(%dma_wait3A_32 : memref<944x128xf32, #tpu.memory_space<hbm>>)
        tpu.yield
      }) : () -> ()
    } else {
    }
    %eq3A_22 = arith.constant 15 : i32
    %eq3A_23 = arith.cmpi eq, %arg1, %eq3A_22 : i32
    %convert_element_type3A_24 = arith.extui %eq3A_23 : i1 to i32
    %cond3A_25 = arith.constant 0 : i32
    %cond3A_26 = arith.cmpi ne, %convert_element_type3A_24, %cond3A_25 : i32
    scf.if %cond3A_26 {
      "tpu.region"() ({
        %run_scoped3A = tpu.sem_alloc : memref<!tpu.dma_semaphore, #tpu.memory_space<semaphore_mem>>
        %dma_start3A = arith.constant 0 : i32
        %dma_start3A_27 = tpu.memref_slice %arg7[%arg0, %multiple_of3A, %dma_start3A] : memref<2x15008x128xf32, #tpu.memory_space<hbm>> -> memref<1x848x128xf32, #tpu.memory_space<hbm>>
        %dma_start3A_28 = tpu.memref_squeeze %dma_start3A_27 : memref<1x848x128xf32, #tpu.memory_space<hbm>> -> memref<848x128xf32, #tpu.memory_space<hbm>>
        %dma_start3A_29 = arith.constant 0 : i32
        %dma_start3A_30 = tpu.memref_slice %arg8[%multiple_of3A, %dma_start3A_29] : memref<15008x128xf32, #tpu.memory_space<vmem_shared>> -> memref<848x128xf32, #tpu.memory_space<vmem_shared>>
        tpu.enqueue_dma source(%dma_start3A_30 : memref<848x128xf32, #tpu.memory_space<vmem_shared>>) target(%dma_start3A_28 : memref<848x128xf32, #tpu.memory_space<hbm>>) target_semaphore(%run_scoped3A : memref<!tpu.dma_semaphore, #tpu.memory_space<semaphore_mem>>)
        %dma_wait3A = arith.constant 0 : i32
        %dma_wait3A_31 = tpu.memref_slice %arg7[%arg0, %multiple_of3A, %dma_wait3A] : memref<2x15008x128xf32, #tpu.memory_space<hbm>> -> memref<1x848x128xf32, #tpu.memory_space<hbm>>
        %dma_wait3A_32 = tpu.memref_squeeze %dma_wait3A_31 : memref<1x848x128xf32, #tpu.memory_space<hbm>> -> memref<848x128xf32, #tpu.memory_space<hbm>>
        %dma_wait3A_33 = arith.constant 0 : i32
        %dma_wait3A_34 = tpu.memref_slice %arg8[%multiple_of3A, %dma_wait3A_33] : memref<15008x128xf32, #tpu.memory_space<vmem_shared>> -> memref<848x128xf32, #tpu.memory_space<vmem_shared>>
        tpu.wait_dma2 semaphore(%run_scoped3A : memref<!tpu.dma_semaphore, #tpu.memory_space<semaphore_mem>>) src(%dma_wait3A_34 : memref<848x128xf32, #tpu.memory_space<vmem_shared>>) dst(%dma_wait3A_32 : memref<848x128xf32, #tpu.memory_space<hbm>>)
        tpu.yield
      }) : () -> ()
    } else {
    }
    return
  }
}

#map = affine_map<(d0, d1) -> (0, 0)>
#map1 = affine_map<(d0, d1) -> (0)>
#map2 = affine_map<(d0, d1) -> (0, 0, 0)>
module attributes {stable_mosaic.version = 14 : i64} {
  func.func @_sc_body(%arg0: i32, %arg1: i32, %arg2: memref<15000x128xf32, #tpu.memory_space<hbm>>, %arg3: memref<160000xi32, #tpu.memory_space<hbm>>, %arg4: memref<160000xi32, #tpu.memory_space<hbm>>, %arg5: memref<944x128xf32, #tpu.memory_space<hbm>>, %arg6: memref<2x15008x128xf32, #tpu.memory_space<hbm>>, %arg7: memref<15008x128xf32, #tpu.memory_space<vmem_shared>>, %arg8: memref<40xi32, #tpu.memory_space<vmem>>, %arg9: memref<40xi32, #tpu.memory_space<vmem>>, %arg10: memref<40x128xf32, #tpu.memory_space<vmem>>, %arg11: memref<!tpu.dma_semaphore, #tpu.memory_space<semaphore_mem>>) attributes {dimension_semantics = [#tpu.dimension_semantics<core_parallel>, #tpu.dimension_semantics<subcore_parallel>], iteration_bounds = array<i64: 2, 16>, scalar_prefetch = 0 : i64, scratch_operands = 5 : i64, tpu.core_type = #tpu.core_type<sc_vector_subcore>, window_params = [{transform_indices = #map}, {transform_indices = #map1}, {transform_indices = #map1}, {transform_indices = #map}, {transform_indices = #map2}]} {
    %mul3A = arith.constant 16 : i32
    %mul3A_0 = arith.muli %arg0, %mul3A : i32
    %add3A = arith.addi %mul3A_0, %arg1 : i32
    %mul3A_1 = arith.constant 944 : i32
    %mul3A_2 = arith.muli %arg1, %mul3A_1 : i32
    %multiple_of3A = tpu.assume_multiple %mul3A_2, 8 : i32
    %lt3A = arith.constant 15 : i32
    %lt3A_3 = arith.cmpi slt, %arg1, %lt3A : i32
    %convert_element_type3A = arith.extui %lt3A_3 : i1 to i32
    %cond3A = arith.constant 0 : i32
    %cond3A_4 = arith.cmpi ne, %convert_element_type3A, %cond3A : i32
    scf.if %cond3A_4 {
      "tpu.region"() ({
        %run_scoped3A = tpu.sem_alloc : memref<!tpu.dma_semaphore, #tpu.memory_space<semaphore_mem>>
        %dma_start3A = arith.constant 0 : i32
        %dma_start3A_27 = tpu.memref_slice %arg7[%multiple_of3A, %dma_start3A] : memref<15008x128xf32, #tpu.memory_space<vmem_shared>> -> memref<944x128xf32, #tpu.memory_space<vmem_shared>>
        tpu.enqueue_dma source(%arg5 : memref<944x128xf32, #tpu.memory_space<hbm>>) target(%dma_start3A_27 : memref<944x128xf32, #tpu.memory_space<vmem_shared>>) target_semaphore(%run_scoped3A : memref<!tpu.dma_semaphore, #tpu.memory_space<semaphore_mem>>)
        %dma_wait3A = arith.constant 0 : i32
        %dma_wait3A_28 = tpu.memref_slice %arg7[%multiple_of3A, %dma_wait3A] : memref<15008x128xf32, #tpu.memory_space<vmem_shared>> -> memref<944x128xf32, #tpu.memory_space<vmem_shared>>
        tpu.wait_dma2 semaphore(%run_scoped3A : memref<!tpu.dma_semaphore, #tpu.memory_space<semaphore_mem>>) src(%arg5 : memref<944x128xf32, #tpu.memory_space<hbm>>) dst(%dma_wait3A_28 : memref<944x128xf32, #tpu.memory_space<vmem_shared>>)
        tpu.yield
      }) : () -> ()
    } else {
    }
    %eq3A = arith.constant 15 : i32
    %eq3A_5 = arith.cmpi eq, %arg1, %eq3A : i32
    %convert_element_type3A_6 = arith.extui %eq3A_5 : i1 to i32
    %cond3A_7 = arith.constant 0 : i32
    %cond3A_8 = arith.cmpi ne, %convert_element_type3A_6, %cond3A_7 : i32
    scf.if %cond3A_8 {
      "tpu.region"() ({
        %run_scoped3A = tpu.sem_alloc : memref<!tpu.dma_semaphore, #tpu.memory_space<semaphore_mem>>
        %dma_start3A = arith.constant 0 : i32
        %dma_start3A_27 = tpu.memref_slice %arg7[%multiple_of3A, %dma_start3A] : memref<15008x128xf32, #tpu.memory_space<vmem_shared>> -> memref<848x128xf32, #tpu.memory_space<vmem_shared>>
        %dma_start3A_28 = arith.constant 0 : i32
        %dma_start3A_29 = arith.constant 0 : i32
        %dma_start3A_30 = tpu.memref_slice %arg5[%dma_start3A_28, %dma_start3A_29] : memref<944x128xf32, #tpu.memory_space<hbm>> -> memref<848x128xf32, #tpu.memory_space<hbm>>
        tpu.enqueue_dma source(%dma_start3A_30 : memref<848x128xf32, #tpu.memory_space<hbm>>) target(%dma_start3A_27 : memref<848x128xf32, #tpu.memory_space<vmem_shared>>) target_semaphore(%run_scoped3A : memref<!tpu.dma_semaphore, #tpu.memory_space<semaphore_mem>>)
        %dma_wait3A = arith.constant 0 : i32
        %dma_wait3A_31 = tpu.memref_slice %arg7[%multiple_of3A, %dma_wait3A] : memref<15008x128xf32, #tpu.memory_space<vmem_shared>> -> memref<848x128xf32, #tpu.memory_space<vmem_shared>>
        %dma_wait3A_32 = arith.constant 0 : i32
        %dma_wait3A_33 = arith.constant 0 : i32
        %dma_wait3A_34 = tpu.memref_slice %arg5[%dma_wait3A_32, %dma_wait3A_33] : memref<944x128xf32, #tpu.memory_space<hbm>> -> memref<848x128xf32, #tpu.memory_space<hbm>>
        tpu.wait_dma2 semaphore(%run_scoped3A : memref<!tpu.dma_semaphore, #tpu.memory_space<semaphore_mem>>) src(%dma_wait3A_34 : memref<848x128xf32, #tpu.memory_space<hbm>>) dst(%dma_wait3A_31 : memref<848x128xf32, #tpu.memory_space<vmem_shared>>)
        tpu.yield
      }) : () -> ()
    } else {
    }
    %barrier3A = arith.constant 0 : index
    tpu.barrier barrier_id(%barrier3A)
    %mul3A_9 = arith.constant 5000 : i32
    %mul3A_10 = arith.muli %add3A, %mul3A_9 : i32
    %scan3A = arith.constant 0 : i32
    %scan3A_11 = arith.constant 0 : i32
    %scan3A_12 = arith.constant 125 : i32
    %scan3A_13 = arith.addi %scan3A_11, %scan3A_12 : i32
    %scan3A_14 = arith.constant 1 : i32
    scf.for %scan3A_27 = %scan3A_11 to %scan3A_13 step %scan3A_14  : i32 {
      %mul3A_28 = arith.constant 40 : i32
      %mul3A_29 = arith.muli %scan3A_27, %mul3A_28 : i32
      %add3A_30 = arith.addi %mul3A_10, %mul3A_29 : i32
      %multiple_of3A_31 = tpu.assume_multiple %add3A_30, 8 : i32
      "tpu.region"() ({
        %run_scoped3A = tpu.sem_alloc : memref<!tpu.dma_semaphore, #tpu.memory_space<semaphore_mem>>
        %dma_start3A_36 = tpu.memref_slice %arg3[%multiple_of3A_31] : memref<160000xi32, #tpu.memory_space<hbm>> -> memref<40xi32, #tpu.memory_space<hbm>>
        %dma_start3A_37 = tpu.memref_slice %arg3[%multiple_of3A_31] : memref<160000xi32, #tpu.memory_space<hbm>> -> memref<40xi32, #tpu.memory_space<hbm>>
        tpu.enqueue_dma source(%dma_start3A_37 : memref<40xi32, #tpu.memory_space<hbm>>) target(%arg8 : memref<40xi32, #tpu.memory_space<vmem>>) target_semaphore(%run_scoped3A : memref<!tpu.dma_semaphore, #tpu.memory_space<semaphore_mem>>)
        %dma_wait3A_38 = tpu.memref_slice %arg3[%multiple_of3A_31] : memref<160000xi32, #tpu.memory_space<hbm>> -> memref<40xi32, #tpu.memory_space<hbm>>
        %dma_wait3A_39 = tpu.memref_slice %arg3[%multiple_of3A_31] : memref<160000xi32, #tpu.memory_space<hbm>> -> memref<40xi32, #tpu.memory_space<hbm>>
        tpu.wait_dma2 semaphore(%run_scoped3A : memref<!tpu.dma_semaphore, #tpu.memory_space<semaphore_mem>>) src(%dma_wait3A_39 : memref<40xi32, #tpu.memory_space<hbm>>) dst(%arg8 : memref<40xi32, #tpu.memory_space<vmem>>)
        tpu.yield
      }) : () -> ()
      "tpu.region"() ({
        %run_scoped3A = tpu.sem_alloc : memref<!tpu.dma_semaphore, #tpu.memory_space<semaphore_mem>>
        %dma_start3A_36 = tpu.memref_slice %arg4[%multiple_of3A_31] : memref<160000xi32, #tpu.memory_space<hbm>> -> memref<40xi32, #tpu.memory_space<hbm>>
        %dma_start3A_37 = tpu.memref_slice %arg4[%multiple_of3A_31] : memref<160000xi32, #tpu.memory_space<hbm>> -> memref<40xi32, #tpu.memory_space<hbm>>
        tpu.enqueue_dma source(%dma_start3A_37 : memref<40xi32, #tpu.memory_space<hbm>>) target(%arg9 : memref<40xi32, #tpu.memory_space<vmem>>) target_semaphore(%run_scoped3A : memref<!tpu.dma_semaphore, #tpu.memory_space<semaphore_mem>>)
        %dma_wait3A_38 = tpu.memref_slice %arg4[%multiple_of3A_31] : memref<160000xi32, #tpu.memory_space<hbm>> -> memref<40xi32, #tpu.memory_space<hbm>>
        %dma_wait3A_39 = tpu.memref_slice %arg4[%multiple_of3A_31] : memref<160000xi32, #tpu.memory_space<hbm>> -> memref<40xi32, #tpu.memory_space<hbm>>
        tpu.wait_dma2 semaphore(%run_scoped3A : memref<!tpu.dma_semaphore, #tpu.memory_space<semaphore_mem>>) src(%dma_wait3A_39 : memref<40xi32, #tpu.memory_space<hbm>>) dst(%arg9 : memref<40xi32, #tpu.memory_space<vmem>>)
        tpu.yield
      }) : () -> ()
      %dma_start3A = arith.constant 0 : i32
      %dma_start3A_32 = arith.constant 0 : i32
      %dma_start3A_33 = tpu.memref_slice %arg2[%dma_start3A, %dma_start3A_32] : memref<15000x128xf32, #tpu.memory_space<hbm>> -> memref<15000x128xf32, #tpu.memory_space<hbm>>
      tpu.enqueue_indirect_dma source(%dma_start3A_33 : memref<15000x128xf32, #tpu.memory_space<hbm>>) target(%arg10 : memref<40x128xf32, #tpu.memory_space<vmem>>) offsets(%arg8 : memref<40xi32, #tpu.memory_space<vmem>>) semaphore(%arg11 : memref<!tpu.dma_semaphore, #tpu.memory_space<semaphore_mem>>)
      %dma_wait3A = arith.constant 0 : i32
      %dma_wait3A_34 = arith.constant 0 : i32
      %dma_wait3A_35 = tpu.memref_slice %arg2[%dma_wait3A, %dma_wait3A_34] : memref<15000x128xf32, #tpu.memory_space<hbm>> -> memref<15000x128xf32, #tpu.memory_space<hbm>>
      tpu.wait_indirect_dma semaphore(%arg11 : memref<!tpu.dma_semaphore, #tpu.memory_space<semaphore_mem>>) src(%dma_wait3A_35 : memref<15000x128xf32, #tpu.memory_space<hbm>>) dst(%arg10 : memref<40x128xf32, #tpu.memory_space<vmem>>)
      "tpu.region"() ({
        %run_scoped3A = tpu.sem_alloc : memref<!tpu.dma_semaphore, #tpu.memory_space<semaphore_mem>>
        %dma_start3A_36 = arith.constant 0 : i32
        %dma_start3A_37 = arith.constant 0 : i32
        %dma_start3A_38 = tpu.memref_slice %arg7[%dma_start3A_36, %dma_start3A_37] : memref<15008x128xf32, #tpu.memory_space<vmem_shared>> -> memref<15008x128xf32, #tpu.memory_space<vmem_shared>>
        tpu.enqueue_indirect_dma source(%arg10 : memref<40x128xf32, #tpu.memory_space<vmem>>) target(%dma_start3A_38 : memref<15008x128xf32, #tpu.memory_space<vmem_shared>>) offsets(%arg9 : memref<40xi32, #tpu.memory_space<vmem>>) semaphore(%run_scoped3A : memref<!tpu.dma_semaphore, #tpu.memory_space<semaphore_mem>>) {add = true}
        %dma_wait3A_39 = arith.constant 0 : i32
        %dma_wait3A_40 = arith.constant 0 : i32
        %dma_wait3A_41 = tpu.memref_slice %arg7[%dma_wait3A_39, %dma_wait3A_40] : memref<15008x128xf32, #tpu.memory_space<vmem_shared>> -> memref<15008x128xf32, #tpu.memory_space<vmem_shared>>
        tpu.wait_indirect_dma semaphore(%run_scoped3A : memref<!tpu.dma_semaphore, #tpu.memory_space<semaphore_mem>>) src(%arg10 : memref<40x128xf32, #tpu.memory_space<vmem>>) dst(%dma_wait3A_41 : memref<15008x128xf32, #tpu.memory_space<vmem_shared>>)
        tpu.yield
      }) : () -> ()
    }
    %scan3A_15 = arith.constant 125 : i32
    %barrier3A_16 = arith.constant 0 : index
    tpu.barrier barrier_id(%barrier3A_16)
    %lt3A_17 = arith.constant 15 : i32
    %lt3A_18 = arith.cmpi slt, %arg1, %lt3A_17 : i32
    %convert_element_type3A_19 = arith.extui %lt3A_18 : i1 to i32
    %cond3A_20 = arith.constant 0 : i32
    %cond3A_21 = arith.cmpi ne, %convert_element_type3A_19, %cond3A_20 : i32
    scf.if %cond3A_21 {
      "tpu.region"() ({
        %run_scoped3A = tpu.sem_alloc : memref<!tpu.dma_semaphore, #tpu.memory_space<semaphore_mem>>
        %dma_start3A = arith.constant 0 : i32
        %dma_start3A_27 = tpu.memref_slice %arg6[%arg0, %multiple_of3A, %dma_start3A] : memref<2x15008x128xf32, #tpu.memory_space<hbm>> -> memref<1x944x128xf32, #tpu.memory_space<hbm>>
        %dma_start3A_28 = tpu.memref_squeeze %dma_start3A_27 : memref<1x944x128xf32, #tpu.memory_space<hbm>> -> memref<944x128xf32, #tpu.memory_space<hbm>>
        %dma_start3A_29 = arith.constant 0 : i32
        %dma_start3A_30 = tpu.memref_slice %arg7[%multiple_of3A, %dma_start3A_29] : memref<15008x128xf32, #tpu.memory_space<vmem_shared>> -> memref<944x128xf32, #tpu.memory_space<vmem_shared>>
        tpu.enqueue_dma source(%dma_start3A_30 : memref<944x128xf32, #tpu.memory_space<vmem_shared>>) target(%dma_start3A_28 : memref<944x128xf32, #tpu.memory_space<hbm>>) target_semaphore(%run_scoped3A : memref<!tpu.dma_semaphore, #tpu.memory_space<semaphore_mem>>)
        %dma_wait3A = arith.constant 0 : i32
        %dma_wait3A_31 = tpu.memref_slice %arg6[%arg0, %multiple_of3A, %dma_wait3A] : memref<2x15008x128xf32, #tpu.memory_space<hbm>> -> memref<1x944x128xf32, #tpu.memory_space<hbm>>
        %dma_wait3A_32 = tpu.memref_squeeze %dma_wait3A_31 : memref<1x944x128xf32, #tpu.memory_space<hbm>> -> memref<944x128xf32, #tpu.memory_space<hbm>>
        %dma_wait3A_33 = arith.constant 0 : i32
        %dma_wait3A_34 = tpu.memref_slice %arg7[%multiple_of3A, %dma_wait3A_33] : memref<15008x128xf32, #tpu.memory_space<vmem_shared>> -> memref<944x128xf32, #tpu.memory_space<vmem_shared>>
        tpu.wait_dma2 semaphore(%run_scoped3A : memref<!tpu.dma_semaphore, #tpu.memory_space<semaphore_mem>>) src(%dma_wait3A_34 : memref<944x128xf32, #tpu.memory_space<vmem_shared>>) dst(%dma_wait3A_32 : memref<944x128xf32, #tpu.memory_space<hbm>>)
        tpu.yield
      }) : () -> ()
    } else {
    }
    %eq3A_22 = arith.constant 15 : i32
    %eq3A_23 = arith.cmpi eq, %arg1, %eq3A_22 : i32
    %convert_element_type3A_24 = arith.extui %eq3A_23 : i1 to i32
    %cond3A_25 = arith.constant 0 : i32
    %cond3A_26 = arith.cmpi ne, %convert_element_type3A_24, %cond3A_25 : i32
    scf.if %cond3A_26 {
      "tpu.region"() ({
        %run_scoped3A = tpu.sem_alloc : memref<!tpu.dma_semaphore, #tpu.memory_space<semaphore_mem>>
        %dma_start3A = arith.constant 0 : i32
        %dma_start3A_27 = tpu.memref_slice %arg6[%arg0, %multiple_of3A, %dma_start3A] : memref<2x15008x128xf32, #tpu.memory_space<hbm>> -> memref<1x848x128xf32, #tpu.memory_space<hbm>>
        %dma_start3A_28 = tpu.memref_squeeze %dma_start3A_27 : memref<1x848x128xf32, #tpu.memory_space<hbm>> -> memref<848x128xf32, #tpu.memory_space<hbm>>
        %dma_start3A_29 = arith.constant 0 : i32
        %dma_start3A_30 = tpu.memref_slice %arg7[%multiple_of3A, %dma_start3A_29] : memref<15008x128xf32, #tpu.memory_space<vmem_shared>> -> memref<848x128xf32, #tpu.memory_space<vmem_shared>>
        tpu.enqueue_dma source(%dma_start3A_30 : memref<848x128xf32, #tpu.memory_space<vmem_shared>>) target(%dma_start3A_28 : memref<848x128xf32, #tpu.memory_space<hbm>>) target_semaphore(%run_scoped3A : memref<!tpu.dma_semaphore, #tpu.memory_space<semaphore_mem>>)
        %dma_wait3A = arith.constant 0 : i32
        %dma_wait3A_31 = tpu.memref_slice %arg6[%arg0, %multiple_of3A, %dma_wait3A] : memref<2x15008x128xf32, #tpu.memory_space<hbm>> -> memref<1x848x128xf32, #tpu.memory_space<hbm>>
        %dma_wait3A_32 = tpu.memref_squeeze %dma_wait3A_31 : memref<1x848x128xf32, #tpu.memory_space<hbm>> -> memref<848x128xf32, #tpu.memory_space<hbm>>
        %dma_wait3A_33 = arith.constant 0 : i32
        %dma_wait3A_34 = tpu.memref_slice %arg7[%multiple_of3A, %dma_wait3A_33] : memref<15008x128xf32, #tpu.memory_space<vmem_shared>> -> memref<848x128xf32, #tpu.memory_space<vmem_shared>>
        tpu.wait_dma2 semaphore(%run_scoped3A : memref<!tpu.dma_semaphore, #tpu.memory_space<semaphore_mem>>) src(%dma_wait3A_34 : memref<848x128xf32, #tpu.memory_space<vmem_shared>>) dst(%dma_wait3A_32 : memref<848x128xf32, #tpu.memory_space<hbm>>)
        tpu.yield
      }) : () -> ()
    } else {
    }
    return
  }
}

#map = affine_map<(d0, d1) -> (0, 0)>
#map1 = affine_map<(d0, d1) -> (0)>
#map2 = affine_map<(d0, d1) -> (0, 0, 0)>
module attributes {stable_mosaic.version = 14 : i64} {
  func.func @_sc_body(%arg0: i32, %arg1: i32, %arg2: memref<15000x128xf32, #tpu.memory_space<hbm>>, %arg3: memref<160000xi32, #tpu.memory_space<hbm>>, %arg4: memref<160000xi32, #tpu.memory_space<hbm>>, %arg5: memref<944x128xf32, #tpu.memory_space<hbm>>, %arg6: memref<2x15008x128xf32, #tpu.memory_space<hbm>>, %arg7: memref<15008x128xf32, #tpu.memory_space<vmem_shared>>, %arg8: memref<40xi32, #tpu.memory_space<vmem>>, %arg9: memref<40xi32, #tpu.memory_space<vmem>>, %arg10: memref<40x128xf32, #tpu.memory_space<vmem>>, %arg11: memref<!tpu.dma_semaphore, #tpu.memory_space<semaphore_mem>>) attributes {dimension_semantics = [#tpu.dimension_semantics<core_parallel>, #tpu.dimension_semantics<subcore_parallel>], iteration_bounds = array<i64: 2, 16>, scalar_prefetch = 0 : i64, scratch_operands = 5 : i64, tpu.core_type = #tpu.core_type<sc_vector_subcore>, window_params = [{transform_indices = #map}, {transform_indices = #map1}, {transform_indices = #map1}, {transform_indices = #map}, {transform_indices = #map2}]} {
    %mul3A = arith.constant 16 : i32
    %mul3A_0 = arith.muli %arg0, %mul3A : i32
    %add3A = arith.addi %mul3A_0, %arg1 : i32
    %mul3A_1 = arith.constant 944 : i32
    %mul3A_2 = arith.muli %arg1, %mul3A_1 : i32
    %multiple_of3A = tpu.assume_multiple %mul3A_2, 8 : i32
    %lt3A = arith.constant 15 : i32
    %lt3A_3 = arith.cmpi slt, %arg1, %lt3A : i32
    %convert_element_type3A = arith.extui %lt3A_3 : i1 to i32
    %cond3A = arith.constant 0 : i32
    %cond3A_4 = arith.cmpi ne, %convert_element_type3A, %cond3A : i32
    scf.if %cond3A_4 {
      "tpu.region"() ({
        %run_scoped3A = tpu.sem_alloc : memref<!tpu.dma_semaphore, #tpu.memory_space<semaphore_mem>>
        %dma_start3A = arith.constant 0 : i32
        %dma_start3A_27 = tpu.memref_slice %arg7[%multiple_of3A, %dma_start3A] : memref<15008x128xf32, #tpu.memory_space<vmem_shared>> -> memref<944x128xf32, #tpu.memory_space<vmem_shared>>
        tpu.enqueue_dma source(%arg5 : memref<944x128xf32, #tpu.memory_space<hbm>>) target(%dma_start3A_27 : memref<944x128xf32, #tpu.memory_space<vmem_shared>>) target_semaphore(%run_scoped3A : memref<!tpu.dma_semaphore, #tpu.memory_space<semaphore_mem>>)
        %dma_wait3A = arith.constant 0 : i32
        %dma_wait3A_28 = tpu.memref_slice %arg7[%multiple_of3A, %dma_wait3A] : memref<15008x128xf32, #tpu.memory_space<vmem_shared>> -> memref<944x128xf32, #tpu.memory_space<vmem_shared>>
        tpu.wait_dma2 semaphore(%run_scoped3A : memref<!tpu.dma_semaphore, #tpu.memory_space<semaphore_mem>>) src(%arg5 : memref<944x128xf32, #tpu.memory_space<hbm>>) dst(%dma_wait3A_28 : memref<944x128xf32, #tpu.memory_space<vmem_shared>>)
        tpu.yield
      }) : () -> ()
    } else {
    }
    %eq3A = arith.constant 15 : i32
    %eq3A_5 = arith.cmpi eq, %arg1, %eq3A : i32
    %convert_element_type3A_6 = arith.extui %eq3A_5 : i1 to i32
    %cond3A_7 = arith.constant 0 : i32
    %cond3A_8 = arith.cmpi ne, %convert_element_type3A_6, %cond3A_7 : i32
    scf.if %cond3A_8 {
      "tpu.region"() ({
        %run_scoped3A = tpu.sem_alloc : memref<!tpu.dma_semaphore, #tpu.memory_space<semaphore_mem>>
        %dma_start3A = arith.constant 0 : i32
        %dma_start3A_27 = tpu.memref_slice %arg7[%multiple_of3A, %dma_start3A] : memref<15008x128xf32, #tpu.memory_space<vmem_shared>> -> memref<848x128xf32, #tpu.memory_space<vmem_shared>>
        %dma_start3A_28 = arith.constant 0 : i32
        %dma_start3A_29 = arith.constant 0 : i32
        %dma_start3A_30 = tpu.memref_slice %arg5[%dma_start3A_28, %dma_start3A_29] : memref<944x128xf32, #tpu.memory_space<hbm>> -> memref<848x128xf32, #tpu.memory_space<hbm>>
        tpu.enqueue_dma source(%dma_start3A_30 : memref<848x128xf32, #tpu.memory_space<hbm>>) target(%dma_start3A_27 : memref<848x128xf32, #tpu.memory_space<vmem_shared>>) target_semaphore(%run_scoped3A : memref<!tpu.dma_semaphore, #tpu.memory_space<semaphore_mem>>)
        %dma_wait3A = arith.constant 0 : i32
        %dma_wait3A_31 = tpu.memref_slice %arg7[%multiple_of3A, %dma_wait3A] : memref<15008x128xf32, #tpu.memory_space<vmem_shared>> -> memref<848x128xf32, #tpu.memory_space<vmem_shared>>
        %dma_wait3A_32 = arith.constant 0 : i32
        %dma_wait3A_33 = arith.constant 0 : i32
        %dma_wait3A_34 = tpu.memref_slice %arg5[%dma_wait3A_32, %dma_wait3A_33] : memref<944x128xf32, #tpu.memory_space<hbm>> -> memref<848x128xf32, #tpu.memory_space<hbm>>
        tpu.wait_dma2 semaphore(%run_scoped3A : memref<!tpu.dma_semaphore, #tpu.memory_space<semaphore_mem>>) src(%dma_wait3A_34 : memref<848x128xf32, #tpu.memory_space<hbm>>) dst(%dma_wait3A_31 : memref<848x128xf32, #tpu.memory_space<vmem_shared>>)
        tpu.yield
      }) : () -> ()
    } else {
    }
    %barrier3A = arith.constant 0 : index
    tpu.barrier barrier_id(%barrier3A)
    %mul3A_9 = arith.constant 5000 : i32
    %mul3A_10 = arith.muli %add3A, %mul3A_9 : i32
    %scan3A = arith.constant 0 : i32
    %scan3A_11 = arith.constant 0 : i32
    %scan3A_12 = arith.constant 125 : i32
    %scan3A_13 = arith.addi %scan3A_11, %scan3A_12 : i32
    %scan3A_14 = arith.constant 1 : i32
    scf.for %scan3A_27 = %scan3A_11 to %scan3A_13 step %scan3A_14  : i32 {
      %mul3A_28 = arith.constant 40 : i32
      %mul3A_29 = arith.muli %scan3A_27, %mul3A_28 : i32
      %add3A_30 = arith.addi %mul3A_10, %mul3A_29 : i32
      %multiple_of3A_31 = tpu.assume_multiple %add3A_30, 8 : i32
      "tpu.region"() ({
        %run_scoped3A = tpu.sem_alloc : memref<!tpu.dma_semaphore, #tpu.memory_space<semaphore_mem>>
        %dma_start3A_36 = tpu.memref_slice %arg3[%multiple_of3A_31] : memref<160000xi32, #tpu.memory_space<hbm>> -> memref<40xi32, #tpu.memory_space<hbm>>
        %dma_start3A_37 = tpu.memref_slice %arg3[%multiple_of3A_31] : memref<160000xi32, #tpu.memory_space<hbm>> -> memref<40xi32, #tpu.memory_space<hbm>>
        tpu.enqueue_dma source(%dma_start3A_37 : memref<40xi32, #tpu.memory_space<hbm>>) target(%arg8 : memref<40xi32, #tpu.memory_space<vmem>>) target_semaphore(%run_scoped3A : memref<!tpu.dma_semaphore, #tpu.memory_space<semaphore_mem>>)
        %dma_wait3A_38 = tpu.memref_slice %arg3[%multiple_of3A_31] : memref<160000xi32, #tpu.memory_space<hbm>> -> memref<40xi32, #tpu.memory_space<hbm>>
        %dma_wait3A_39 = tpu.memref_slice %arg3[%multiple_of3A_31] : memref<160000xi32, #tpu.memory_space<hbm>> -> memref<40xi32, #tpu.memory_space<hbm>>
        tpu.wait_dma2 semaphore(%run_scoped3A : memref<!tpu.dma_semaphore, #tpu.memory_space<semaphore_mem>>) src(%dma_wait3A_39 : memref<40xi32, #tpu.memory_space<hbm>>) dst(%arg8 : memref<40xi32, #tpu.memory_space<vmem>>)
        tpu.yield
      }) : () -> ()
      "tpu.region"() ({
        %run_scoped3A = tpu.sem_alloc : memref<!tpu.dma_semaphore, #tpu.memory_space<semaphore_mem>>
        %dma_start3A_36 = tpu.memref_slice %arg4[%multiple_of3A_31] : memref<160000xi32, #tpu.memory_space<hbm>> -> memref<40xi32, #tpu.memory_space<hbm>>
        %dma_start3A_37 = tpu.memref_slice %arg4[%multiple_of3A_31] : memref<160000xi32, #tpu.memory_space<hbm>> -> memref<40xi32, #tpu.memory_space<hbm>>
        tpu.enqueue_dma source(%dma_start3A_37 : memref<40xi32, #tpu.memory_space<hbm>>) target(%arg9 : memref<40xi32, #tpu.memory_space<vmem>>) target_semaphore(%run_scoped3A : memref<!tpu.dma_semaphore, #tpu.memory_space<semaphore_mem>>)
        %dma_wait3A_38 = tpu.memref_slice %arg4[%multiple_of3A_31] : memref<160000xi32, #tpu.memory_space<hbm>> -> memref<40xi32, #tpu.memory_space<hbm>>
        %dma_wait3A_39 = tpu.memref_slice %arg4[%multiple_of3A_31] : memref<160000xi32, #tpu.memory_space<hbm>> -> memref<40xi32, #tpu.memory_space<hbm>>
        tpu.wait_dma2 semaphore(%run_scoped3A : memref<!tpu.dma_semaphore, #tpu.memory_space<semaphore_mem>>) src(%dma_wait3A_39 : memref<40xi32, #tpu.memory_space<hbm>>) dst(%arg9 : memref<40xi32, #tpu.memory_space<vmem>>)
        tpu.yield
      }) : () -> ()
      %dma_start3A = arith.constant 0 : i32
      %dma_start3A_32 = arith.constant 0 : i32
      %dma_start3A_33 = tpu.memref_slice %arg2[%dma_start3A, %dma_start3A_32] : memref<15000x128xf32, #tpu.memory_space<hbm>> -> memref<15000x128xf32, #tpu.memory_space<hbm>>
      tpu.enqueue_indirect_dma source(%dma_start3A_33 : memref<15000x128xf32, #tpu.memory_space<hbm>>) target(%arg10 : memref<40x128xf32, #tpu.memory_space<vmem>>) offsets(%arg8 : memref<40xi32, #tpu.memory_space<vmem>>) semaphore(%arg11 : memref<!tpu.dma_semaphore, #tpu.memory_space<semaphore_mem>>)
      %dma_wait3A = arith.constant 0 : i32
      %dma_wait3A_34 = arith.constant 0 : i32
      %dma_wait3A_35 = tpu.memref_slice %arg2[%dma_wait3A, %dma_wait3A_34] : memref<15000x128xf32, #tpu.memory_space<hbm>> -> memref<15000x128xf32, #tpu.memory_space<hbm>>
      tpu.wait_indirect_dma semaphore(%arg11 : memref<!tpu.dma_semaphore, #tpu.memory_space<semaphore_mem>>) src(%dma_wait3A_35 : memref<15000x128xf32, #tpu.memory_space<hbm>>) dst(%arg10 : memref<40x128xf32, #tpu.memory_space<vmem>>)
      "tpu.region"() ({
        %run_scoped3A = tpu.sem_alloc : memref<!tpu.dma_semaphore, #tpu.memory_space<semaphore_mem>>
        %dma_start3A_36 = arith.constant 0 : i32
        %dma_start3A_37 = arith.constant 0 : i32
        %dma_start3A_38 = tpu.memref_slice %arg7[%dma_start3A_36, %dma_start3A_37] : memref<15008x128xf32, #tpu.memory_space<vmem_shared>> -> memref<15008x128xf32, #tpu.memory_space<vmem_shared>>
        tpu.enqueue_indirect_dma source(%arg10 : memref<40x128xf32, #tpu.memory_space<vmem>>) target(%dma_start3A_38 : memref<15008x128xf32, #tpu.memory_space<vmem_shared>>) offsets(%arg9 : memref<40xi32, #tpu.memory_space<vmem>>) semaphore(%run_scoped3A : memref<!tpu.dma_semaphore, #tpu.memory_space<semaphore_mem>>) {add = true}
        %dma_wait3A_39 = arith.constant 0 : i32
        %dma_wait3A_40 = arith.constant 0 : i32
        %dma_wait3A_41 = tpu.memref_slice %arg7[%dma_wait3A_39, %dma_wait3A_40] : memref<15008x128xf32, #tpu.memory_space<vmem_shared>> -> memref<15008x128xf32, #tpu.memory_space<vmem_shared>>
        tpu.wait_indirect_dma semaphore(%run_scoped3A : memref<!tpu.dma_semaphore, #tpu.memory_space<semaphore_mem>>) src(%arg10 : memref<40x128xf32, #tpu.memory_space<vmem>>) dst(%dma_wait3A_41 : memref<15008x128xf32, #tpu.memory_space<vmem_shared>>)
        tpu.yield
      }) : () -> ()
    }
    %scan3A_15 = arith.constant 125 : i32
    %barrier3A_16 = arith.constant 0 : index
    tpu.barrier barrier_id(%barrier3A_16)
    %lt3A_17 = arith.constant 15 : i32
    %lt3A_18 = arith.cmpi slt, %arg1, %lt3A_17 : i32
    %convert_element_type3A_19 = arith.extui %lt3A_18 : i1 to i32
    %cond3A_20 = arith.constant 0 : i32
    %cond3A_21 = arith.cmpi ne, %convert_element_type3A_19, %cond3A_20 : i32
    scf.if %cond3A_21 {
      "tpu.region"() ({
        %run_scoped3A = tpu.sem_alloc : memref<!tpu.dma_semaphore, #tpu.memory_space<semaphore_mem>>
        %dma_start3A = arith.constant 0 : i32
        %dma_start3A_27 = tpu.memref_slice %arg6[%arg0, %multiple_of3A, %dma_start3A] : memref<2x15008x128xf32, #tpu.memory_space<hbm>> -> memref<1x944x128xf32, #tpu.memory_space<hbm>>
        %dma_start3A_28 = tpu.memref_squeeze %dma_start3A_27 : memref<1x944x128xf32, #tpu.memory_space<hbm>> -> memref<944x128xf32, #tpu.memory_space<hbm>>
        %dma_start3A_29 = arith.constant 0 : i32
        %dma_start3A_30 = tpu.memref_slice %arg7[%multiple_of3A, %dma_start3A_29] : memref<15008x128xf32, #tpu.memory_space<vmem_shared>> -> memref<944x128xf32, #tpu.memory_space<vmem_shared>>
        tpu.enqueue_dma source(%dma_start3A_30 : memref<944x128xf32, #tpu.memory_space<vmem_shared>>) target(%dma_start3A_28 : memref<944x128xf32, #tpu.memory_space<hbm>>) target_semaphore(%run_scoped3A : memref<!tpu.dma_semaphore, #tpu.memory_space<semaphore_mem>>)
        %dma_wait3A = arith.constant 0 : i32
        %dma_wait3A_31 = tpu.memref_slice %arg6[%arg0, %multiple_of3A, %dma_wait3A] : memref<2x15008x128xf32, #tpu.memory_space<hbm>> -> memref<1x944x128xf32, #tpu.memory_space<hbm>>
        %dma_wait3A_32 = tpu.memref_squeeze %dma_wait3A_31 : memref<1x944x128xf32, #tpu.memory_space<hbm>> -> memref<944x128xf32, #tpu.memory_space<hbm>>
        %dma_wait3A_33 = arith.constant 0 : i32
        %dma_wait3A_34 = tpu.memref_slice %arg7[%multiple_of3A, %dma_wait3A_33] : memref<15008x128xf32, #tpu.memory_space<vmem_shared>> -> memref<944x128xf32, #tpu.memory_space<vmem_shared>>
        tpu.wait_dma2 semaphore(%run_scoped3A : memref<!tpu.dma_semaphore, #tpu.memory_space<semaphore_mem>>) src(%dma_wait3A_34 : memref<944x128xf32, #tpu.memory_space<vmem_shared>>) dst(%dma_wait3A_32 : memref<944x128xf32, #tpu.memory_space<hbm>>)
        tpu.yield
      }) : () -> ()
    } else {
    }
    %eq3A_22 = arith.constant 15 : i32
    %eq3A_23 = arith.cmpi eq, %arg1, %eq3A_22 : i32
    %convert_element_type3A_24 = arith.extui %eq3A_23 : i1 to i32
    %cond3A_25 = arith.constant 0 : i32
    %cond3A_26 = arith.cmpi ne, %convert_element_type3A_24, %cond3A_25 : i32
    scf.if %cond3A_26 {
      "tpu.region"() ({
        %run_scoped3A = tpu.sem_alloc : memref<!tpu.dma_semaphore, #tpu.memory_space<semaphore_mem>>
        %dma_start3A = arith.constant 0 : i32
        %dma_start3A_27 = tpu.memref_slice %arg6[%arg0, %multiple_of3A, %dma_start3A] : memref<2x15008x128xf32, #tpu.memory_space<hbm>> -> memref<1x848x128xf32, #tpu.memory_space<hbm>>
        %dma_start3A_28 = tpu.memref_squeeze %dma_start3A_27 : memref<1x848x128xf32, #tpu.memory_space<hbm>> -> memref<848x128xf32, #tpu.memory_space<hbm>>
        %dma_start3A_29 = arith.constant 0 : i32
        %dma_start3A_30 = tpu.memref_slice %arg7[%multiple_of3A, %dma_start3A_29] : memref<15008x128xf32, #tpu.memory_space<vmem_shared>> -> memref<848x128xf32, #tpu.memory_space<vmem_shared>>
        tpu.enqueue_dma source(%dma_start3A_30 : memref<848x128xf32, #tpu.memory_space<vmem_shared>>) target(%dma_start3A_28 : memref<848x128xf32, #tpu.memory_space<hbm>>) target_semaphore(%run_scoped3A : memref<!tpu.dma_semaphore, #tpu.memory_space<semaphore_mem>>)
        %dma_wait3A = arith.constant 0 : i32
        %dma_wait3A_31 = tpu.memref_slice %arg6[%arg0, %multiple_of3A, %dma_wait3A] : memref<2x15008x128xf32, #tpu.memory_space<hbm>> -> memref<1x848x128xf32, #tpu.memory_space<hbm>>
        %dma_wait3A_32 = tpu.memref_squeeze %dma_wait3A_31 : memref<1x848x128xf32, #tpu.memory_space<hbm>> -> memref<848x128xf32, #tpu.memory_space<hbm>>
        %dma_wait3A_33 = arith.constant 0 : i32
        %dma_wait3A_34 = tpu.memref_slice %arg7[%multiple_of3A, %dma_wait3A_33] : memref<15008x128xf32, #tpu.memory_space<vmem_shared>> -> memref<848x128xf32, #tpu.memory_space<vmem_shared>>
        tpu.wait_dma2 semaphore(%run_scoped3A : memref<!tpu.dma_semaphore, #tpu.memory_space<semaphore_mem>>) src(%dma_wait3A_34 : memref<848x128xf32, #tpu.memory_space<vmem_shared>>) dst(%dma_wait3A_32 : memref<848x128xf32, #tpu.memory_space<hbm>>)
        tpu.yield
      }) : () -> ()
    } else {
    }
    return
  }
}

#map = affine_map<(d0, d1) -> (0, 0)>
#map1 = affine_map<(d0, d1) -> (0)>
#map2 = affine_map<(d0, d1) -> (0, 0, 0)>
module attributes {stable_mosaic.version = 14 : i64} {
  func.func @_sc_body(%arg0: i32, %arg1: i32, %arg2: memref<15000x128xf32, #tpu.memory_space<hbm>>, %arg3: memref<160000xi32, #tpu.memory_space<hbm>>, %arg4: memref<160000xi32, #tpu.memory_space<hbm>>, %arg5: memref<944x128xf32, #tpu.memory_space<hbm>>, %arg6: memref<2x15008x128xf32, #tpu.memory_space<hbm>>, %arg7: memref<15008x128xf32, #tpu.memory_space<vmem_shared>>, %arg8: memref<40xi32, #tpu.memory_space<vmem>>, %arg9: memref<40xi32, #tpu.memory_space<vmem>>, %arg10: memref<40x128xf32, #tpu.memory_space<vmem>>, %arg11: memref<!tpu.dma_semaphore, #tpu.memory_space<semaphore_mem>>) attributes {dimension_semantics = [#tpu.dimension_semantics<core_parallel>, #tpu.dimension_semantics<subcore_parallel>], iteration_bounds = array<i64: 2, 16>, scalar_prefetch = 0 : i64, scratch_operands = 5 : i64, tpu.core_type = #tpu.core_type<sc_vector_subcore>, window_params = [{transform_indices = #map}, {transform_indices = #map1}, {transform_indices = #map1}, {transform_indices = #map}, {transform_indices = #map2}]} {
    %mul3A = arith.constant 16 : i32
    %mul3A_0 = arith.muli %arg0, %mul3A : i32
    %add3A = arith.addi %mul3A_0, %arg1 : i32
    %mul3A_1 = arith.constant 944 : i32
    %mul3A_2 = arith.muli %arg1, %mul3A_1 : i32
    %multiple_of3A = tpu.assume_multiple %mul3A_2, 8 : i32
    %lt3A = arith.constant 15 : i32
    %lt3A_3 = arith.cmpi slt, %arg1, %lt3A : i32
    %convert_element_type3A = arith.extui %lt3A_3 : i1 to i32
    %cond3A = arith.constant 0 : i32
    %cond3A_4 = arith.cmpi ne, %convert_element_type3A, %cond3A : i32
    scf.if %cond3A_4 {
      "tpu.region"() ({
        %run_scoped3A = tpu.sem_alloc : memref<!tpu.dma_semaphore, #tpu.memory_space<semaphore_mem>>
        %dma_start3A = arith.constant 0 : i32
        %dma_start3A_27 = tpu.memref_slice %arg7[%multiple_of3A, %dma_start3A] : memref<15008x128xf32, #tpu.memory_space<vmem_shared>> -> memref<944x128xf32, #tpu.memory_space<vmem_shared>>
        tpu.enqueue_dma source(%arg5 : memref<944x128xf32, #tpu.memory_space<hbm>>) target(%dma_start3A_27 : memref<944x128xf32, #tpu.memory_space<vmem_shared>>) target_semaphore(%run_scoped3A : memref<!tpu.dma_semaphore, #tpu.memory_space<semaphore_mem>>)
        %dma_wait3A = arith.constant 0 : i32
        %dma_wait3A_28 = tpu.memref_slice %arg7[%multiple_of3A, %dma_wait3A] : memref<15008x128xf32, #tpu.memory_space<vmem_shared>> -> memref<944x128xf32, #tpu.memory_space<vmem_shared>>
        tpu.wait_dma2 semaphore(%run_scoped3A : memref<!tpu.dma_semaphore, #tpu.memory_space<semaphore_mem>>) src(%arg5 : memref<944x128xf32, #tpu.memory_space<hbm>>) dst(%dma_wait3A_28 : memref<944x128xf32, #tpu.memory_space<vmem_shared>>)
        tpu.yield
      }) : () -> ()
    } else {
    }
    %eq3A = arith.constant 15 : i32
    %eq3A_5 = arith.cmpi eq, %arg1, %eq3A : i32
    %convert_element_type3A_6 = arith.extui %eq3A_5 : i1 to i32
    %cond3A_7 = arith.constant 0 : i32
    %cond3A_8 = arith.cmpi ne, %convert_element_type3A_6, %cond3A_7 : i32
    scf.if %cond3A_8 {
      "tpu.region"() ({
        %run_scoped3A = tpu.sem_alloc : memref<!tpu.dma_semaphore, #tpu.memory_space<semaphore_mem>>
        %dma_start3A = arith.constant 0 : i32
        %dma_start3A_27 = tpu.memref_slice %arg7[%multiple_of3A, %dma_start3A] : memref<15008x128xf32, #tpu.memory_space<vmem_shared>> -> memref<848x128xf32, #tpu.memory_space<vmem_shared>>
        %dma_start3A_28 = arith.constant 0 : i32
        %dma_start3A_29 = arith.constant 0 : i32
        %dma_start3A_30 = tpu.memref_slice %arg5[%dma_start3A_28, %dma_start3A_29] : memref<944x128xf32, #tpu.memory_space<hbm>> -> memref<848x128xf32, #tpu.memory_space<hbm>>
        tpu.enqueue_dma source(%dma_start3A_30 : memref<848x128xf32, #tpu.memory_space<hbm>>) target(%dma_start3A_27 : memref<848x128xf32, #tpu.memory_space<vmem_shared>>) target_semaphore(%run_scoped3A : memref<!tpu.dma_semaphore, #tpu.memory_space<semaphore_mem>>)
        %dma_wait3A = arith.constant 0 : i32
        %dma_wait3A_31 = tpu.memref_slice %arg7[%multiple_of3A, %dma_wait3A] : memref<15008x128xf32, #tpu.memory_space<vmem_shared>> -> memref<848x128xf32, #tpu.memory_space<vmem_shared>>
        %dma_wait3A_32 = arith.constant 0 : i32
        %dma_wait3A_33 = arith.constant 0 : i32
        %dma_wait3A_34 = tpu.memref_slice %arg5[%dma_wait3A_32, %dma_wait3A_33] : memref<944x128xf32, #tpu.memory_space<hbm>> -> memref<848x128xf32, #tpu.memory_space<hbm>>
        tpu.wait_dma2 semaphore(%run_scoped3A : memref<!tpu.dma_semaphore, #tpu.memory_space<semaphore_mem>>) src(%dma_wait3A_34 : memref<848x128xf32, #tpu.memory_space<hbm>>) dst(%dma_wait3A_31 : memref<848x128xf32, #tpu.memory_space<vmem_shared>>)
        tpu.yield
      }) : () -> ()
    } else {
    }
    %barrier3A = arith.constant 0 : index
    tpu.barrier barrier_id(%barrier3A)
    %mul3A_9 = arith.constant 5000 : i32
    %mul3A_10 = arith.muli %add3A, %mul3A_9 : i32
    %scan3A = arith.constant 0 : i32
    %scan3A_11 = arith.constant 0 : i32
    %scan3A_12 = arith.constant 125 : i32
    %scan3A_13 = arith.addi %scan3A_11, %scan3A_12 : i32
    %scan3A_14 = arith.constant 1 : i32
    scf.for %scan3A_27 = %scan3A_11 to %scan3A_13 step %scan3A_14  : i32 {
      %mul3A_28 = arith.constant 40 : i32
      %mul3A_29 = arith.muli %scan3A_27, %mul3A_28 : i32
      %add3A_30 = arith.addi %mul3A_10, %mul3A_29 : i32
      %multiple_of3A_31 = tpu.assume_multiple %add3A_30, 8 : i32
      "tpu.region"() ({
        %run_scoped3A = tpu.sem_alloc : memref<!tpu.dma_semaphore, #tpu.memory_space<semaphore_mem>>
        %dma_start3A_36 = tpu.memref_slice %arg3[%multiple_of3A_31] : memref<160000xi32, #tpu.memory_space<hbm>> -> memref<40xi32, #tpu.memory_space<hbm>>
        %dma_start3A_37 = tpu.memref_slice %arg3[%multiple_of3A_31] : memref<160000xi32, #tpu.memory_space<hbm>> -> memref<40xi32, #tpu.memory_space<hbm>>
        tpu.enqueue_dma source(%dma_start3A_37 : memref<40xi32, #tpu.memory_space<hbm>>) target(%arg8 : memref<40xi32, #tpu.memory_space<vmem>>) target_semaphore(%run_scoped3A : memref<!tpu.dma_semaphore, #tpu.memory_space<semaphore_mem>>)
        %dma_wait3A_38 = tpu.memref_slice %arg3[%multiple_of3A_31] : memref<160000xi32, #tpu.memory_space<hbm>> -> memref<40xi32, #tpu.memory_space<hbm>>
        %dma_wait3A_39 = tpu.memref_slice %arg3[%multiple_of3A_31] : memref<160000xi32, #tpu.memory_space<hbm>> -> memref<40xi32, #tpu.memory_space<hbm>>
        tpu.wait_dma2 semaphore(%run_scoped3A : memref<!tpu.dma_semaphore, #tpu.memory_space<semaphore_mem>>) src(%dma_wait3A_39 : memref<40xi32, #tpu.memory_space<hbm>>) dst(%arg8 : memref<40xi32, #tpu.memory_space<vmem>>)
        tpu.yield
      }) : () -> ()
      "tpu.region"() ({
        %run_scoped3A = tpu.sem_alloc : memref<!tpu.dma_semaphore, #tpu.memory_space<semaphore_mem>>
        %dma_start3A_36 = tpu.memref_slice %arg4[%multiple_of3A_31] : memref<160000xi32, #tpu.memory_space<hbm>> -> memref<40xi32, #tpu.memory_space<hbm>>
        %dma_start3A_37 = tpu.memref_slice %arg4[%multiple_of3A_31] : memref<160000xi32, #tpu.memory_space<hbm>> -> memref<40xi32, #tpu.memory_space<hbm>>
        tpu.enqueue_dma source(%dma_start3A_37 : memref<40xi32, #tpu.memory_space<hbm>>) target(%arg9 : memref<40xi32, #tpu.memory_space<vmem>>) target_semaphore(%run_scoped3A : memref<!tpu.dma_semaphore, #tpu.memory_space<semaphore_mem>>)
        %dma_wait3A_38 = tpu.memref_slice %arg4[%multiple_of3A_31] : memref<160000xi32, #tpu.memory_space<hbm>> -> memref<40xi32, #tpu.memory_space<hbm>>
        %dma_wait3A_39 = tpu.memref_slice %arg4[%multiple_of3A_31] : memref<160000xi32, #tpu.memory_space<hbm>> -> memref<40xi32, #tpu.memory_space<hbm>>
        tpu.wait_dma2 semaphore(%run_scoped3A : memref<!tpu.dma_semaphore, #tpu.memory_space<semaphore_mem>>) src(%dma_wait3A_39 : memref<40xi32, #tpu.memory_space<hbm>>) dst(%arg9 : memref<40xi32, #tpu.memory_space<vmem>>)
        tpu.yield
      }) : () -> ()
      %dma_start3A = arith.constant 0 : i32
      %dma_start3A_32 = arith.constant 0 : i32
      %dma_start3A_33 = tpu.memref_slice %arg2[%dma_start3A, %dma_start3A_32] : memref<15000x128xf32, #tpu.memory_space<hbm>> -> memref<15000x128xf32, #tpu.memory_space<hbm>>
      tpu.enqueue_indirect_dma source(%dma_start3A_33 : memref<15000x128xf32, #tpu.memory_space<hbm>>) target(%arg10 : memref<40x128xf32, #tpu.memory_space<vmem>>) offsets(%arg8 : memref<40xi32, #tpu.memory_space<vmem>>) semaphore(%arg11 : memref<!tpu.dma_semaphore, #tpu.memory_space<semaphore_mem>>)
      %dma_wait3A = arith.constant 0 : i32
      %dma_wait3A_34 = arith.constant 0 : i32
      %dma_wait3A_35 = tpu.memref_slice %arg2[%dma_wait3A, %dma_wait3A_34] : memref<15000x128xf32, #tpu.memory_space<hbm>> -> memref<15000x128xf32, #tpu.memory_space<hbm>>
      tpu.wait_indirect_dma semaphore(%arg11 : memref<!tpu.dma_semaphore, #tpu.memory_space<semaphore_mem>>) src(%dma_wait3A_35 : memref<15000x128xf32, #tpu.memory_space<hbm>>) dst(%arg10 : memref<40x128xf32, #tpu.memory_space<vmem>>)
      "tpu.region"() ({
        %run_scoped3A = tpu.sem_alloc : memref<!tpu.dma_semaphore, #tpu.memory_space<semaphore_mem>>
        %dma_start3A_36 = arith.constant 0 : i32
        %dma_start3A_37 = arith.constant 0 : i32
        %dma_start3A_38 = tpu.memref_slice %arg7[%dma_start3A_36, %dma_start3A_37] : memref<15008x128xf32, #tpu.memory_space<vmem_shared>> -> memref<15008x128xf32, #tpu.memory_space<vmem_shared>>
        tpu.enqueue_indirect_dma source(%arg10 : memref<40x128xf32, #tpu.memory_space<vmem>>) target(%dma_start3A_38 : memref<15008x128xf32, #tpu.memory_space<vmem_shared>>) offsets(%arg9 : memref<40xi32, #tpu.memory_space<vmem>>) semaphore(%run_scoped3A : memref<!tpu.dma_semaphore, #tpu.memory_space<semaphore_mem>>) {add = true}
        %dma_wait3A_39 = arith.constant 0 : i32
        %dma_wait3A_40 = arith.constant 0 : i32
        %dma_wait3A_41 = tpu.memref_slice %arg7[%dma_wait3A_39, %dma_wait3A_40] : memref<15008x128xf32, #tpu.memory_space<vmem_shared>> -> memref<15008x128xf32, #tpu.memory_space<vmem_shared>>
        tpu.wait_indirect_dma semaphore(%run_scoped3A : memref<!tpu.dma_semaphore, #tpu.memory_space<semaphore_mem>>) src(%arg10 : memref<40x128xf32, #tpu.memory_space<vmem>>) dst(%dma_wait3A_41 : memref<15008x128xf32, #tpu.memory_space<vmem_shared>>)
        tpu.yield
      }) : () -> ()
    }
    %scan3A_15 = arith.constant 125 : i32
    %barrier3A_16 = arith.constant 0 : index
    tpu.barrier barrier_id(%barrier3A_16)
    %lt3A_17 = arith.constant 15 : i32
    %lt3A_18 = arith.cmpi slt, %arg1, %lt3A_17 : i32
    %convert_element_type3A_19 = arith.extui %lt3A_18 : i1 to i32
    %cond3A_20 = arith.constant 0 : i32
    %cond3A_21 = arith.cmpi ne, %convert_element_type3A_19, %cond3A_20 : i32
    scf.if %cond3A_21 {
      "tpu.region"() ({
        %run_scoped3A = tpu.sem_alloc : memref<!tpu.dma_semaphore, #tpu.memory_space<semaphore_mem>>
        %dma_start3A = arith.constant 0 : i32
        %dma_start3A_27 = tpu.memref_slice %arg6[%arg0, %multiple_of3A, %dma_start3A] : memref<2x15008x128xf32, #tpu.memory_space<hbm>> -> memref<1x944x128xf32, #tpu.memory_space<hbm>>
        %dma_start3A_28 = tpu.memref_squeeze %dma_start3A_27 : memref<1x944x128xf32, #tpu.memory_space<hbm>> -> memref<944x128xf32, #tpu.memory_space<hbm>>
        %dma_start3A_29 = arith.constant 0 : i32
        %dma_start3A_30 = tpu.memref_slice %arg7[%multiple_of3A, %dma_start3A_29] : memref<15008x128xf32, #tpu.memory_space<vmem_shared>> -> memref<944x128xf32, #tpu.memory_space<vmem_shared>>
        tpu.enqueue_dma source(%dma_start3A_30 : memref<944x128xf32, #tpu.memory_space<vmem_shared>>) target(%dma_start3A_28 : memref<944x128xf32, #tpu.memory_space<hbm>>) target_semaphore(%run_scoped3A : memref<!tpu.dma_semaphore, #tpu.memory_space<semaphore_mem>>)
        %dma_wait3A = arith.constant 0 : i32
        %dma_wait3A_31 = tpu.memref_slice %arg6[%arg0, %multiple_of3A, %dma_wait3A] : memref<2x15008x128xf32, #tpu.memory_space<hbm>> -> memref<1x944x128xf32, #tpu.memory_space<hbm>>
        %dma_wait3A_32 = tpu.memref_squeeze %dma_wait3A_31 : memref<1x944x128xf32, #tpu.memory_space<hbm>> -> memref<944x128xf32, #tpu.memory_space<hbm>>
        %dma_wait3A_33 = arith.constant 0 : i32
        %dma_wait3A_34 = tpu.memref_slice %arg7[%multiple_of3A, %dma_wait3A_33] : memref<15008x128xf32, #tpu.memory_space<vmem_shared>> -> memref<944x128xf32, #tpu.memory_space<vmem_shared>>
        tpu.wait_dma2 semaphore(%run_scoped3A : memref<!tpu.dma_semaphore, #tpu.memory_space<semaphore_mem>>) src(%dma_wait3A_34 : memref<944x128xf32, #tpu.memory_space<vmem_shared>>) dst(%dma_wait3A_32 : memref<944x128xf32, #tpu.memory_space<hbm>>)
        tpu.yield
      }) : () -> ()
    } else {
    }
    %eq3A_22 = arith.constant 15 : i32
    %eq3A_23 = arith.cmpi eq, %arg1, %eq3A_22 : i32
    %convert_element_type3A_24 = arith.extui %eq3A_23 : i1 to i32
    %cond3A_25 = arith.constant 0 : i32
    %cond3A_26 = arith.cmpi ne, %convert_element_type3A_24, %cond3A_25 : i32
    scf.if %cond3A_26 {
      "tpu.region"() ({
        %run_scoped3A = tpu.sem_alloc : memref<!tpu.dma_semaphore, #tpu.memory_space<semaphore_mem>>
        %dma_start3A = arith.constant 0 : i32
        %dma_start3A_27 = tpu.memref_slice %arg6[%arg0, %multiple_of3A, %dma_start3A] : memref<2x15008x128xf32, #tpu.memory_space<hbm>> -> memref<1x848x128xf32, #tpu.memory_space<hbm>>
        %dma_start3A_28 = tpu.memref_squeeze %dma_start3A_27 : memref<1x848x128xf32, #tpu.memory_space<hbm>> -> memref<848x128xf32, #tpu.memory_space<hbm>>
        %dma_start3A_29 = arith.constant 0 : i32
        %dma_start3A_30 = tpu.memref_slice %arg7[%multiple_of3A, %dma_start3A_29] : memref<15008x128xf32, #tpu.memory_space<vmem_shared>> -> memref<848x128xf32, #tpu.memory_space<vmem_shared>>
        tpu.enqueue_dma source(%dma_start3A_30 : memref<848x128xf32, #tpu.memory_space<vmem_shared>>) target(%dma_start3A_28 : memref<848x128xf32, #tpu.memory_space<hbm>>) target_semaphore(%run_scoped3A : memref<!tpu.dma_semaphore, #tpu.memory_space<semaphore_mem>>)
        %dma_wait3A = arith.constant 0 : i32
        %dma_wait3A_31 = tpu.memref_slice %arg6[%arg0, %multiple_of3A, %dma_wait3A] : memref<2x15008x128xf32, #tpu.memory_space<hbm>> -> memref<1x848x128xf32, #tpu.memory_space<hbm>>
        %dma_wait3A_32 = tpu.memref_squeeze %dma_wait3A_31 : memref<1x848x128xf32, #tpu.memory_space<hbm>> -> memref<848x128xf32, #tpu.memory_space<hbm>>
        %dma_wait3A_33 = arith.constant 0 : i32
        %dma_wait3A_34 = tpu.memref_slice %arg7[%multiple_of3A, %dma_wait3A_33] : memref<15008x128xf32, #tpu.memory_space<vmem_shared>> -> memref<848x128xf32, #tpu.memory_space<vmem_shared>>
        tpu.wait_dma2 semaphore(%run_scoped3A : memref<!tpu.dma_semaphore, #tpu.memory_space<semaphore_mem>>) src(%dma_wait3A_34 : memref<848x128xf32, #tpu.memory_space<vmem_shared>>) dst(%dma_wait3A_32 : memref<848x128xf32, #tpu.memory_space<hbm>>)
        tpu.yield
      }) : () -> ()
    } else {
    }
    return
  }
}

#map = affine_map<(d0, d1) -> (0, 0)>
#map1 = affine_map<(d0, d1) -> (0)>
#map2 = affine_map<(d0, d1) -> (0, 0, 0)>
module attributes {stable_mosaic.version = 14 : i64} {
  func.func @_sc_body(%arg0: i32, %arg1: i32, %arg2: memref<15000x128xf32, #tpu.memory_space<hbm>>, %arg3: memref<320000xi32, #tpu.memory_space<hbm>>, %arg4: memref<320000xi32, #tpu.memory_space<hbm>>, %arg5: memref<320000x128xf32, #tpu.memory_space<hbm>>, %arg6: memref<944x128xf32, #tpu.memory_space<hbm>>, %arg7: memref<2x15008x128xf32, #tpu.memory_space<hbm>>, %arg8: memref<15008x128xf32, #tpu.memory_space<vmem_shared>>, %arg9: memref<40xi32, #tpu.memory_space<vmem>>, %arg10: memref<40xi32, #tpu.memory_space<vmem>>, %arg11: memref<40x128xf32, #tpu.memory_space<vmem>>, %arg12: memref<40x128xf32, #tpu.memory_space<vmem>>, %arg13: memref<!tpu.dma_semaphore, #tpu.memory_space<semaphore_mem>>) attributes {dimension_semantics = [#tpu.dimension_semantics<core_parallel>, #tpu.dimension_semantics<subcore_parallel>], iteration_bounds = array<i64: 2, 16>, scalar_prefetch = 0 : i64, scratch_operands = 6 : i64, tpu.core_type = #tpu.core_type<sc_vector_subcore>, window_params = [{transform_indices = #map}, {transform_indices = #map1}, {transform_indices = #map1}, {transform_indices = #map}, {transform_indices = #map}, {transform_indices = #map2}]} {
    %mul3A = arith.constant 16 : i32
    %mul3A_0 = arith.muli %arg0, %mul3A : i32
    %add3A = arith.addi %mul3A_0, %arg1 : i32
    %mul3A_1 = arith.constant 944 : i32
    %mul3A_2 = arith.muli %arg1, %mul3A_1 : i32
    %multiple_of3A = tpu.assume_multiple %mul3A_2, 8 : i32
    %lt3A = arith.constant 15 : i32
    %lt3A_3 = arith.cmpi slt, %arg1, %lt3A : i32
    %convert_element_type3A = arith.extui %lt3A_3 : i1 to i32
    %cond3A = arith.constant 0 : i32
    %cond3A_4 = arith.cmpi ne, %convert_element_type3A, %cond3A : i32
    scf.if %cond3A_4 {
      "tpu.region"() ({
        %run_scoped3A = tpu.sem_alloc : memref<!tpu.dma_semaphore, #tpu.memory_space<semaphore_mem>>
        %dma_start3A = arith.constant 0 : i32
        %dma_start3A_27 = tpu.memref_slice %arg8[%multiple_of3A, %dma_start3A] : memref<15008x128xf32, #tpu.memory_space<vmem_shared>> -> memref<944x128xf32, #tpu.memory_space<vmem_shared>>
        tpu.enqueue_dma source(%arg6 : memref<944x128xf32, #tpu.memory_space<hbm>>) target(%dma_start3A_27 : memref<944x128xf32, #tpu.memory_space<vmem_shared>>) target_semaphore(%run_scoped3A : memref<!tpu.dma_semaphore, #tpu.memory_space<semaphore_mem>>)
        %dma_wait3A = arith.constant 0 : i32
        %dma_wait3A_28 = tpu.memref_slice %arg8[%multiple_of3A, %dma_wait3A] : memref<15008x128xf32, #tpu.memory_space<vmem_shared>> -> memref<944x128xf32, #tpu.memory_space<vmem_shared>>
        tpu.wait_dma2 semaphore(%run_scoped3A : memref<!tpu.dma_semaphore, #tpu.memory_space<semaphore_mem>>) src(%arg6 : memref<944x128xf32, #tpu.memory_space<hbm>>) dst(%dma_wait3A_28 : memref<944x128xf32, #tpu.memory_space<vmem_shared>>)
        tpu.yield
      }) : () -> ()
    } else {
    }
    %eq3A = arith.constant 15 : i32
    %eq3A_5 = arith.cmpi eq, %arg1, %eq3A : i32
    %convert_element_type3A_6 = arith.extui %eq3A_5 : i1 to i32
    %cond3A_7 = arith.constant 0 : i32
    %cond3A_8 = arith.cmpi ne, %convert_element_type3A_6, %cond3A_7 : i32
    scf.if %cond3A_8 {
      "tpu.region"() ({
        %run_scoped3A = tpu.sem_alloc : memref<!tpu.dma_semaphore, #tpu.memory_space<semaphore_mem>>
        %dma_start3A = arith.constant 0 : i32
        %dma_start3A_27 = tpu.memref_slice %arg8[%multiple_of3A, %dma_start3A] : memref<15008x128xf32, #tpu.memory_space<vmem_shared>> -> memref<848x128xf32, #tpu.memory_space<vmem_shared>>
        %dma_start3A_28 = arith.constant 0 : i32
        %dma_start3A_29 = arith.constant 0 : i32
        %dma_start3A_30 = tpu.memref_slice %arg6[%dma_start3A_28, %dma_start3A_29] : memref<944x128xf32, #tpu.memory_space<hbm>> -> memref<848x128xf32, #tpu.memory_space<hbm>>
        tpu.enqueue_dma source(%dma_start3A_30 : memref<848x128xf32, #tpu.memory_space<hbm>>) target(%dma_start3A_27 : memref<848x128xf32, #tpu.memory_space<vmem_shared>>) target_semaphore(%run_scoped3A : memref<!tpu.dma_semaphore, #tpu.memory_space<semaphore_mem>>)
        %dma_wait3A = arith.constant 0 : i32
        %dma_wait3A_31 = tpu.memref_slice %arg8[%multiple_of3A, %dma_wait3A] : memref<15008x128xf32, #tpu.memory_space<vmem_shared>> -> memref<848x128xf32, #tpu.memory_space<vmem_shared>>
        %dma_wait3A_32 = arith.constant 0 : i32
        %dma_wait3A_33 = arith.constant 0 : i32
        %dma_wait3A_34 = tpu.memref_slice %arg6[%dma_wait3A_32, %dma_wait3A_33] : memref<944x128xf32, #tpu.memory_space<hbm>> -> memref<848x128xf32, #tpu.memory_space<hbm>>
        tpu.wait_dma2 semaphore(%run_scoped3A : memref<!tpu.dma_semaphore, #tpu.memory_space<semaphore_mem>>) src(%dma_wait3A_34 : memref<848x128xf32, #tpu.memory_space<hbm>>) dst(%dma_wait3A_31 : memref<848x128xf32, #tpu.memory_space<vmem_shared>>)
        tpu.yield
      }) : () -> ()
    } else {
    }
    %barrier3A = arith.constant 0 : index
    tpu.barrier barrier_id(%barrier3A)
    %mul3A_9 = arith.constant 10000 : i32
    %mul3A_10 = arith.muli %add3A, %mul3A_9 : i32
    %scan3A = arith.constant 0 : i32
    %scan3A_11 = arith.constant 0 : i32
    %scan3A_12 = arith.constant 250 : i32
    %scan3A_13 = arith.addi %scan3A_11, %scan3A_12 : i32
    %scan3A_14 = arith.constant 1 : i32
    scf.for %scan3A_27 = %scan3A_11 to %scan3A_13 step %scan3A_14  : i32 {
      %mul3A_28 = arith.constant 40 : i32
      %mul3A_29 = arith.muli %scan3A_27, %mul3A_28 : i32
      %add3A_30 = arith.addi %mul3A_10, %mul3A_29 : i32
      %multiple_of3A_31 = tpu.assume_multiple %add3A_30, 8 : i32
      "tpu.region"() ({
        %run_scoped3A = tpu.sem_alloc : memref<!tpu.dma_semaphore, #tpu.memory_space<semaphore_mem>>
        %dma_start3A_42 = tpu.memref_slice %arg3[%multiple_of3A_31] : memref<320000xi32, #tpu.memory_space<hbm>> -> memref<40xi32, #tpu.memory_space<hbm>>
        %dma_start3A_43 = tpu.memref_slice %arg3[%multiple_of3A_31] : memref<320000xi32, #tpu.memory_space<hbm>> -> memref<40xi32, #tpu.memory_space<hbm>>
        tpu.enqueue_dma source(%dma_start3A_43 : memref<40xi32, #tpu.memory_space<hbm>>) target(%arg9 : memref<40xi32, #tpu.memory_space<vmem>>) target_semaphore(%run_scoped3A : memref<!tpu.dma_semaphore, #tpu.memory_space<semaphore_mem>>)
        %dma_wait3A_44 = tpu.memref_slice %arg3[%multiple_of3A_31] : memref<320000xi32, #tpu.memory_space<hbm>> -> memref<40xi32, #tpu.memory_space<hbm>>
        %dma_wait3A_45 = tpu.memref_slice %arg3[%multiple_of3A_31] : memref<320000xi32, #tpu.memory_space<hbm>> -> memref<40xi32, #tpu.memory_space<hbm>>
        tpu.wait_dma2 semaphore(%run_scoped3A : memref<!tpu.dma_semaphore, #tpu.memory_space<semaphore_mem>>) src(%dma_wait3A_45 : memref<40xi32, #tpu.memory_space<hbm>>) dst(%arg9 : memref<40xi32, #tpu.memory_space<vmem>>)
        tpu.yield
      }) : () -> ()
      "tpu.region"() ({
        %run_scoped3A = tpu.sem_alloc : memref<!tpu.dma_semaphore, #tpu.memory_space<semaphore_mem>>
        %dma_start3A_42 = tpu.memref_slice %arg4[%multiple_of3A_31] : memref<320000xi32, #tpu.memory_space<hbm>> -> memref<40xi32, #tpu.memory_space<hbm>>
        %dma_start3A_43 = tpu.memref_slice %arg4[%multiple_of3A_31] : memref<320000xi32, #tpu.memory_space<hbm>> -> memref<40xi32, #tpu.memory_space<hbm>>
        tpu.enqueue_dma source(%dma_start3A_43 : memref<40xi32, #tpu.memory_space<hbm>>) target(%arg10 : memref<40xi32, #tpu.memory_space<vmem>>) target_semaphore(%run_scoped3A : memref<!tpu.dma_semaphore, #tpu.memory_space<semaphore_mem>>)
        %dma_wait3A_44 = tpu.memref_slice %arg4[%multiple_of3A_31] : memref<320000xi32, #tpu.memory_space<hbm>> -> memref<40xi32, #tpu.memory_space<hbm>>
        %dma_wait3A_45 = tpu.memref_slice %arg4[%multiple_of3A_31] : memref<320000xi32, #tpu.memory_space<hbm>> -> memref<40xi32, #tpu.memory_space<hbm>>
        tpu.wait_dma2 semaphore(%run_scoped3A : memref<!tpu.dma_semaphore, #tpu.memory_space<semaphore_mem>>) src(%dma_wait3A_45 : memref<40xi32, #tpu.memory_space<hbm>>) dst(%arg10 : memref<40xi32, #tpu.memory_space<vmem>>)
        tpu.yield
      }) : () -> ()
      %dma_start3A = arith.constant 0 : i32
      %dma_start3A_32 = arith.constant 0 : i32
      %dma_start3A_33 = tpu.memref_slice %arg2[%dma_start3A, %dma_start3A_32] : memref<15000x128xf32, #tpu.memory_space<hbm>> -> memref<15000x128xf32, #tpu.memory_space<hbm>>
      tpu.enqueue_indirect_dma source(%dma_start3A_33 : memref<15000x128xf32, #tpu.memory_space<hbm>>) target(%arg11 : memref<40x128xf32, #tpu.memory_space<vmem>>) offsets(%arg9 : memref<40xi32, #tpu.memory_space<vmem>>) semaphore(%arg13 : memref<!tpu.dma_semaphore, #tpu.memory_space<semaphore_mem>>)
      %dma_wait3A = arith.constant 0 : i32
      %dma_wait3A_34 = arith.constant 0 : i32
      %dma_wait3A_35 = tpu.memref_slice %arg2[%dma_wait3A, %dma_wait3A_34] : memref<15000x128xf32, #tpu.memory_space<hbm>> -> memref<15000x128xf32, #tpu.memory_space<hbm>>
      tpu.wait_indirect_dma semaphore(%arg13 : memref<!tpu.dma_semaphore, #tpu.memory_space<semaphore_mem>>) src(%dma_wait3A_35 : memref<15000x128xf32, #tpu.memory_space<hbm>>) dst(%arg11 : memref<40x128xf32, #tpu.memory_space<vmem>>)
      "tpu.region"() ({
        %run_scoped3A = tpu.sem_alloc : memref<!tpu.dma_semaphore, #tpu.memory_space<semaphore_mem>>
        %dma_start3A_42 = arith.constant 0 : i32
        %dma_start3A_43 = tpu.memref_slice %arg5[%multiple_of3A_31, %dma_start3A_42] : memref<320000x128xf32, #tpu.memory_space<hbm>> -> memref<40x128xf32, #tpu.memory_space<hbm>>
        %dma_start3A_44 = arith.constant 0 : i32
        %dma_start3A_45 = tpu.memref_slice %arg5[%multiple_of3A_31, %dma_start3A_44] : memref<320000x128xf32, #tpu.memory_space<hbm>> -> memref<40x128xf32, #tpu.memory_space<hbm>>
        tpu.enqueue_dma source(%dma_start3A_45 : memref<40x128xf32, #tpu.memory_space<hbm>>) target(%arg12 : memref<40x128xf32, #tpu.memory_space<vmem>>) target_semaphore(%run_scoped3A : memref<!tpu.dma_semaphore, #tpu.memory_space<semaphore_mem>>)
        %dma_wait3A_46 = arith.constant 0 : i32
        %dma_wait3A_47 = tpu.memref_slice %arg5[%multiple_of3A_31, %dma_wait3A_46] : memref<320000x128xf32, #tpu.memory_space<hbm>> -> memref<40x128xf32, #tpu.memory_space<hbm>>
        %dma_wait3A_48 = arith.constant 0 : i32
        %dma_wait3A_49 = tpu.memref_slice %arg5[%multiple_of3A_31, %dma_wait3A_48] : memref<320000x128xf32, #tpu.memory_space<hbm>> -> memref<40x128xf32, #tpu.memory_space<hbm>>
        tpu.wait_dma2 semaphore(%run_scoped3A : memref<!tpu.dma_semaphore, #tpu.memory_space<semaphore_mem>>) src(%dma_wait3A_49 : memref<40x128xf32, #tpu.memory_space<hbm>>) dst(%arg12 : memref<40x128xf32, #tpu.memory_space<vmem>>)
        tpu.yield
      }) : () -> ()
      %scan3A_36 = arith.constant 0 : i32
      %scan3A_37 = arith.constant 0 : i32
      %scan3A_38 = arith.constant 40 : i32
      %scan3A_39 = arith.addi %scan3A_37, %scan3A_38 : i32
      %scan3A_40 = arith.constant 1 : i32
      scf.for %scan3A_42 = %scan3A_37 to %scan3A_39 step %scan3A_40  : i32 {
        %get3A = arith.index_cast %scan3A_42 : i32 to index
        %get3A_43 = arith.constant 0 : index
        %get3A_44 = tpu.vector_load %arg11[%get3A, %get3A_43] {strides = array<i32>} : memref<40x128xf32, #tpu.memory_space<vmem>>, vector<1x16xf32>,
        %get3A_45 = vector.shape_cast %get3A_44 : vector<1x16xf32> to vector<16xf32>
        %get3A_46 = arith.index_cast %scan3A_42 : i32 to index
        %get3A_47 = arith.constant 0 : index
        %get3A_48 = tpu.vector_load %arg12[%get3A_46, %get3A_47] {strides = array<i32>} : memref<40x128xf32, #tpu.memory_space<vmem>>, vector<1x16xf32>,
        %get3A_49 = vector.shape_cast %get3A_48 : vector<1x16xf32> to vector<16xf32>
        %add3A_50 = arith.addf %get3A_45, %get3A_49 : vector<16xf32>
        %max3A = arith.constant 0.000000e+00 : f32
        %max3A_51 = vector.broadcast %max3A : f32 to vector<16xf32>
        %max3A_52 = arith.maximumf %add3A_50, %max3A_51 : vector<16xf32>
        %swap3A = arith.index_cast %scan3A_42 : i32 to index
        %swap3A_53 = arith.constant 0 : index
        %swap3A_54 = tpu.vector_load %arg11[%swap3A, %swap3A_53] {strides = array<i32>} : memref<40x128xf32, #tpu.memory_space<vmem>>, vector<1x16xf32>,
        %swap3A_55 = vector.shape_cast %swap3A_54 : vector<1x16xf32> to vector<16xf32>
        %swap3A_56 = vector.shape_cast %max3A_52 : vector<16xf32> to vector<1x16xf32>
        tpu.vector_store %arg11[%swap3A, %swap3A_53], %swap3A_56 {strides = array<i32>} : memref<40x128xf32, #tpu.memory_space<vmem>>, vector<1x16xf32>,
        %get3A_57 = arith.index_cast %scan3A_42 : i32 to index
        %get3A_58 = arith.constant 16 : index
        %get3A_59 = tpu.vector_load %arg11[%get3A_57, %get3A_58] {strides = array<i32>} : memref<40x128xf32, #tpu.memory_space<vmem>>, vector<1x16xf32>,
        %get3A_60 = vector.shape_cast %get3A_59 : vector<1x16xf32> to vector<16xf32>
        %get3A_61 = arith.index_cast %scan3A_42 : i32 to index
        %get3A_62 = arith.constant 16 : index
        %get3A_63 = tpu.vector_load %arg12[%get3A_61, %get3A_62] {strides = array<i32>} : memref<40x128xf32, #tpu.memory_space<vmem>>, vector<1x16xf32>,
        %get3A_64 = vector.shape_cast %get3A_63 : vector<1x16xf32> to vector<16xf32>
        %add3A_65 = arith.addf %get3A_60, %get3A_64 : vector<16xf32>
        %max3A_66 = arith.constant 0.000000e+00 : f32
        %max3A_67 = vector.broadcast %max3A_66 : f32 to vector<16xf32>
        %max3A_68 = arith.maximumf %add3A_65, %max3A_67 : vector<16xf32>
        %swap3A_69 = arith.index_cast %scan3A_42 : i32 to index
        %swap3A_70 = arith.constant 16 : index
        %swap3A_71 = tpu.vector_load %arg11[%swap3A_69, %swap3A_70] {strides = array<i32>} : memref<40x128xf32, #tpu.memory_space<vmem>>, vector<1x16xf32>,
        %swap3A_72 = vector.shape_cast %swap3A_71 : vector<1x16xf32> to vector<16xf32>
        %swap3A_73 = vector.shape_cast %max3A_68 : vector<16xf32> to vector<1x16xf32>
        tpu.vector_store %arg11[%swap3A_69, %swap3A_70], %swap3A_73 {strides = array<i32>} : memref<40x128xf32, #tpu.memory_space<vmem>>, vector<1x16xf32>,
        %get3A_74 = arith.index_cast %scan3A_42 : i32 to index
        %get3A_75 = arith.constant 32 : index
        %get3A_76 = tpu.vector_load %arg11[%get3A_74, %get3A_75] {strides = array<i32>} : memref<40x128xf32, #tpu.memory_space<vmem>>, vector<1x16xf32>,
        %get3A_77 = vector.shape_cast %get3A_76 : vector<1x16xf32> to vector<16xf32>
        %get3A_78 = arith.index_cast %scan3A_42 : i32 to index
        %get3A_79 = arith.constant 32 : index
        %get3A_80 = tpu.vector_load %arg12[%get3A_78, %get3A_79] {strides = array<i32>} : memref<40x128xf32, #tpu.memory_space<vmem>>, vector<1x16xf32>,
        %get3A_81 = vector.shape_cast %get3A_80 : vector<1x16xf32> to vector<16xf32>
        %add3A_82 = arith.addf %get3A_77, %get3A_81 : vector<16xf32>
        %max3A_83 = arith.constant 0.000000e+00 : f32
        %max3A_84 = vector.broadcast %max3A_83 : f32 to vector<16xf32>
        %max3A_85 = arith.maximumf %add3A_82, %max3A_84 : vector<16xf32>
        %swap3A_86 = arith.index_cast %scan3A_42 : i32 to index
        %swap3A_87 = arith.constant 32 : index
        %swap3A_88 = tpu.vector_load %arg11[%swap3A_86, %swap3A_87] {strides = array<i32>} : memref<40x128xf32, #tpu.memory_space<vmem>>, vector<1x16xf32>,
        %swap3A_89 = vector.shape_cast %swap3A_88 : vector<1x16xf32> to vector<16xf32>
        %swap3A_90 = vector.shape_cast %max3A_85 : vector<16xf32> to vector<1x16xf32>
        tpu.vector_store %arg11[%swap3A_86, %swap3A_87], %swap3A_90 {strides = array<i32>} : memref<40x128xf32, #tpu.memory_space<vmem>>, vector<1x16xf32>,
        %get3A_91 = arith.index_cast %scan3A_42 : i32 to index
        %get3A_92 = arith.constant 48 : index
        %get3A_93 = tpu.vector_load %arg11[%get3A_91, %get3A_92] {strides = array<i32>} : memref<40x128xf32, #tpu.memory_space<vmem>>, vector<1x16xf32>,
        %get3A_94 = vector.shape_cast %get3A_93 : vector<1x16xf32> to vector<16xf32>
        %get3A_95 = arith.index_cast %scan3A_42 : i32 to index
        %get3A_96 = arith.constant 48 : index
        %get3A_97 = tpu.vector_load %arg12[%get3A_95, %get3A_96] {strides = array<i32>} : memref<40x128xf32, #tpu.memory_space<vmem>>, vector<1x16xf32>,
        %get3A_98 = vector.shape_cast %get3A_97 : vector<1x16xf32> to vector<16xf32>
        %add3A_99 = arith.addf %get3A_94, %get3A_98 : vector<16xf32>
        %max3A_100 = arith.constant 0.000000e+00 : f32
        %max3A_101 = vector.broadcast %max3A_100 : f32 to vector<16xf32>
        %max3A_102 = arith.maximumf %add3A_99, %max3A_101 : vector<16xf32>
        %swap3A_103 = arith.index_cast %scan3A_42 : i32 to index
        %swap3A_104 = arith.constant 48 : index
        %swap3A_105 = tpu.vector_load %arg11[%swap3A_103, %swap3A_104] {strides = array<i32>} : memref<40x128xf32, #tpu.memory_space<vmem>>, vector<1x16xf32>,
        %swap3A_106 = vector.shape_cast %swap3A_105 : vector<1x16xf32> to vector<16xf32>
        %swap3A_107 = vector.shape_cast %max3A_102 : vector<16xf32> to vector<1x16xf32>
        tpu.vector_store %arg11[%swap3A_103, %swap3A_104], %swap3A_107 {strides = array<i32>} : memref<40x128xf32, #tpu.memory_space<vmem>>, vector<1x16xf32>,
        %get3A_108 = arith.index_cast %scan3A_42 : i32 to index
        %get3A_109 = arith.constant 64 : index
        %get3A_110 = tpu.vector_load %arg11[%get3A_108, %get3A_109] {strides = array<i32>} : memref<40x128xf32, #tpu.memory_space<vmem>>, vector<1x16xf32>,
        %get3A_111 = vector.shape_cast %get3A_110 : vector<1x16xf32> to vector<16xf32>
        %get3A_112 = arith.index_cast %scan3A_42 : i32 to index
        %get3A_113 = arith.constant 64 : index
        %get3A_114 = tpu.vector_load %arg12[%get3A_112, %get3A_113] {strides = array<i32>} : memref<40x128xf32, #tpu.memory_space<vmem>>, vector<1x16xf32>,
        %get3A_115 = vector.shape_cast %get3A_114 : vector<1x16xf32> to vector<16xf32>
        %add3A_116 = arith.addf %get3A_111, %get3A_115 : vector<16xf32>
        %max3A_117 = arith.constant 0.000000e+00 : f32
        %max3A_118 = vector.broadcast %max3A_117 : f32 to vector<16xf32>
        %max3A_119 = arith.maximumf %add3A_116, %max3A_118 : vector<16xf32>
        %swap3A_120 = arith.index_cast %scan3A_42 : i32 to index
        %swap3A_121 = arith.constant 64 : index
        %swap3A_122 = tpu.vector_load %arg11[%swap3A_120, %swap3A_121] {strides = array<i32>} : memref<40x128xf32, #tpu.memory_space<vmem>>, vector<1x16xf32>,
        %swap3A_123 = vector.shape_cast %swap3A_122 : vector<1x16xf32> to vector<16xf32>
        %swap3A_124 = vector.shape_cast %max3A_119 : vector<16xf32> to vector<1x16xf32>
        tpu.vector_store %arg11[%swap3A_120, %swap3A_121], %swap3A_124 {strides = array<i32>} : memref<40x128xf32, #tpu.memory_space<vmem>>, vector<1x16xf32>,
        %get3A_125 = arith.index_cast %scan3A_42 : i32 to index
        %get3A_126 = arith.constant 80 : index
        %get3A_127 = tpu.vector_load %arg11[%get3A_125, %get3A_126] {strides = array<i32>} : memref<40x128xf32, #tpu.memory_space<vmem>>, vector<1x16xf32>,
        %get3A_128 = vector.shape_cast %get3A_127 : vector<1x16xf32> to vector<16xf32>
        %get3A_129 = arith.index_cast %scan3A_42 : i32 to index
        %get3A_130 = arith.constant 80 : index
        %get3A_131 = tpu.vector_load %arg12[%get3A_129, %get3A_130] {strides = array<i32>} : memref<40x128xf32, #tpu.memory_space<vmem>>, vector<1x16xf32>,
        %get3A_132 = vector.shape_cast %get3A_131 : vector<1x16xf32> to vector<16xf32>
        %add3A_133 = arith.addf %get3A_128, %get3A_132 : vector<16xf32>
        %max3A_134 = arith.constant 0.000000e+00 : f32
        %max3A_135 = vector.broadcast %max3A_134 : f32 to vector<16xf32>
        %max3A_136 = arith.maximumf %add3A_133, %max3A_135 : vector<16xf32>
        %swap3A_137 = arith.index_cast %scan3A_42 : i32 to index
        %swap3A_138 = arith.constant 80 : index
        %swap3A_139 = tpu.vector_load %arg11[%swap3A_137, %swap3A_138] {strides = array<i32>} : memref<40x128xf32, #tpu.memory_space<vmem>>, vector<1x16xf32>,
        %swap3A_140 = vector.shape_cast %swap3A_139 : vector<1x16xf32> to vector<16xf32>
        %swap3A_141 = vector.shape_cast %max3A_136 : vector<16xf32> to vector<1x16xf32>
        tpu.vector_store %arg11[%swap3A_137, %swap3A_138], %swap3A_141 {strides = array<i32>} : memref<40x128xf32, #tpu.memory_space<vmem>>, vector<1x16xf32>,
        %get3A_142 = arith.index_cast %scan3A_42 : i32 to index
        %get3A_143 = arith.constant 96 : index
        %get3A_144 = tpu.vector_load %arg11[%get3A_142, %get3A_143] {strides = array<i32>} : memref<40x128xf32, #tpu.memory_space<vmem>>, vector<1x16xf32>,
        %get3A_145 = vector.shape_cast %get3A_144 : vector<1x16xf32> to vector<16xf32>
        %get3A_146 = arith.index_cast %scan3A_42 : i32 to index
        %get3A_147 = arith.constant 96 : index
        %get3A_148 = tpu.vector_load %arg12[%get3A_146, %get3A_147] {strides = array<i32>} : memref<40x128xf32, #tpu.memory_space<vmem>>, vector<1x16xf32>,
        %get3A_149 = vector.shape_cast %get3A_148 : vector<1x16xf32> to vector<16xf32>
        %add3A_150 = arith.addf %get3A_145, %get3A_149 : vector<16xf32>
        %max3A_151 = arith.constant 0.000000e+00 : f32
        %max3A_152 = vector.broadcast %max3A_151 : f32 to vector<16xf32>
        %max3A_153 = arith.maximumf %add3A_150, %max3A_152 : vector<16xf32>
        %swap3A_154 = arith.index_cast %scan3A_42 : i32 to index
        %swap3A_155 = arith.constant 96 : index
        %swap3A_156 = tpu.vector_load %arg11[%swap3A_154, %swap3A_155] {strides = array<i32>} : memref<40x128xf32, #tpu.memory_space<vmem>>, vector<1x16xf32>,
        %swap3A_157 = vector.shape_cast %swap3A_156 : vector<1x16xf32> to vector<16xf32>
        %swap3A_158 = vector.shape_cast %max3A_153 : vector<16xf32> to vector<1x16xf32>
        tpu.vector_store %arg11[%swap3A_154, %swap3A_155], %swap3A_158 {strides = array<i32>} : memref<40x128xf32, #tpu.memory_space<vmem>>, vector<1x16xf32>,
        %get3A_159 = arith.index_cast %scan3A_42 : i32 to index
        %get3A_160 = arith.constant 112 : index
        %get3A_161 = tpu.vector_load %arg11[%get3A_159, %get3A_160] {strides = array<i32>} : memref<40x128xf32, #tpu.memory_space<vmem>>, vector<1x16xf32>,
        %get3A_162 = vector.shape_cast %get3A_161 : vector<1x16xf32> to vector<16xf32>
        %get3A_163 = arith.index_cast %scan3A_42 : i32 to index
        %get3A_164 = arith.constant 112 : index
        %get3A_165 = tpu.vector_load %arg12[%get3A_163, %get3A_164] {strides = array<i32>} : memref<40x128xf32, #tpu.memory_space<vmem>>, vector<1x16xf32>,
        %get3A_166 = vector.shape_cast %get3A_165 : vector<1x16xf32> to vector<16xf32>
        %add3A_167 = arith.addf %get3A_162, %get3A_166 : vector<16xf32>
        %max3A_168 = arith.constant 0.000000e+00 : f32
        %max3A_169 = vector.broadcast %max3A_168 : f32 to vector<16xf32>
        %max3A_170 = arith.maximumf %add3A_167, %max3A_169 : vector<16xf32>
        %swap3A_171 = arith.index_cast %scan3A_42 : i32 to index
        %swap3A_172 = arith.constant 112 : index
        %swap3A_173 = tpu.vector_load %arg11[%swap3A_171, %swap3A_172] {strides = array<i32>} : memref<40x128xf32, #tpu.memory_space<vmem>>, vector<1x16xf32>,
        %swap3A_174 = vector.shape_cast %swap3A_173 : vector<1x16xf32> to vector<16xf32>
        %swap3A_175 = vector.shape_cast %max3A_170 : vector<16xf32> to vector<1x16xf32>
        tpu.vector_store %arg11[%swap3A_171, %swap3A_172], %swap3A_175 {strides = array<i32>} : memref<40x128xf32, #tpu.memory_space<vmem>>, vector<1x16xf32>,
      }
      %scan3A_41 = arith.constant 40 : i32
      "tpu.region"() ({
        %run_scoped3A = tpu.sem_alloc : memref<!tpu.dma_semaphore, #tpu.memory_space<semaphore_mem>>
        %dma_start3A_42 = arith.constant 0 : i32
        %dma_start3A_43 = arith.constant 0 : i32
        %dma_start3A_44 = tpu.memref_slice %arg8[%dma_start3A_42, %dma_start3A_43] : memref<15008x128xf32, #tpu.memory_space<vmem_shared>> -> memref<15008x128xf32, #tpu.memory_space<vmem_shared>>
        tpu.enqueue_indirect_dma source(%arg11 : memref<40x128xf32, #tpu.memory_space<vmem>>) target(%dma_start3A_44 : memref<15008x128xf32, #tpu.memory_space<vmem_shared>>) offsets(%arg10 : memref<40xi32, #tpu.memory_space<vmem>>) semaphore(%run_scoped3A : memref<!tpu.dma_semaphore, #tpu.memory_space<semaphore_mem>>) {add = true}
        %dma_wait3A_45 = arith.constant 0 : i32
        %dma_wait3A_46 = arith.constant 0 : i32
        %dma_wait3A_47 = tpu.memref_slice %arg8[%dma_wait3A_45, %dma_wait3A_46] : memref<15008x128xf32, #tpu.memory_space<vmem_shared>> -> memref<15008x128xf32, #tpu.memory_space<vmem_shared>>
        tpu.wait_indirect_dma semaphore(%run_scoped3A : memref<!tpu.dma_semaphore, #tpu.memory_space<semaphore_mem>>) src(%arg11 : memref<40x128xf32, #tpu.memory_space<vmem>>) dst(%dma_wait3A_47 : memref<15008x128xf32, #tpu.memory_space<vmem_shared>>)
        tpu.yield
      }) : () -> ()
    }
    %scan3A_15 = arith.constant 250 : i32
    %barrier3A_16 = arith.constant 0 : index
    tpu.barrier barrier_id(%barrier3A_16)
    %lt3A_17 = arith.constant 15 : i32
    %lt3A_18 = arith.cmpi slt, %arg1, %lt3A_17 : i32
    %convert_element_type3A_19 = arith.extui %lt3A_18 : i1 to i32
    %cond3A_20 = arith.constant 0 : i32
    %cond3A_21 = arith.cmpi ne, %convert_element_type3A_19, %cond3A_20 : i32
    scf.if %cond3A_21 {
      "tpu.region"() ({
        %run_scoped3A = tpu.sem_alloc : memref<!tpu.dma_semaphore, #tpu.memory_space<semaphore_mem>>
        %dma_start3A = arith.constant 0 : i32
        %dma_start3A_27 = tpu.memref_slice %arg7[%arg0, %multiple_of3A, %dma_start3A] : memref<2x15008x128xf32, #tpu.memory_space<hbm>> -> memref<1x944x128xf32, #tpu.memory_space<hbm>>
        %dma_start3A_28 = tpu.memref_squeeze %dma_start3A_27 : memref<1x944x128xf32, #tpu.memory_space<hbm>> -> memref<944x128xf32, #tpu.memory_space<hbm>>
        %dma_start3A_29 = arith.constant 0 : i32
        %dma_start3A_30 = tpu.memref_slice %arg8[%multiple_of3A, %dma_start3A_29] : memref<15008x128xf32, #tpu.memory_space<vmem_shared>> -> memref<944x128xf32, #tpu.memory_space<vmem_shared>>
        tpu.enqueue_dma source(%dma_start3A_30 : memref<944x128xf32, #tpu.memory_space<vmem_shared>>) target(%dma_start3A_28 : memref<944x128xf32, #tpu.memory_space<hbm>>) target_semaphore(%run_scoped3A : memref<!tpu.dma_semaphore, #tpu.memory_space<semaphore_mem>>)
        %dma_wait3A = arith.constant 0 : i32
        %dma_wait3A_31 = tpu.memref_slice %arg7[%arg0, %multiple_of3A, %dma_wait3A] : memref<2x15008x128xf32, #tpu.memory_space<hbm>> -> memref<1x944x128xf32, #tpu.memory_space<hbm>>
        %dma_wait3A_32 = tpu.memref_squeeze %dma_wait3A_31 : memref<1x944x128xf32, #tpu.memory_space<hbm>> -> memref<944x128xf32, #tpu.memory_space<hbm>>
        %dma_wait3A_33 = arith.constant 0 : i32
        %dma_wait3A_34 = tpu.memref_slice %arg8[%multiple_of3A, %dma_wait3A_33] : memref<15008x128xf32, #tpu.memory_space<vmem_shared>> -> memref<944x128xf32, #tpu.memory_space<vmem_shared>>
        tpu.wait_dma2 semaphore(%run_scoped3A : memref<!tpu.dma_semaphore, #tpu.memory_space<semaphore_mem>>) src(%dma_wait3A_34 : memref<944x128xf32, #tpu.memory_space<vmem_shared>>) dst(%dma_wait3A_32 : memref<944x128xf32, #tpu.memory_space<hbm>>)
        tpu.yield
      }) : () -> ()
    } else {
    }
    %eq3A_22 = arith.constant 15 : i32
    %eq3A_23 = arith.cmpi eq, %arg1, %eq3A_22 : i32
    %convert_element_type3A_24 = arith.extui %eq3A_23 : i1 to i32
    %cond3A_25 = arith.constant 0 : i32
    %cond3A_26 = arith.cmpi ne, %convert_element_type3A_24, %cond3A_25 : i32
    scf.if %cond3A_26 {
      "tpu.region"() ({
        %run_scoped3A = tpu.sem_alloc : memref<!tpu.dma_semaphore, #tpu.memory_space<semaphore_mem>>
        %dma_start3A = arith.constant 0 : i32
        %dma_start3A_27 = tpu.memref_slice %arg7[%arg0, %multiple_of3A, %dma_start3A] : memref<2x15008x128xf32, #tpu.memory_space<hbm>> -> memref<1x848x128xf32, #tpu.memory_space<hbm>>
        %dma_start3A_28 = tpu.memref_squeeze %dma_start3A_27 : memref<1x848x128xf32, #tpu.memory_space<hbm>> -> memref<848x128xf32, #tpu.memory_space<hbm>>
        %dma_start3A_29 = arith.constant 0 : i32
        %dma_start3A_30 = tpu.memref_slice %arg8[%multiple_of3A, %dma_start3A_29] : memref<15008x128xf32, #tpu.memory_space<vmem_shared>> -> memref<848x128xf32, #tpu.memory_space<vmem_shared>>
        tpu.enqueue_dma source(%dma_start3A_30 : memref<848x128xf32, #tpu.memory_space<vmem_shared>>) target(%dma_start3A_28 : memref<848x128xf32, #tpu.memory_space<hbm>>) target_semaphore(%run_scoped3A : memref<!tpu.dma_semaphore, #tpu.memory_space<semaphore_mem>>)
        %dma_wait3A = arith.constant 0 : i32
        %dma_wait3A_31 = tpu.memref_slice %arg7[%arg0, %multiple_of3A, %dma_wait3A] : memref<2x15008x128xf32, #tpu.memory_space<hbm>> -> memref<1x848x128xf32, #tpu.memory_space<hbm>>
        %dma_wait3A_32 = tpu.memref_squeeze %dma_wait3A_31 : memref<1x848x128xf32, #tpu.memory_space<hbm>> -> memref<848x128xf32, #tpu.memory_space<hbm>>
        %dma_wait3A_33 = arith.constant 0 : i32
        %dma_wait3A_34 = tpu.memref_slice %arg8[%multiple_of3A, %dma_wait3A_33] : memref<15008x128xf32, #tpu.memory_space<vmem_shared>> -> memref<848x128xf32, #tpu.memory_space<vmem_shared>>
        tpu.wait_dma2 semaphore(%run_scoped3A : memref<!tpu.dma_semaphore, #tpu.memory_space<semaphore_mem>>) src(%dma_wait3A_34 : memref<848x128xf32, #tpu.memory_space<vmem_shared>>) dst(%dma_wait3A_32 : memref<848x128xf32, #tpu.memory_space<hbm>>)
        tpu.yield
      }) : () -> ()
    } else {
    }
    return
  }
}

module attributes {stable_mosaic.version = 14 : i64} {
  func.func @_h0_body(%arg0: i32, %arg1: memref<1000x1xf32, #tpu.memory_space<vmem>>, %arg2: memref<1x128xf32, #tpu.memory_space<vmem>>, %arg3: memref<1000x128xf32, #tpu.memory_space<vmem>>) attributes {dimension_semantics = [#tpu.dimension_semantics<arbitrary>], iteration_bounds = array<i64: 15>, scalar_prefetch = 0 : i64, scratch_operands = 0 : i64, tpu.core_type = #tpu.core_type<tc>, window_params = [{transform_indices = @transform_0, window_bounds = array<i64: 1000, 1>}, {pipeline_mode = #tpu.pipeline_mode<synchronous>, transform_indices = @transform_1, window_bounds = array<i64: 1, 128>}, {transform_indices = @transform_2, window_bounds = array<i64: 1000, 128>}]} {
    %get3A = arith.constant 0 : index
    %get3A_0 = arith.constant 0 : index
    %get3A_1 = vector.load %arg1[%get3A, %get3A_0] : memref<1000x1xf32, #tpu.memory_space<vmem>>, vector<1000x1xf32>
    %get3A_2 = arith.constant 0 : index
    %get3A_3 = arith.constant 0 : index
    %get3A_4 = vector.load %arg2[%get3A_2, %get3A_3] : memref<1x128xf32, #tpu.memory_space<vmem>>, vector<1x128xf32>
    %mul3A = vector.broadcast %get3A_1 : vector<1000x1xf32> to vector<1000x128xf32>
    %mul3A_5 = vector.broadcast %get3A_4 : vector<1x128xf32> to vector<1000x128xf32>
    %mul3A_6 = arith.mulf %mul3A, %mul3A_5 : vector<1000x128xf32>
    %swap3A = arith.constant 0 : index
    %swap3A_7 = arith.constant 0 : index
    %swap3A_8 = vector.load %arg3[%swap3A, %swap3A_7] : memref<1000x128xf32, #tpu.memory_space<vmem>>, vector<1000x128xf32>
    tpu.vector_store %arg3[%swap3A, %swap3A_7], %mul3A_6 {strides = array<i32>} : memref<1000x128xf32, #tpu.memory_space<vmem>>, vector<1000x128xf32>,
    return
  }
  func.func @transform_0(%arg0: i32) -> (i32, i32) {
    %c0_i32 = arith.constant 0 : i32
    %c0_i32_0 = arith.constant 0 : i32
    return %arg0, %c0_i32 : i32, i32
  }
  func.func @transform_1(%arg0: i32) -> (i32, i32) {
    %c0_i32 = arith.constant 0 : i32
    %c0_i32_0 = arith.constant 0 : i32
    %c0_i32_1 = arith.constant 0 : i32
    return %c0_i32, %c0_i32_0 : i32, i32
  }
  func.func @transform_2(%arg0: i32) -> (i32, i32) {
    %c0_i32 = arith.constant 0 : i32
    %c0_i32_0 = arith.constant 0 : i32
    return %arg0, %c0_i32 : i32, i32
  }
}

module attributes {stable_mosaic.version = 14 : i64} {
  func.func @_edge_matmul_body(%arg0: i32, %arg1: memref<4000x16xf32, #tpu.memory_space<vmem>>, %arg2: memref<16x128xf32, #tpu.memory_space<vmem>>, %arg3: memref<1x128xf32, #tpu.memory_space<vmem>>, %arg4: memref<4000x128xf32, #tpu.memory_space<vmem>>) attributes {dimension_semantics = [#tpu.dimension_semantics<arbitrary>], iteration_bounds = array<i64: 80>, scalar_prefetch = 0 : i64, scratch_operands = 0 : i64, tpu.core_type = #tpu.core_type<tc>, window_params = [{transform_indices = @transform_0, window_bounds = array<i64: 4000, 16>}, {pipeline_mode = #tpu.pipeline_mode<synchronous>, transform_indices = @transform_1, window_bounds = array<i64: 16, 128>}, {pipeline_mode = #tpu.pipeline_mode<synchronous>, transform_indices = @transform_2, window_bounds = array<i64: 1, 128>}, {transform_indices = @transform_3, window_bounds = array<i64: 4000, 128>}]} {
    %get3A = arith.constant 0 : index
    %get3A_0 = arith.constant 0 : index
    %get3A_1 = vector.load %arg1[%get3A, %get3A_0] : memref<4000x16xf32, #tpu.memory_space<vmem>>, vector<4000x16xf32>
    %get3A_2 = arith.constant 0 : index
    %get3A_3 = arith.constant 0 : index
    %get3A_4 = vector.load %arg2[%get3A_2, %get3A_3] : memref<16x128xf32, #tpu.memory_space<vmem>>, vector<16x128xf32>
    %dot_general3A = arith.constant dense<0.000000e+00> : vector<4000x128xf32>
    %dot_general3A_5 = tpu.matmul %get3A_1, %get3A_4, %dot_general3A {dimension_numbers = #tpu.dot_dimension_numbers<[1], [0], [0], [1], [0, 0, 1, 1], [], []>, transpose_lhs_hint = false} : vector<4000x16xf32>, vector<16x128xf32>, vector<4000x128xf32> -> vector<4000x128xf32>
    %get3A_6 = arith.constant 0 : index
    %get3A_7 = arith.constant 0 : index
    %get3A_8 = vector.load %arg3[%get3A_6, %get3A_7] : memref<1x128xf32, #tpu.memory_space<vmem>>, vector<1x128xf32>
    %add3A = vector.broadcast %get3A_8 : vector<1x128xf32> to vector<4000x128xf32>
    %add3A_9 = arith.addf %dot_general3A_5, %add3A : vector<4000x128xf32>
    %swap3A = arith.constant 0 : index
    %swap3A_10 = arith.constant 0 : index
    %swap3A_11 = vector.load %arg4[%swap3A, %swap3A_10] : memref<4000x128xf32, #tpu.memory_space<vmem>>, vector<4000x128xf32>
    tpu.vector_store %arg4[%swap3A, %swap3A_10], %add3A_9 {strides = array<i32>} : memref<4000x128xf32, #tpu.memory_space<vmem>>, vector<4000x128xf32>,
    return
  }
  func.func @transform_0(%arg0: i32) -> (i32, i32) {
    %c0_i32 = arith.constant 0 : i32
    %c0_i32_0 = arith.constant 0 : i32
    return %arg0, %c0_i32 : i32, i32
  }
  func.func @transform_1(%arg0: i32) -> (i32, i32) {
    %c0_i32 = arith.constant 0 : i32
    %c0_i32_0 = arith.constant 0 : i32
    %c0_i32_1 = arith.constant 0 : i32
    return %c0_i32, %c0_i32_0 : i32, i32
  }
  func.func @transform_2(%arg0: i32) -> (i32, i32) {
    %c0_i32 = arith.constant 0 : i32
    %c0_i32_0 = arith.constant 0 : i32
    %c0_i32_1 = arith.constant 0 : i32
    return %c0_i32, %c0_i32_0 : i32, i32
  }
  func.func @transform_3(%arg0: i32) -> (i32, i32) {
    %c0_i32 = arith.constant 0 : i32
    %c0_i32_0 = arith.constant 0 : i32
    return %arg0, %c0_i32 : i32, i32
  }
}

module attributes {stable_mosaic.version = 14 : i64} {
  func.func @_mlp_body(%arg0: i32, %arg1: memref<1x1xf32, #tpu.memory_space<smem>>, %arg2: memref<1000x128xf32, #tpu.memory_space<vmem>>, %arg3: memref<1x1000x128xf32, #tpu.memory_space<vmem>>, %arg4: memref<1x1000x128xf32, #tpu.memory_space<vmem>>, %arg5: memref<128x256xf32, #tpu.memory_space<vmem>>, %arg6: memref<1x256xf32, #tpu.memory_space<vmem>>, %arg7: memref<256x128xf32, #tpu.memory_space<vmem>>, %arg8: memref<1x128xf32, #tpu.memory_space<vmem>>, %arg9: memref<1000x1xf32, #tpu.memory_space<vmem>>, %arg10: memref<1000x128xf32, #tpu.memory_space<vmem>>, %arg11: memref<1000x128xf32, #tpu.memory_space<vmem>>) attributes {dimension_semantics = [#tpu.dimension_semantics<arbitrary>], iteration_bounds = array<i64: 15>, scalar_prefetch = 0 : i64, scratch_operands = 0 : i64, tpu.core_type = #tpu.core_type<tc>, window_params = [{transform_indices = @transform_0, window_bounds = array<i64: 1, 1>}, {transform_indices = @transform_1, window_bounds = array<i64: 1000, 128>}, {transform_indices = @transform_2, window_bounds = array<i64: 1, 1000, 128>}, {transform_indices = @transform_3, window_bounds = array<i64: 1, 1000, 128>}, {pipeline_mode = #tpu.pipeline_mode<synchronous>, transform_indices = @transform_4, window_bounds = array<i64: 128, 256>}, {pipeline_mode = #tpu.pipeline_mode<synchronous>, transform_indices = @transform_5, window_bounds = array<i64: 1, 256>}, {pipeline_mode = #tpu.pipeline_mode<synchronous>, transform_indices = @transform_6, window_bounds = array<i64: 256, 128>}, {pipeline_mode = #tpu.pipeline_mode<synchronous>, transform_indices = @transform_7, window_bounds = array<i64: 1, 128>}, {transform_indices = @transform_8, window_bounds = array<i64: 1000, 1>}, {transform_indices = @transform_9, window_bounds = array<i64: 1000, 128>}, {transform_indices = @transform_10, window_bounds = array<i64: 1000, 128>}]} {
    %get3A = arith.constant 0 : index
    %get3A_0 = arith.constant 0 : index
    %get3A_1 = memref.load %arg1[%get3A, %get3A_0] : memref<1x1xf32, #tpu.memory_space<smem>>
    %get3A_2 = arith.constant 0 : index
    %get3A_3 = arith.constant 0 : index
    %get3A_4 = vector.load %arg2[%get3A_2, %get3A_3] : memref<1000x128xf32, #tpu.memory_space<vmem>>, vector<1000x128xf32>
    %mul3A = vector.broadcast %get3A_1 : f32 to vector<1000x128xf32>
    %mul3A_5 = arith.mulf %mul3A, %get3A_4 : vector<1000x128xf32>
    %get3A_6 = arith.constant 0 : index
    %get3A_7 = arith.constant 0 : index
    %get3A_8 = arith.constant 0 : index
    %get3A_9 = vector.load %arg3[%get3A_6, %get3A_7, %get3A_8] : memref<1x1000x128xf32, #tpu.memory_space<vmem>>, vector<1x1000x128xf32>
    %get3A_10 = vector.shape_cast %get3A_9 : vector<1x1000x128xf32> to vector<1000x128xf32>
    %add3A = arith.addf %mul3A_5, %get3A_10 : vector<1000x128xf32>
    %get3A_11 = arith.constant 0 : index
    %get3A_12 = arith.constant 0 : index
    %get3A_13 = arith.constant 0 : index
    %get3A_14 = vector.load %arg4[%get3A_11, %get3A_12, %get3A_13] : memref<1x1000x128xf32, #tpu.memory_space<vmem>>, vector<1x1000x128xf32>
    %get3A_15 = vector.shape_cast %get3A_14 : vector<1x1000x128xf32> to vector<1000x128xf32>
    %add3A_16 = arith.addf %add3A, %get3A_15 : vector<1000x128xf32>
    %get3A_17 = arith.constant 0 : index
    %get3A_18 = arith.constant 0 : index
    %get3A_19 = vector.load %arg5[%get3A_17, %get3A_18] : memref<128x256xf32, #tpu.memory_space<vmem>>, vector<128x256xf32>
    %dot_general3A = arith.constant dense<0.000000e+00> : vector<1000x256xf32>
    %dot_general3A_20 = tpu.matmul %add3A_16, %get3A_19, %dot_general3A {dimension_numbers = #tpu.dot_dimension_numbers<[1], [0], [0], [1], [0, 0, 1, 1], [], []>, transpose_lhs_hint = false} : vector<1000x128xf32>, vector<128x256xf32>, vector<1000x256xf32> -> vector<1000x256xf32>
    %get3A_21 = arith.constant 0 : index
    %get3A_22 = arith.constant 0 : index
    %get3A_23 = vector.load %arg6[%get3A_21, %get3A_22] : memref<1x256xf32, #tpu.memory_space<vmem>>, vector<1x256xf32>
    %add3A_24 = vector.broadcast %get3A_23 : vector<1x256xf32> to vector<1000x256xf32>
    %add3A_25 = arith.addf %dot_general3A_20, %add3A_24 : vector<1000x256xf32>
    %max3A = arith.constant 0.000000e+00 : f32
    %max3A_26 = vector.broadcast %max3A : f32 to vector<1000x256xf32>
    %max3A_27 = arith.maximumf %add3A_25, %max3A_26 : vector<1000x256xf32>
    %get3A_28 = arith.constant 0 : index
    %get3A_29 = arith.constant 0 : index
    %get3A_30 = vector.load %arg7[%get3A_28, %get3A_29] : memref<256x128xf32, #tpu.memory_space<vmem>>, vector<256x128xf32>
    %dot_general3A_31 = arith.constant dense<0.000000e+00> : vector<1000x128xf32>
    %dot_general3A_32 = tpu.matmul %max3A_27, %get3A_30, %dot_general3A_31 {dimension_numbers = #tpu.dot_dimension_numbers<[1], [0], [0], [1], [0, 0, 1, 1], [], []>, transpose_lhs_hint = false} : vector<1000x256xf32>, vector<256x128xf32>, vector<1000x128xf32> -> vector<1000x128xf32>
    %get3A_33 = arith.constant 0 : index
    %get3A_34 = arith.constant 0 : index
    %get3A_35 = vector.load %arg8[%get3A_33, %get3A_34] : memref<1x128xf32, #tpu.memory_space<vmem>>, vector<1x128xf32>
    %add3A_36 = vector.broadcast %get3A_35 : vector<1x128xf32> to vector<1000x128xf32>
    %add3A_37 = arith.addf %dot_general3A_32, %add3A_36 : vector<1000x128xf32>
    %max3A_38 = arith.constant 0.000000e+00 : f32
    %max3A_39 = vector.broadcast %max3A_38 : f32 to vector<1000x128xf32>
    %max3A_40 = arith.maximumf %add3A_37, %max3A_39 : vector<1000x128xf32>
    %swap3A = arith.constant 0 : index
    %swap3A_41 = arith.constant 0 : index
    %swap3A_42 = vector.load %arg10[%swap3A, %swap3A_41] : memref<1000x128xf32, #tpu.memory_space<vmem>>, vector<1000x128xf32>
    tpu.vector_store %arg10[%swap3A, %swap3A_41], %max3A_40 {strides = array<i32>} : memref<1000x128xf32, #tpu.memory_space<vmem>>, vector<1000x128xf32>,
    %get3A_43 = arith.constant 0 : index
    %get3A_44 = arith.constant 0 : index
    %get3A_45 = vector.load %arg9[%get3A_43, %get3A_44] : memref<1000x1xf32, #tpu.memory_space<vmem>>, vector<1000x1xf32>
    %mul3A_46 = vector.broadcast %get3A_45 : vector<1000x1xf32> to vector<1000x128xf32>
    %mul3A_47 = arith.mulf %max3A_40, %mul3A_46 : vector<1000x128xf32>
    %swap3A_48 = arith.constant 0 : index
    %swap3A_49 = arith.constant 0 : index
    %swap3A_50 = vector.load %arg11[%swap3A_48, %swap3A_49] : memref<1000x128xf32, #tpu.memory_space<vmem>>, vector<1000x128xf32>
    tpu.vector_store %arg11[%swap3A_48, %swap3A_49], %mul3A_47 {strides = array<i32>} : memref<1000x128xf32, #tpu.memory_space<vmem>>, vector<1000x128xf32>,
    return
  }
  func.func @transform_0(%arg0: i32) -> (i32, i32) {
    %c0_i32 = arith.constant 0 : i32
    %c0_i32_0 = arith.constant 0 : i32
    %c0_i32_1 = arith.constant 0 : i32
    return %c0_i32, %c0_i32_0 : i32, i32
  }
  func.func @transform_1(%arg0: i32) -> (i32, i32) {
    %c0_i32 = arith.constant 0 : i32
    %c0_i32_0 = arith.constant 0 : i32
    return %arg0, %c0_i32 : i32, i32
  }
  func.func @transform_2(%arg0: i32) -> (i32, i32, i32) {
    %c0_i32 = arith.constant 0 : i32
    %c0_i32_0 = arith.constant 0 : i32
    %c0_i32_1 = arith.constant 0 : i32
    return %c0_i32, %arg0, %c0_i32_0 : i32, i32, i32
  }
  func.func @transform_3(%arg0: i32) -> (i32, i32, i32) {
    %c1_i32 = arith.constant 1 : i32
    %c0_i32 = arith.constant 0 : i32
    %c0_i32_0 = arith.constant 0 : i32
    return %c1_i32, %arg0, %c0_i32 : i32, i32, i32
  }
  func.func @transform_4(%arg0: i32) -> (i32, i32) {
    %c0_i32 = arith.constant 0 : i32
    %c0_i32_0 = arith.constant 0 : i32
    %c0_i32_1 = arith.constant 0 : i32
    return %c0_i32, %c0_i32_0 : i32, i32
  }
  func.func @transform_5(%arg0: i32) -> (i32, i32) {
    %c0_i32 = arith.constant 0 : i32
    %c0_i32_0 = arith.constant 0 : i32
    %c0_i32_1 = arith.constant 0 : i32
    return %c0_i32, %c0_i32_0 : i32, i32
  }
  func.func @transform_6(%arg0: i32) -> (i32, i32) {
    %c0_i32 = arith.constant 0 : i32
    %c0_i32_0 = arith.constant 0 : i32
    %c0_i32_1 = arith.constant 0 : i32
    return %c0_i32, %c0_i32_0 : i32, i32
  }
  func.func @transform_7(%arg0: i32) -> (i32, i32) {
    %c0_i32 = arith.constant 0 : i32
    %c0_i32_0 = arith.constant 0 : i32
    %c0_i32_1 = arith.constant 0 : i32
    return %c0_i32, %c0_i32_0 : i32, i32
  }
  func.func @transform_8(%arg0: i32) -> (i32, i32) {
    %c0_i32 = arith.constant 0 : i32
    %c0_i32_0 = arith.constant 0 : i32
    return %arg0, %c0_i32 : i32, i32
  }
  func.func @transform_9(%arg0: i32) -> (i32, i32) {
    %c0_i32 = arith.constant 0 : i32
    %c0_i32_0 = arith.constant 0 : i32
    return %arg0, %c0_i32 : i32, i32
  }
  func.func @transform_10(%arg0: i32) -> (i32, i32) {
    %c0_i32 = arith.constant 0 : i32
    %c0_i32_0 = arith.constant 0 : i32
    return %arg0, %c0_i32 : i32, i32
  }
}

module attributes {stable_mosaic.version = 14 : i64} {
  func.func @_add_relu_body(%arg0: i32, %arg1: memref<1000x128xf32, #tpu.memory_space<vmem>>, %arg2: memref<1x1000x128xf32, #tpu.memory_space<vmem>>, %arg3: memref<1x1000x128xf32, #tpu.memory_space<vmem>>, %arg4: memref<1000x128xf32, #tpu.memory_space<vmem>>, %arg5: memref<1000x128xf32, #tpu.memory_space<vmem>>) attributes {dimension_semantics = [#tpu.dimension_semantics<arbitrary>], iteration_bounds = array<i64: 15>, scalar_prefetch = 0 : i64, scratch_operands = 0 : i64, tpu.core_type = #tpu.core_type<tc>, window_params = [{transform_indices = @transform_0, window_bounds = array<i64: 1000, 128>}, {transform_indices = @transform_1, window_bounds = array<i64: 1, 1000, 128>}, {transform_indices = @transform_2, window_bounds = array<i64: 1, 1000, 128>}, {transform_indices = @transform_3, window_bounds = array<i64: 1000, 128>}, {transform_indices = @transform_4, window_bounds = array<i64: 1000, 128>}]} {
    %get3A = arith.constant 0 : index
    %get3A_0 = arith.constant 0 : index
    %get3A_1 = vector.load %arg1[%get3A, %get3A_0] : memref<1000x128xf32, #tpu.memory_space<vmem>>, vector<1000x128xf32>
    %get3A_2 = arith.constant 0 : index
    %get3A_3 = arith.constant 0 : index
    %get3A_4 = arith.constant 0 : index
    %get3A_5 = vector.load %arg2[%get3A_2, %get3A_3, %get3A_4] : memref<1x1000x128xf32, #tpu.memory_space<vmem>>, vector<1x1000x128xf32>
    %get3A_6 = vector.shape_cast %get3A_5 : vector<1x1000x128xf32> to vector<1000x128xf32>
    %add3A = arith.addf %get3A_1, %get3A_6 : vector<1000x128xf32>
    %get3A_7 = arith.constant 0 : index
    %get3A_8 = arith.constant 0 : index
    %get3A_9 = arith.constant 0 : index
    %get3A_10 = vector.load %arg3[%get3A_7, %get3A_8, %get3A_9] : memref<1x1000x128xf32, #tpu.memory_space<vmem>>, vector<1x1000x128xf32>
    %get3A_11 = vector.shape_cast %get3A_10 : vector<1x1000x128xf32> to vector<1000x128xf32>
    %add3A_12 = arith.addf %add3A, %get3A_11 : vector<1000x128xf32>
    %swap3A = arith.constant 0 : index
    %swap3A_13 = arith.constant 0 : index
    %swap3A_14 = vector.load %arg4[%swap3A, %swap3A_13] : memref<1000x128xf32, #tpu.memory_space<vmem>>, vector<1000x128xf32>
    tpu.vector_store %arg4[%swap3A, %swap3A_13], %add3A_12 {strides = array<i32>} : memref<1000x128xf32, #tpu.memory_space<vmem>>, vector<1000x128xf32>,
    %max3A = arith.constant 0.000000e+00 : f32
    %max3A_15 = vector.broadcast %max3A : f32 to vector<1000x128xf32>
    %max3A_16 = arith.maximumf %add3A_12, %max3A_15 : vector<1000x128xf32>
    %swap3A_17 = arith.constant 0 : index
    %swap3A_18 = arith.constant 0 : index
    %swap3A_19 = vector.load %arg5[%swap3A_17, %swap3A_18] : memref<1000x128xf32, #tpu.memory_space<vmem>>, vector<1000x128xf32>
    tpu.vector_store %arg5[%swap3A_17, %swap3A_18], %max3A_16 {strides = array<i32>} : memref<1000x128xf32, #tpu.memory_space<vmem>>, vector<1000x128xf32>,
    return
  }
  func.func @transform_0(%arg0: i32) -> (i32, i32) {
    %c0_i32 = arith.constant 0 : i32
    %c0_i32_0 = arith.constant 0 : i32
    return %arg0, %c0_i32 : i32, i32
  }
  func.func @transform_1(%arg0: i32) -> (i32, i32, i32) {
    %c0_i32 = arith.constant 0 : i32
    %c0_i32_0 = arith.constant 0 : i32
    %c0_i32_1 = arith.constant 0 : i32
    return %c0_i32, %arg0, %c0_i32_0 : i32, i32, i32
  }
  func.func @transform_2(%arg0: i32) -> (i32, i32, i32) {
    %c1_i32 = arith.constant 1 : i32
    %c0_i32 = arith.constant 0 : i32
    %c0_i32_0 = arith.constant 0 : i32
    return %c1_i32, %arg0, %c0_i32 : i32, i32, i32
  }
  func.func @transform_3(%arg0: i32) -> (i32, i32) {
    %c0_i32 = arith.constant 0 : i32
    %c0_i32_0 = arith.constant 0 : i32
    return %arg0, %c0_i32 : i32, i32
  }
  func.func @transform_4(%arg0: i32) -> (i32, i32) {
    %c0_i32 = arith.constant 0 : i32
    %c0_i32_0 = arith.constant 0 : i32
    return %arg0, %c0_i32 : i32, i32
  }
}

module attributes {stable_mosaic.version = 14 : i64} {
  func.func @_mlp_body(%arg0: i32, %arg1: memref<1x1xf32, #tpu.memory_space<smem>>, %arg2: memref<1000x128xf32, #tpu.memory_space<vmem>>, %arg3: memref<1x1000x128xf32, #tpu.memory_space<vmem>>, %arg4: memref<1x1000x128xf32, #tpu.memory_space<vmem>>, %arg5: memref<128x256xf32, #tpu.memory_space<vmem>>, %arg6: memref<1x256xf32, #tpu.memory_space<vmem>>, %arg7: memref<256x128xf32, #tpu.memory_space<vmem>>, %arg8: memref<1x128xf32, #tpu.memory_space<vmem>>, %arg9: memref<1000x128xf32, #tpu.memory_space<vmem>>) attributes {dimension_semantics = [#tpu.dimension_semantics<arbitrary>], iteration_bounds = array<i64: 15>, scalar_prefetch = 0 : i64, scratch_operands = 0 : i64, tpu.core_type = #tpu.core_type<tc>, window_params = [{transform_indices = @transform_0, window_bounds = array<i64: 1, 1>}, {transform_indices = @transform_1, window_bounds = array<i64: 1000, 128>}, {transform_indices = @transform_2, window_bounds = array<i64: 1, 1000, 128>}, {transform_indices = @transform_3, window_bounds = array<i64: 1, 1000, 128>}, {pipeline_mode = #tpu.pipeline_mode<synchronous>, transform_indices = @transform_4, window_bounds = array<i64: 128, 256>}, {pipeline_mode = #tpu.pipeline_mode<synchronous>, transform_indices = @transform_5, window_bounds = array<i64: 1, 256>}, {pipeline_mode = #tpu.pipeline_mode<synchronous>, transform_indices = @transform_6, window_bounds = array<i64: 256, 128>}, {pipeline_mode = #tpu.pipeline_mode<synchronous>, transform_indices = @transform_7, window_bounds = array<i64: 1, 128>}, {transform_indices = @transform_8, window_bounds = array<i64: 1000, 128>}]} {
    %get3A = arith.constant 0 : index
    %get3A_0 = arith.constant 0 : index
    %get3A_1 = memref.load %arg1[%get3A, %get3A_0] : memref<1x1xf32, #tpu.memory_space<smem>>
    %get3A_2 = arith.constant 0 : index
    %get3A_3 = arith.constant 0 : index
    %get3A_4 = vector.load %arg2[%get3A_2, %get3A_3] : memref<1000x128xf32, #tpu.memory_space<vmem>>, vector<1000x128xf32>
    %mul3A = vector.broadcast %get3A_1 : f32 to vector<1000x128xf32>
    %mul3A_5 = arith.mulf %mul3A, %get3A_4 : vector<1000x128xf32>
    %get3A_6 = arith.constant 0 : index
    %get3A_7 = arith.constant 0 : index
    %get3A_8 = arith.constant 0 : index
    %get3A_9 = vector.load %arg3[%get3A_6, %get3A_7, %get3A_8] : memref<1x1000x128xf32, #tpu.memory_space<vmem>>, vector<1x1000x128xf32>
    %get3A_10 = vector.shape_cast %get3A_9 : vector<1x1000x128xf32> to vector<1000x128xf32>
    %add3A = arith.addf %mul3A_5, %get3A_10 : vector<1000x128xf32>
    %get3A_11 = arith.constant 0 : index
    %get3A_12 = arith.constant 0 : index
    %get3A_13 = arith.constant 0 : index
    %get3A_14 = vector.load %arg4[%get3A_11, %get3A_12, %get3A_13] : memref<1x1000x128xf32, #tpu.memory_space<vmem>>, vector<1x1000x128xf32>
    %get3A_15 = vector.shape_cast %get3A_14 : vector<1x1000x128xf32> to vector<1000x128xf32>
    %add3A_16 = arith.addf %add3A, %get3A_15 : vector<1000x128xf32>
    %get3A_17 = arith.constant 0 : index
    %get3A_18 = arith.constant 0 : index
    %get3A_19 = vector.load %arg5[%get3A_17, %get3A_18] : memref<128x256xf32, #tpu.memory_space<vmem>>, vector<128x256xf32>
    %dot_general3A = arith.constant dense<0.000000e+00> : vector<1000x256xf32>
    %dot_general3A_20 = tpu.matmul %add3A_16, %get3A_19, %dot_general3A {dimension_numbers = #tpu.dot_dimension_numbers<[1], [0], [0], [1], [0, 0, 1, 1], [], []>, transpose_lhs_hint = false} : vector<1000x128xf32>, vector<128x256xf32>, vector<1000x256xf32> -> vector<1000x256xf32>
    %get3A_21 = arith.constant 0 : index
    %get3A_22 = arith.constant 0 : index
    %get3A_23 = vector.load %arg6[%get3A_21, %get3A_22] : memref<1x256xf32, #tpu.memory_space<vmem>>, vector<1x256xf32>
    %add3A_24 = vector.broadcast %get3A_23 : vector<1x256xf32> to vector<1000x256xf32>
    %add3A_25 = arith.addf %dot_general3A_20, %add3A_24 : vector<1000x256xf32>
    %max3A = arith.constant 0.000000e+00 : f32
    %max3A_26 = vector.broadcast %max3A : f32 to vector<1000x256xf32>
    %max3A_27 = arith.maximumf %add3A_25, %max3A_26 : vector<1000x256xf32>
    %get3A_28 = arith.constant 0 : index
    %get3A_29 = arith.constant 0 : index
    %get3A_30 = vector.load %arg7[%get3A_28, %get3A_29] : memref<256x128xf32, #tpu.memory_space<vmem>>, vector<256x128xf32>
    %dot_general3A_31 = arith.constant dense<0.000000e+00> : vector<1000x128xf32>
    %dot_general3A_32 = tpu.matmul %max3A_27, %get3A_30, %dot_general3A_31 {dimension_numbers = #tpu.dot_dimension_numbers<[1], [0], [0], [1], [0, 0, 1, 1], [], []>, transpose_lhs_hint = false} : vector<1000x256xf32>, vector<256x128xf32>, vector<1000x128xf32> -> vector<1000x128xf32>
    %get3A_33 = arith.constant 0 : index
    %get3A_34 = arith.constant 0 : index
    %get3A_35 = vector.load %arg8[%get3A_33, %get3A_34] : memref<1x128xf32, #tpu.memory_space<vmem>>, vector<1x128xf32>
    %add3A_36 = vector.broadcast %get3A_35 : vector<1x128xf32> to vector<1000x128xf32>
    %add3A_37 = arith.addf %dot_general3A_32, %add3A_36 : vector<1000x128xf32>
    %max3A_38 = arith.constant 0.000000e+00 : f32
    %max3A_39 = vector.broadcast %max3A_38 : f32 to vector<1000x128xf32>
    %max3A_40 = arith.maximumf %add3A_37, %max3A_39 : vector<1000x128xf32>
    %swap3A = arith.constant 0 : index
    %swap3A_41 = arith.constant 0 : index
    %swap3A_42 = vector.load %arg9[%swap3A, %swap3A_41] : memref<1000x128xf32, #tpu.memory_space<vmem>>, vector<1000x128xf32>
    tpu.vector_store %arg9[%swap3A, %swap3A_41], %max3A_40 {strides = array<i32>} : memref<1000x128xf32, #tpu.memory_space<vmem>>, vector<1000x128xf32>,
    return
  }
  func.func @transform_0(%arg0: i32) -> (i32, i32) {
    %c0_i32 = arith.constant 0 : i32
    %c0_i32_0 = arith.constant 0 : i32
    %c0_i32_1 = arith.constant 0 : i32
    return %c0_i32, %c0_i32_0 : i32, i32
  }
  func.func @transform_1(%arg0: i32) -> (i32, i32) {
    %c0_i32 = arith.constant 0 : i32
    %c0_i32_0 = arith.constant 0 : i32
    return %arg0, %c0_i32 : i32, i32
  }
  func.func @transform_2(%arg0: i32) -> (i32, i32, i32) {
    %c0_i32 = arith.constant 0 : i32
    %c0_i32_0 = arith.constant 0 : i32
    %c0_i32_1 = arith.constant 0 : i32
    return %c0_i32, %arg0, %c0_i32_0 : i32, i32, i32
  }
  func.func @transform_3(%arg0: i32) -> (i32, i32, i32) {
    %c1_i32 = arith.constant 1 : i32
    %c0_i32 = arith.constant 0 : i32
    %c0_i32_0 = arith.constant 0 : i32
    return %c1_i32, %arg0, %c0_i32 : i32, i32, i32
  }
  func.func @transform_4(%arg0: i32) -> (i32, i32) {
    %c0_i32 = arith.constant 0 : i32
    %c0_i32_0 = arith.constant 0 : i32
    %c0_i32_1 = arith.constant 0 : i32
    return %c0_i32, %c0_i32_0 : i32, i32
  }
  func.func @transform_5(%arg0: i32) -> (i32, i32) {
    %c0_i32 = arith.constant 0 : i32
    %c0_i32_0 = arith.constant 0 : i32
    %c0_i32_1 = arith.constant 0 : i32
    return %c0_i32, %c0_i32_0 : i32, i32
  }
  func.func @transform_6(%arg0: i32) -> (i32, i32) {
    %c0_i32 = arith.constant 0 : i32
    %c0_i32_0 = arith.constant 0 : i32
    %c0_i32_1 = arith.constant 0 : i32
    return %c0_i32, %c0_i32_0 : i32, i32
  }
  func.func @transform_7(%arg0: i32) -> (i32, i32) {
    %c0_i32 = arith.constant 0 : i32
    %c0_i32_0 = arith.constant 0 : i32
    %c0_i32_1 = arith.constant 0 : i32
    return %c0_i32, %c0_i32_0 : i32, i32
  }
  func.func @transform_8(%arg0: i32) -> (i32, i32) {
    %c0_i32 = arith.constant 0 : i32
    %c0_i32_0 = arith.constant 0 : i32
    return %arg0, %c0_i32 : i32, i32
  }
}

module attributes {stable_mosaic.version = 14 : i64} {
  func.func @_mlp_body(%arg0: i32, %arg1: memref<1x1xf32, #tpu.memory_space<smem>>, %arg2: memref<1000x128xf32, #tpu.memory_space<vmem>>, %arg3: memref<1x1000x128xf32, #tpu.memory_space<vmem>>, %arg4: memref<1x1000x128xf32, #tpu.memory_space<vmem>>, %arg5: memref<128x256xf32, #tpu.memory_space<vmem>>, %arg6: memref<1x256xf32, #tpu.memory_space<vmem>>, %arg7: memref<256x128xf32, #tpu.memory_space<vmem>>, %arg8: memref<1x128xf32, #tpu.memory_space<vmem>>, %arg9: memref<1000x128xf32, #tpu.memory_space<vmem>>) attributes {dimension_semantics = [#tpu.dimension_semantics<arbitrary>], iteration_bounds = array<i64: 15>, scalar_prefetch = 0 : i64, scratch_operands = 0 : i64, tpu.core_type = #tpu.core_type<tc>, window_params = [{transform_indices = @transform_0, window_bounds = array<i64: 1, 1>}, {transform_indices = @transform_1, window_bounds = array<i64: 1000, 128>}, {transform_indices = @transform_2, window_bounds = array<i64: 1, 1000, 128>}, {transform_indices = @transform_3, window_bounds = array<i64: 1, 1000, 128>}, {pipeline_mode = #tpu.pipeline_mode<synchronous>, transform_indices = @transform_4, window_bounds = array<i64: 128, 256>}, {pipeline_mode = #tpu.pipeline_mode<synchronous>, transform_indices = @transform_5, window_bounds = array<i64: 1, 256>}, {pipeline_mode = #tpu.pipeline_mode<synchronous>, transform_indices = @transform_6, window_bounds = array<i64: 256, 128>}, {pipeline_mode = #tpu.pipeline_mode<synchronous>, transform_indices = @transform_7, window_bounds = array<i64: 1, 128>}, {transform_indices = @transform_8, window_bounds = array<i64: 1000, 128>}]} {
    %get3A = arith.constant 0 : index
    %get3A_0 = arith.constant 0 : index
    %get3A_1 = memref.load %arg1[%get3A, %get3A_0] : memref<1x1xf32, #tpu.memory_space<smem>>
    %get3A_2 = arith.constant 0 : index
    %get3A_3 = arith.constant 0 : index
    %get3A_4 = vector.load %arg2[%get3A_2, %get3A_3] : memref<1000x128xf32, #tpu.memory_space<vmem>>, vector<1000x128xf32>
    %mul3A = vector.broadcast %get3A_1 : f32 to vector<1000x128xf32>
    %mul3A_5 = arith.mulf %mul3A, %get3A_4 : vector<1000x128xf32>
    %get3A_6 = arith.constant 0 : index
    %get3A_7 = arith.constant 0 : index
    %get3A_8 = arith.constant 0 : index
    %get3A_9 = vector.load %arg3[%get3A_6, %get3A_7, %get3A_8] : memref<1x1000x128xf32, #tpu.memory_space<vmem>>, vector<1x1000x128xf32>
    %get3A_10 = vector.shape_cast %get3A_9 : vector<1x1000x128xf32> to vector<1000x128xf32>
    %add3A = arith.addf %mul3A_5, %get3A_10 : vector<1000x128xf32>
    %get3A_11 = arith.constant 0 : index
    %get3A_12 = arith.constant 0 : index
    %get3A_13 = arith.constant 0 : index
    %get3A_14 = vector.load %arg4[%get3A_11, %get3A_12, %get3A_13] : memref<1x1000x128xf32, #tpu.memory_space<vmem>>, vector<1x1000x128xf32>
    %get3A_15 = vector.shape_cast %get3A_14 : vector<1x1000x128xf32> to vector<1000x128xf32>
    %add3A_16 = arith.addf %add3A, %get3A_15 : vector<1000x128xf32>
    %get3A_17 = arith.constant 0 : index
    %get3A_18 = arith.constant 0 : index
    %get3A_19 = vector.load %arg5[%get3A_17, %get3A_18] : memref<128x256xf32, #tpu.memory_space<vmem>>, vector<128x256xf32>
    %dot_general3A = arith.constant dense<0.000000e+00> : vector<1000x256xf32>
    %dot_general3A_20 = tpu.matmul %add3A_16, %get3A_19, %dot_general3A {dimension_numbers = #tpu.dot_dimension_numbers<[1], [0], [0], [1], [0, 0, 1, 1], [], []>, transpose_lhs_hint = false} : vector<1000x128xf32>, vector<128x256xf32>, vector<1000x256xf32> -> vector<1000x256xf32>
    %get3A_21 = arith.constant 0 : index
    %get3A_22 = arith.constant 0 : index
    %get3A_23 = vector.load %arg6[%get3A_21, %get3A_22] : memref<1x256xf32, #tpu.memory_space<vmem>>, vector<1x256xf32>
    %add3A_24 = vector.broadcast %get3A_23 : vector<1x256xf32> to vector<1000x256xf32>
    %add3A_25 = arith.addf %dot_general3A_20, %add3A_24 : vector<1000x256xf32>
    %max3A = arith.constant 0.000000e+00 : f32
    %max3A_26 = vector.broadcast %max3A : f32 to vector<1000x256xf32>
    %max3A_27 = arith.maximumf %add3A_25, %max3A_26 : vector<1000x256xf32>
    %get3A_28 = arith.constant 0 : index
    %get3A_29 = arith.constant 0 : index
    %get3A_30 = vector.load %arg7[%get3A_28, %get3A_29] : memref<256x128xf32, #tpu.memory_space<vmem>>, vector<256x128xf32>
    %dot_general3A_31 = arith.constant dense<0.000000e+00> : vector<1000x128xf32>
    %dot_general3A_32 = tpu.matmul %max3A_27, %get3A_30, %dot_general3A_31 {dimension_numbers = #tpu.dot_dimension_numbers<[1], [0], [0], [1], [0, 0, 1, 1], [], []>, transpose_lhs_hint = false} : vector<1000x256xf32>, vector<256x128xf32>, vector<1000x128xf32> -> vector<1000x128xf32>
    %get3A_33 = arith.constant 0 : index
    %get3A_34 = arith.constant 0 : index
    %get3A_35 = vector.load %arg8[%get3A_33, %get3A_34] : memref<1x128xf32, #tpu.memory_space<vmem>>, vector<1x128xf32>
    %add3A_36 = vector.broadcast %get3A_35 : vector<1x128xf32> to vector<1000x128xf32>
    %add3A_37 = arith.addf %dot_general3A_32, %add3A_36 : vector<1000x128xf32>
    %swap3A = arith.constant 0 : index
    %swap3A_38 = arith.constant 0 : index
    %swap3A_39 = vector.load %arg9[%swap3A, %swap3A_38] : memref<1000x128xf32, #tpu.memory_space<vmem>>, vector<1000x128xf32>
    tpu.vector_store %arg9[%swap3A, %swap3A_38], %add3A_37 {strides = array<i32>} : memref<1000x128xf32, #tpu.memory_space<vmem>>, vector<1000x128xf32>,
    return
  }
  func.func @transform_0(%arg0: i32) -> (i32, i32) {
    %c0_i32 = arith.constant 0 : i32
    %c0_i32_0 = arith.constant 0 : i32
    %c0_i32_1 = arith.constant 0 : i32
    return %c0_i32, %c0_i32_0 : i32, i32
  }
  func.func @transform_1(%arg0: i32) -> (i32, i32) {
    %c0_i32 = arith.constant 0 : i32
    %c0_i32_0 = arith.constant 0 : i32
    return %arg0, %c0_i32 : i32, i32
  }
  func.func @transform_2(%arg0: i32) -> (i32, i32, i32) {
    %c0_i32 = arith.constant 0 : i32
    %c0_i32_0 = arith.constant 0 : i32
    %c0_i32_1 = arith.constant 0 : i32
    return %c0_i32, %arg0, %c0_i32_0 : i32, i32, i32
  }
  func.func @transform_3(%arg0: i32) -> (i32, i32, i32) {
    %c1_i32 = arith.constant 1 : i32
    %c0_i32 = arith.constant 0 : i32
    %c0_i32_0 = arith.constant 0 : i32
    return %c1_i32, %arg0, %c0_i32 : i32, i32, i32
  }
  func.func @transform_4(%arg0: i32) -> (i32, i32) {
    %c0_i32 = arith.constant 0 : i32
    %c0_i32_0 = arith.constant 0 : i32
    %c0_i32_1 = arith.constant 0 : i32
    return %c0_i32, %c0_i32_0 : i32, i32
  }
  func.func @transform_5(%arg0: i32) -> (i32, i32) {
    %c0_i32 = arith.constant 0 : i32
    %c0_i32_0 = arith.constant 0 : i32
    %c0_i32_1 = arith.constant 0 : i32
    return %c0_i32, %c0_i32_0 : i32, i32
  }
  func.func @transform_6(%arg0: i32) -> (i32, i32) {
    %c0_i32 = arith.constant 0 : i32
    %c0_i32_0 = arith.constant 0 : i32
    %c0_i32_1 = arith.constant 0 : i32
    return %c0_i32, %c0_i32_0 : i32, i32
  }
  func.func @transform_7(%arg0: i32) -> (i32, i32) {
    %c0_i32 = arith.constant 0 : i32
    %c0_i32_0 = arith.constant 0 : i32
    %c0_i32_1 = arith.constant 0 : i32
    return %c0_i32, %c0_i32_0 : i32, i32
  }
  func.func @transform_8(%arg0: i32) -> (i32, i32) {
    %c0_i32 = arith.constant 0 : i32
    %c0_i32_0 = arith.constant 0 : i32
    return %arg0, %c0_i32 : i32, i32
  }
}

</mosaic_0001>

<sc_bundles>
// kernel: kernel.20.cloned.1.call-start
scs
__scs_entry_jumppad:
0x0: {  	(pc) =	sbr.rel $0x88, $3  }
0x1: {  	(tag) =	ssettag $0x0;
	lr =	simm.s32 $0x1  }
0x2: {  	[smem:$0x3F8C] =	sst lr;
	_ =	strace $0xD0000000  }
0x3: {  	_ = 	snop  }
0x4: {  	_ = 	snop  }
0x5: {  	_ = 	snop  }
0x6: {  	_ = 	snop  }
0x7: {  	_ = 	snop  }
__scs_overlays_trampoline_lowered:
0x8: {  	[smem:$0x3F9B] =	sst s0  }
0x9: {  	[smem:$0x3F9C] =	sst s1  }
0xa: {  	[smem:$0x3F9D] =	sst s2  }
0xb: {  	[smem:$0x3F9E] =	sst s3  }
0xc: {  	[smem:$0x3F9F] =	sst s4  }
0xd: {  	[smem:$0x3FA0] =	sst s5  }
0xe: {  	[smem:$0x3FA1] =	sst s6  }
0xf: {  	[smem:$0x3FA2] =	sst s7  }
0x10: {  	[smem:$0x3FA3] =	sst s8  }
0x11: {  	[smem:$0x3FA4] =	sst s9;
	s0 =	simm.s32 @!p0 $0x0  }
0x12: {  	s1 =	sld [smem:$0x3F8A];
	s0 =	simm.s32 @p0 $0x1  }
0x13: {  	[smem:$0x3FA5] =	sst s0;
	s0 =	simm.s32 @!p1 $0x0  }
0x14: {  	s2 =	sld [smem:$0x3F89];
	s0 =	simm.s32 @p1 $0x1  }
0x15: {  	[smem:$0x3FA6] =	sst s0;
	s0 =	simm.s32 @!p2 $0x0  }
0x16: {  	s3 =	sld [smem:$0x3FDB];
	s0 =	simm.s32 @p2 $0x1  }
0x17: {  	s4 =	simm.s32 $0x1BF5;
	[smem:$0x3FA8] =	sst s0  }
0x18: {  	s0 =	sld [smem:$0x3F8B];
	_ =	swait.ge [sflag:s4], $0x0  }
0x19: {  	s7 =	sld [smem:$0x3F8C]  }
0x1a: {  	s8 =	sadd.s32 $0xFFFFE003, lr  }
0x1b: {  	s9 =	sadd.s32 $0xFFFFFEF7, lr;
	s5 =	simm.s32 $0xFFFFFFFF;
	p2 =	slt.u32 s8, $0xFFFFF086  }
0x1c: {  	p1 =	slt.u32 s9, $0xF7A;
	s5 =	simm.s32 @!p2 $0x0  }
0x1d: {  	s5 =	simm.s32 @p1 $0x1;
	p0 =	seq.s32 s7, s2  }
0x1e: {  	s7 =	smul.u32 @!p0 $0xF7A, s2;
	p2 =	seq.s32 @!p0 s5, $0x0  }
0x1f: {  	s9 =	smul.u32 $0xF7A, s1;
	s8 =	simm.s32 @!p0 $0x1BF5;
	p2 =	por !p2, p0  }
0x20: {  	[sflag:s8] =	ssyncset.s32 @!p0 $0xFFFFF086;
	s6 =	sadd.s32 @!p0 s3, s7;
	s7 =	simm.s32 @!p0 $0x108  }
0x21: {  	s3 =	sadd.s32 s3, s9;
	s6 =	sadd.s32 @!p0 $0x88, s6;
	s7 =	simm.s32 @p2 $0x1082  }
0x22: {  	[simem:s7], [sflag:s8] =	dma.local @!p0 [hbm:s6], $0xF7A  }
0x23: {  	s9 =	sor.u32 $0xD0000000, s2;
	s6 =	simm.s32 $0x108;
	_ =	swait.ge @!p0 [sflag:s8], $0x0  }
0x24: {  	s3 =	sadd.s32 $0x88, s3;
	s6 =	simm.s32 @!p1 $0x1082;
	[sflag:s4] =	ssyncset.s32 $0xFFFFF086  }
0x25: {  	[simem:s6], [sflag:s4] =	dma.local [hbm:s3], $0xF7A  }
0x26: {  	[smem:$0x3F8C] =	sst s1;
	(tag) =	ssettag s2;
	_ =	strace s9  }
0x27: {  	s1 =	sld [smem:$0x3F9C]  }
0x28: {  	s2 =	sld [smem:$0x3F9D]  }
0x29: {  	s4 =	sld [smem:$0x3F9F]  }
0x2a: {  	p0 =	seq.s32 s5, $0x0;
	s5 =	sld [smem:$0x3FA0]  }
0x2b: {  	s6 =	sld [smem:$0x3FA1]  }
0x2c: {  	s7 =	sld [smem:$0x3FA2]  }
0x2d: {  	s3 =	simm.s32 $0x108;
	s8 =	sld [smem:$0x3FA3]  }
0x2e: {  	s3 =	simm.s32 @!p0 $0x1082;
	s9 =	sld [smem:$0x3FA4]  }
0x2f: {  	lr =	sadd.s32 s0, s3;
	s0 =	sld [smem:$0x3F9B]  }
0x30: {  	s3 =	sld [smem:$0x3F9E]  }
0x31: {  	[smem:$0x3FA7] =	sst s10  }
0x32: {  	s10 =	sld [smem:$0x3FA5];
	_ =	sdelay $0x3  }
0x33: {  	p0 =	seq.s32 s10, $0x1;
	s10 =	sld [smem:$0x3FA7];
	_ =	sdelay $0x3  }
0x34: {  	[smem:$0x3FA7] =	sst s10  }
0x35: {  	s10 =	sld [smem:$0x3FA6];
	_ =	sdelay $0x3  }
0x36: {  	p1 =	seq.s32 s10, $0x1;
	s10 =	sld [smem:$0x3FA7];
	_ =	sdelay $0x3  }
0x37: {  	[smem:$0x3FA7] =	sst s10  }
0x38: {  	s10 =	sld [smem:$0x3FA8]  }
0x39: {  	_ = 	snop;
	(pc) =	sbr.ind lr, $3  }
0x3a: {  	_ = 	snop  }
0x3b: {  	_ = 	snop  }
0x3c: {  	p2 =	seq.s32 s10, $0x1;
	s10 =	sld [smem:$0x3FA7]  }
0x3d: {  	_ =	shalt  }
0x3e: {  	_ =	shalt  }
0x3f: {  	_ =	shalt  }
0x40: {  	_ =	shalt  }
0x41: {  	_ =	shalt  }
0x42: {  	_ =	shalt  }
0x43: {  	_ =	shalt  }
0x44: {  	_ =	shalt  }
0x45: {  	_ =	shalt  }
0x46: {  	_ =	shalt  }
0x47: {  	_ =	shalt  }
0x48: {  	_ =	shalt  }
0x49: {  	_ =	shalt  }
0x4a: {  	_ =	shalt  }
0x4b: {  	_ =	shalt  }
0x4c: {  	_ =	shalt  }
0x4d: {  	_ =	shalt  }
0x4e: {  	_ =	shalt  }
0x4f: {  	_ =	shalt  }
0x50: {  	_ =	shalt  }
0x51: {  	_ =	shalt  }
0x52: {  	_ =	shalt  }
0x53: {  	_ =	shalt  }
0x54: {  	_ =	shalt  }
0x55: {  	_ =	shalt  }
0x56: {  	_ =	shalt  }
0x57: {  	_ =	shalt  }
0x58: {  	_ =	shalt  }
0x59: {  	_ =	shalt  }
0x5a: {  	_ =	shalt  }
0x5b: {  	_ =	shalt  }
0x5c: {  	_ =	shalt  }
0x5d: {  	_ =	shalt  }
0x5e: {  	_ =	shalt  }
0x5f: {  	_ =	shalt  }
0x60: {  	_ =	shalt  }
0x61: {  	_ =	shalt  }
0x62: {  	_ =	shalt  }
0x63: {  	_ =	shalt  }
0x64: {  	_ =	shalt  }
0x65: {  	_ =	shalt  }
0x66: {  	_ =	shalt  }
0x67: {  	_ =	shalt  }
0x68: {  	_ =	shalt  }
0x69: {  	_ =	shalt  }
0x6a: {  	_ =	shalt  }
0x6b: {  	_ =	shalt  }
0x6c: {  	_ =	shalt  }
0x6d: {  	_ =	shalt  }
0x6e: {  	_ =	shalt  }
0x6f: {  	_ =	shalt  }
0x70: {  	_ =	shalt  }
0x71: {  	_ =	shalt  }
0x72: {  	_ =	shalt  }
0x73: {  	_ =	shalt  }
0x74: {  	_ =	shalt  }
0x75: {  	_ =	shalt  }
0x76: {  	_ =	shalt  }
0x77: {  	_ =	shalt  }
0x78: {  	_ =	shalt  }
0x79: {  	_ =	shalt  }
0x7a: {  	_ =	shalt  }
0x7b: {  	_ =	shalt  }
0x7c: {  	_ =	shalt  }
0x7d: {  	_ =	shalt  }
0x7e: {  	_ =	shalt  }
0x7f: {  	_ =	shalt  }
0x80: {  	_ =	shalt  }
0x81: {  	_ =	shalt  }
0x82: {  	_ =	shalt  }
0x83: {  	_ =	shalt  }
0x84: {  	_ =	shalt  }
0x85: {  	_ =	shalt  }
0x86: {  	_ =	shalt  }
0x87: {  	_ =	shalt  }
.Lfunc_end0:
.L_simem_size_0:
called_computation_lowered:
.L_overlay_start_0:
0x88: {  	s2 =	sld [smem:$0x3FD9]  }
0x89: {  	s3 =	sld [smem:$0x3FFE];
	_ =	sdelay $0x1  }
0x8a: {  	s1 =	srdreg.scid  }
0x8b: {  	s0 =	sand.u32 $0x1, s1  }
0x8c: {  	s17 =	sshll.u32 s0, $0xA;
	s2 =	sadd.s32 s3, s2  }
0x8d: {  	s2 =	sadd.s32 s2, s17  }
0x8e: {  	[smem:$0x3FB3] =	sst s2  }
0x8f: {  	_ = 	snop  }
0x90: {  	s2 =	sld [smem:$0x3FD0];
	(tm) =	ssettm $0x1  }
0x91: {  	s18 =	sld [smem:$0x3FFB];
	_ =	sdelay $0x3  }
0x92: {  	_ =	strace s18  }
0x93: {  	s3 =	sld [smem:$0x3FFC];
	_ =	sdelay $0x3  }
0x94: {  	_ =	strace s3  }
0x95: {  	s3 =	sld [smem:$0x3FFD];
	_ =	sdelay $0x3  }
0x96: {  	_ =	strace s3  }
0x97: {  	_ =	strace $0x8FFFFFFF  }
0x98: {  	s19 =	sld [smem:$0x3FDB];
	_ =	sdelay $0x1  }
0x99: {  	s4 =	simm.s32 $_scs_section_size  }
0x9a: {  	s5 =	simm.s32 $_size__tile_overlayer_lowered;
	s6 =	simm.s32 $_tile_overlayer_lowered  }
0x9b: {  	s22 =	simm.s32 $0x1BFF;
	s21 =	sshll.u32 s6, $0x1;
	s3 =	sadd.s32 s4, s19  }
0x9c: {  	s7 =	simm.s32 $0x0;
	s20 =	sshll.u32 s5, $0x1;
	s5 =	sadd.s32 s21, s3  }
0x9d: {  	[timem:s7], [sflag:s22] =	dma.local [hbm:s5], s20  }
0x9e: {  	_ =	swait.ge [sflag:s22], s20  }
0x9f: {  	s4 =	ssub.s32 $0x0, s20;
	[sflag:s22] =	ssyncset.done $0x0  }
0xa0: {  	[sflag:s22] =	ssyncadd.s32 s4;
	_ =	sdelay $0x1  }
0xa1: {  	s23 =	simm.s32 $0x1B8B  }
0xa2: {  	_ =	swait.ge [sflag:s23], $0x1  }
0xa3: {  	[sflag:s23] =	ssyncset.done $0x0  }
0xa4: {  	s25 =	simm.s32 $0x1B8E;
	s24 =	sld [smem:$0x3FFE];
	[sflag:s23] =	ssyncadd.s32 $0xFFFFFFFF  }
0xa5: {  	s26 =	simm.s32 $execute0_lowered;
	[smem:$0x3FD2] =	sst s25  }
0xa6: {  	s5 =	sshll.u32 s26, $0x1;
	_ =	strace $0x80000046;
	[dreg:$0x1] =	wrdreg $0xFFFFFFFF  }
0xa7: {  	s28 =	simm.s32 $_size_execute0_lowered;
	s3 =	sadd.s32 s3, s5;
	[dreg:$0x0] =	wrdreg $0x0  }
0xa8: {  	s5 =	sshll.u32 s28, $0x1;
	[dreg:$0x2] =	wrdreg s3  }
0xa9: {  	[dreg:$0x3] =	wrdreg s5  }
0xaa: {  	[dreg:$0x4] =	wrdreg $0xC0  }
0xab: {  	_ =	task [dreg:s7], $0x5FFFF  }
0xac: {  	[dreg:$0x1] =	wrdreg $0xFFFFFFFF  }
0xad: {  	[dreg:$0x0] =	wrdreg $0x60  }
0xae: {  	[dreg:$0x2] =	wrdreg s2  }
0xaf: {  	[dreg:$0x3] =	wrdreg s24  }
0xb0: {  	[dreg:$0x4] =	wrdreg $0x0  }
0xb1: {  	[dreg:$0x5] =	wrdreg $0x9  }
0xb2: {  	_ =	task.clear_ibuf [dreg:s7], $0x6FFFF;
	_ =	strace $0x90000046  }
0xb3: {  	s29 =	simm.s32 $0x9;
	_ =	strace $0x80000048  }
0xb4: {  	_ =	swait.ge [sflag:s29], $0x1  }
0xb5: {  	[sflag:s29] =	ssyncadd.s32 $0xFFFFFFFF  }
0xb6: {  	_ =	strace $0x90000048  }
0xb7: {  	_ =	sfence  }
0xb8: {  	s30 =	sld [smem:$0x0];
	_ =	sdelay $0x2  }
0xb9: {  	s31 =	sshll.u32 s1, $0xD;
	s1 =	sshrl.u32 s1, $0x2  }
0xba: {  	s3 =	sand.u32 $0x4000, s31;
	s1 =	sadd.s32 s1, s30  }
0xbb: {  	s0 =	sor.u32 s3, s0;
	s1 =	sshll.u32 s1, $0x11  }
0xbc: {  	s0 =	sor.u32 s1, s0  }
0xbd: {  	s0 =	sadd.s32 $0x8F2B, s0  }
0xbe: {  	[sflag:s0] =	ssyncadd.remote.s32 $0x1  }
0xbf: {  	_ =	sfence.sel $0xFFFF  }
0xc0: {  	[dreg:$0x0] =	wrdreg $0xFFFFFFFF;
	(pc) =	sbr.abs _section_cstart, $3  }
0xc1: {  	[dreg:$0x1] =	wrdreg $0xFFFFFFFF  }
0xc2: {  	_ =	task.clear_ibuf [dreg:s7], $0x2FFFF;
	_ =	strace $0x9FFFFFFF  }
0xc3: {  	(tm) =	ssettm $0x7FFFFFFF  }
tec
execute0_lowered:
.L_overlay_start_1:
0x0: {  	(tag) =	ssettag $0x1  }
0x1: {  	s1 =	rddreg [dreg:$0x0]  }
0x2: {  	s9 =	rddreg [dreg:$0x1]  }
0x3: {  	s2 =	rddreg [dreg:$0x2]  }
0x4: {  	s0 =	rddreg [dreg:$0x3];
	s3 =	simm.s32 $0x0  }
0x5: {  	s8 =	srdreg.scid;
	s4 =	stileid.u32;
	s19 =	simm.s32 $0x28  }
0x6: {  	s20 =	simm.s32 $0x1D600;
	s21 =	simm.s32 $0x1;
	s22 =	simm.s32 $0x1EA00  }
0x7: {  	s28 =	simm.s32 $0x0;
	[smem:$0x7FF] =	sst s3;
	s5 =	sadd.s32 $0x4CA00, s9  }
0x8: {  	s6 =	sadd.s32 $0x42C00, s9;
	s7 =	sadd.s32 $0x539000, s9;
	s10 =	sand.u32 $0x1, s8  }
0x9: {  	s8 =	sadd.s32 $0xA1B000, s9;
	s12 =	smul.u32 $0x76000, s4;
	s13 =	sadd.s32 $0xA1EC00, s9  }
0xa: {  	s15 =	smul.u32 $0x1D800, s4;
	s18 =	sadd.s32 $0x1BA800, s2;
	p0 =	seq.s32 s4, $0xF  }
0xb: {  	_ =	strace $0x80000047;
	s11 =	ssub.s32 $0x2, s10;
	s14 =	smul.u32 $0x1D5000, s10  }
0xc: {  	s10 =	sshll.u32 s10, $0x4;
	s26 =	sshrl.u32 s11, $0x1;
	s12 =	sshrl.u32 s12, $0x2  }
0xd: {  	s29 =	sor.u32 s4, s10;
	s16 =	ssub.s32 s11, s26;
	s17 =	sadd.s32 s12, s2  }
0xe: {  	s30 =	sadd.s32 s15, s14;
	s31 =	sshrl.u32 s14, $0x3;
	s9 =	smul.u32 $0x2710, s29  }
0xf: {  	s14 =	sshll.u32 @!p0 s4, $0x6;
	s10 =	sshrl.u32 s30, $0x3;
	s11 =	sadd.s32 s13, s31  }
0x10: {  	s12 =	smax.u32 s16, $0x1;
	s14 =	sor.u32 @!p0 $0x1C02, s14;
	s15 =	sshrl.u32 @!p0 s17, $0x3  }
0x11: {  	s16 =	simm.s32 $0x1D500;
	s17 =	simm.s32 $0x2;
	s10 =	sadd.s32 s13, s10  }
0x12: {  	s11 =	sadd.s32 $0x37500, s11;
	s13 =	sshrl.u32 @p0 s18, $0x3;
	s18 =	simm.s32 $0x1D580  }
.LBB2_1:
0x13: {  	s23 =	simm.s32 @p0 $0x1FC2  }
0x14: {  	[spmem:s13], [sflag:s23] =	dma.local @p0 [hbm:s8], $0x3500  }
0x15: {  	s23 =	simm.s32 @p0 $0x2  }
0x16: {  	_ =	swait.ge @p0 [sflag:s23], $0x3500  }
0x17: {  	[sflag:s23] =	ssyncset.done @p0 $0x0  }
0x18: {  	[sflag:s23] =	ssyncadd.s32 @p0 $0xFFFFCB00;
	s23 =	simm.s32 @!p0 $0x2  }
0x19: {  	[spmem:s15], [sflag:s14] =	dma.local @!p0 [hbm:s8], $0x3B00  }
0x1a: {  	_ =	swait.ge @!p0 [sflag:s23], $0x3B00  }
0x1b: {  	[sflag:s23] =	ssyncset.done @!p0 $0x0  }
0x1c: {  	[sflag:s23] =	ssyncadd.s32 @!p0 $0xFFFFC500  }
0x1d: {  	s23 =	simm.s32 $0x0;
	[bflag:$0x0] =	sbarrier.arrive $0xFFFF  }
.LBB2_2:
0x1e: {  	s24 =	smul.u32 $0x28, s23;
	_ =	sdelay $0x1  }
0x1f: {  	s24 =	sadd.s32 s9, s24  }
0x20: {  	s25 =	sshrl.u32 s24, $0x3  }
0x21: {  	s26 =	sadd.s32 s5, s25  }
0x22: {  	[tilespmem:s16], [sflag:$0x2] =	stream.linear.gather [hbm4b:s26+s28], $0x28, $0x38;
	[tilespmem:$0x1FE00] =	vst v63  }
0x23: {  	_ =	swait.ge [sflag:s17], $0x28  }
0x24: {  	[sflag:s17] =	ssyncset.done $0x0  }
0x25: {  	s25 =	sadd.s32 s6, s25;
	[sflag:s17] =	ssyncadd.s32 $0xFFFFFFD8  }
0x26: {  	[tilespmem:s18], [sflag:$0x2] =	stream.linear.gather [hbm4b:s25+s28], $0x28, $0x38;
	[tilespmem:$0x1FE00] =	vst v63  }
0x27: {  	_ =	swait.ge [sflag:s17], $0x28  }
0x28: {  	[sflag:s17] =	ssyncset.done $0x0  }
0x29: {  	[sflag:s17] =	ssyncadd.s32 $0xFFFFFFD8  }
0x2a: {  	[tilespmem:s20], [sflag:$0x1] =	stream.indirect.gather [hbm4b:s1+s19], $0x80, s16, s19, $0xb8;
	[tilespmem:$0x1FE00] =	vst v63  }
0x2b: {  	_ =	swait.ge [sflag:s21], $0x1400  }
0x2c: {  	s24 =	sshll.u32 s24, $0x4;
	[sflag:s21] =	ssyncset.done $0x0  }
0x2d: {  	s24 =	sadd.s32 s7, s24;
	[sflag:s21] =	ssyncadd.s32 $0xFFFFEC00  }
0x2e: {  	[tilespmem:s22], [sflag:$0x2] =	stream.linear.gather [hbm4b:s24+s28], $0x1400, $0x38;
	[tilespmem:$0x1FE00] =	vst v63  }
0x2f: {  	_ =	swait.ge [sflag:s17], $0x1400  }
0x30: {  	[sflag:s17] =	ssyncset.done $0x0  }
0x31: {  	s24 =	simm.s32 $0x0;
	[sflag:s17] =	ssyncadd.s32 $0xFFFFEC00  }
0x32: {  	v6 =	vld [tilespmem:s24+$0x1EA00]  }
0x33: {  	v11 =	vld [tilespmem:s24+$0x1EA10]  }
0x34: {  	v5 =	vld [tilespmem:s24+$0x1EA20]  }
0x35: {  	v4 =	vld [tilespmem:s24+$0x1EA30]  }
0x36: {  	v3 =	vld [tilespmem:s24+$0x1EA40]  }
0x37: {  	v2 =	vld [tilespmem:s24+$0x1EA50]  }
0x38: {  	v1 =	vld [tilespmem:s24+$0x1EA60]  }
0x39: {  	v0 =	vld [tilespmem:s24+$0x1EA70]  }
0x3a: {  	v12 =	vld [tilespmem:s24+$0x1D600]  }
0x3b: {  	v13 =	vld [tilespmem:s24+$0x1D610]  }
0x3c: {  	v10 =	vld [tilespmem:s24+$0x1D620]  }
0x3d: {  	v9 =	vld [tilespmem:s24+$0x1D630]  }
0x3e: {  	v8 =	vld [tilespmem:s24+$0x1D640]  }
0x3f: {  	v7 =	vld [tilespmem:s24+$0x1D650];
	v12 =	vadd.f32 v6, v12  }
0x40: {  	s25 =	simm.s32 $0x200;
	v11 =	vadd.f32 v11, v13;
	v6 =	vld [tilespmem:s24+$0x1D660]  }
.LBB2_3:
0x41: {  	s26 =	sshra.s32 s25, $0x2;
	p1 =	sne.s32 s25, $0x4E00;
	v12 =	vmax.f32 v12, $0.0e+00;
	v5 =	vadd.f32 v5, v10;
	v10 =	vld [tilespmem:s24+$0x1D670]  }
0x42: {  	v13 =	vld [tilespmem:s26+$0x1EA00];
	[tilespmem:s24+$0x1D600] =	vst v12;
	v11 =	vmax.f32 v11, $0.0e+00;
	v4 =	vadd.f32 v4, v9  }
0x43: {  	v14 =	vld [tilespmem:s26+$0x1EA10];
	[tilespmem:s24+$0x1D610] =	vst v11;
	v9 =	vmax.f32 v5, $0.0e+00;
	v3 =	vadd.f32 v3, v8  }
0x44: {  	v5 =	vld [tilespmem:s26+$0x1EA20];
	[tilespmem:s24+$0x1D620] =	vst v9;
	v8 =	vmax.f32 v4, $0.0e+00;
	v2 =	vadd.f32 v2, v7  }
0x45: {  	v4 =	vld [tilespmem:s26+$0x1EA30];
	[tilespmem:s24+$0x1D630] =	vst v8;
	v7 =	vmax.f32 v3, $0.0e+00;
	v1 =	vadd.f32 v1, v6  }
0x46: {  	v3 =	vld [tilespmem:s26+$0x1EA40];
	[tilespmem:s24+$0x1D640] =	vst v7;
	v6 =	vmax.f32 v2, $0.0e+00;
	v0 =	vadd.f32 v0, v10  }
0x47: {  	v2 =	vld [tilespmem:s26+$0x1EA50];
	[tilespmem:s24+$0x1D650] =	vst v6;
	v6 =	vmax.f32 v1, $0.0e+00  }
0x48: {  	v1 =	vld [tilespmem:s26+$0x1EA60];
	[tilespmem:s24+$0x1D660] =	vst v6;
	v6 =	vmax.f32 v0, $0.0e+00  }
0x49: {  	v0 =	vld [tilespmem:s26+$0x1EA70];
	[tilespmem:s24+$0x1D670] =	vst v6;
	s24 =	smov.u32 s26  }
0x4a: {  	v6 =	vld [tilespmem:s24+$0x1D600]  }
0x4b: {  	v11 =	vld [tilespmem:s24+$0x1D610]  }
.Ltmp0:
0x4c: {  	v10 =	vld [tilespmem:s24+$0x1D620];
	(pc) =	sbr.rel @p1 .LBB2_3-.Ltmp0, $4  }
0x4d: {  	v9 =	vld [tilespmem:s24+$0x1D630]  }
0x4e: {  	v8 =	vld [tilespmem:s24+$0x1D640]  }
0x4f: {  	v12 =	vadd.f32 v13, v6;
	v7 =	vld [tilespmem:s24+$0x1D650]  }
0x50: {  	s25 =	sadd.s32 $0x200, s25;
	v11 =	vadd.f32 v14, v11;
	v6 =	vld [tilespmem:s24+$0x1D660]  }
0x51: {  	v12 =	vmax.f32 v12, $0.0e+00;
	v5 =	vadd.f32 v5, v10;
	v63 =	vld [tilespmem:s24+$0x1D670]  }
0x52: {  	[tilespmem:s24+$0x1D600] =	vst v12;
	v11 =	vmax.f32 v11, $0.0e+00;
	v4 =	vadd.f32 v4, v9  }
0x53: {  	[tilespmem:s24+$0x1D610] =	vst v11;
	v5 =	vmax.f32 v5, $0.0e+00;
	v3 =	vadd.f32 v3, v8  }
0x54: {  	[tilespmem:s24+$0x1D620] =	vst v5;
	v4 =	vmax.f32 v4, $0.0e+00;
	v2 =	vadd.f32 v2, v7  }
0x55: {  	[tilespmem:s24+$0x1D630] =	vst v4;
	v3 =	vmax.f32 v3, $0.0e+00;
	v1 =	vadd.f32 v1, v6  }
0x56: {  	[tilespmem:s24+$0x1D640] =	vst v3;
	v2 =	vmax.f32 v2, $0.0e+00;
	v0 =	vadd.f32 v0, v63  }
0x57: {  	s23 =	sadd.s32 $0x1, s23;
	[tilespmem:s24+$0x1D650] =	vst v2;
	v1 =	vmax.f32 v1, $0.0e+00  }
0x58: {  	p1 =	sne.s32 s23, $0xFA;
	[tilespmem:s24+$0x1D660] =	vst v1;
	v0 =	vmax.f32 v0, $0.0e+00  }
.Ltmp1:
0x59: {  	[tilespmem:s24+$0x1D670] =	vst v0;
	(pc) =	sbr.rel @p1 .LBB2_2-.Ltmp1, $4  }
0x5a: {  	[spmem:s2] =	stream.indirect.scatter.add.f32 [tilespmem:s20], [sflag:$0x2], $0x80, s18, s19, $0xb8;
	[tilespmem:$0x1FE00] =	vst v63  }
0x5b: {  	_ =	swait.ge [sflag:s17], $0x1400  }
0x5c: {  	[sflag:s17] =	ssyncset.done $0x0  }
0x5d: {  	[sflag:s17] =	ssyncadd.s32 $0xFFFFEC00  }
0x5e: {  	[bflag:$0x0] =	sbarrier.arrive $0xFFFF;
	s23 =	simm.s32 @p0 $0x1FC2  }
0x5f: {  	[hbm:s11], [sflag:s23] =	dma.local @p0 [spmem:s13], $0x3500  }
0x60: {  	s23 =	simm.s32 @p0 $0x2  }
0x61: {  	s3 =	sadd.s32 $0x1, s3;
	_ =	swait.ge @p0 [sflag:s23], $0x3500  }
0x62: {  	p1 =	sne.s32 s3, s12;
	[sflag:s23] =	ssyncset.done @p0 $0x0  }
.Ltmp2:
0x63: {  	[sflag:s23] =	ssyncadd.s32 @p0 $0xFFFFCB00;
	s23 =	simm.s32 @!p0 $0x2;
	(pc) =	sbr.rel @p1 .LBB2_1-.Ltmp2, $4  }
0x64: {  	[hbm:s10], [sflag:s14] =	dma.local @!p0 [spmem:s15], $0x3B00  }
0x65: {  	_ =	swait.ge @!p0 [sflag:s23], $0x3B00  }
0x66: {  	[sflag:s23] =	ssyncset.done @!p0 $0x0  }
0x67: {  	[sflag:s23] =	ssyncadd.s32 @!p0 $0xFFFFC500  }
0x68: {  	_ =	sfence.sel $0x180000  }
0x69: {  	[bflag:$0x0] =	sbarrier.arrive $0xFFFF  }
0x6a: {  	p0 =	sne.s32 s4, $0x0;
	_ =	strace $0x90000047  }
0x6b: {  	s0 =	sadd.s32 @!p0 $0x100000, s0;
	[bflag:$0x2] =	sbarrier.arrive $0xFFFF  }
0x6c: {  	[sflag:s0] =	ssyncadd.tile.s32 @!p0 $0x1;
	_ =	shalt  }
.Lfunc_end2:
_tile_overlayer_lowered:
.L_overlay_start_2:
0x6d: {  	(tag) =	ssettag $0x2  }
0x6e: {  	s0 =	rddreg [dreg:$0x0];
	s2 =	stileid.u32  }
0x6f: {  	s1 =	rddreg [dreg:$0x1];
	p0 =	sne.s32 s2, $0x0  }
0x70: {  	s3 =	rddreg [dreg:$0x2];
	[bflag:$0x3] =	sbarrier.arrive $0xFFFF;
	s2 =	simm.s32 @!p0 $0x1C02  }
0x71: {  	[timem:s3], [sflag:s2] =	dma.local @!p0 [hbm:s0], s1  }
0x72: {  	s0 =	simm.s32 @!p0 $0x2  }
0x73: {  	_ =	swait.ge @!p0 [sflag:s0], s1  }
0x74: {  	s1 =	ssub.s32 @!p0 $0x0, s1;
	[sflag:s0] =	ssyncset.done @!p0 $0x0  }
0x75: {  	[sflag:s0] =	ssyncadd.s32 @!p0 s1  }
0x76: {  	[bflag:$0x3] =	sbarrier.arrive $0xFFFF  }
0x77: {  	_ =	shalt  }

// kernel: kernel.23.cloned.1.call-start
scs
__scs_entry_jumppad:
0x0: {  	(pc) =	sbr.rel $0x88, $3  }
0x1: {  	(tag) =	ssettag $0x0;
	lr =	simm.s32 $0x1  }
0x2: {  	[smem:$0x3F8C] =	sst lr;
	_ =	strace $0xD0000000  }
0x3: {  	_ = 	snop  }
0x4: {  	_ = 	snop  }
0x5: {  	_ = 	snop  }
0x6: {  	_ = 	snop  }
0x7: {  	_ = 	snop  }
__scs_overlays_trampoline_lowered:
0x8: {  	[smem:$0x3F9B] =	sst s0  }
0x9: {  	[smem:$0x3F9C] =	sst s1  }
0xa: {  	[smem:$0x3F9D] =	sst s2  }
0xb: {  	[smem:$0x3F9E] =	sst s3  }
0xc: {  	[smem:$0x3F9F] =	sst s4  }
0xd: {  	[smem:$0x3FA0] =	sst s5  }
0xe: {  	[smem:$0x3FA1] =	sst s6  }
0xf: {  	[smem:$0x3FA2] =	sst s7  }
0x10: {  	[smem:$0x3FA3] =	sst s8  }
0x11: {  	[smem:$0x3FA4] =	sst s9;
	s0 =	simm.s32 @!p0 $0x0  }
0x12: {  	s1 =	sld [smem:$0x3F8A];
	s0 =	simm.s32 @p0 $0x1  }
0x13: {  	[smem:$0x3FA5] =	sst s0;
	s0 =	simm.s32 @!p1 $0x0  }
0x14: {  	s2 =	sld [smem:$0x3F89];
	s0 =	simm.s32 @p1 $0x1  }
0x15: {  	[smem:$0x3FA6] =	sst s0;
	s0 =	simm.s32 @!p2 $0x0  }
0x16: {  	s3 =	sld [smem:$0x3FDB];
	s0 =	simm.s32 @p2 $0x1  }
0x17: {  	s4 =	simm.s32 $0x1BF5;
	[smem:$0x3FA8] =	sst s0  }
0x18: {  	s0 =	sld [smem:$0x3F8B];
	_ =	swait.ge [sflag:s4], $0x0  }
0x19: {  	s7 =	sld [smem:$0x3F8C]  }
0x1a: {  	s8 =	sadd.s32 $0xFFFFE003, lr  }
0x1b: {  	s9 =	sadd.s32 $0xFFFFFEF7, lr;
	s5 =	simm.s32 $0xFFFFFFFF;
	p2 =	slt.u32 s8, $0xFFFFF086  }
0x1c: {  	p1 =	slt.u32 s9, $0xF7A;
	s5 =	simm.s32 @!p2 $0x0  }
0x1d: {  	s5 =	simm.s32 @p1 $0x1;
	p0 =	seq.s32 s7, s2  }
0x1e: {  	s7 =	smul.u32 @!p0 $0xF7A, s2;
	p2 =	seq.s32 @!p0 s5, $0x0  }
0x1f: {  	s9 =	smul.u32 $0xF7A, s1;
	s8 =	simm.s32 @!p0 $0x1BF5;
	p2 =	por !p2, p0  }
0x20: {  	[sflag:s8] =	ssyncset.s32 @!p0 $0xFFFFF086;
	s6 =	sadd.s32 @!p0 s3, s7;
	s7 =	simm.s32 @!p0 $0x108  }
0x21: {  	s3 =	sadd.s32 s3, s9;
	s6 =	sadd.s32 @!p0 $0x88, s6;
	s7 =	simm.s32 @p2 $0x1082  }
0x22: {  	[simem:s7], [sflag:s8] =	dma.local @!p0 [hbm:s6], $0xF7A  }
0x23: {  	s9 =	sor.u32 $0xD0000000, s2;
	s6 =	simm.s32 $0x108;
	_ =	swait.ge @!p0 [sflag:s8], $0x0  }
0x24: {  	s3 =	sadd.s32 $0x88, s3;
	s6 =	simm.s32 @!p1 $0x1082;
	[sflag:s4] =	ssyncset.s32 $0xFFFFF086  }
0x25: {  	[simem:s6], [sflag:s4] =	dma.local [hbm:s3], $0xF7A  }
0x26: {  	[smem:$0x3F8C] =	sst s1;
	(tag) =	ssettag s2;
	_ =	strace s9  }
0x27: {  	s1 =	sld [smem:$0x3F9C]  }
0x28: {  	s2 =	sld [smem:$0x3F9D]  }
0x29: {  	s4 =	sld [smem:$0x3F9F]  }
0x2a: {  	p0 =	seq.s32 s5, $0x0;
	s5 =	sld [smem:$0x3FA0]  }
0x2b: {  	s6 =	sld [smem:$0x3FA1]  }
0x2c: {  	s7 =	sld [smem:$0x3FA2]  }
0x2d: {  	s3 =	simm.s32 $0x108;
	s8 =	sld [smem:$0x3FA3]  }
0x2e: {  	s3 =	simm.s32 @!p0 $0x1082;
	s9 =	sld [smem:$0x3FA4]  }
0x2f: {  	lr =	sadd.s32 s0, s3;
	s0 =	sld [smem:$0x3F9B]  }
0x30: {  	s3 =	sld [smem:$0x3F9E]  }
0x31: {  	[smem:$0x3FA7] =	sst s10  }
0x32: {  	s10 =	sld [smem:$0x3FA5];
	_ =	sdelay $0x3  }
0x33: {  	p0 =	seq.s32 s10, $0x1;
	s10 =	sld [smem:$0x3FA7];
	_ =	sdelay $0x3  }
0x34: {  	[smem:$0x3FA7] =	sst s10  }
0x35: {  	s10 =	sld [smem:$0x3FA6];
	_ =	sdelay $0x3  }
0x36: {  	p1 =	seq.s32 s10, $0x1;
	s10 =	sld [smem:$0x3FA7];
	_ =	sdelay $0x3  }
0x37: {  	[smem:$0x3FA7] =	sst s10  }
0x38: {  	s10 =	sld [smem:$0x3FA8]  }
0x39: {  	_ = 	snop;
	(pc) =	sbr.ind lr, $3  }
0x3a: {  	_ = 	snop  }
0x3b: {  	_ = 	snop  }
0x3c: {  	p2 =	seq.s32 s10, $0x1;
	s10 =	sld [smem:$0x3FA7]  }
0x3d: {  	_ =	shalt  }
0x3e: {  	_ =	shalt  }
0x3f: {  	_ =	shalt  }
0x40: {  	_ =	shalt  }
0x41: {  	_ =	shalt  }
0x42: {  	_ =	shalt  }
0x43: {  	_ =	shalt  }
0x44: {  	_ =	shalt  }
0x45: {  	_ =	shalt  }
0x46: {  	_ =	shalt  }
0x47: {  	_ =	shalt  }
0x48: {  	_ =	shalt  }
0x49: {  	_ =	shalt  }
0x4a: {  	_ =	shalt  }
0x4b: {  	_ =	shalt  }
0x4c: {  	_ =	shalt  }
0x4d: {  	_ =	shalt  }
0x4e: {  	_ =	shalt  }
0x4f: {  	_ =	shalt  }
0x50: {  	_ =	shalt  }
0x51: {  	_ =	shalt  }
0x52: {  	_ =	shalt  }
0x53: {  	_ =	shalt  }
0x54: {  	_ =	shalt  }
0x55: {  	_ =	shalt  }
0x56: {  	_ =	shalt  }
0x57: {  	_ =	shalt  }
0x58: {  	_ =	shalt  }
0x59: {  	_ =	shalt  }
0x5a: {  	_ =	shalt  }
0x5b: {  	_ =	shalt  }
0x5c: {  	_ =	shalt  }
0x5d: {  	_ =	shalt  }
0x5e: {  	_ =	shalt  }
0x5f: {  	_ =	shalt  }
0x60: {  	_ =	shalt  }
0x61: {  	_ =	shalt  }
0x62: {  	_ =	shalt  }
0x63: {  	_ =	shalt  }
0x64: {  	_ =	shalt  }
0x65: {  	_ =	shalt  }
0x66: {  	_ =	shalt  }
0x67: {  	_ =	shalt  }
0x68: {  	_ =	shalt  }
0x69: {  	_ =	shalt  }
0x6a: {  	_ =	shalt  }
0x6b: {  	_ =	shalt  }
0x6c: {  	_ =	shalt  }
0x6d: {  	_ =	shalt  }
0x6e: {  	_ =	shalt  }
0x6f: {  	_ =	shalt  }
0x70: {  	_ =	shalt  }
0x71: {  	_ =	shalt  }
0x72: {  	_ =	shalt  }
0x73: {  	_ =	shalt  }
0x74: {  	_ =	shalt  }
0x75: {  	_ =	shalt  }
0x76: {  	_ =	shalt  }
0x77: {  	_ =	shalt  }
0x78: {  	_ =	shalt  }
0x79: {  	_ =	shalt  }
0x7a: {  	_ =	shalt  }
0x7b: {  	_ =	shalt  }
0x7c: {  	_ =	shalt  }
0x7d: {  	_ =	shalt  }
0x7e: {  	_ =	shalt  }
0x7f: {  	_ =	shalt  }
0x80: {  	_ =	shalt  }
0x81: {  	_ =	shalt  }
0x82: {  	_ =	shalt  }
0x83: {  	_ =	shalt  }
0x84: {  	_ =	shalt  }
0x85: {  	_ =	shalt  }
0x86: {  	_ =	shalt  }
0x87: {  	_ =	shalt  }
.Lfunc_end0:
.L_simem_size_0:
called_computation.1_lowered:
.L_overlay_start_0:
0x88: {  	s2 =	sld [smem:$0x3FD9]  }
0x89: {  	s3 =	sld [smem:$0x3FFE];
	_ =	sdelay $0x1  }
0x8a: {  	s1 =	srdreg.scid  }
0x8b: {  	s0 =	sand.u32 $0x1, s1  }
0x8c: {  	s17 =	sshll.u32 s0, $0xA;
	s2 =	sadd.s32 s3, s2  }
0x8d: {  	s2 =	sadd.s32 s2, s17  }
0x8e: {  	[smem:$0x3FB3] =	sst s2  }
0x8f: {  	_ = 	snop  }
0x90: {  	s2 =	sld [smem:$0x3FD0];
	(tm) =	ssettm $0x1  }
0x91: {  	s18 =	sld [smem:$0x3FFB];
	_ =	sdelay $0x3  }
0x92: {  	_ =	strace s18  }
0x93: {  	s3 =	sld [smem:$0x3FFC];
	_ =	sdelay $0x3  }
0x94: {  	_ =	strace s3  }
0x95: {  	s3 =	sld [smem:$0x3FFD];
	_ =	sdelay $0x3  }
0x96: {  	_ =	strace s3  }
0x97: {  	_ =	strace $0x8FFFFFFF  }
0x98: {  	s19 =	sld [smem:$0x3FDB];
	_ =	sdelay $0x1  }
0x99: {  	s4 =	simm.s32 $_scs_section_size  }
0x9a: {  	s5 =	simm.s32 $_size__tile_overlayer_lowered;
	s6 =	simm.s32 $_tile_overlayer_lowered  }
0x9b: {  	s22 =	simm.s32 $0x1BFF;
	s21 =	sshll.u32 s6, $0x1;
	s3 =	sadd.s32 s4, s19  }
0x9c: {  	s7 =	simm.s32 $0x0;
	s20 =	sshll.u32 s5, $0x1;
	s5 =	sadd.s32 s21, s3  }
0x9d: {  	[timem:s7], [sflag:s22] =	dma.local [hbm:s5], s20  }
0x9e: {  	_ =	swait.ge [sflag:s22], s20  }
0x9f: {  	s4 =	ssub.s32 $0x0, s20;
	[sflag:s22] =	ssyncset.done $0x0  }
0xa0: {  	[sflag:s22] =	ssyncadd.s32 s4;
	_ =	sdelay $0x1  }
0xa1: {  	s23 =	simm.s32 $0x1B8B  }
0xa2: {  	_ =	swait.ge [sflag:s23], $0x1  }
0xa3: {  	[sflag:s23] =	ssyncset.done $0x0  }
0xa4: {  	s25 =	simm.s32 $0x1B8E;
	s24 =	sld [smem:$0x3FFE];
	[sflag:s23] =	ssyncadd.s32 $0xFFFFFFFF  }
0xa5: {  	s26 =	simm.s32 $execute0_lowered;
	[smem:$0x3FD2] =	sst s25  }
0xa6: {  	s5 =	sshll.u32 s26, $0x1;
	_ =	strace $0x80000049;
	[dreg:$0x1] =	wrdreg $0xFFFFFFFF  }
0xa7: {  	s28 =	simm.s32 $_size_execute0_lowered;
	s3 =	sadd.s32 s3, s5;
	[dreg:$0x0] =	wrdreg $0x0  }
0xa8: {  	s5 =	sshll.u32 s28, $0x1;
	[dreg:$0x2] =	wrdreg s3  }
0xa9: {  	[dreg:$0x3] =	wrdreg s5  }
0xaa: {  	[dreg:$0x4] =	wrdreg $0xC0  }
0xab: {  	_ =	task [dreg:s7], $0x5FFFF  }
0xac: {  	[dreg:$0x1] =	wrdreg $0xFFFFFFFF  }
0xad: {  	[dreg:$0x0] =	wrdreg $0x60  }
0xae: {  	[dreg:$0x2] =	wrdreg s2  }
0xaf: {  	[dreg:$0x3] =	wrdreg s24  }
0xb0: {  	[dreg:$0x4] =	wrdreg $0x0  }
0xb1: {  	[dreg:$0x5] =	wrdreg $0x9  }
0xb2: {  	_ =	task.clear_ibuf [dreg:s7], $0x6FFFF;
	_ =	strace $0x90000049  }
0xb3: {  	s29 =	simm.s32 $0x9;
	_ =	strace $0x8000004B  }
0xb4: {  	_ =	swait.ge [sflag:s29], $0x1  }
0xb5: {  	[sflag:s29] =	ssyncadd.s32 $0xFFFFFFFF  }
0xb6: {  	_ =	strace $0x9000004B  }
0xb7: {  	_ =	sfence  }
0xb8: {  	s30 =	sld [smem:$0x0];
	_ =	sdelay $0x2  }
0xb9: {  	s31 =	sshll.u32 s1, $0xD;
	s1 =	sshrl.u32 s1, $0x2  }
0xba: {  	s3 =	sand.u32 $0x4000, s31;
	s1 =	sadd.s32 s1, s30  }
0xbb: {  	s0 =	sor.u32 s3, s0;
	s1 =	sshll.u32 s1, $0x11  }
0xbc: {  	s0 =	sor.u32 s1, s0  }
0xbd: {  	s0 =	sadd.s32 $0x8F2B, s0  }
0xbe: {  	[sflag:s0] =	ssyncadd.remote.s32 $0x1  }
0xbf: {  	_ =	sfence.sel $0xFFFF  }
0xc0: {  	[dreg:$0x0] =	wrdreg $0xFFFFFFFF;
	(pc) =	sbr.abs _section_cstart, $3  }
0xc1: {  	[dreg:$0x1] =	wrdreg $0xFFFFFFFF  }
0xc2: {  	_ =	task.clear_ibuf [dreg:s7], $0x2FFFF;
	_ =	strace $0x9FFFFFFF  }
0xc3: {  	(tm) =	ssettm $0x7FFFFFFF  }
tec
execute0_lowered:
.L_overlay_start_1:
0x0: {  	(tag) =	ssettag $0x1  }
0x1: {  	s0 =	rddreg [dreg:$0x0]  }
0x2: {  	s6 =	rddreg [dreg:$0x1];
	s1 =	srdreg.scid  }
0x3: {  	s3 =	rddreg [dreg:$0x2];
	s2 =	stileid.u32  }
0x4: {  	s4 =	simm.s32 $0x0;
	s14 =	simm.s32 $0x1D500;
	s15 =	simm.s32 $0x2  }
0x5: {  	s16 =	simm.s32 $0x1D580;
	s17 =	simm.s32 $0x28;
	s18 =	simm.s32 $0x1D600  }
0x6: {  	s19 =	simm.s32 $0x1;
	s20 =	simm.s32 $0x0;
	s8 =	smul.u32 $0x1388, s2  }
0x7: {  	s5 =	sand.u32 $0x1, s1;
	s1 =	rddreg [dreg:$0x3];
	s25 =	smul.u32 $0x76000, s2  }
0x8: {  	[smem:$0x7FF] =	sst s4;
	s12 =	smul.u32 $0x1D800, s2;
	p0 =	seq.s32 s2, $0xF  }
0x9: {  	s7 =	smul.u32 $0x13880, s5;
	_ =	strace $0x8000004A;
	s9 =	ssub.s32 $0x2, s5  }
0xa: {  	s10 =	smul.u32 $0x1D5000, s5;
	s5 =	sadd.s32 $0xA1B000, s6;
	s26 =	sshrl.u32 s9, $0x1  }
0xb: {  	s28 =	sshrl.u32 s25, $0x2;
	s7 =	sadd.s32 s8, s7;
	s9 =	ssub.s32 s9, s26  }
0xc: {  	s29 =	sadd.s32 s12, s10;
	s10 =	sshrl.u32 s10, $0x3;
	s13 =	sadd.s32 s28, s3  }
0xd: {  	s12 =	sadd.s32 $0x1BA800, s3;
	s7 =	sshrl.u32 s7, $0x3;
	s30 =	sshrl.u32 s29, $0x3  }
0xe: {  	s8 =	smax.u32 s9, $0x1;
	s11 =	sadd.s32 s7, s6;
	s6 =	sadd.s32 $0xA1EC00, s6  }
0xf: {  	s13 =	sshrl.u32 @!p0 s13, $0x3;
	s31 =	sadd.s32 s6, s10;
	s9 =	sadd.s32 $0xA98E00, s11  }
0x10: {  	s10 =	sadd.s32 $0xA9DE00, s11;
	s11 =	sshrl.u32 @p0 s12, $0x3;
	s12 =	sshll.u32 @!p0 s2, $0x6  }
0x11: {  	s6 =	sadd.s32 s6, s30;
	s7 =	sadd.s32 $0x37500, s31;
	s12 =	sor.u32 @!p0 $0x1C02, s12  }
.LBB2_1:
0x12: {  	s21 =	simm.s32 @p0 $0x1FC2  }
0x13: {  	[spmem:s11], [sflag:s21] =	dma.local @p0 [hbm:s5], $0x3500  }
0x14: {  	s21 =	simm.s32 @p0 $0x2  }
0x15: {  	_ =	swait.ge @p0 [sflag:s21], $0x3500  }
0x16: {  	[sflag:s21] =	ssyncset.done @p0 $0x0  }
0x17: {  	[sflag:s21] =	ssyncadd.s32 @p0 $0xFFFFCB00;
	s21 =	simm.s32 @!p0 $0x2  }
0x18: {  	[spmem:s13], [sflag:s12] =	dma.local @!p0 [hbm:s5], $0x3B00  }
0x19: {  	_ =	swait.ge @!p0 [sflag:s21], $0x3B00  }
0x1a: {  	[sflag:s21] =	ssyncset.done @!p0 $0x0  }
0x1b: {  	[sflag:s21] =	ssyncadd.s32 @!p0 $0xFFFFC500  }
0x1c: {  	s30 =	sadd.s32 $0x0, s10;
	[bflag:$0x0] =	sbarrier.arrive $0xFFFF  }
0x1d: {  	[tilespmem:s14], [sflag:$0x2] =	stream.linear.gather [hbm4b:s30+s4], $0x28, $0x38;
	[tilespmem:$0x1EA00] =	vst v63  }
0x1e: {  	_ =	swait.ge [sflag:s15], $0x28  }
0x1f: {  	[sflag:s15] =	ssyncset.done $0x0  }
0x20: {  	s31 =	sadd.s32 $0x0, s9;
	[sflag:s15] =	ssyncadd.s32 $0xFFFFFFD8  }
0x21: {  	[tilespmem:s16], [sflag:$0x2] =	stream.linear.gather [hbm4b:s31+s4], $0x28, $0x38;
	[tilespmem:$0x1EA00] =	vst v63  }
0x22: {  	_ =	swait.ge [sflag:s15], $0x28  }
0x23: {  	[sflag:s15] =	ssyncset.done $0x0  }
0x24: {  	[sflag:s15] =	ssyncadd.s32 $0xFFFFFFD8  }
0x25: {  	[tilespmem:s18], [sflag:$0x1] =	stream.indirect.gather [hbm4b:s0+s17], $0x80, s14, s17, $0xb8;
	[tilespmem:$0x1EA00] =	vst v63  }
0x26: {  	_ =	swait.ge [sflag:s19], $0x1400  }
0x27: {  	[sflag:s19] =	ssyncset.done $0x0  }
0x28: {  	[sflag:s19] =	ssyncadd.s32 $0xFFFFEC00  }
0x29: {  	[spmem:s3] =	stream.indirect.scatter.add.f32 [tilespmem:s18], [sflag:$0x2], $0x80, s16, s17, $0xb8;
	[tilespmem:$0x1EA00] =	vst v63  }
0x2a: {  	_ =	swait.ge [sflag:s15], $0x1400  }
0x2b: {  	s22 =	simm.s32 $0xA;
	s21 =	simm.s32 $0x5;
	[sflag:s15] =	ssyncset.done $0x0  }
.LBB2_2:
0x2c: {  	s23 =	sadd.s32 s21, s10  }
0x2d: {  	[sflag:s15] =	ssyncadd.s32 $0xFFFFEC00;
	s24 =	smov.u32 s22;
	s25 =	sadd.s32 $0x5, s22  }
0x2e: {  	[tilespmem:s14], [sflag:$0x2] =	stream.linear.gather [hbm4b:s23+s4], $0x28, $0x38;
	[tilespmem:$0x1EA00] =	vst v63  }
0x2f: {  	p1 =	sne.s32 s22, $0x26C;
	_ =	swait.ge [sflag:s15], $0x28  }
0x30: {  	[sflag:s15] =	ssyncset.done $0x0  }
0x31: {  	s22 =	sadd.s32 s21, s9;
	s21 =	smov.u32 s24;
	[sflag:s15] =	ssyncadd.s32 $0xFFFFFFD8  }
0x32: {  	[tilespmem:s16], [sflag:$0x2] =	stream.linear.gather [hbm4b:s22+s4], $0x28, $0x38;
	[tilespmem:$0x1EA00] =	vst v63  }
0x33: {  	_ =	swait.ge [sflag:s15], $0x28  }
0x34: {  	[sflag:s15] =	ssyncset.done $0x0  }
0x35: {  	[sflag:s15] =	ssyncadd.s32 $0xFFFFFFD8  }
0x36: {  	[tilespmem:s18], [sflag:$0x1] =	stream.indirect.gather [hbm4b:s0+s17], $0x80, s14, s17, $0xb8;
	[tilespmem:$0x1EA00] =	vst v63  }
0x37: {  	_ =	swait.ge [sflag:s19], $0x1400  }
.Ltmp0:
0x38: {  	[sflag:s19] =	ssyncset.done $0x0;
	(pc) =	sbr.rel @p1 .LBB2_2-.Ltmp0, $4  }
0x39: {  	[sflag:s19] =	ssyncadd.s32 $0xFFFFEC00  }
0x3a: {  	[spmem:s3] =	stream.indirect.scatter.add.f32 [tilespmem:s18], [sflag:$0x2], $0x80, s16, s17, $0xb8;
	[tilespmem:$0x1EA00] =	vst v63  }
0x3b: {  	_ =	swait.ge [sflag:s15], $0x1400  }
0x3c: {  	s22 =	smov.u32 s25;
	[sflag:s15] =	ssyncset.done $0x0  }
0x3d: {  	s22 =	sadd.s32 s21, s10;
	[sflag:s15] =	ssyncadd.s32 $0xFFFFEC00  }
0x3e: {  	[tilespmem:s14], [sflag:$0x2] =	stream.linear.gather [hbm4b:s22+s4], $0x28, $0x38;
	[tilespmem:$0x1EA00] =	vst v63  }
0x3f: {  	_ =	swait.ge [sflag:s15], $0x28  }
0x40: {  	[sflag:s15] =	ssyncset.done $0x0  }
0x41: {  	s31 =	sadd.s32 s21, s9;
	[sflag:s15] =	ssyncadd.s32 $0xFFFFFFD8  }
0x42: {  	[tilespmem:s16], [sflag:$0x2] =	stream.linear.gather [hbm4b:s31+s4], $0x28, $0x38;
	[tilespmem:$0x1EA00] =	vst v63  }
0x43: {  	_ =	swait.ge [sflag:s15], $0x28  }
0x44: {  	[sflag:s15] =	ssyncset.done $0x0  }
0x45: {  	[sflag:s15] =	ssyncadd.s32 $0xFFFFFFD8  }
0x46: {  	[tilespmem:s18], [sflag:$0x1] =	stream.indirect.gather [hbm4b:s0+s17], $0x80, s14, s17, $0xb8;
	[tilespmem:$0x1EA00] =	vst v63  }
0x47: {  	_ =	swait.ge [sflag:s19], $0x1400  }
0x48: {  	[sflag:s19] =	ssyncset.done $0x0  }
0x49: {  	[sflag:s19] =	ssyncadd.s32 $0xFFFFEC00  }
0x4a: {  	[spmem:s3] =	stream.indirect.scatter.add.f32 [tilespmem:s18], [sflag:$0x2], $0x80, s16, s17, $0xb8;
	[tilespmem:$0x1EA00] =	vst v63  }
0x4b: {  	_ =	swait.ge [sflag:s15], $0x1400  }
0x4c: {  	[sflag:s15] =	ssyncset.done $0x0  }
0x4d: {  	[sflag:s15] =	ssyncadd.s32 $0xFFFFEC00  }
0x4e: {  	s21 =	simm.s32 @p0 $0x1FC2;
	[bflag:$0x0] =	sbarrier.arrive $0xFFFF  }
0x4f: {  	[hbm:s7], [sflag:s21] =	dma.local @p0 [spmem:s11], $0x3500  }
0x50: {  	s21 =	simm.s32 @p0 $0x2  }
0x51: {  	s20 =	sadd.s32 $0x1, s20;
	_ =	swait.ge @p0 [sflag:s21], $0x3500  }
0x52: {  	p1 =	sne.s32 s20, s8;
	[sflag:s21] =	ssyncset.done @p0 $0x0  }
.Ltmp1:
0x53: {  	[sflag:s21] =	ssyncadd.s32 @p0 $0xFFFFCB00;
	s21 =	simm.s32 @!p0 $0x2;
	(pc) =	sbr.rel @p1 .LBB2_1-.Ltmp1, $4  }
0x54: {  	[hbm:s6], [sflag:s12] =	dma.local @!p0 [spmem:s13], $0x3B00  }
0x55: {  	_ =	swait.ge @!p0 [sflag:s21], $0x3B00  }
0x56: {  	[sflag:s21] =	ssyncset.done @!p0 $0x0  }
0x57: {  	[sflag:s21] =	ssyncadd.s32 @!p0 $0xFFFFC500  }
0x58: {  	_ =	sfence.sel $0x180000  }
0x59: {  	[bflag:$0x0] =	sbarrier.arrive $0xFFFF  }
0x5a: {  	p0 =	sne.s32 s2, $0x0;
	_ =	strace $0x9000004A  }
0x5b: {  	s0 =	sadd.s32 @!p0 $0x100000, s1;
	[bflag:$0x2] =	sbarrier.arrive $0xFFFF  }
0x5c: {  	[sflag:s0] =	ssyncadd.tile.s32 @!p0 $0x1;
	_ =	shalt  }
.Lfunc_end2:
_tile_overlayer_lowered:
.L_overlay_start_2:
0x5d: {  	(tag) =	ssettag $0x2  }
0x5e: {  	s0 =	rddreg [dreg:$0x0];
	s2 =	stileid.u32  }
0x5f: {  	s1 =	rddreg [dreg:$0x1];
	p0 =	sne.s32 s2, $0x0  }
0x60: {  	s3 =	rddreg [dreg:$0x2];
	[bflag:$0x3] =	sbarrier.arrive $0xFFFF;
	s2 =	simm.s32 @!p0 $0x1C02  }
0x61: {  	[timem:s3], [sflag:s2] =	dma.local @!p0 [hbm:s0], s1  }
0x62: {  	s0 =	simm.s32 @!p0 $0x2  }
0x63: {  	_ =	swait.ge @!p0 [sflag:s0], s1  }
0x64: {  	s1 =	ssub.s32 @!p0 $0x0, s1;
	[sflag:s0] =	ssyncset.done @!p0 $0x0  }
0x65: {  	[sflag:s0] =	ssyncadd.s32 @!p0 s1  }
0x66: {  	[bflag:$0x3] =	sbarrier.arrive $0xFFFF  }
0x67: {  	_ =	shalt  }

// kernel: kernel.26.cloned.1.call-start
scs
__scs_entry_jumppad:
0x0: {  	(pc) =	sbr.rel $0x88, $3  }
0x1: {  	(tag) =	ssettag $0x0;
	lr =	simm.s32 $0x1  }
0x2: {  	[smem:$0x3F8C] =	sst lr;
	_ =	strace $0xD0000000  }
0x3: {  	_ = 	snop  }
0x4: {  	_ = 	snop  }
0x5: {  	_ = 	snop  }
0x6: {  	_ = 	snop  }
0x7: {  	_ = 	snop  }
__scs_overlays_trampoline_lowered:
0x8: {  	[smem:$0x3F9B] =	sst s0  }
0x9: {  	[smem:$0x3F9C] =	sst s1  }
0xa: {  	[smem:$0x3F9D] =	sst s2  }
0xb: {  	[smem:$0x3F9E] =	sst s3  }
0xc: {  	[smem:$0x3F9F] =	sst s4  }
0xd: {  	[smem:$0x3FA0] =	sst s5  }
0xe: {  	[smem:$0x3FA1] =	sst s6  }
0xf: {  	[smem:$0x3FA2] =	sst s7  }
0x10: {  	[smem:$0x3FA3] =	sst s8  }
0x11: {  	[smem:$0x3FA4] =	sst s9;
	s0 =	simm.s32 @!p0 $0x0  }
0x12: {  	s1 =	sld [smem:$0x3F8A];
	s0 =	simm.s32 @p0 $0x1  }
0x13: {  	[smem:$0x3FA5] =	sst s0;
	s0 =	simm.s32 @!p1 $0x0  }
0x14: {  	s2 =	sld [smem:$0x3F89];
	s0 =	simm.s32 @p1 $0x1  }
0x15: {  	[smem:$0x3FA6] =	sst s0;
	s0 =	simm.s32 @!p2 $0x0  }
0x16: {  	s3 =	sld [smem:$0x3FDB];
	s0 =	simm.s32 @p2 $0x1  }
0x17: {  	s4 =	simm.s32 $0x1BF5;
	[smem:$0x3FA8] =	sst s0  }
0x18: {  	s0 =	sld [smem:$0x3F8B];
	_ =	swait.ge [sflag:s4], $0x0  }
0x19: {  	s7 =	sld [smem:$0x3F8C]  }
0x1a: {  	s8 =	sadd.s32 $0xFFFFE003, lr  }
0x1b: {  	s9 =	sadd.s32 $0xFFFFFEF7, lr;
	s5 =	simm.s32 $0xFFFFFFFF;
	p2 =	slt.u32 s8, $0xFFFFF086  }
0x1c: {  	p1 =	slt.u32 s9, $0xF7A;
	s5 =	simm.s32 @!p2 $0x0  }
0x1d: {  	s5 =	simm.s32 @p1 $0x1;
	p0 =	seq.s32 s7, s2  }
0x1e: {  	s7 =	smul.u32 @!p0 $0xF7A, s2;
	p2 =	seq.s32 @!p0 s5, $0x0  }
0x1f: {  	s9 =	smul.u32 $0xF7A, s1;
	s8 =	simm.s32 @!p0 $0x1BF5;
	p2 =	por !p2, p0  }
0x20: {  	[sflag:s8] =	ssyncset.s32 @!p0 $0xFFFFF086;
	s6 =	sadd.s32 @!p0 s3, s7;
	s7 =	simm.s32 @!p0 $0x108  }
0x21: {  	s3 =	sadd.s32 s3, s9;
	s6 =	sadd.s32 @!p0 $0x88, s6;
	s7 =	simm.s32 @p2 $0x1082  }
0x22: {  	[simem:s7], [sflag:s8] =	dma.local @!p0 [hbm:s6], $0xF7A  }
0x23: {  	s9 =	sor.u32 $0xD0000000, s2;
	s6 =	simm.s32 $0x108;
	_ =	swait.ge @!p0 [sflag:s8], $0x0  }
0x24: {  	s3 =	sadd.s32 $0x88, s3;
	s6 =	simm.s32 @!p1 $0x1082;
	[sflag:s4] =	ssyncset.s32 $0xFFFFF086  }
0x25: {  	[simem:s6], [sflag:s4] =	dma.local [hbm:s3], $0xF7A  }
0x26: {  	[smem:$0x3F8C] =	sst s1;
	(tag) =	ssettag s2;
	_ =	strace s9  }
0x27: {  	s1 =	sld [smem:$0x3F9C]  }
0x28: {  	s2 =	sld [smem:$0x3F9D]  }
0x29: {  	s4 =	sld [smem:$0x3F9F]  }
0x2a: {  	p0 =	seq.s32 s5, $0x0;
	s5 =	sld [smem:$0x3FA0]  }
0x2b: {  	s6 =	sld [smem:$0x3FA1]  }
0x2c: {  	s7 =	sld [smem:$0x3FA2]  }
0x2d: {  	s3 =	simm.s32 $0x108;
	s8 =	sld [smem:$0x3FA3]  }
0x2e: {  	s3 =	simm.s32 @!p0 $0x1082;
	s9 =	sld [smem:$0x3FA4]  }
0x2f: {  	lr =	sadd.s32 s0, s3;
	s0 =	sld [smem:$0x3F9B]  }
0x30: {  	s3 =	sld [smem:$0x3F9E]  }
0x31: {  	[smem:$0x3FA7] =	sst s10  }
0x32: {  	s10 =	sld [smem:$0x3FA5];
	_ =	sdelay $0x3  }
0x33: {  	p0 =	seq.s32 s10, $0x1;
	s10 =	sld [smem:$0x3FA7];
	_ =	sdelay $0x3  }
0x34: {  	[smem:$0x3FA7] =	sst s10  }
0x35: {  	s10 =	sld [smem:$0x3FA6];
	_ =	sdelay $0x3  }
0x36: {  	p1 =	seq.s32 s10, $0x1;
	s10 =	sld [smem:$0x3FA7];
	_ =	sdelay $0x3  }
0x37: {  	[smem:$0x3FA7] =	sst s10  }
0x38: {  	s10 =	sld [smem:$0x3FA8]  }
0x39: {  	_ = 	snop;
	(pc) =	sbr.ind lr, $3  }
0x3a: {  	_ = 	snop  }
0x3b: {  	_ = 	snop  }
0x3c: {  	p2 =	seq.s32 s10, $0x1;
	s10 =	sld [smem:$0x3FA7]  }
0x3d: {  	_ =	shalt  }
0x3e: {  	_ =	shalt  }
0x3f: {  	_ =	shalt  }
0x40: {  	_ =	shalt  }
0x41: {  	_ =	shalt  }
0x42: {  	_ =	shalt  }
0x43: {  	_ =	shalt  }
0x44: {  	_ =	shalt  }
0x45: {  	_ =	shalt  }
0x46: {  	_ =	shalt  }
0x47: {  	_ =	shalt  }
0x48: {  	_ =	shalt  }
0x49: {  	_ =	shalt  }
0x4a: {  	_ =	shalt  }
0x4b: {  	_ =	shalt  }
0x4c: {  	_ =	shalt  }
0x4d: {  	_ =	shalt  }
0x4e: {  	_ =	shalt  }
0x4f: {  	_ =	shalt  }
0x50: {  	_ =	shalt  }
0x51: {  	_ =	shalt  }
0x52: {  	_ =	shalt  }
0x53: {  	_ =	shalt  }
0x54: {  	_ =	shalt  }
0x55: {  	_ =	shalt  }
0x56: {  	_ =	shalt  }
0x57: {  	_ =	shalt  }
0x58: {  	_ =	shalt  }
0x59: {  	_ =	shalt  }
0x5a: {  	_ =	shalt  }
0x5b: {  	_ =	shalt  }
0x5c: {  	_ =	shalt  }
0x5d: {  	_ =	shalt  }
0x5e: {  	_ =	shalt  }
0x5f: {  	_ =	shalt  }
0x60: {  	_ =	shalt  }
0x61: {  	_ =	shalt  }
0x62: {  	_ =	shalt  }
0x63: {  	_ =	shalt  }
0x64: {  	_ =	shalt  }
0x65: {  	_ =	shalt  }
0x66: {  	_ =	shalt  }
0x67: {  	_ =	shalt  }
0x68: {  	_ =	shalt  }
0x69: {  	_ =	shalt  }
0x6a: {  	_ =	shalt  }
0x6b: {  	_ =	shalt  }
0x6c: {  	_ =	shalt  }
0x6d: {  	_ =	shalt  }
0x6e: {  	_ =	shalt  }
0x6f: {  	_ =	shalt  }
0x70: {  	_ =	shalt  }
0x71: {  	_ =	shalt  }
0x72: {  	_ =	shalt  }
0x73: {  	_ =	shalt  }
0x74: {  	_ =	shalt  }
0x75: {  	_ =	shalt  }
0x76: {  	_ =	shalt  }
0x77: {  	_ =	shalt  }
0x78: {  	_ =	shalt  }
0x79: {  	_ =	shalt  }
0x7a: {  	_ =	shalt  }
0x7b: {  	_ =	shalt  }
0x7c: {  	_ =	shalt  }
0x7d: {  	_ =	shalt  }
0x7e: {  	_ =	shalt  }
0x7f: {  	_ =	shalt  }
0x80: {  	_ =	shalt  }
0x81: {  	_ =	shalt  }
0x82: {  	_ =	shalt  }
0x83: {  	_ =	shalt  }
0x84: {  	_ =	shalt  }
0x85: {  	_ =	shalt  }
0x86: {  	_ =	shalt  }
0x87: {  	_ =	shalt  }
.Lfunc_end0:
.L_simem_size_0:
called_computation.2_lowered:
.L_overlay_start_0:
0x88: {  	s2 =	sld [smem:$0x3FD9]  }
0x89: {  	s3 =	sld [smem:$0x3FFE];
	_ =	sdelay $0x1  }
0x8a: {  	s1 =	srdreg.scid  }
0x8b: {  	s0 =	sand.u32 $0x1, s1  }
0x8c: {  	s17 =	sshll.u32 s0, $0xA;
	s2 =	sadd.s32 s3, s2  }
0x8d: {  	s2 =	sadd.s32 s2, s17  }
0x8e: {  	[smem:$0x3FB3] =	sst s2  }
0x8f: {  	_ = 	snop  }
0x90: {  	s2 =	sld [smem:$0x3FD0];
	(tm) =	ssettm $0x1  }
0x91: {  	s18 =	sld [smem:$0x3FFB];
	_ =	sdelay $0x3  }
0x92: {  	_ =	strace s18  }
0x93: {  	s3 =	sld [smem:$0x3FFC];
	_ =	sdelay $0x3  }
0x94: {  	_ =	strace s3  }
0x95: {  	s3 =	sld [smem:$0x3FFD];
	_ =	sdelay $0x3  }
0x96: {  	_ =	strace s3  }
0x97: {  	_ =	strace $0x8FFFFFFF  }
0x98: {  	s19 =	sld [smem:$0x3FDB];
	_ =	sdelay $0x1  }
0x99: {  	s4 =	simm.s32 $_scs_section_size  }
0x9a: {  	s5 =	simm.s32 $_size__tile_overlayer_lowered;
	s6 =	simm.s32 $_tile_overlayer_lowered  }
0x9b: {  	s22 =	simm.s32 $0x1BFF;
	s21 =	sshll.u32 s6, $0x1;
	s3 =	sadd.s32 s4, s19  }
0x9c: {  	s7 =	simm.s32 $0x0;
	s20 =	sshll.u32 s5, $0x1;
	s5 =	sadd.s32 s21, s3  }
0x9d: {  	[timem:s7], [sflag:s22] =	dma.local [hbm:s5], s20  }
0x9e: {  	_ =	swait.ge [sflag:s22], s20  }
0x9f: {  	s4 =	ssub.s32 $0x0, s20;
	[sflag:s22] =	ssyncset.done $0x0  }
0xa0: {  	[sflag:s22] =	ssyncadd.s32 s4;
	_ =	sdelay $0x1  }
0xa1: {  	s23 =	simm.s32 $0x1B8B  }
0xa2: {  	_ =	swait.ge [sflag:s23], $0x1  }
0xa3: {  	[sflag:s23] =	ssyncset.done $0x0  }
0xa4: {  	s25 =	simm.s32 $0x1B8E;
	s24 =	sld [smem:$0x3FFE];
	[sflag:s23] =	ssyncadd.s32 $0xFFFFFFFF  }
0xa5: {  	s26 =	simm.s32 $execute0_lowered;
	[smem:$0x3FD2] =	sst s25  }
0xa6: {  	s5 =	sshll.u32 s26, $0x1;
	_ =	strace $0x8000004C;
	[dreg:$0x1] =	wrdreg $0xFFFFFFFF  }
0xa7: {  	s28 =	simm.s32 $_size_execute0_lowered;
	s3 =	sadd.s32 s3, s5;
	[dreg:$0x0] =	wrdreg $0x0  }
0xa8: {  	s5 =	sshll.u32 s28, $0x1;
	[dreg:$0x2] =	wrdreg s3  }
0xa9: {  	[dreg:$0x3] =	wrdreg s5  }
0xaa: {  	[dreg:$0x4] =	wrdreg $0xC0  }
0xab: {  	_ =	task [dreg:s7], $0x5FFFF  }
0xac: {  	[dreg:$0x1] =	wrdreg $0xFFFFFFFF  }
0xad: {  	[dreg:$0x0] =	wrdreg $0x60  }
0xae: {  	[dreg:$0x2] =	wrdreg s2  }
0xaf: {  	[dreg:$0x3] =	wrdreg s24  }
0xb0: {  	[dreg:$0x4] =	wrdreg $0x0  }
0xb1: {  	[dreg:$0x5] =	wrdreg $0x9  }
0xb2: {  	_ =	task.clear_ibuf [dreg:s7], $0x6FFFF;
	_ =	strace $0x9000004C  }
0xb3: {  	s29 =	simm.s32 $0x9;
	_ =	strace $0x8000004E  }
0xb4: {  	_ =	swait.ge [sflag:s29], $0x1  }
0xb5: {  	[sflag:s29] =	ssyncadd.s32 $0xFFFFFFFF  }
0xb6: {  	_ =	strace $0x9000004E  }
0xb7: {  	_ =	sfence  }
0xb8: {  	s30 =	sld [smem:$0x0];
	_ =	sdelay $0x2  }
0xb9: {  	s31 =	sshll.u32 s1, $0xD;
	s1 =	sshrl.u32 s1, $0x2  }
0xba: {  	s3 =	sand.u32 $0x4000, s31;
	s1 =	sadd.s32 s1, s30  }
0xbb: {  	s0 =	sor.u32 s3, s0;
	s1 =	sshll.u32 s1, $0x11  }
0xbc: {  	s0 =	sor.u32 s1, s0  }
0xbd: {  	s0 =	sadd.s32 $0x8F2B, s0  }
0xbe: {  	[sflag:s0] =	ssyncadd.remote.s32 $0x1  }
0xbf: {  	_ =	sfence.sel $0xFFFF  }
0xc0: {  	[dreg:$0x0] =	wrdreg $0xFFFFFFFF;
	(pc) =	sbr.abs _section_cstart, $3  }
0xc1: {  	[dreg:$0x1] =	wrdreg $0xFFFFFFFF  }
0xc2: {  	_ =	task.clear_ibuf [dreg:s7], $0x2FFFF;
	_ =	strace $0x9FFFFFFF  }
0xc3: {  	(tm) =	ssettm $0x7FFFFFFF  }
tec
execute0_lowered:
.L_overlay_start_1:
0x0: {  	(tag) =	ssettag $0x1  }
0x1: {  	s0 =	rddreg [dreg:$0x0]  }
0x2: {  	s6 =	rddreg [dreg:$0x1];
	s1 =	srdreg.scid  }
0x3: {  	s3 =	rddreg [dreg:$0x2];
	s2 =	stileid.u32  }
0x4: {  	s4 =	simm.s32 $0x0;
	s14 =	simm.s32 $0x1D500;
	s15 =	simm.s32 $0x2  }
0x5: {  	s16 =	simm.s32 $0x1D580;
	s17 =	simm.s32 $0x28;
	s18 =	simm.s32 $0x1D600  }
0x6: {  	s19 =	simm.s32 $0x1;
	s20 =	simm.s32 $0x0;
	s8 =	smul.u32 $0x1388, s2  }
0x7: {  	s5 =	sand.u32 $0x1, s1;
	s1 =	rddreg [dreg:$0x3];
	s25 =	smul.u32 $0x76000, s2  }
0x8: {  	[smem:$0x7FF] =	sst s4;
	s12 =	smul.u32 $0x1D800, s2;
	p0 =	seq.s32 s2, $0xF  }
0x9: {  	s7 =	smul.u32 $0x13880, s5;
	_ =	strace $0x8000004D;
	s9 =	ssub.s32 $0x2, s5  }
0xa: {  	s10 =	smul.u32 $0x1D5000, s5;
	s5 =	sadd.s32 $0xA1B000, s6;
	s26 =	sshrl.u32 s9, $0x1  }
0xb: {  	s28 =	sshrl.u32 s25, $0x2;
	s7 =	sadd.s32 s8, s7;
	s9 =	ssub.s32 s9, s26  }
0xc: {  	s29 =	sadd.s32 s12, s10;
	s10 =	sshrl.u32 s10, $0x3;
	s13 =	sadd.s32 s28, s3  }
0xd: {  	s12 =	sadd.s32 $0x1BA800, s3;
	s7 =	sshrl.u32 s7, $0x3;
	s30 =	sshrl.u32 s29, $0x3  }
0xe: {  	s8 =	smax.u32 s9, $0x1;
	s11 =	sadd.s32 s7, s6;
	s6 =	sadd.s32 $0xA1EC00, s6  }
0xf: {  	s13 =	sshrl.u32 @!p0 s13, $0x3;
	s31 =	sadd.s32 s6, s10;
	s9 =	sadd.s32 $0xA9DE00, s11  }
0x10: {  	s10 =	sadd.s32 $0xA98E00, s11;
	s11 =	sshrl.u32 @p0 s12, $0x3;
	s12 =	sshll.u32 @!p0 s2, $0x6  }
0x11: {  	s6 =	sadd.s32 s6, s30;
	s7 =	sadd.s32 $0x37500, s31;
	s12 =	sor.u32 @!p0 $0x1C02, s12  }
.LBB2_1:
0x12: {  	s21 =	simm.s32 @p0 $0x1FC2  }
0x13: {  	[spmem:s11], [sflag:s21] =	dma.local @p0 [hbm:s5], $0x3500  }
0x14: {  	s21 =	simm.s32 @p0 $0x2  }
0x15: {  	_ =	swait.ge @p0 [sflag:s21], $0x3500  }
0x16: {  	[sflag:s21] =	ssyncset.done @p0 $0x0  }
0x17: {  	[sflag:s21] =	ssyncadd.s32 @p0 $0xFFFFCB00;
	s21 =	simm.s32 @!p0 $0x2  }
0x18: {  	[spmem:s13], [sflag:s12] =	dma.local @!p0 [hbm:s5], $0x3B00  }
0x19: {  	_ =	swait.ge @!p0 [sflag:s21], $0x3B00  }
0x1a: {  	[sflag:s21] =	ssyncset.done @!p0 $0x0  }
0x1b: {  	[sflag:s21] =	ssyncadd.s32 @!p0 $0xFFFFC500  }
0x1c: {  	s30 =	sadd.s32 $0x0, s10;
	[bflag:$0x0] =	sbarrier.arrive $0xFFFF  }
0x1d: {  	[tilespmem:s14], [sflag:$0x2] =	stream.linear.gather [hbm4b:s30+s4], $0x28, $0x38;
	[tilespmem:$0x1EA00] =	vst v63  }
0x1e: {  	_ =	swait.ge [sflag:s15], $0x28  }
0x1f: {  	[sflag:s15] =	ssyncset.done $0x0  }
0x20: {  	s31 =	sadd.s32 $0x0, s9;
	[sflag:s15] =	ssyncadd.s32 $0xFFFFFFD8  }
0x21: {  	[tilespmem:s16], [sflag:$0x2] =	stream.linear.gather [hbm4b:s31+s4], $0x28, $0x38;
	[tilespmem:$0x1EA00] =	vst v63  }
0x22: {  	_ =	swait.ge [sflag:s15], $0x28  }
0x23: {  	[sflag:s15] =	ssyncset.done $0x0  }
0x24: {  	[sflag:s15] =	ssyncadd.s32 $0xFFFFFFD8  }
0x25: {  	[tilespmem:s18], [sflag:$0x1] =	stream.indirect.gather [hbm4b:s0+s17], $0x80, s14, s17, $0xb8;
	[tilespmem:$0x1EA00] =	vst v63  }
0x26: {  	_ =	swait.ge [sflag:s19], $0x1400  }
0x27: {  	[sflag:s19] =	ssyncset.done $0x0  }
0x28: {  	[sflag:s19] =	ssyncadd.s32 $0xFFFFEC00  }
0x29: {  	[spmem:s3] =	stream.indirect.scatter.add.f32 [tilespmem:s18], [sflag:$0x2], $0x80, s16, s17, $0xb8;
	[tilespmem:$0x1EA00] =	vst v63  }
0x2a: {  	_ =	swait.ge [sflag:s15], $0x1400  }
0x2b: {  	s22 =	simm.s32 $0xA;
	s21 =	simm.s32 $0x5;
	[sflag:s15] =	ssyncset.done $0x0  }
.LBB2_2:
0x2c: {  	s23 =	sadd.s32 s21, s10  }
0x2d: {  	[sflag:s15] =	ssyncadd.s32 $0xFFFFEC00;
	s24 =	smov.u32 s22;
	s25 =	sadd.s32 $0x5, s22  }
0x2e: {  	[tilespmem:s14], [sflag:$0x2] =	stream.linear.gather [hbm4b:s23+s4], $0x28, $0x38;
	[tilespmem:$0x1EA00] =	vst v63  }
0x2f: {  	p1 =	sne.s32 s22, $0x26C;
	_ =	swait.ge [sflag:s15], $0x28  }
0x30: {  	[sflag:s15] =	ssyncset.done $0x0  }
0x31: {  	s22 =	sadd.s32 s21, s9;
	s21 =	smov.u32 s24;
	[sflag:s15] =	ssyncadd.s32 $0xFFFFFFD8  }
0x32: {  	[tilespmem:s16], [sflag:$0x2] =	stream.linear.gather [hbm4b:s22+s4], $0x28, $0x38;
	[tilespmem:$0x1EA00] =	vst v63  }
0x33: {  	_ =	swait.ge [sflag:s15], $0x28  }
0x34: {  	[sflag:s15] =	ssyncset.done $0x0  }
0x35: {  	[sflag:s15] =	ssyncadd.s32 $0xFFFFFFD8  }
0x36: {  	[tilespmem:s18], [sflag:$0x1] =	stream.indirect.gather [hbm4b:s0+s17], $0x80, s14, s17, $0xb8;
	[tilespmem:$0x1EA00] =	vst v63  }
0x37: {  	_ =	swait.ge [sflag:s19], $0x1400  }
.Ltmp0:
0x38: {  	[sflag:s19] =	ssyncset.done $0x0;
	(pc) =	sbr.rel @p1 .LBB2_2-.Ltmp0, $4  }
0x39: {  	[sflag:s19] =	ssyncadd.s32 $0xFFFFEC00  }
0x3a: {  	[spmem:s3] =	stream.indirect.scatter.add.f32 [tilespmem:s18], [sflag:$0x2], $0x80, s16, s17, $0xb8;
	[tilespmem:$0x1EA00] =	vst v63  }
0x3b: {  	_ =	swait.ge [sflag:s15], $0x1400  }
0x3c: {  	s22 =	smov.u32 s25;
	[sflag:s15] =	ssyncset.done $0x0  }
0x3d: {  	s22 =	sadd.s32 s21, s10;
	[sflag:s15] =	ssyncadd.s32 $0xFFFFEC00  }
0x3e: {  	[tilespmem:s14], [sflag:$0x2] =	stream.linear.gather [hbm4b:s22+s4], $0x28, $0x38;
	[tilespmem:$0x1EA00] =	vst v63  }
0x3f: {  	_ =	swait.ge [sflag:s15], $0x28  }
0x40: {  	[sflag:s15] =	ssyncset.done $0x0  }
0x41: {  	s31 =	sadd.s32 s21, s9;
	[sflag:s15] =	ssyncadd.s32 $0xFFFFFFD8  }
0x42: {  	[tilespmem:s16], [sflag:$0x2] =	stream.linear.gather [hbm4b:s31+s4], $0x28, $0x38;
	[tilespmem:$0x1EA00] =	vst v63  }
0x43: {  	_ =	swait.ge [sflag:s15], $0x28  }
0x44: {  	[sflag:s15] =	ssyncset.done $0x0  }
0x45: {  	[sflag:s15] =	ssyncadd.s32 $0xFFFFFFD8  }
0x46: {  	[tilespmem:s18], [sflag:$0x1] =	stream.indirect.gather [hbm4b:s0+s17], $0x80, s14, s17, $0xb8;
	[tilespmem:$0x1EA00] =	vst v63  }
0x47: {  	_ =	swait.ge [sflag:s19], $0x1400  }
0x48: {  	[sflag:s19] =	ssyncset.done $0x0  }
0x49: {  	[sflag:s19] =	ssyncadd.s32 $0xFFFFEC00  }
0x4a: {  	[spmem:s3] =	stream.indirect.scatter.add.f32 [tilespmem:s18], [sflag:$0x2], $0x80, s16, s17, $0xb8;
	[tilespmem:$0x1EA00] =	vst v63  }
0x4b: {  	_ =	swait.ge [sflag:s15], $0x1400  }
0x4c: {  	[sflag:s15] =	ssyncset.done $0x0  }
0x4d: {  	[sflag:s15] =	ssyncadd.s32 $0xFFFFEC00  }
0x4e: {  	s21 =	simm.s32 @p0 $0x1FC2;
	[bflag:$0x0] =	sbarrier.arrive $0xFFFF  }
0x4f: {  	[hbm:s7], [sflag:s21] =	dma.local @p0 [spmem:s11], $0x3500  }
0x50: {  	s21 =	simm.s32 @p0 $0x2  }
0x51: {  	s20 =	sadd.s32 $0x1, s20;
	_ =	swait.ge @p0 [sflag:s21], $0x3500  }
0x52: {  	p1 =	sne.s32 s20, s8;
	[sflag:s21] =	ssyncset.done @p0 $0x0  }
.Ltmp1:
0x53: {  	[sflag:s21] =	ssyncadd.s32 @p0 $0xFFFFCB00;
	s21 =	simm.s32 @!p0 $0x2;
	(pc) =	sbr.rel @p1 .LBB2_1-.Ltmp1, $4  }
0x54: {  	[hbm:s6], [sflag:s12] =	dma.local @!p0 [spmem:s13], $0x3B00  }
0x55: {  	_ =	swait.ge @!p0 [sflag:s21], $0x3B00  }
0x56: {  	[sflag:s21] =	ssyncset.done @!p0 $0x0  }
0x57: {  	[sflag:s21] =	ssyncadd.s32 @!p0 $0xFFFFC500  }
0x58: {  	_ =	sfence.sel $0x180000  }
0x59: {  	[bflag:$0x0] =	sbarrier.arrive $0xFFFF  }
0x5a: {  	p0 =	sne.s32 s2, $0x0;
	_ =	strace $0x9000004D  }
0x5b: {  	s0 =	sadd.s32 @!p0 $0x100000, s1;
	[bflag:$0x2] =	sbarrier.arrive $0xFFFF  }
0x5c: {  	[sflag:s0] =	ssyncadd.tile.s32 @!p0 $0x1;
	_ =	shalt  }
.Lfunc_end2:
_tile_overlayer_lowered:
.L_overlay_start_2:
0x5d: {  	(tag) =	ssettag $0x2  }
0x5e: {  	s0 =	rddreg [dreg:$0x0];
	s2 =	stileid.u32  }
0x5f: {  	s1 =	rddreg [dreg:$0x1];
	p0 =	sne.s32 s2, $0x0  }
0x60: {  	s3 =	rddreg [dreg:$0x2];
	[bflag:$0x3] =	sbarrier.arrive $0xFFFF;
	s2 =	simm.s32 @!p0 $0x1C02  }
0x61: {  	[timem:s3], [sflag:s2] =	dma.local @!p0 [hbm:s0], s1  }
0x62: {  	s0 =	simm.s32 @!p0 $0x2  }
0x63: {  	_ =	swait.ge @!p0 [sflag:s0], s1  }
0x64: {  	s1 =	ssub.s32 @!p0 $0x0, s1;
	[sflag:s0] =	ssyncset.done @!p0 $0x0  }
0x65: {  	[sflag:s0] =	ssyncadd.s32 @!p0 s1  }
0x66: {  	[bflag:$0x3] =	sbarrier.arrive $0xFFFF  }
0x67: {  	_ =	shalt  }

// kernel: kernel.29.cloned.1.call-start
scs
__scs_entry_jumppad:
0x0: {  	(pc) =	sbr.rel $0x88, $3  }
0x1: {  	(tag) =	ssettag $0x0;
	lr =	simm.s32 $0x1  }
0x2: {  	[smem:$0x3F8C] =	sst lr;
	_ =	strace $0xD0000000  }
0x3: {  	_ = 	snop  }
0x4: {  	_ = 	snop  }
0x5: {  	_ = 	snop  }
0x6: {  	_ = 	snop  }
0x7: {  	_ = 	snop  }
__scs_overlays_trampoline_lowered:
0x8: {  	[smem:$0x3F9B] =	sst s0  }
0x9: {  	[smem:$0x3F9C] =	sst s1  }
0xa: {  	[smem:$0x3F9D] =	sst s2  }
0xb: {  	[smem:$0x3F9E] =	sst s3  }
0xc: {  	[smem:$0x3F9F] =	sst s4  }
0xd: {  	[smem:$0x3FA0] =	sst s5  }
0xe: {  	[smem:$0x3FA1] =	sst s6  }
0xf: {  	[smem:$0x3FA2] =	sst s7  }
0x10: {  	[smem:$0x3FA3] =	sst s8  }
0x11: {  	[smem:$0x3FA4] =	sst s9;
	s0 =	simm.s32 @!p0 $0x0  }
0x12: {  	s1 =	sld [smem:$0x3F8A];
	s0 =	simm.s32 @p0 $0x1  }
0x13: {  	[smem:$0x3FA5] =	sst s0;
	s0 =	simm.s32 @!p1 $0x0  }
0x14: {  	s2 =	sld [smem:$0x3F89];
	s0 =	simm.s32 @p1 $0x1  }
0x15: {  	[smem:$0x3FA6] =	sst s0;
	s0 =	simm.s32 @!p2 $0x0  }
0x16: {  	s3 =	sld [smem:$0x3FDB];
	s0 =	simm.s32 @p2 $0x1  }
0x17: {  	s4 =	simm.s32 $0x1BF5;
	[smem:$0x3FA8] =	sst s0  }
0x18: {  	s0 =	sld [smem:$0x3F8B];
	_ =	swait.ge [sflag:s4], $0x0  }
0x19: {  	s7 =	sld [smem:$0x3F8C]  }
0x1a: {  	s8 =	sadd.s32 $0xFFFFE003, lr  }
0x1b: {  	s9 =	sadd.s32 $0xFFFFFEF7, lr;
	s5 =	simm.s32 $0xFFFFFFFF;
	p2 =	slt.u32 s8, $0xFFFFF086  }
0x1c: {  	p1 =	slt.u32 s9, $0xF7A;
	s5 =	simm.s32 @!p2 $0x0  }
0x1d: {  	s5 =	simm.s32 @p1 $0x1;
	p0 =	seq.s32 s7, s2  }
0x1e: {  	s7 =	smul.u32 @!p0 $0xF7A, s2;
	p2 =	seq.s32 @!p0 s5, $0x0  }
0x1f: {  	s9 =	smul.u32 $0xF7A, s1;
	s8 =	simm.s32 @!p0 $0x1BF5;
	p2 =	por !p2, p0  }
0x20: {  	[sflag:s8] =	ssyncset.s32 @!p0 $0xFFFFF086;
	s6 =	sadd.s32 @!p0 s3, s7;
	s7 =	simm.s32 @!p0 $0x108  }
0x21: {  	s3 =	sadd.s32 s3, s9;
	s6 =	sadd.s32 @!p0 $0x88, s6;
	s7 =	simm.s32 @p2 $0x1082  }
0x22: {  	[simem:s7], [sflag:s8] =	dma.local @!p0 [hbm:s6], $0xF7A  }
0x23: {  	s9 =	sor.u32 $0xD0000000, s2;
	s6 =	simm.s32 $0x108;
	_ =	swait.ge @!p0 [sflag:s8], $0x0  }
0x24: {  	s3 =	sadd.s32 $0x88, s3;
	s6 =	simm.s32 @!p1 $0x1082;
	[sflag:s4] =	ssyncset.s32 $0xFFFFF086  }
0x25: {  	[simem:s6], [sflag:s4] =	dma.local [hbm:s3], $0xF7A  }
0x26: {  	[smem:$0x3F8C] =	sst s1;
	(tag) =	ssettag s2;
	_ =	strace s9  }
0x27: {  	s1 =	sld [smem:$0x3F9C]  }
0x28: {  	s2 =	sld [smem:$0x3F9D]  }
0x29: {  	s4 =	sld [smem:$0x3F9F]  }
0x2a: {  	p0 =	seq.s32 s5, $0x0;
	s5 =	sld [smem:$0x3FA0]  }
0x2b: {  	s6 =	sld [smem:$0x3FA1]  }
0x2c: {  	s7 =	sld [smem:$0x3FA2]  }
0x2d: {  	s3 =	simm.s32 $0x108;
	s8 =	sld [smem:$0x3FA3]  }
0x2e: {  	s3 =	simm.s32 @!p0 $0x1082;
	s9 =	sld [smem:$0x3FA4]  }
0x2f: {  	lr =	sadd.s32 s0, s3;
	s0 =	sld [smem:$0x3F9B]  }
0x30: {  	s3 =	sld [smem:$0x3F9E]  }
0x31: {  	[smem:$0x3FA7] =	sst s10  }
0x32: {  	s10 =	sld [smem:$0x3FA5];
	_ =	sdelay $0x3  }
0x33: {  	p0 =	seq.s32 s10, $0x1;
	s10 =	sld [smem:$0x3FA7];
	_ =	sdelay $0x3  }
0x34: {  	[smem:$0x3FA7] =	sst s10  }
0x35: {  	s10 =	sld [smem:$0x3FA6];
	_ =	sdelay $0x3  }
0x36: {  	p1 =	seq.s32 s10, $0x1;
	s10 =	sld [smem:$0x3FA7];
	_ =	sdelay $0x3  }
0x37: {  	[smem:$0x3FA7] =	sst s10  }
0x38: {  	s10 =	sld [smem:$0x3FA8]  }
0x39: {  	_ = 	snop;
	(pc) =	sbr.ind lr, $3  }
0x3a: {  	_ = 	snop  }
0x3b: {  	_ = 	snop  }
0x3c: {  	p2 =	seq.s32 s10, $0x1;
	s10 =	sld [smem:$0x3FA7]  }
0x3d: {  	_ =	shalt  }
0x3e: {  	_ =	shalt  }
0x3f: {  	_ =	shalt  }
0x40: {  	_ =	shalt  }
0x41: {  	_ =	shalt  }
0x42: {  	_ =	shalt  }
0x43: {  	_ =	shalt  }
0x44: {  	_ =	shalt  }
0x45: {  	_ =	shalt  }
0x46: {  	_ =	shalt  }
0x47: {  	_ =	shalt  }
0x48: {  	_ =	shalt  }
0x49: {  	_ =	shalt  }
0x4a: {  	_ =	shalt  }
0x4b: {  	_ =	shalt  }
0x4c: {  	_ =	shalt  }
0x4d: {  	_ =	shalt  }
0x4e: {  	_ =	shalt  }
0x4f: {  	_ =	shalt  }
0x50: {  	_ =	shalt  }
0x51: {  	_ =	shalt  }
0x52: {  	_ =	shalt  }
0x53: {  	_ =	shalt  }
0x54: {  	_ =	shalt  }
0x55: {  	_ =	shalt  }
0x56: {  	_ =	shalt  }
0x57: {  	_ =	shalt  }
0x58: {  	_ =	shalt  }
0x59: {  	_ =	shalt  }
0x5a: {  	_ =	shalt  }
0x5b: {  	_ =	shalt  }
0x5c: {  	_ =	shalt  }
0x5d: {  	_ =	shalt  }
0x5e: {  	_ =	shalt  }
0x5f: {  	_ =	shalt  }
0x60: {  	_ =	shalt  }
0x61: {  	_ =	shalt  }
0x62: {  	_ =	shalt  }
0x63: {  	_ =	shalt  }
0x64: {  	_ =	shalt  }
0x65: {  	_ =	shalt  }
0x66: {  	_ =	shalt  }
0x67: {  	_ =	shalt  }
0x68: {  	_ =	shalt  }
0x69: {  	_ =	shalt  }
0x6a: {  	_ =	shalt  }
0x6b: {  	_ =	shalt  }
0x6c: {  	_ =	shalt  }
0x6d: {  	_ =	shalt  }
0x6e: {  	_ =	shalt  }
0x6f: {  	_ =	shalt  }
0x70: {  	_ =	shalt  }
0x71: {  	_ =	shalt  }
0x72: {  	_ =	shalt  }
0x73: {  	_ =	shalt  }
0x74: {  	_ =	shalt  }
0x75: {  	_ =	shalt  }
0x76: {  	_ =	shalt  }
0x77: {  	_ =	shalt  }
0x78: {  	_ =	shalt  }
0x79: {  	_ =	shalt  }
0x7a: {  	_ =	shalt  }
0x7b: {  	_ =	shalt  }
0x7c: {  	_ =	shalt  }
0x7d: {  	_ =	shalt  }
0x7e: {  	_ =	shalt  }
0x7f: {  	_ =	shalt  }
0x80: {  	_ =	shalt  }
0x81: {  	_ =	shalt  }
0x82: {  	_ =	shalt  }
0x83: {  	_ =	shalt  }
0x84: {  	_ =	shalt  }
0x85: {  	_ =	shalt  }
0x86: {  	_ =	shalt  }
0x87: {  	_ =	shalt  }
.Lfunc_end0:
.L_simem_size_0:
called_computation.3_lowered:
.L_overlay_start_0:
0x88: {  	s2 =	sld [smem:$0x3FD9]  }
0x89: {  	s3 =	sld [smem:$0x3FFE];
	_ =	sdelay $0x1  }
0x8a: {  	s1 =	srdreg.scid  }
0x8b: {  	s0 =	sand.u32 $0x1, s1  }
0x8c: {  	s17 =	sshll.u32 s0, $0xA;
	s2 =	sadd.s32 s3, s2  }
0x8d: {  	s2 =	sadd.s32 s2, s17  }
0x8e: {  	[smem:$0x3FB3] =	sst s2  }
0x8f: {  	_ = 	snop  }
0x90: {  	s2 =	sld [smem:$0x3FD0];
	(tm) =	ssettm $0x1  }
0x91: {  	s18 =	sld [smem:$0x3FFB];
	_ =	sdelay $0x3  }
0x92: {  	_ =	strace s18  }
0x93: {  	s3 =	sld [smem:$0x3FFC];
	_ =	sdelay $0x3  }
0x94: {  	_ =	strace s3  }
0x95: {  	s3 =	sld [smem:$0x3FFD];
	_ =	sdelay $0x3  }
0x96: {  	_ =	strace s3  }
0x97: {  	_ =	strace $0x8FFFFFFF  }
0x98: {  	s19 =	sld [smem:$0x3FDB];
	_ =	sdelay $0x1  }
0x99: {  	s4 =	simm.s32 $_scs_section_size  }
0x9a: {  	s5 =	simm.s32 $_size__tile_overlayer_lowered;
	s6 =	simm.s32 $_tile_overlayer_lowered  }
0x9b: {  	s22 =	simm.s32 $0x1BFF;
	s21 =	sshll.u32 s6, $0x1;
	s3 =	sadd.s32 s4, s19  }
0x9c: {  	s7 =	simm.s32 $0x0;
	s20 =	sshll.u32 s5, $0x1;
	s5 =	sadd.s32 s21, s3  }
0x9d: {  	[timem:s7], [sflag:s22] =	dma.local [hbm:s5], s20  }
0x9e: {  	_ =	swait.ge [sflag:s22], s20  }
0x9f: {  	s4 =	ssub.s32 $0x0, s20;
	[sflag:s22] =	ssyncset.done $0x0  }
0xa0: {  	[sflag:s22] =	ssyncadd.s32 s4;
	_ =	sdelay $0x1  }
0xa1: {  	s23 =	simm.s32 $0x1B8B  }
0xa2: {  	_ =	swait.ge [sflag:s23], $0x1  }
0xa3: {  	[sflag:s23] =	ssyncset.done $0x0  }
0xa4: {  	s25 =	simm.s32 $0x1B8E;
	s24 =	sld [smem:$0x3FFE];
	[sflag:s23] =	ssyncadd.s32 $0xFFFFFFFF  }
0xa5: {  	s26 =	simm.s32 $execute0_lowered;
	[smem:$0x3FD2] =	sst s25  }
0xa6: {  	s5 =	sshll.u32 s26, $0x1;
	_ =	strace $0x8000004F;
	[dreg:$0x1] =	wrdreg $0xFFFFFFFF  }
0xa7: {  	s28 =	simm.s32 $_size_execute0_lowered;
	s3 =	sadd.s32 s3, s5;
	[dreg:$0x0] =	wrdreg $0x0  }
0xa8: {  	s5 =	sshll.u32 s28, $0x1;
	[dreg:$0x2] =	wrdreg s3  }
0xa9: {  	[dreg:$0x3] =	wrdreg s5  }
0xaa: {  	[dreg:$0x4] =	wrdreg $0xC0  }
0xab: {  	_ =	task [dreg:s7], $0x5FFFF  }
0xac: {  	[dreg:$0x1] =	wrdreg $0xFFFFFFFF  }
0xad: {  	[dreg:$0x0] =	wrdreg $0x60  }
0xae: {  	[dreg:$0x2] =	wrdreg s2  }
0xaf: {  	[dreg:$0x3] =	wrdreg s24  }
0xb0: {  	[dreg:$0x4] =	wrdreg $0x0  }
0xb1: {  	[dreg:$0x5] =	wrdreg $0x9  }
0xb2: {  	_ =	task.clear_ibuf [dreg:s7], $0x6FFFF;
	_ =	strace $0x9000004F  }
0xb3: {  	s29 =	simm.s32 $0x9;
	_ =	strace $0x80000051  }
0xb4: {  	_ =	swait.ge [sflag:s29], $0x1  }
0xb5: {  	[sflag:s29] =	ssyncadd.s32 $0xFFFFFFFF  }
0xb6: {  	_ =	strace $0x90000051  }
0xb7: {  	_ =	sfence  }
0xb8: {  	s30 =	sld [smem:$0x0];
	_ =	sdelay $0x2  }
0xb9: {  	s31 =	sshll.u32 s1, $0xD;
	s1 =	sshrl.u32 s1, $0x2  }
0xba: {  	s3 =	sand.u32 $0x4000, s31;
	s1 =	sadd.s32 s1, s30  }
0xbb: {  	s0 =	sor.u32 s3, s0;
	s1 =	sshll.u32 s1, $0x11  }
0xbc: {  	s0 =	sor.u32 s1, s0  }
0xbd: {  	s0 =	sadd.s32 $0x8F2B, s0  }
0xbe: {  	[sflag:s0] =	ssyncadd.remote.s32 $0x1  }
0xbf: {  	_ =	sfence.sel $0xFFFF  }
0xc0: {  	[dreg:$0x0] =	wrdreg $0xFFFFFFFF;
	(pc) =	sbr.abs _section_cstart, $3  }
0xc1: {  	[dreg:$0x1] =	wrdreg $0xFFFFFFFF  }
0xc2: {  	_ =	task.clear_ibuf [dreg:s7], $0x2FFFF;
	_ =	strace $0x9FFFFFFF  }
0xc3: {  	(tm) =	ssettm $0x7FFFFFFF  }
tec
execute0_lowered:
.L_overlay_start_1:
0x0: {  	(tag) =	ssettag $0x1  }
0x1: {  	s1 =	rddreg [dreg:$0x0]  }
0x2: {  	s9 =	rddreg [dreg:$0x1]  }
0x3: {  	s2 =	rddreg [dreg:$0x2]  }
0x4: {  	s0 =	rddreg [dreg:$0x3];
	s3 =	simm.s32 $0x0  }
0x5: {  	s8 =	srdreg.scid;
	s4 =	stileid.u32;
	s19 =	simm.s32 $0x28  }
0x6: {  	s20 =	simm.s32 $0x1D600;
	s21 =	simm.s32 $0x1;
	s22 =	simm.s32 $0x1EA00  }
0x7: {  	s28 =	simm.s32 $0x0;
	[smem:$0x7FF] =	sst s3;
	s5 =	sadd.s32 $0x4CA00, s9  }
0x8: {  	s6 =	sadd.s32 $0x42C00, s9;
	s7 =	sadd.s32 $0xAA2E00, s9;
	s10 =	sand.u32 $0x1, s8  }
0x9: {  	s8 =	sadd.s32 $0xA1B000, s9;
	s12 =	smul.u32 $0x76000, s4;
	s13 =	sadd.s32 $0xA1EC00, s9  }
0xa: {  	s15 =	smul.u32 $0x1D800, s4;
	s18 =	sadd.s32 $0x1BA800, s2;
	p0 =	seq.s32 s4, $0xF  }
0xb: {  	_ =	strace $0x80000050;
	s11 =	ssub.s32 $0x2, s10;
	s14 =	smul.u32 $0x1D5000, s10  }
0xc: {  	s10 =	sshll.u32 s10, $0x4;
	s26 =	sshrl.u32 s11, $0x1;
	s12 =	sshrl.u32 s12, $0x2  }
0xd: {  	s29 =	sor.u32 s4, s10;
	s16 =	ssub.s32 s11, s26;
	s17 =	sadd.s32 s12, s2  }
0xe: {  	s30 =	sadd.s32 s15, s14;
	s31 =	sshrl.u32 s14, $0x3;
	s9 =	smul.u32 $0x2710, s29  }
0xf: {  	s14 =	sshll.u32 @!p0 s4, $0x6;
	s10 =	sshrl.u32 s30, $0x3;
	s11 =	sadd.s32 s13, s31  }
0x10: {  	s12 =	smax.u32 s16, $0x1;
	s14 =	sor.u32 @!p0 $0x1C02, s14;
	s15 =	sshrl.u32 @!p0 s17, $0x3  }
0x11: {  	s16 =	simm.s32 $0x1D500;
	s17 =	simm.s32 $0x2;
	s10 =	sadd.s32 s13, s10  }
0x12: {  	s11 =	sadd.s32 $0x37500, s11;
	s13 =	sshrl.u32 @p0 s18, $0x3;
	s18 =	simm.s32 $0x1D580  }
.LBB2_1:
0x13: {  	s23 =	simm.s32 @p0 $0x1FC2  }
0x14: {  	[spmem:s13], [sflag:s23] =	dma.local @p0 [hbm:s8], $0x3500  }
0x15: {  	s23 =	simm.s32 @p0 $0x2  }
0x16: {  	_ =	swait.ge @p0 [sflag:s23], $0x3500  }
0x17: {  	[sflag:s23] =	ssyncset.done @p0 $0x0  }
0x18: {  	[sflag:s23] =	ssyncadd.s32 @p0 $0xFFFFCB00;
	s23 =	simm.s32 @!p0 $0x2  }
0x19: {  	[spmem:s15], [sflag:s14] =	dma.local @!p0 [hbm:s8], $0x3B00  }
0x1a: {  	_ =	swait.ge @!p0 [sflag:s23], $0x3B00  }
0x1b: {  	[sflag:s23] =	ssyncset.done @!p0 $0x0  }
0x1c: {  	[sflag:s23] =	ssyncadd.s32 @!p0 $0xFFFFC500  }
0x1d: {  	s23 =	simm.s32 $0x0;
	[bflag:$0x0] =	sbarrier.arrive $0xFFFF  }
.LBB2_2:
0x1e: {  	s24 =	smul.u32 $0x28, s23;
	_ =	sdelay $0x1  }
0x1f: {  	s24 =	sadd.s32 s9, s24  }
0x20: {  	s25 =	sshrl.u32 s24, $0x3  }
0x21: {  	s26 =	sadd.s32 s5, s25  }
0x22: {  	[tilespmem:s16], [sflag:$0x2] =	stream.linear.gather [hbm4b:s26+s28], $0x28, $0x38;
	[tilespmem:$0x1FE00] =	vst v63  }
0x23: {  	_ =	swait.ge [sflag:s17], $0x28  }
0x24: {  	[sflag:s17] =	ssyncset.done $0x0  }
0x25: {  	s25 =	sadd.s32 s6, s25;
	[sflag:s17] =	ssyncadd.s32 $0xFFFFFFD8  }
0x26: {  	[tilespmem:s18], [sflag:$0x2] =	stream.linear.gather [hbm4b:s25+s28], $0x28, $0x38;
	[tilespmem:$0x1FE00] =	vst v63  }
0x27: {  	_ =	swait.ge [sflag:s17], $0x28  }
0x28: {  	[sflag:s17] =	ssyncset.done $0x0  }
0x29: {  	[sflag:s17] =	ssyncadd.s32 $0xFFFFFFD8  }
0x2a: {  	[tilespmem:s20], [sflag:$0x1] =	stream.indirect.gather [hbm4b:s1+s19], $0x80, s16, s19, $0xb8;
	[tilespmem:$0x1FE00] =	vst v63  }
0x2b: {  	_ =	swait.ge [sflag:s21], $0x1400  }
0x2c: {  	s24 =	sshll.u32 s24, $0x4;
	[sflag:s21] =	ssyncset.done $0x0  }
0x2d: {  	s24 =	sadd.s32 s7, s24;
	[sflag:s21] =	ssyncadd.s32 $0xFFFFEC00  }
0x2e: {  	[tilespmem:s22], [sflag:$0x2] =	stream.linear.gather [hbm4b:s24+s28], $0x1400, $0x38;
	[tilespmem:$0x1FE00] =	vst v63  }
0x2f: {  	_ =	swait.ge [sflag:s17], $0x1400  }
0x30: {  	[sflag:s17] =	ssyncset.done $0x0  }
0x31: {  	s24 =	simm.s32 $0x0;
	[sflag:s17] =	ssyncadd.s32 $0xFFFFEC00  }
0x32: {  	v6 =	vld [tilespmem:s24+$0x1EA00]  }
0x33: {  	v11 =	vld [tilespmem:s24+$0x1EA10]  }
0x34: {  	v5 =	vld [tilespmem:s24+$0x1EA20]  }
0x35: {  	v4 =	vld [tilespmem:s24+$0x1EA30]  }
0x36: {  	v3 =	vld [tilespmem:s24+$0x1EA40]  }
0x37: {  	v2 =	vld [tilespmem:s24+$0x1EA50]  }
0x38: {  	v1 =	vld [tilespmem:s24+$0x1EA60]  }
0x39: {  	v0 =	vld [tilespmem:s24+$0x1EA70]  }
0x3a: {  	v12 =	vld [tilespmem:s24+$0x1D600]  }
0x3b: {  	v13 =	vld [tilespmem:s24+$0x1D610]  }
0x3c: {  	v10 =	vld [tilespmem:s24+$0x1D620]  }
0x3d: {  	v9 =	vld [tilespmem:s24+$0x1D630]  }
0x3e: {  	v8 =	vld [tilespmem:s24+$0x1D640]  }
0x3f: {  	v7 =	vld [tilespmem:s24+$0x1D650];
	v12 =	vadd.f32 v6, v12  }
0x40: {  	s25 =	simm.s32 $0x200;
	v11 =	vadd.f32 v11, v13;
	v6 =	vld [tilespmem:s24+$0x1D660]  }
.LBB2_3:
0x41: {  	s26 =	sshra.s32 s25, $0x2;
	p1 =	sne.s32 s25, $0x4E00;
	v12 =	vmax.f32 v12, $0.0e+00;
	v5 =	vadd.f32 v5, v10;
	v10 =	vld [tilespmem:s24+$0x1D670]  }
0x42: {  	v13 =	vld [tilespmem:s26+$0x1EA00];
	[tilespmem:s24+$0x1D600] =	vst v12;
	v11 =	vmax.f32 v11, $0.0e+00;
	v4 =	vadd.f32 v4, v9  }
0x43: {  	v14 =	vld [tilespmem:s26+$0x1EA10];
	[tilespmem:s24+$0x1D610] =	vst v11;
	v9 =	vmax.f32 v5, $0.0e+00;
	v3 =	vadd.f32 v3, v8  }
0x44: {  	v5 =	vld [tilespmem:s26+$0x1EA20];
	[tilespmem:s24+$0x1D620] =	vst v9;
	v8 =	vmax.f32 v4, $0.0e+00;
	v2 =	vadd.f32 v2, v7  }
0x45: {  	v4 =	vld [tilespmem:s26+$0x1EA30];
	[tilespmem:s24+$0x1D630] =	vst v8;
	v7 =	vmax.f32 v3, $0.0e+00;
	v1 =	vadd.f32 v1, v6  }
0x46: {  	v3 =	vld [tilespmem:s26+$0x1EA40];
	[tilespmem:s24+$0x1D640] =	vst v7;
	v6 =	vmax.f32 v2, $0.0e+00;
	v0 =	vadd.f32 v0, v10  }
0x47: {  	v2 =	vld [tilespmem:s26+$0x1EA50];
	[tilespmem:s24+$0x1D650] =	vst v6;
	v6 =	vmax.f32 v1, $0.0e+00  }
0x48: {  	v1 =	vld [tilespmem:s26+$0x1EA60];
	[tilespmem:s24+$0x1D660] =	vst v6;
	v6 =	vmax.f32 v0, $0.0e+00  }
0x49: {  	v0 =	vld [tilespmem:s26+$0x1EA70];
	[tilespmem:s24+$0x1D670] =	vst v6;
	s24 =	smov.u32 s26  }
0x4a: {  	v6 =	vld [tilespmem:s24+$0x1D600]  }
0x4b: {  	v11 =	vld [tilespmem:s24+$0x1D610]  }
.Ltmp0:
0x4c: {  	v10 =	vld [tilespmem:s24+$0x1D620];
	(pc) =	sbr.rel @p1 .LBB2_3-.Ltmp0, $4  }
0x4d: {  	v9 =	vld [tilespmem:s24+$0x1D630]  }
0x4e: {  	v8 =	vld [tilespmem:s24+$0x1D640]  }
0x4f: {  	v12 =	vadd.f32 v13, v6;
	v7 =	vld [tilespmem:s24+$0x1D650]  }
0x50: {  	s25 =	sadd.s32 $0x200, s25;
	v11 =	vadd.f32 v14, v11;
	v6 =	vld [tilespmem:s24+$0x1D660]  }
0x51: {  	v12 =	vmax.f32 v12, $0.0e+00;
	v5 =	vadd.f32 v5, v10;
	v63 =	vld [tilespmem:s24+$0x1D670]  }
0x52: {  	[tilespmem:s24+$0x1D600] =	vst v12;
	v11 =	vmax.f32 v11, $0.0e+00;
	v4 =	vadd.f32 v4, v9  }
0x53: {  	[tilespmem:s24+$0x1D610] =	vst v11;
	v5 =	vmax.f32 v5, $0.0e+00;
	v3 =	vadd.f32 v3, v8  }
0x54: {  	[tilespmem:s24+$0x1D620] =	vst v5;
	v4 =	vmax.f32 v4, $0.0e+00;
	v2 =	vadd.f32 v2, v7  }
0x55: {  	[tilespmem:s24+$0x1D630] =	vst v4;
	v3 =	vmax.f32 v3, $0.0e+00;
	v1 =	vadd.f32 v1, v6  }
0x56: {  	[tilespmem:s24+$0x1D640] =	vst v3;
	v2 =	vmax.f32 v2, $0.0e+00;
	v0 =	vadd.f32 v0, v63  }
0x57: {  	s23 =	sadd.s32 $0x1, s23;
	[tilespmem:s24+$0x1D650] =	vst v2;
	v1 =	vmax.f32 v1, $0.0e+00  }
0x58: {  	p1 =	sne.s32 s23, $0xFA;
	[tilespmem:s24+$0x1D660] =	vst v1;
	v0 =	vmax.f32 v0, $0.0e+00  }
.Ltmp1:
0x59: {  	[tilespmem:s24+$0x1D670] =	vst v0;
	(pc) =	sbr.rel @p1 .LBB2_2-.Ltmp1, $4  }
0x5a: {  	[spmem:s2] =	stream.indirect.scatter.add.f32 [tilespmem:s20], [sflag:$0x2], $0x80, s18, s19, $0xb8;
	[tilespmem:$0x1FE00] =	vst v63  }
0x5b: {  	_ =	swait.ge [sflag:s17], $0x1400  }
0x5c: {  	[sflag:s17] =	ssyncset.done $0x0  }
0x5d: {  	[sflag:s17] =	ssyncadd.s32 $0xFFFFEC00  }
0x5e: {  	[bflag:$0x0] =	sbarrier.arrive $0xFFFF;
	s23 =	simm.s32 @p0 $0x1FC2  }
0x5f: {  	[hbm:s11], [sflag:s23] =	dma.local @p0 [spmem:s13], $0x3500  }
0x60: {  	s23 =	simm.s32 @p0 $0x2  }
0x61: {  	s3 =	sadd.s32 $0x1, s3;
	_ =	swait.ge @p0 [sflag:s23], $0x3500  }
0x62: {  	p1 =	sne.s32 s3, s12;
	[sflag:s23] =	ssyncset.done @p0 $0x0  }
.Ltmp2:
0x63: {  	[sflag:s23] =	ssyncadd.s32 @p0 $0xFFFFCB00;
	s23 =	simm.s32 @!p0 $0x2;
	(pc) =	sbr.rel @p1 .LBB2_1-.Ltmp2, $4  }
0x64: {  	[hbm:s10], [sflag:s14] =	dma.local @!p0 [spmem:s15], $0x3B00  }
0x65: {  	_ =	swait.ge @!p0 [sflag:s23], $0x3B00  }
0x66: {  	[sflag:s23] =	ssyncset.done @!p0 $0x0  }
0x67: {  	[sflag:s23] =	ssyncadd.s32 @!p0 $0xFFFFC500  }
0x68: {  	_ =	sfence.sel $0x180000  }
0x69: {  	[bflag:$0x0] =	sbarrier.arrive $0xFFFF  }
0x6a: {  	p0 =	sne.s32 s4, $0x0;
	_ =	strace $0x90000050  }
0x6b: {  	s0 =	sadd.s32 @!p0 $0x100000, s0;
	[bflag:$0x2] =	sbarrier.arrive $0xFFFF  }
0x6c: {  	[sflag:s0] =	ssyncadd.tile.s32 @!p0 $0x1;
	_ =	shalt  }
.Lfunc_end2:
_tile_overlayer_lowered:
.L_overlay_start_2:
0x6d: {  	(tag) =	ssettag $0x2  }
0x6e: {  	s0 =	rddreg [dreg:$0x0];
	s2 =	stileid.u32  }
0x6f: {  	s1 =	rddreg [dreg:$0x1];
	p0 =	sne.s32 s2, $0x0  }
0x70: {  	s3 =	rddreg [dreg:$0x2];
	[bflag:$0x3] =	sbarrier.arrive $0xFFFF;
	s2 =	simm.s32 @!p0 $0x1C02  }
0x71: {  	[timem:s3], [sflag:s2] =	dma.local @!p0 [hbm:s0], s1  }
0x72: {  	s0 =	simm.s32 @!p0 $0x2  }
0x73: {  	_ =	swait.ge @!p0 [sflag:s0], s1  }
0x74: {  	s1 =	ssub.s32 @!p0 $0x0, s1;
	[sflag:s0] =	ssyncset.done @!p0 $0x0  }
0x75: {  	[sflag:s0] =	ssyncadd.s32 @!p0 s1  }
0x76: {  	[bflag:$0x3] =	sbarrier.arrive $0xFFFF  }
0x77: {  	_ =	shalt  }

// kernel: kernel.32.cloned.1.call-start
scs
__scs_entry_jumppad:
0x0: {  	(pc) =	sbr.rel $0x88, $3  }
0x1: {  	(tag) =	ssettag $0x0;
	lr =	simm.s32 $0x1  }
0x2: {  	[smem:$0x3F8C] =	sst lr;
	_ =	strace $0xD0000000  }
0x3: {  	_ = 	snop  }
0x4: {  	_ = 	snop  }
0x5: {  	_ = 	snop  }
0x6: {  	_ = 	snop  }
0x7: {  	_ = 	snop  }
__scs_overlays_trampoline_lowered:
0x8: {  	[smem:$0x3F9B] =	sst s0  }
0x9: {  	[smem:$0x3F9C] =	sst s1  }
0xa: {  	[smem:$0x3F9D] =	sst s2  }
0xb: {  	[smem:$0x3F9E] =	sst s3  }
0xc: {  	[smem:$0x3F9F] =	sst s4  }
0xd: {  	[smem:$0x3FA0] =	sst s5  }
0xe: {  	[smem:$0x3FA1] =	sst s6  }
0xf: {  	[smem:$0x3FA2] =	sst s7  }
0x10: {  	[smem:$0x3FA3] =	sst s8  }
0x11: {  	[smem:$0x3FA4] =	sst s9;
	s0 =	simm.s32 @!p0 $0x0  }
0x12: {  	s1 =	sld [smem:$0x3F8A];
	s0 =	simm.s32 @p0 $0x1  }
0x13: {  	[smem:$0x3FA5] =	sst s0;
	s0 =	simm.s32 @!p1 $0x0  }
0x14: {  	s2 =	sld [smem:$0x3F89];
	s0 =	simm.s32 @p1 $0x1  }
0x15: {  	[smem:$0x3FA6] =	sst s0;
	s0 =	simm.s32 @!p2 $0x0  }
0x16: {  	s3 =	sld [smem:$0x3FDB];
	s0 =	simm.s32 @p2 $0x1  }
0x17: {  	s4 =	simm.s32 $0x1BF5;
	[smem:$0x3FA8] =	sst s0  }
0x18: {  	s0 =	sld [smem:$0x3F8B];
	_ =	swait.ge [sflag:s4], $0x0  }
0x19: {  	s7 =	sld [smem:$0x3F8C]  }
0x1a: {  	s8 =	sadd.s32 $0xFFFFE003, lr  }
0x1b: {  	s9 =	sadd.s32 $0xFFFFFEF7, lr;
	s5 =	simm.s32 $0xFFFFFFFF;
	p2 =	slt.u32 s8, $0xFFFFF086  }
0x1c: {  	p1 =	slt.u32 s9, $0xF7A;
	s5 =	simm.s32 @!p2 $0x0  }
0x1d: {  	s5 =	simm.s32 @p1 $0x1;
	p0 =	seq.s32 s7, s2  }
0x1e: {  	s7 =	smul.u32 @!p0 $0xF7A, s2;
	p2 =	seq.s32 @!p0 s5, $0x0  }
0x1f: {  	s9 =	smul.u32 $0xF7A, s1;
	s8 =	simm.s32 @!p0 $0x1BF5;
	p2 =	por !p2, p0  }
0x20: {  	[sflag:s8] =	ssyncset.s32 @!p0 $0xFFFFF086;
	s6 =	sadd.s32 @!p0 s3, s7;
	s7 =	simm.s32 @!p0 $0x108  }
0x21: {  	s3 =	sadd.s32 s3, s9;
	s6 =	sadd.s32 @!p0 $0x88, s6;
	s7 =	simm.s32 @p2 $0x1082  }
0x22: {  	[simem:s7], [sflag:s8] =	dma.local @!p0 [hbm:s6], $0xF7A  }
0x23: {  	s9 =	sor.u32 $0xD0000000, s2;
	s6 =	simm.s32 $0x108;
	_ =	swait.ge @!p0 [sflag:s8], $0x0  }
0x24: {  	s3 =	sadd.s32 $0x88, s3;
	s6 =	simm.s32 @!p1 $0x1082;
	[sflag:s4] =	ssyncset.s32 $0xFFFFF086  }
0x25: {  	[simem:s6], [sflag:s4] =	dma.local [hbm:s3], $0xF7A  }
0x26: {  	[smem:$0x3F8C] =	sst s1;
	(tag) =	ssettag s2;
	_ =	strace s9  }
0x27: {  	s1 =	sld [smem:$0x3F9C]  }
0x28: {  	s2 =	sld [smem:$0x3F9D]  }
0x29: {  	s4 =	sld [smem:$0x3F9F]  }
0x2a: {  	p0 =	seq.s32 s5, $0x0;
	s5 =	sld [smem:$0x3FA0]  }
0x2b: {  	s6 =	sld [smem:$0x3FA1]  }
0x2c: {  	s7 =	sld [smem:$0x3FA2]  }
0x2d: {  	s3 =	simm.s32 $0x108;
	s8 =	sld [smem:$0x3FA3]  }
0x2e: {  	s3 =	simm.s32 @!p0 $0x1082;
	s9 =	sld [smem:$0x3FA4]  }
0x2f: {  	lr =	sadd.s32 s0, s3;
	s0 =	sld [smem:$0x3F9B]  }
0x30: {  	s3 =	sld [smem:$0x3F9E]  }
0x31: {  	[smem:$0x3FA7] =	sst s10  }
0x32: {  	s10 =	sld [smem:$0x3FA5];
	_ =	sdelay $0x3  }
0x33: {  	p0 =	seq.s32 s10, $0x1;
	s10 =	sld [smem:$0x3FA7];
	_ =	sdelay $0x3  }
0x34: {  	[smem:$0x3FA7] =	sst s10  }
0x35: {  	s10 =	sld [smem:$0x3FA6];
	_ =	sdelay $0x3  }
0x36: {  	p1 =	seq.s32 s10, $0x1;
	s10 =	sld [smem:$0x3FA7];
	_ =	sdelay $0x3  }
0x37: {  	[smem:$0x3FA7] =	sst s10  }
0x38: {  	s10 =	sld [smem:$0x3FA8]  }
0x39: {  	_ = 	snop;
	(pc) =	sbr.ind lr, $3  }
0x3a: {  	_ = 	snop  }
0x3b: {  	_ = 	snop  }
0x3c: {  	p2 =	seq.s32 s10, $0x1;
	s10 =	sld [smem:$0x3FA7]  }
0x3d: {  	_ =	shalt  }
0x3e: {  	_ =	shalt  }
0x3f: {  	_ =	shalt  }
0x40: {  	_ =	shalt  }
0x41: {  	_ =	shalt  }
0x42: {  	_ =	shalt  }
0x43: {  	_ =	shalt  }
0x44: {  	_ =	shalt  }
0x45: {  	_ =	shalt  }
0x46: {  	_ =	shalt  }
0x47: {  	_ =	shalt  }
0x48: {  	_ =	shalt  }
0x49: {  	_ =	shalt  }
0x4a: {  	_ =	shalt  }
0x4b: {  	_ =	shalt  }
0x4c: {  	_ =	shalt  }
0x4d: {  	_ =	shalt  }
0x4e: {  	_ =	shalt  }
0x4f: {  	_ =	shalt  }
0x50: {  	_ =	shalt  }
0x51: {  	_ =	shalt  }
0x52: {  	_ =	shalt  }
0x53: {  	_ =	shalt  }
0x54: {  	_ =	shalt  }
0x55: {  	_ =	shalt  }
0x56: {  	_ =	shalt  }
0x57: {  	_ =	shalt  }
0x58: {  	_ =	shalt  }
0x59: {  	_ =	shalt  }
0x5a: {  	_ =	shalt  }
0x5b: {  	_ =	shalt  }
0x5c: {  	_ =	shalt  }
0x5d: {  	_ =	shalt  }
0x5e: {  	_ =	shalt  }
0x5f: {  	_ =	shalt  }
0x60: {  	_ =	shalt  }
0x61: {  	_ =	shalt  }
0x62: {  	_ =	shalt  }
0x63: {  	_ =	shalt  }
0x64: {  	_ =	shalt  }
0x65: {  	_ =	shalt  }
0x66: {  	_ =	shalt  }
0x67: {  	_ =	shalt  }
0x68: {  	_ =	shalt  }
0x69: {  	_ =	shalt  }
0x6a: {  	_ =	shalt  }
0x6b: {  	_ =	shalt  }
0x6c: {  	_ =	shalt  }
0x6d: {  	_ =	shalt  }
0x6e: {  	_ =	shalt  }
0x6f: {  	_ =	shalt  }
0x70: {  	_ =	shalt  }
0x71: {  	_ =	shalt  }
0x72: {  	_ =	shalt  }
0x73: {  	_ =	shalt  }
0x74: {  	_ =	shalt  }
0x75: {  	_ =	shalt  }
0x76: {  	_ =	shalt  }
0x77: {  	_ =	shalt  }
0x78: {  	_ =	shalt  }
0x79: {  	_ =	shalt  }
0x7a: {  	_ =	shalt  }
0x7b: {  	_ =	shalt  }
0x7c: {  	_ =	shalt  }
0x7d: {  	_ =	shalt  }
0x7e: {  	_ =	shalt  }
0x7f: {  	_ =	shalt  }
0x80: {  	_ =	shalt  }
0x81: {  	_ =	shalt  }
0x82: {  	_ =	shalt  }
0x83: {  	_ =	shalt  }
0x84: {  	_ =	shalt  }
0x85: {  	_ =	shalt  }
0x86: {  	_ =	shalt  }
0x87: {  	_ =	shalt  }
.Lfunc_end0:
.L_simem_size_0:
called_computation.4_lowered:
.L_overlay_start_0:
0x88: {  	s2 =	sld [smem:$0x3FD9]  }
0x89: {  	s3 =	sld [smem:$0x3FFE];
	_ =	sdelay $0x1  }
0x8a: {  	s1 =	srdreg.scid  }
0x8b: {  	s0 =	sand.u32 $0x1, s1  }
0x8c: {  	s17 =	sshll.u32 s0, $0xA;
	s2 =	sadd.s32 s3, s2  }
0x8d: {  	s2 =	sadd.s32 s2, s17  }
0x8e: {  	[smem:$0x3FB3] =	sst s2  }
0x8f: {  	_ = 	snop  }
0x90: {  	s2 =	sld [smem:$0x3FD0];
	(tm) =	ssettm $0x1  }
0x91: {  	s18 =	sld [smem:$0x3FFB];
	_ =	sdelay $0x3  }
0x92: {  	_ =	strace s18  }
0x93: {  	s3 =	sld [smem:$0x3FFC];
	_ =	sdelay $0x3  }
0x94: {  	_ =	strace s3  }
0x95: {  	s3 =	sld [smem:$0x3FFD];
	_ =	sdelay $0x3  }
0x96: {  	_ =	strace s3  }
0x97: {  	_ =	strace $0x8FFFFFFF  }
0x98: {  	s19 =	sld [smem:$0x3FDB];
	_ =	sdelay $0x1  }
0x99: {  	s4 =	simm.s32 $_scs_section_size  }
0x9a: {  	s5 =	simm.s32 $_size__tile_overlayer_lowered;
	s6 =	simm.s32 $_tile_overlayer_lowered  }
0x9b: {  	s22 =	simm.s32 $0x1BFF;
	s21 =	sshll.u32 s6, $0x1;
	s3 =	sadd.s32 s4, s19  }
0x9c: {  	s7 =	simm.s32 $0x0;
	s20 =	sshll.u32 s5, $0x1;
	s5 =	sadd.s32 s21, s3  }
0x9d: {  	[timem:s7], [sflag:s22] =	dma.local [hbm:s5], s20  }
0x9e: {  	_ =	swait.ge [sflag:s22], s20  }
0x9f: {  	s4 =	ssub.s32 $0x0, s20;
	[sflag:s22] =	ssyncset.done $0x0  }
0xa0: {  	[sflag:s22] =	ssyncadd.s32 s4;
	_ =	sdelay $0x1  }
0xa1: {  	s23 =	simm.s32 $0x1B8B  }
0xa2: {  	_ =	swait.ge [sflag:s23], $0x1  }
0xa3: {  	[sflag:s23] =	ssyncset.done $0x0  }
0xa4: {  	s25 =	simm.s32 $0x1B8E;
	s24 =	sld [smem:$0x3FFE];
	[sflag:s23] =	ssyncadd.s32 $0xFFFFFFFF  }
0xa5: {  	s26 =	simm.s32 $execute0_lowered;
	[smem:$0x3FD2] =	sst s25  }
0xa6: {  	s5 =	sshll.u32 s26, $0x1;
	_ =	strace $0x80000052;
	[dreg:$0x1] =	wrdreg $0xFFFFFFFF  }
0xa7: {  	s28 =	simm.s32 $_size_execute0_lowered;
	s3 =	sadd.s32 s3, s5;
	[dreg:$0x0] =	wrdreg $0x0  }
0xa8: {  	s5 =	sshll.u32 s28, $0x1;
	[dreg:$0x2] =	wrdreg s3  }
0xa9: {  	[dreg:$0x3] =	wrdreg s5  }
0xaa: {  	[dreg:$0x4] =	wrdreg $0xC0  }
0xab: {  	_ =	task [dreg:s7], $0x5FFFF  }
0xac: {  	[dreg:$0x1] =	wrdreg $0xFFFFFFFF  }
0xad: {  	[dreg:$0x0] =	wrdreg $0x60  }
0xae: {  	[dreg:$0x2] =	wrdreg s2  }
0xaf: {  	[dreg:$0x3] =	wrdreg s24  }
0xb0: {  	[dreg:$0x4] =	wrdreg $0x0  }
0xb1: {  	[dreg:$0x5] =	wrdreg $0x9  }
0xb2: {  	_ =	task.clear_ibuf [dreg:s7], $0x6FFFF;
	_ =	strace $0x90000052  }
0xb3: {  	s29 =	simm.s32 $0x9;
	_ =	strace $0x80000054  }
0xb4: {  	_ =	swait.ge [sflag:s29], $0x1  }
0xb5: {  	[sflag:s29] =	ssyncadd.s32 $0xFFFFFFFF  }
0xb6: {  	_ =	strace $0x90000054  }
0xb7: {  	_ =	sfence  }
0xb8: {  	s30 =	sld [smem:$0x0];
	_ =	sdelay $0x2  }
0xb9: {  	s31 =	sshll.u32 s1, $0xD;
	s1 =	sshrl.u32 s1, $0x2  }
0xba: {  	s3 =	sand.u32 $0x4000, s31;
	s1 =	sadd.s32 s1, s30  }
0xbb: {  	s0 =	sor.u32 s3, s0;
	s1 =	sshll.u32 s1, $0x11  }
0xbc: {  	s0 =	sor.u32 s1, s0  }
0xbd: {  	s0 =	sadd.s32 $0x8F2B, s0  }
0xbe: {  	[sflag:s0] =	ssyncadd.remote.s32 $0x1  }
0xbf: {  	_ =	sfence.sel $0xFFFF  }
0xc0: {  	[dreg:$0x0] =	wrdreg $0xFFFFFFFF;
	(pc) =	sbr.abs _section_cstart, $3  }
0xc1: {  	[dreg:$0x1] =	wrdreg $0xFFFFFFFF  }
0xc2: {  	_ =	task.clear_ibuf [dreg:s7], $0x2FFFF;
	_ =	strace $0x9FFFFFFF  }
0xc3: {  	(tm) =	ssettm $0x7FFFFFFF  }
tec
execute0_lowered:
.L_overlay_start_1:
0x0: {  	(tag) =	ssettag $0x1  }
0x1: {  	s0 =	rddreg [dreg:$0x0]  }
0x2: {  	s6 =	rddreg [dreg:$0x1];
	s1 =	srdreg.scid  }
0x3: {  	s3 =	rddreg [dreg:$0x2];
	s2 =	stileid.u32  }
0x4: {  	s4 =	simm.s32 $0x0;
	s14 =	simm.s32 $0x1D500;
	s15 =	simm.s32 $0x2  }
0x5: {  	s16 =	simm.s32 $0x1D580;
	s17 =	simm.s32 $0x28;
	s18 =	simm.s32 $0x1D600  }
0x6: {  	s19 =	simm.s32 $0x1;
	s20 =	simm.s32 $0x0;
	s8 =	smul.u32 $0x1388, s2  }
0x7: {  	s5 =	sand.u32 $0x1, s1;
	s1 =	rddreg [dreg:$0x3];
	s25 =	smul.u32 $0x76000, s2  }
0x8: {  	[smem:$0x7FF] =	sst s4;
	s12 =	smul.u32 $0x1D800, s2;
	p0 =	seq.s32 s2, $0xF  }
0x9: {  	s7 =	smul.u32 $0x13880, s5;
	_ =	strace $0x80000053;
	s9 =	ssub.s32 $0x2, s5  }
0xa: {  	s10 =	smul.u32 $0x1D5000, s5;
	s5 =	sadd.s32 $0xA1B000, s6;
	s26 =	sshrl.u32 s9, $0x1  }
0xb: {  	s28 =	sshrl.u32 s25, $0x2;
	s7 =	sadd.s32 s8, s7;
	s9 =	ssub.s32 s9, s26  }
0xc: {  	s29 =	sadd.s32 s12, s10;
	s10 =	sshrl.u32 s10, $0x3;
	s13 =	sadd.s32 s28, s3  }
0xd: {  	s12 =	sadd.s32 $0x1BA800, s3;
	s7 =	sshrl.u32 s7, $0x3;
	s30 =	sshrl.u32 s29, $0x3  }
0xe: {  	s8 =	smax.u32 s9, $0x1;
	s11 =	sadd.s32 s7, s6;
	s6 =	sadd.s32 $0xA1EC00, s6  }
0xf: {  	s13 =	sshrl.u32 @!p0 s13, $0x3;
	s31 =	sadd.s32 s6, s10;
	s9 =	sadd.s32 $0xA98E00, s11  }
0x10: {  	s10 =	sadd.s32 $0xA9DE00, s11;
	s11 =	sshrl.u32 @p0 s12, $0x3;
	s12 =	sshll.u32 @!p0 s2, $0x6  }
0x11: {  	s6 =	sadd.s32 s6, s30;
	s7 =	sadd.s32 $0x37500, s31;
	s12 =	sor.u32 @!p0 $0x1C02, s12  }
.LBB2_1:
0x12: {  	s21 =	simm.s32 @p0 $0x1FC2  }
0x13: {  	[spmem:s11], [sflag:s21] =	dma.local @p0 [hbm:s5], $0x3500  }
0x14: {  	s21 =	simm.s32 @p0 $0x2  }
0x15: {  	_ =	swait.ge @p0 [sflag:s21], $0x3500  }
0x16: {  	[sflag:s21] =	ssyncset.done @p0 $0x0  }
0x17: {  	[sflag:s21] =	ssyncadd.s32 @p0 $0xFFFFCB00;
	s21 =	simm.s32 @!p0 $0x2  }
0x18: {  	[spmem:s13], [sflag:s12] =	dma.local @!p0 [hbm:s5], $0x3B00  }
0x19: {  	_ =	swait.ge @!p0 [sflag:s21], $0x3B00  }
0x1a: {  	[sflag:s21] =	ssyncset.done @!p0 $0x0  }
0x1b: {  	[sflag:s21] =	ssyncadd.s32 @!p0 $0xFFFFC500  }
0x1c: {  	s30 =	sadd.s32 $0x0, s10;
	[bflag:$0x0] =	sbarrier.arrive $0xFFFF  }
0x1d: {  	[tilespmem:s14], [sflag:$0x2] =	stream.linear.gather [hbm4b:s30+s4], $0x28, $0x38;
	[tilespmem:$0x1EA00] =	vst v63  }
0x1e: {  	_ =	swait.ge [sflag:s15], $0x28  }
0x1f: {  	[sflag:s15] =	ssyncset.done $0x0  }
0x20: {  	s31 =	sadd.s32 $0x0, s9;
	[sflag:s15] =	ssyncadd.s32 $0xFFFFFFD8  }
0x21: {  	[tilespmem:s16], [sflag:$0x2] =	stream.linear.gather [hbm4b:s31+s4], $0x28, $0x38;
	[tilespmem:$0x1EA00] =	vst v63  }
0x22: {  	_ =	swait.ge [sflag:s15], $0x28  }
0x23: {  	[sflag:s15] =	ssyncset.done $0x0  }
0x24: {  	[sflag:s15] =	ssyncadd.s32 $0xFFFFFFD8  }
0x25: {  	[tilespmem:s18], [sflag:$0x1] =	stream.indirect.gather [hbm4b:s0+s17], $0x80, s14, s17, $0xb8;
	[tilespmem:$0x1EA00] =	vst v63  }
0x26: {  	_ =	swait.ge [sflag:s19], $0x1400  }
0x27: {  	[sflag:s19] =	ssyncset.done $0x0  }
0x28: {  	[sflag:s19] =	ssyncadd.s32 $0xFFFFEC00  }
0x29: {  	[spmem:s3] =	stream.indirect.scatter.add.f32 [tilespmem:s18], [sflag:$0x2], $0x80, s16, s17, $0xb8;
	[tilespmem:$0x1EA00] =	vst v63  }
0x2a: {  	_ =	swait.ge [sflag:s15], $0x1400  }
0x2b: {  	s22 =	simm.s32 $0xA;
	s21 =	simm.s32 $0x5;
	[sflag:s15] =	ssyncset.done $0x0  }
.LBB2_2:
0x2c: {  	s23 =	sadd.s32 s21, s10  }
0x2d: {  	[sflag:s15] =	ssyncadd.s32 $0xFFFFEC00;
	s24 =	smov.u32 s22;
	s25 =	sadd.s32 $0x5, s22  }
0x2e: {  	[tilespmem:s14], [sflag:$0x2] =	stream.linear.gather [hbm4b:s23+s4], $0x28, $0x38;
	[tilespmem:$0x1EA00] =	vst v63  }
0x2f: {  	p1 =	sne.s32 s22, $0x26C;
	_ =	swait.ge [sflag:s15], $0x28  }
0x30: {  	[sflag:s15] =	ssyncset.done $0x0  }
0x31: {  	s22 =	sadd.s32 s21, s9;
	s21 =	smov.u32 s24;
	[sflag:s15] =	ssyncadd.s32 $0xFFFFFFD8  }
0x32: {  	[tilespmem:s16], [sflag:$0x2] =	stream.linear.gather [hbm4b:s22+s4], $0x28, $0x38;
	[tilespmem:$0x1EA00] =	vst v63  }
0x33: {  	_ =	swait.ge [sflag:s15], $0x28  }
0x34: {  	[sflag:s15] =	ssyncset.done $0x0  }
0x35: {  	[sflag:s15] =	ssyncadd.s32 $0xFFFFFFD8  }
0x36: {  	[tilespmem:s18], [sflag:$0x1] =	stream.indirect.gather [hbm4b:s0+s17], $0x80, s14, s17, $0xb8;
	[tilespmem:$0x1EA00] =	vst v63  }
0x37: {  	_ =	swait.ge [sflag:s19], $0x1400  }
.Ltmp0:
0x38: {  	[sflag:s19] =	ssyncset.done $0x0;
	(pc) =	sbr.rel @p1 .LBB2_2-.Ltmp0, $4  }
0x39: {  	[sflag:s19] =	ssyncadd.s32 $0xFFFFEC00  }
0x3a: {  	[spmem:s3] =	stream.indirect.scatter.add.f32 [tilespmem:s18], [sflag:$0x2], $0x80, s16, s17, $0xb8;
	[tilespmem:$0x1EA00] =	vst v63  }
0x3b: {  	_ =	swait.ge [sflag:s15], $0x1400  }
0x3c: {  	s22 =	smov.u32 s25;
	[sflag:s15] =	ssyncset.done $0x0  }
0x3d: {  	s22 =	sadd.s32 s21, s10;
	[sflag:s15] =	ssyncadd.s32 $0xFFFFEC00  }
0x3e: {  	[tilespmem:s14], [sflag:$0x2] =	stream.linear.gather [hbm4b:s22+s4], $0x28, $0x38;
	[tilespmem:$0x1EA00] =	vst v63  }
0x3f: {  	_ =	swait.ge [sflag:s15], $0x28  }
0x40: {  	[sflag:s15] =	ssyncset.done $0x0  }
0x41: {  	s31 =	sadd.s32 s21, s9;
	[sflag:s15] =	ssyncadd.s32 $0xFFFFFFD8  }
0x42: {  	[tilespmem:s16], [sflag:$0x2] =	stream.linear.gather [hbm4b:s31+s4], $0x28, $0x38;
	[tilespmem:$0x1EA00] =	vst v63  }
0x43: {  	_ =	swait.ge [sflag:s15], $0x28  }
0x44: {  	[sflag:s15] =	ssyncset.done $0x0  }
0x45: {  	[sflag:s15] =	ssyncadd.s32 $0xFFFFFFD8  }
0x46: {  	[tilespmem:s18], [sflag:$0x1] =	stream.indirect.gather [hbm4b:s0+s17], $0x80, s14, s17, $0xb8;
	[tilespmem:$0x1EA00] =	vst v63  }
0x47: {  	_ =	swait.ge [sflag:s19], $0x1400  }
0x48: {  	[sflag:s19] =	ssyncset.done $0x0  }
0x49: {  	[sflag:s19] =	ssyncadd.s32 $0xFFFFEC00  }
0x4a: {  	[spmem:s3] =	stream.indirect.scatter.add.f32 [tilespmem:s18], [sflag:$0x2], $0x80, s16, s17, $0xb8;
	[tilespmem:$0x1EA00] =	vst v63  }
0x4b: {  	_ =	swait.ge [sflag:s15], $0x1400  }
0x4c: {  	[sflag:s15] =	ssyncset.done $0x0  }
0x4d: {  	[sflag:s15] =	ssyncadd.s32 $0xFFFFEC00  }
0x4e: {  	s21 =	simm.s32 @p0 $0x1FC2;
	[bflag:$0x0] =	sbarrier.arrive $0xFFFF  }
0x4f: {  	[hbm:s7], [sflag:s21] =	dma.local @p0 [spmem:s11], $0x3500  }
0x50: {  	s21 =	simm.s32 @p0 $0x2  }
0x51: {  	s20 =	sadd.s32 $0x1, s20;
	_ =	swait.ge @p0 [sflag:s21], $0x3500  }
0x52: {  	p1 =	sne.s32 s20, s8;
	[sflag:s21] =	ssyncset.done @p0 $0x0  }
.Ltmp1:
0x53: {  	[sflag:s21] =	ssyncadd.s32 @p0 $0xFFFFCB00;
	s21 =	simm.s32 @!p0 $0x2;
	(pc) =	sbr.rel @p1 .LBB2_1-.Ltmp1, $4  }
0x54: {  	[hbm:s6], [sflag:s12] =	dma.local @!p0 [spmem:s13], $0x3B00  }
0x55: {  	_ =	swait.ge @!p0 [sflag:s21], $0x3B00  }
0x56: {  	[sflag:s21] =	ssyncset.done @!p0 $0x0  }
0x57: {  	[sflag:s21] =	ssyncadd.s32 @!p0 $0xFFFFC500  }
0x58: {  	_ =	sfence.sel $0x180000  }
0x59: {  	[bflag:$0x0] =	sbarrier.arrive $0xFFFF  }
0x5a: {  	p0 =	sne.s32 s2, $0x0;
	_ =	strace $0x90000053  }
0x5b: {  	s0 =	sadd.s32 @!p0 $0x100000, s1;
	[bflag:$0x2] =	sbarrier.arrive $0xFFFF  }
0x5c: {  	[sflag:s0] =	ssyncadd.tile.s32 @!p0 $0x1;
	_ =	shalt  }
.Lfunc_end2:
_tile_overlayer_lowered:
.L_overlay_start_2:
0x5d: {  	(tag) =	ssettag $0x2  }
0x5e: {  	s0 =	rddreg [dreg:$0x0];
	s2 =	stileid.u32  }
0x5f: {  	s1 =	rddreg [dreg:$0x1];
	p0 =	sne.s32 s2, $0x0  }
0x60: {  	s3 =	rddreg [dreg:$0x2];
	[bflag:$0x3] =	sbarrier.arrive $0xFFFF;
	s2 =	simm.s32 @!p0 $0x1C02  }
0x61: {  	[timem:s3], [sflag:s2] =	dma.local @!p0 [hbm:s0], s1  }
0x62: {  	s0 =	simm.s32 @!p0 $0x2  }
0x63: {  	_ =	swait.ge @!p0 [sflag:s0], s1  }
0x64: {  	s1 =	ssub.s32 @!p0 $0x0, s1;
	[sflag:s0] =	ssyncset.done @!p0 $0x0  }
0x65: {  	[sflag:s0] =	ssyncadd.s32 @!p0 s1  }
0x66: {  	[bflag:$0x3] =	sbarrier.arrive $0xFFFF  }
0x67: {  	_ =	shalt  }

// kernel: kernel.35.cloned.1.call-start
scs
__scs_entry_jumppad:
0x0: {  	(pc) =	sbr.rel $0x88, $3  }
0x1: {  	(tag) =	ssettag $0x0;
	lr =	simm.s32 $0x1  }
0x2: {  	[smem:$0x3F8C] =	sst lr;
	_ =	strace $0xD0000000  }
0x3: {  	_ = 	snop  }
0x4: {  	_ = 	snop  }
0x5: {  	_ = 	snop  }
0x6: {  	_ = 	snop  }
0x7: {  	_ = 	snop  }
__scs_overlays_trampoline_lowered:
0x8: {  	[smem:$0x3F9B] =	sst s0  }
0x9: {  	[smem:$0x3F9C] =	sst s1  }
0xa: {  	[smem:$0x3F9D] =	sst s2  }
0xb: {  	[smem:$0x3F9E] =	sst s3  }
0xc: {  	[smem:$0x3F9F] =	sst s4  }
0xd: {  	[smem:$0x3FA0] =	sst s5  }
0xe: {  	[smem:$0x3FA1] =	sst s6  }
0xf: {  	[smem:$0x3FA2] =	sst s7  }
0x10: {  	[smem:$0x3FA3] =	sst s8  }
0x11: {  	[smem:$0x3FA4] =	sst s9;
	s0 =	simm.s32 @!p0 $0x0  }
0x12: {  	s1 =	sld [smem:$0x3F8A];
	s0 =	simm.s32 @p0 $0x1  }
0x13: {  	[smem:$0x3FA5] =	sst s0;
	s0 =	simm.s32 @!p1 $0x0  }
0x14: {  	s2 =	sld [smem:$0x3F89];
	s0 =	simm.s32 @p1 $0x1  }
0x15: {  	[smem:$0x3FA6] =	sst s0;
	s0 =	simm.s32 @!p2 $0x0  }
0x16: {  	s3 =	sld [smem:$0x3FDB];
	s0 =	simm.s32 @p2 $0x1  }
0x17: {  	s4 =	simm.s32 $0x1BF5;
	[smem:$0x3FA8] =	sst s0  }
0x18: {  	s0 =	sld [smem:$0x3F8B];
	_ =	swait.ge [sflag:s4], $0x0  }
0x19: {  	s7 =	sld [smem:$0x3F8C]  }
0x1a: {  	s8 =	sadd.s32 $0xFFFFE003, lr  }
0x1b: {  	s9 =	sadd.s32 $0xFFFFFEF7, lr;
	s5 =	simm.s32 $0xFFFFFFFF;
	p2 =	slt.u32 s8, $0xFFFFF086  }
0x1c: {  	p1 =	slt.u32 s9, $0xF7A;
	s5 =	simm.s32 @!p2 $0x0  }
0x1d: {  	s5 =	simm.s32 @p1 $0x1;
	p0 =	seq.s32 s7, s2  }
0x1e: {  	s7 =	smul.u32 @!p0 $0xF7A, s2;
	p2 =	seq.s32 @!p0 s5, $0x0  }
0x1f: {  	s9 =	smul.u32 $0xF7A, s1;
	s8 =	simm.s32 @!p0 $0x1BF5;
	p2 =	por !p2, p0  }
0x20: {  	[sflag:s8] =	ssyncset.s32 @!p0 $0xFFFFF086;
	s6 =	sadd.s32 @!p0 s3, s7;
	s7 =	simm.s32 @!p0 $0x108  }
0x21: {  	s3 =	sadd.s32 s3, s9;
	s6 =	sadd.s32 @!p0 $0x88, s6;
	s7 =	simm.s32 @p2 $0x1082  }
0x22: {  	[simem:s7], [sflag:s8] =	dma.local @!p0 [hbm:s6], $0xF7A  }
0x23: {  	s9 =	sor.u32 $0xD0000000, s2;
	s6 =	simm.s32 $0x108;
	_ =	swait.ge @!p0 [sflag:s8], $0x0  }
0x24: {  	s3 =	sadd.s32 $0x88, s3;
	s6 =	simm.s32 @!p1 $0x1082;
	[sflag:s4] =	ssyncset.s32 $0xFFFFF086  }
0x25: {  	[simem:s6], [sflag:s4] =	dma.local [hbm:s3], $0xF7A  }
0x26: {  	[smem:$0x3F8C] =	sst s1;
	(tag) =	ssettag s2;
	_ =	strace s9  }
0x27: {  	s1 =	sld [smem:$0x3F9C]  }
0x28: {  	s2 =	sld [smem:$0x3F9D]  }
0x29: {  	s4 =	sld [smem:$0x3F9F]  }
0x2a: {  	p0 =	seq.s32 s5, $0x0;
	s5 =	sld [smem:$0x3FA0]  }
0x2b: {  	s6 =	sld [smem:$0x3FA1]  }
0x2c: {  	s7 =	sld [smem:$0x3FA2]  }
0x2d: {  	s3 =	simm.s32 $0x108;
	s8 =	sld [smem:$0x3FA3]  }
0x2e: {  	s3 =	simm.s32 @!p0 $0x1082;
	s9 =	sld [smem:$0x3FA4]  }
0x2f: {  	lr =	sadd.s32 s0, s3;
	s0 =	sld [smem:$0x3F9B]  }
0x30: {  	s3 =	sld [smem:$0x3F9E]  }
0x31: {  	[smem:$0x3FA7] =	sst s10  }
0x32: {  	s10 =	sld [smem:$0x3FA5];
	_ =	sdelay $0x3  }
0x33: {  	p0 =	seq.s32 s10, $0x1;
	s10 =	sld [smem:$0x3FA7];
	_ =	sdelay $0x3  }
0x34: {  	[smem:$0x3FA7] =	sst s10  }
0x35: {  	s10 =	sld [smem:$0x3FA6];
	_ =	sdelay $0x3  }
0x36: {  	p1 =	seq.s32 s10, $0x1;
	s10 =	sld [smem:$0x3FA7];
	_ =	sdelay $0x3  }
0x37: {  	[smem:$0x3FA7] =	sst s10  }
0x38: {  	s10 =	sld [smem:$0x3FA8]  }
0x39: {  	_ = 	snop;
	(pc) =	sbr.ind lr, $3  }
0x3a: {  	_ = 	snop  }
0x3b: {  	_ = 	snop  }
0x3c: {  	p2 =	seq.s32 s10, $0x1;
	s10 =	sld [smem:$0x3FA7]  }
0x3d: {  	_ =	shalt  }
0x3e: {  	_ =	shalt  }
0x3f: {  	_ =	shalt  }
0x40: {  	_ =	shalt  }
0x41: {  	_ =	shalt  }
0x42: {  	_ =	shalt  }
0x43: {  	_ =	shalt  }
0x44: {  	_ =	shalt  }
0x45: {  	_ =	shalt  }
0x46: {  	_ =	shalt  }
0x47: {  	_ =	shalt  }
0x48: {  	_ =	shalt  }
0x49: {  	_ =	shalt  }
0x4a: {  	_ =	shalt  }
0x4b: {  	_ =	shalt  }
0x4c: {  	_ =	shalt  }
0x4d: {  	_ =	shalt  }
0x4e: {  	_ =	shalt  }
0x4f: {  	_ =	shalt  }
0x50: {  	_ =	shalt  }
0x51: {  	_ =	shalt  }
0x52: {  	_ =	shalt  }
0x53: {  	_ =	shalt  }
0x54: {  	_ =	shalt  }
0x55: {  	_ =	shalt  }
0x56: {  	_ =	shalt  }
0x57: {  	_ =	shalt  }
0x58: {  	_ =	shalt  }
0x59: {  	_ =	shalt  }
0x5a: {  	_ =	shalt  }
0x5b: {  	_ =	shalt  }
0x5c: {  	_ =	shalt  }
0x5d: {  	_ =	shalt  }
0x5e: {  	_ =	shalt  }
0x5f: {  	_ =	shalt  }
0x60: {  	_ =	shalt  }
0x61: {  	_ =	shalt  }
0x62: {  	_ =	shalt  }
0x63: {  	_ =	shalt  }
0x64: {  	_ =	shalt  }
0x65: {  	_ =	shalt  }
0x66: {  	_ =	shalt  }
0x67: {  	_ =	shalt  }
0x68: {  	_ =	shalt  }
0x69: {  	_ =	shalt  }
0x6a: {  	_ =	shalt  }
0x6b: {  	_ =	shalt  }
0x6c: {  	_ =	shalt  }
0x6d: {  	_ =	shalt  }
0x6e: {  	_ =	shalt  }
0x6f: {  	_ =	shalt  }
0x70: {  	_ =	shalt  }
0x71: {  	_ =	shalt  }
0x72: {  	_ =	shalt  }
0x73: {  	_ =	shalt  }
0x74: {  	_ =	shalt  }
0x75: {  	_ =	shalt  }
0x76: {  	_ =	shalt  }
0x77: {  	_ =	shalt  }
0x78: {  	_ =	shalt  }
0x79: {  	_ =	shalt  }
0x7a: {  	_ =	shalt  }
0x7b: {  	_ =	shalt  }
0x7c: {  	_ =	shalt  }
0x7d: {  	_ =	shalt  }
0x7e: {  	_ =	shalt  }
0x7f: {  	_ =	shalt  }
0x80: {  	_ =	shalt  }
0x81: {  	_ =	shalt  }
0x82: {  	_ =	shalt  }
0x83: {  	_ =	shalt  }
0x84: {  	_ =	shalt  }
0x85: {  	_ =	shalt  }
0x86: {  	_ =	shalt  }
0x87: {  	_ =	shalt  }
.Lfunc_end0:
.L_simem_size_0:
called_computation.5_lowered:
.L_overlay_start_0:
0x88: {  	s2 =	sld [smem:$0x3FD9]  }
0x89: {  	s3 =	sld [smem:$0x3FFE];
	_ =	sdelay $0x1  }
0x8a: {  	s1 =	srdreg.scid  }
0x8b: {  	s0 =	sand.u32 $0x1, s1  }
0x8c: {  	s17 =	sshll.u32 s0, $0xA;
	s2 =	sadd.s32 s3, s2  }
0x8d: {  	s2 =	sadd.s32 s2, s17  }
0x8e: {  	[smem:$0x3FB3] =	sst s2  }
0x8f: {  	_ = 	snop  }
0x90: {  	s2 =	sld [smem:$0x3FD0];
	(tm) =	ssettm $0x1  }
0x91: {  	s18 =	sld [smem:$0x3FFB];
	_ =	sdelay $0x3  }
0x92: {  	_ =	strace s18  }
0x93: {  	s3 =	sld [smem:$0x3FFC];
	_ =	sdelay $0x3  }
0x94: {  	_ =	strace s3  }
0x95: {  	s3 =	sld [smem:$0x3FFD];
	_ =	sdelay $0x3  }
0x96: {  	_ =	strace s3  }
0x97: {  	_ =	strace $0x8FFFFFFF  }
0x98: {  	s19 =	sld [smem:$0x3FDB];
	_ =	sdelay $0x1  }
0x99: {  	s4 =	simm.s32 $_scs_section_size  }
0x9a: {  	s5 =	simm.s32 $_size__tile_overlayer_lowered;
	s6 =	simm.s32 $_tile_overlayer_lowered  }
0x9b: {  	s22 =	simm.s32 $0x1BFF;
	s21 =	sshll.u32 s6, $0x1;
	s3 =	sadd.s32 s4, s19  }
0x9c: {  	s7 =	simm.s32 $0x0;
	s20 =	sshll.u32 s5, $0x1;
	s5 =	sadd.s32 s21, s3  }
0x9d: {  	[timem:s7], [sflag:s22] =	dma.local [hbm:s5], s20  }
0x9e: {  	_ =	swait.ge [sflag:s22], s20  }
0x9f: {  	s4 =	ssub.s32 $0x0, s20;
	[sflag:s22] =	ssyncset.done $0x0  }
0xa0: {  	[sflag:s22] =	ssyncadd.s32 s4;
	_ =	sdelay $0x1  }
0xa1: {  	s23 =	simm.s32 $0x1B8B  }
0xa2: {  	_ =	swait.ge [sflag:s23], $0x1  }
0xa3: {  	[sflag:s23] =	ssyncset.done $0x0  }
0xa4: {  	s25 =	simm.s32 $0x1B8E;
	s24 =	sld [smem:$0x3FFE];
	[sflag:s23] =	ssyncadd.s32 $0xFFFFFFFF  }
0xa5: {  	s26 =	simm.s32 $execute0_lowered;
	[smem:$0x3FD2] =	sst s25  }
0xa6: {  	s5 =	sshll.u32 s26, $0x1;
	_ =	strace $0x80000055;
	[dreg:$0x1] =	wrdreg $0xFFFFFFFF  }
0xa7: {  	s28 =	simm.s32 $_size_execute0_lowered;
	s3 =	sadd.s32 s3, s5;
	[dreg:$0x0] =	wrdreg $0x0  }
0xa8: {  	s5 =	sshll.u32 s28, $0x1;
	[dreg:$0x2] =	wrdreg s3  }
0xa9: {  	[dreg:$0x3] =	wrdreg s5  }
0xaa: {  	[dreg:$0x4] =	wrdreg $0xC0  }
0xab: {  	_ =	task [dreg:s7], $0x5FFFF  }
0xac: {  	[dreg:$0x1] =	wrdreg $0xFFFFFFFF  }
0xad: {  	[dreg:$0x0] =	wrdreg $0x60  }
0xae: {  	[dreg:$0x2] =	wrdreg s2  }
0xaf: {  	[dreg:$0x3] =	wrdreg s24  }
0xb0: {  	[dreg:$0x4] =	wrdreg $0x0  }
0xb1: {  	[dreg:$0x5] =	wrdreg $0x9  }
0xb2: {  	_ =	task.clear_ibuf [dreg:s7], $0x6FFFF;
	_ =	strace $0x90000055  }
0xb3: {  	s29 =	simm.s32 $0x9;
	_ =	strace $0x80000057  }
0xb4: {  	_ =	swait.ge [sflag:s29], $0x1  }
0xb5: {  	[sflag:s29] =	ssyncadd.s32 $0xFFFFFFFF  }
0xb6: {  	_ =	strace $0x90000057  }
0xb7: {  	_ =	sfence  }
0xb8: {  	s30 =	sld [smem:$0x0];
	_ =	sdelay $0x2  }
0xb9: {  	s31 =	sshll.u32 s1, $0xD;
	s1 =	sshrl.u32 s1, $0x2  }
0xba: {  	s3 =	sand.u32 $0x4000, s31;
	s1 =	sadd.s32 s1, s30  }
0xbb: {  	s0 =	sor.u32 s3, s0;
	s1 =	sshll.u32 s1, $0x11  }
0xbc: {  	s0 =	sor.u32 s1, s0  }
0xbd: {  	s0 =	sadd.s32 $0x8F2B, s0  }
0xbe: {  	[sflag:s0] =	ssyncadd.remote.s32 $0x1  }
0xbf: {  	_ =	sfence.sel $0xFFFF  }
0xc0: {  	[dreg:$0x0] =	wrdreg $0xFFFFFFFF;
	(pc) =	sbr.abs _section_cstart, $3  }
0xc1: {  	[dreg:$0x1] =	wrdreg $0xFFFFFFFF  }
0xc2: {  	_ =	task.clear_ibuf [dreg:s7], $0x2FFFF;
	_ =	strace $0x9FFFFFFF  }
0xc3: {  	(tm) =	ssettm $0x7FFFFFFF  }
tec
execute0_lowered:
.L_overlay_start_1:
0x0: {  	(tag) =	ssettag $0x1  }
0x1: {  	s0 =	rddreg [dreg:$0x0]  }
0x2: {  	s6 =	rddreg [dreg:$0x1];
	s1 =	srdreg.scid  }
0x3: {  	s3 =	rddreg [dreg:$0x2];
	s2 =	stileid.u32  }
0x4: {  	s4 =	simm.s32 $0x0;
	s14 =	simm.s32 $0x1D500;
	s15 =	simm.s32 $0x2  }
0x5: {  	s16 =	simm.s32 $0x1D580;
	s17 =	simm.s32 $0x28;
	s18 =	simm.s32 $0x1D600  }
0x6: {  	s19 =	simm.s32 $0x1;
	s20 =	simm.s32 $0x0;
	s8 =	smul.u32 $0x1388, s2  }
0x7: {  	s5 =	sand.u32 $0x1, s1;
	s1 =	rddreg [dreg:$0x3];
	s25 =	smul.u32 $0x76000, s2  }
0x8: {  	[smem:$0x7FF] =	sst s4;
	s12 =	smul.u32 $0x1D800, s2;
	p0 =	seq.s32 s2, $0xF  }
0x9: {  	s7 =	smul.u32 $0x13880, s5;
	_ =	strace $0x80000056;
	s9 =	ssub.s32 $0x2, s5  }
0xa: {  	s10 =	smul.u32 $0x1D5000, s5;
	s5 =	sadd.s32 $0xA1B000, s6;
	s26 =	sshrl.u32 s9, $0x1  }
0xb: {  	s28 =	sshrl.u32 s25, $0x2;
	s7 =	sadd.s32 s8, s7;
	s9 =	ssub.s32 s9, s26  }
0xc: {  	s29 =	sadd.s32 s12, s10;
	s10 =	sshrl.u32 s10, $0x3;
	s13 =	sadd.s32 s28, s3  }
0xd: {  	s12 =	sadd.s32 $0x1BA800, s3;
	s7 =	sshrl.u32 s7, $0x3;
	s30 =	sshrl.u32 s29, $0x3  }
0xe: {  	s8 =	smax.u32 s9, $0x1;
	s11 =	sadd.s32 s7, s6;
	s6 =	sadd.s32 $0xA1EC00, s6  }
0xf: {  	s13 =	sshrl.u32 @!p0 s13, $0x3;
	s31 =	sadd.s32 s6, s10;
	s9 =	sadd.s32 $0xA9DE00, s11  }
0x10: {  	s10 =	sadd.s32 $0xA98E00, s11;
	s11 =	sshrl.u32 @p0 s12, $0x3;
	s12 =	sshll.u32 @!p0 s2, $0x6  }
0x11: {  	s6 =	sadd.s32 s6, s30;
	s7 =	sadd.s32 $0x37500, s31;
	s12 =	sor.u32 @!p0 $0x1C02, s12  }
.LBB2_1:
0x12: {  	s21 =	simm.s32 @p0 $0x1FC2  }
0x13: {  	[spmem:s11], [sflag:s21] =	dma.local @p0 [hbm:s5], $0x3500  }
0x14: {  	s21 =	simm.s32 @p0 $0x2  }
0x15: {  	_ =	swait.ge @p0 [sflag:s21], $0x3500  }
0x16: {  	[sflag:s21] =	ssyncset.done @p0 $0x0  }
0x17: {  	[sflag:s21] =	ssyncadd.s32 @p0 $0xFFFFCB00;
	s21 =	simm.s32 @!p0 $0x2  }
0x18: {  	[spmem:s13], [sflag:s12] =	dma.local @!p0 [hbm:s5], $0x3B00  }
0x19: {  	_ =	swait.ge @!p0 [sflag:s21], $0x3B00  }
0x1a: {  	[sflag:s21] =	ssyncset.done @!p0 $0x0  }
0x1b: {  	[sflag:s21] =	ssyncadd.s32 @!p0 $0xFFFFC500  }
0x1c: {  	s30 =	sadd.s32 $0x0, s10;
	[bflag:$0x0] =	sbarrier.arrive $0xFFFF  }
0x1d: {  	[tilespmem:s14], [sflag:$0x2] =	stream.linear.gather [hbm4b:s30+s4], $0x28, $0x38;
	[tilespmem:$0x1EA00] =	vst v63  }
0x1e: {  	_ =	swait.ge [sflag:s15], $0x28  }
0x1f: {  	[sflag:s15] =	ssyncset.done $0x0  }
0x20: {  	s31 =	sadd.s32 $0x0, s9;
	[sflag:s15] =	ssyncadd.s32 $0xFFFFFFD8  }
0x21: {  	[tilespmem:s16], [sflag:$0x2] =	stream.linear.gather [hbm4b:s31+s4], $0x28, $0x38;
	[tilespmem:$0x1EA00] =	vst v63  }
0x22: {  	_ =	swait.ge [sflag:s15], $0x28  }
0x23: {  	[sflag:s15] =	ssyncset.done $0x0  }
0x24: {  	[sflag:s15] =	ssyncadd.s32 $0xFFFFFFD8  }
0x25: {  	[tilespmem:s18], [sflag:$0x1] =	stream.indirect.gather [hbm4b:s0+s17], $0x80, s14, s17, $0xb8;
	[tilespmem:$0x1EA00] =	vst v63  }
0x26: {  	_ =	swait.ge [sflag:s19], $0x1400  }
0x27: {  	[sflag:s19] =	ssyncset.done $0x0  }
0x28: {  	[sflag:s19] =	ssyncadd.s32 $0xFFFFEC00  }
0x29: {  	[spmem:s3] =	stream.indirect.scatter.add.f32 [tilespmem:s18], [sflag:$0x2], $0x80, s16, s17, $0xb8;
	[tilespmem:$0x1EA00] =	vst v63  }
0x2a: {  	_ =	swait.ge [sflag:s15], $0x1400  }
0x2b: {  	s22 =	simm.s32 $0xA;
	s21 =	simm.s32 $0x5;
	[sflag:s15] =	ssyncset.done $0x0  }
.LBB2_2:
0x2c: {  	s23 =	sadd.s32 s21, s10  }
0x2d: {  	[sflag:s15] =	ssyncadd.s32 $0xFFFFEC00;
	s24 =	smov.u32 s22;
	s25 =	sadd.s32 $0x5, s22  }
0x2e: {  	[tilespmem:s14], [sflag:$0x2] =	stream.linear.gather [hbm4b:s23+s4], $0x28, $0x38;
	[tilespmem:$0x1EA00] =	vst v63  }
0x2f: {  	p1 =	sne.s32 s22, $0x26C;
	_ =	swait.ge [sflag:s15], $0x28  }
0x30: {  	[sflag:s15] =	ssyncset.done $0x0  }
0x31: {  	s22 =	sadd.s32 s21, s9;
	s21 =	smov.u32 s24;
	[sflag:s15] =	ssyncadd.s32 $0xFFFFFFD8  }
0x32: {  	[tilespmem:s16], [sflag:$0x2] =	stream.linear.gather [hbm4b:s22+s4], $0x28, $0x38;
	[tilespmem:$0x1EA00] =	vst v63  }
0x33: {  	_ =	swait.ge [sflag:s15], $0x28  }
0x34: {  	[sflag:s15] =	ssyncset.done $0x0  }
0x35: {  	[sflag:s15] =	ssyncadd.s32 $0xFFFFFFD8  }
0x36: {  	[tilespmem:s18], [sflag:$0x1] =	stream.indirect.gather [hbm4b:s0+s17], $0x80, s14, s17, $0xb8;
	[tilespmem:$0x1EA00] =	vst v63  }
0x37: {  	_ =	swait.ge [sflag:s19], $0x1400  }
.Ltmp0:
0x38: {  	[sflag:s19] =	ssyncset.done $0x0;
	(pc) =	sbr.rel @p1 .LBB2_2-.Ltmp0, $4  }
0x39: {  	[sflag:s19] =	ssyncadd.s32 $0xFFFFEC00  }
0x3a: {  	[spmem:s3] =	stream.indirect.scatter.add.f32 [tilespmem:s18], [sflag:$0x2], $0x80, s16, s17, $0xb8;
	[tilespmem:$0x1EA00] =	vst v63  }
0x3b: {  	_ =	swait.ge [sflag:s15], $0x1400  }
0x3c: {  	s22 =	smov.u32 s25;
	[sflag:s15] =	ssyncset.done $0x0  }
0x3d: {  	s22 =	sadd.s32 s21, s10;
	[sflag:s15] =	ssyncadd.s32 $0xFFFFEC00  }
0x3e: {  	[tilespmem:s14], [sflag:$0x2] =	stream.linear.gather [hbm4b:s22+s4], $0x28, $0x38;
	[tilespmem:$0x1EA00] =	vst v63  }
0x3f: {  	_ =	swait.ge [sflag:s15], $0x28  }
0x40: {  	[sflag:s15] =	ssyncset.done $0x0  }
0x41: {  	s31 =	sadd.s32 s21, s9;
	[sflag:s15] =	ssyncadd.s32 $0xFFFFFFD8  }
0x42: {  	[tilespmem:s16], [sflag:$0x2] =	stream.linear.gather [hbm4b:s31+s4], $0x28, $0x38;
	[tilespmem:$0x1EA00] =	vst v63  }
0x43: {  	_ =	swait.ge [sflag:s15], $0x28  }
0x44: {  	[sflag:s15] =	ssyncset.done $0x0  }
0x45: {  	[sflag:s15] =	ssyncadd.s32 $0xFFFFFFD8  }
0x46: {  	[tilespmem:s18], [sflag:$0x1] =	stream.indirect.gather [hbm4b:s0+s17], $0x80, s14, s17, $0xb8;
	[tilespmem:$0x1EA00] =	vst v63  }
0x47: {  	_ =	swait.ge [sflag:s19], $0x1400  }
0x48: {  	[sflag:s19] =	ssyncset.done $0x0  }
0x49: {  	[sflag:s19] =	ssyncadd.s32 $0xFFFFEC00  }
0x4a: {  	[spmem:s3] =	stream.indirect.scatter.add.f32 [tilespmem:s18], [sflag:$0x2], $0x80, s16, s17, $0xb8;
	[tilespmem:$0x1EA00] =	vst v63  }
0x4b: {  	_ =	swait.ge [sflag:s15], $0x1400  }
0x4c: {  	[sflag:s15] =	ssyncset.done $0x0  }
0x4d: {  	[sflag:s15] =	ssyncadd.s32 $0xFFFFEC00  }
0x4e: {  	s21 =	simm.s32 @p0 $0x1FC2;
	[bflag:$0x0] =	sbarrier.arrive $0xFFFF  }
0x4f: {  	[hbm:s7], [sflag:s21] =	dma.local @p0 [spmem:s11], $0x3500  }
0x50: {  	s21 =	simm.s32 @p0 $0x2  }
0x51: {  	s20 =	sadd.s32 $0x1, s20;
	_ =	swait.ge @p0 [sflag:s21], $0x3500  }
0x52: {  	p1 =	sne.s32 s20, s8;
	[sflag:s21] =	ssyncset.done @p0 $0x0  }
.Ltmp1:
0x53: {  	[sflag:s21] =	ssyncadd.s32 @p0 $0xFFFFCB00;
	s21 =	simm.s32 @!p0 $0x2;
	(pc) =	sbr.rel @p1 .LBB2_1-.Ltmp1, $4  }
0x54: {  	[hbm:s6], [sflag:s12] =	dma.local @!p0 [spmem:s13], $0x3B00  }
0x55: {  	_ =	swait.ge @!p0 [sflag:s21], $0x3B00  }
0x56: {  	[sflag:s21] =	ssyncset.done @!p0 $0x0  }
0x57: {  	[sflag:s21] =	ssyncadd.s32 @!p0 $0xFFFFC500  }
0x58: {  	_ =	sfence.sel $0x180000  }
0x59: {  	[bflag:$0x0] =	sbarrier.arrive $0xFFFF  }
0x5a: {  	p0 =	sne.s32 s2, $0x0;
	_ =	strace $0x90000056  }
0x5b: {  	s0 =	sadd.s32 @!p0 $0x100000, s1;
	[bflag:$0x2] =	sbarrier.arrive $0xFFFF  }
0x5c: {  	[sflag:s0] =	ssyncadd.tile.s32 @!p0 $0x1;
	_ =	shalt  }
.Lfunc_end2:
_tile_overlayer_lowered:
.L_overlay_start_2:
0x5d: {  	(tag) =	ssettag $0x2  }
0x5e: {  	s0 =	rddreg [dreg:$0x0];
	s2 =	stileid.u32  }
0x5f: {  	s1 =	rddreg [dreg:$0x1];
	p0 =	sne.s32 s2, $0x0  }
0x60: {  	s3 =	rddreg [dreg:$0x2];
	[bflag:$0x3] =	sbarrier.arrive $0xFFFF;
	s2 =	simm.s32 @!p0 $0x1C02  }
0x61: {  	[timem:s3], [sflag:s2] =	dma.local @!p0 [hbm:s0], s1  }
0x62: {  	s0 =	simm.s32 @!p0 $0x2  }
0x63: {  	_ =	swait.ge @!p0 [sflag:s0], s1  }
0x64: {  	s1 =	ssub.s32 @!p0 $0x0, s1;
	[sflag:s0] =	ssyncset.done @!p0 $0x0  }
0x65: {  	[sflag:s0] =	ssyncadd.s32 @!p0 s1  }
0x66: {  	[bflag:$0x3] =	sbarrier.arrive $0xFFFF  }
0x67: {  	_ =	shalt  }

// kernel: kernel.38.cloned.1.call-start
scs
__scs_entry_jumppad:
0x0: {  	(pc) =	sbr.rel $0x88, $3  }
0x1: {  	(tag) =	ssettag $0x0;
	lr =	simm.s32 $0x1  }
0x2: {  	[smem:$0x3F8C] =	sst lr;
	_ =	strace $0xD0000000  }
0x3: {  	_ = 	snop  }
0x4: {  	_ = 	snop  }
0x5: {  	_ = 	snop  }
0x6: {  	_ = 	snop  }
0x7: {  	_ = 	snop  }
__scs_overlays_trampoline_lowered:
0x8: {  	[smem:$0x3F9B] =	sst s0  }
0x9: {  	[smem:$0x3F9C] =	sst s1  }
0xa: {  	[smem:$0x3F9D] =	sst s2  }
0xb: {  	[smem:$0x3F9E] =	sst s3  }
0xc: {  	[smem:$0x3F9F] =	sst s4  }
0xd: {  	[smem:$0x3FA0] =	sst s5  }
0xe: {  	[smem:$0x3FA1] =	sst s6  }
0xf: {  	[smem:$0x3FA2] =	sst s7  }
0x10: {  	[smem:$0x3FA3] =	sst s8  }
0x11: {  	[smem:$0x3FA4] =	sst s9;
	s0 =	simm.s32 @!p0 $0x0  }
0x12: {  	s1 =	sld [smem:$0x3F8A];
	s0 =	simm.s32 @p0 $0x1  }
0x13: {  	[smem:$0x3FA5] =	sst s0;
	s0 =	simm.s32 @!p1 $0x0  }
0x14: {  	s2 =	sld [smem:$0x3F89];
	s0 =	simm.s32 @p1 $0x1  }
0x15: {  	[smem:$0x3FA6] =	sst s0;
	s0 =	simm.s32 @!p2 $0x0  }
0x16: {  	s3 =	sld [smem:$0x3FDB];
	s0 =	simm.s32 @p2 $0x1  }
0x17: {  	s4 =	simm.s32 $0x1BF5;
	[smem:$0x3FA8] =	sst s0  }
0x18: {  	s0 =	sld [smem:$0x3F8B];
	_ =	swait.ge [sflag:s4], $0x0  }
0x19: {  	s7 =	sld [smem:$0x3F8C]  }
0x1a: {  	s8 =	sadd.s32 $0xFFFFE003, lr  }
0x1b: {  	s9 =	sadd.s32 $0xFFFFFEF7, lr;
	s5 =	simm.s32 $0xFFFFFFFF;
	p2 =	slt.u32 s8, $0xFFFFF086  }
0x1c: {  	p1 =	slt.u32 s9, $0xF7A;
	s5 =	simm.s32 @!p2 $0x0  }
0x1d: {  	s5 =	simm.s32 @p1 $0x1;
	p0 =	seq.s32 s7, s2  }
0x1e: {  	s7 =	smul.u32 @!p0 $0xF7A, s2;
	p2 =	seq.s32 @!p0 s5, $0x0  }
0x1f: {  	s9 =	smul.u32 $0xF7A, s1;
	s8 =	simm.s32 @!p0 $0x1BF5;
	p2 =	por !p2, p0  }
0x20: {  	[sflag:s8] =	ssyncset.s32 @!p0 $0xFFFFF086;
	s6 =	sadd.s32 @!p0 s3, s7;
	s7 =	simm.s32 @!p0 $0x108  }
0x21: {  	s3 =	sadd.s32 s3, s9;
	s6 =	sadd.s32 @!p0 $0x88, s6;
	s7 =	simm.s32 @p2 $0x1082  }
0x22: {  	[simem:s7], [sflag:s8] =	dma.local @!p0 [hbm:s6], $0xF7A  }
0x23: {  	s9 =	sor.u32 $0xD0000000, s2;
	s6 =	simm.s32 $0x108;
	_ =	swait.ge @!p0 [sflag:s8], $0x0  }
0x24: {  	s3 =	sadd.s32 $0x88, s3;
	s6 =	simm.s32 @!p1 $0x1082;
	[sflag:s4] =	ssyncset.s32 $0xFFFFF086  }
0x25: {  	[simem:s6], [sflag:s4] =	dma.local [hbm:s3], $0xF7A  }
0x26: {  	[smem:$0x3F8C] =	sst s1;
	(tag) =	ssettag s2;
	_ =	strace s9  }
0x27: {  	s1 =	sld [smem:$0x3F9C]  }
0x28: {  	s2 =	sld [smem:$0x3F9D]  }
0x29: {  	s4 =	sld [smem:$0x3F9F]  }
0x2a: {  	p0 =	seq.s32 s5, $0x0;
	s5 =	sld [smem:$0x3FA0]  }
0x2b: {  	s6 =	sld [smem:$0x3FA1]  }
0x2c: {  	s7 =	sld [smem:$0x3FA2]  }
0x2d: {  	s3 =	simm.s32 $0x108;
	s8 =	sld [smem:$0x3FA3]  }
0x2e: {  	s3 =	simm.s32 @!p0 $0x1082;
	s9 =	sld [smem:$0x3FA4]  }
0x2f: {  	lr =	sadd.s32 s0, s3;
	s0 =	sld [smem:$0x3F9B]  }
0x30: {  	s3 =	sld [smem:$0x3F9E]  }
0x31: {  	[smem:$0x3FA7] =	sst s10  }
0x32: {  	s10 =	sld [smem:$0x3FA5];
	_ =	sdelay $0x3  }
0x33: {  	p0 =	seq.s32 s10, $0x1;
	s10 =	sld [smem:$0x3FA7];
	_ =	sdelay $0x3  }
0x34: {  	[smem:$0x3FA7] =	sst s10  }
0x35: {  	s10 =	sld [smem:$0x3FA6];
	_ =	sdelay $0x3  }
0x36: {  	p1 =	seq.s32 s10, $0x1;
	s10 =	sld [smem:$0x3FA7];
	_ =	sdelay $0x3  }
0x37: {  	[smem:$0x3FA7] =	sst s10  }
0x38: {  	s10 =	sld [smem:$0x3FA8]  }
0x39: {  	_ = 	snop;
	(pc) =	sbr.ind lr, $3  }
0x3a: {  	_ = 	snop  }
0x3b: {  	_ = 	snop  }
0x3c: {  	p2 =	seq.s32 s10, $0x1;
	s10 =	sld [smem:$0x3FA7]  }
0x3d: {  	_ =	shalt  }
0x3e: {  	_ =	shalt  }
0x3f: {  	_ =	shalt  }
0x40: {  	_ =	shalt  }
0x41: {  	_ =	shalt  }
0x42: {  	_ =	shalt  }
0x43: {  	_ =	shalt  }
0x44: {  	_ =	shalt  }
0x45: {  	_ =	shalt  }
0x46: {  	_ =	shalt  }
0x47: {  	_ =	shalt  }
0x48: {  	_ =	shalt  }
0x49: {  	_ =	shalt  }
0x4a: {  	_ =	shalt  }
0x4b: {  	_ =	shalt  }
0x4c: {  	_ =	shalt  }
0x4d: {  	_ =	shalt  }
0x4e: {  	_ =	shalt  }
0x4f: {  	_ =	shalt  }
0x50: {  	_ =	shalt  }
0x51: {  	_ =	shalt  }
0x52: {  	_ =	shalt  }
0x53: {  	_ =	shalt  }
0x54: {  	_ =	shalt  }
0x55: {  	_ =	shalt  }
0x56: {  	_ =	shalt  }
0x57: {  	_ =	shalt  }
0x58: {  	_ =	shalt  }
0x59: {  	_ =	shalt  }
0x5a: {  	_ =	shalt  }
0x5b: {  	_ =	shalt  }
0x5c: {  	_ =	shalt  }
0x5d: {  	_ =	shalt  }
0x5e: {  	_ =	shalt  }
0x5f: {  	_ =	shalt  }
0x60: {  	_ =	shalt  }
0x61: {  	_ =	shalt  }
0x62: {  	_ =	shalt  }
0x63: {  	_ =	shalt  }
0x64: {  	_ =	shalt  }
0x65: {  	_ =	shalt  }
0x66: {  	_ =	shalt  }
0x67: {  	_ =	shalt  }
0x68: {  	_ =	shalt  }
0x69: {  	_ =	shalt  }
0x6a: {  	_ =	shalt  }
0x6b: {  	_ =	shalt  }
0x6c: {  	_ =	shalt  }
0x6d: {  	_ =	shalt  }
0x6e: {  	_ =	shalt  }
0x6f: {  	_ =	shalt  }
0x70: {  	_ =	shalt  }
0x71: {  	_ =	shalt  }
0x72: {  	_ =	shalt  }
0x73: {  	_ =	shalt  }
0x74: {  	_ =	shalt  }
0x75: {  	_ =	shalt  }
0x76: {  	_ =	shalt  }
0x77: {  	_ =	shalt  }
0x78: {  	_ =	shalt  }
0x79: {  	_ =	shalt  }
0x7a: {  	_ =	shalt  }
0x7b: {  	_ =	shalt  }
0x7c: {  	_ =	shalt  }
0x7d: {  	_ =	shalt  }
0x7e: {  	_ =	shalt  }
0x7f: {  	_ =	shalt  }
0x80: {  	_ =	shalt  }
0x81: {  	_ =	shalt  }
0x82: {  	_ =	shalt  }
0x83: {  	_ =	shalt  }
0x84: {  	_ =	shalt  }
0x85: {  	_ =	shalt  }
0x86: {  	_ =	shalt  }
0x87: {  	_ =	shalt  }
.Lfunc_end0:
.L_simem_size_0:
called_computation.6_lowered:
.L_overlay_start_0:
0x88: {  	s2 =	sld [smem:$0x3FD9]  }
0x89: {  	s3 =	sld [smem:$0x3FFE];
	_ =	sdelay $0x1  }
0x8a: {  	s1 =	srdreg.scid  }
0x8b: {  	s0 =	sand.u32 $0x1, s1  }
0x8c: {  	s17 =	sshll.u32 s0, $0xA;
	s2 =	sadd.s32 s3, s2  }
0x8d: {  	s2 =	sadd.s32 s2, s17  }
0x8e: {  	[smem:$0x3FB3] =	sst s2  }
0x8f: {  	_ = 	snop  }
0x90: {  	s2 =	sld [smem:$0x3FD0];
	(tm) =	ssettm $0x1  }
0x91: {  	s18 =	sld [smem:$0x3FFB];
	_ =	sdelay $0x3  }
0x92: {  	_ =	strace s18  }
0x93: {  	s3 =	sld [smem:$0x3FFC];
	_ =	sdelay $0x3  }
0x94: {  	_ =	strace s3  }
0x95: {  	s3 =	sld [smem:$0x3FFD];
	_ =	sdelay $0x3  }
0x96: {  	_ =	strace s3  }
0x97: {  	_ =	strace $0x8FFFFFFF  }
0x98: {  	s19 =	sld [smem:$0x3FDB];
	_ =	sdelay $0x1  }
0x99: {  	s4 =	simm.s32 $_scs_section_size  }
0x9a: {  	s5 =	simm.s32 $_size__tile_overlayer_lowered;
	s6 =	simm.s32 $_tile_overlayer_lowered  }
0x9b: {  	s22 =	simm.s32 $0x1BFF;
	s21 =	sshll.u32 s6, $0x1;
	s3 =	sadd.s32 s4, s19  }
0x9c: {  	s7 =	simm.s32 $0x0;
	s20 =	sshll.u32 s5, $0x1;
	s5 =	sadd.s32 s21, s3  }
0x9d: {  	[timem:s7], [sflag:s22] =	dma.local [hbm:s5], s20  }
0x9e: {  	_ =	swait.ge [sflag:s22], s20  }
0x9f: {  	s4 =	ssub.s32 $0x0, s20;
	[sflag:s22] =	ssyncset.done $0x0  }
0xa0: {  	[sflag:s22] =	ssyncadd.s32 s4;
	_ =	sdelay $0x1  }
0xa1: {  	s23 =	simm.s32 $0x1B8B  }
0xa2: {  	_ =	swait.ge [sflag:s23], $0x1  }
0xa3: {  	[sflag:s23] =	ssyncset.done $0x0  }
0xa4: {  	s25 =	simm.s32 $0x1B8E;
	s24 =	sld [smem:$0x3FFE];
	[sflag:s23] =	ssyncadd.s32 $0xFFFFFFFF  }
0xa5: {  	s26 =	simm.s32 $execute0_lowered;
	[smem:$0x3FD2] =	sst s25  }
0xa6: {  	s5 =	sshll.u32 s26, $0x1;
	_ =	strace $0x80000058;
	[dreg:$0x1] =	wrdreg $0xFFFFFFFF  }
0xa7: {  	s28 =	simm.s32 $_size_execute0_lowered;
	s3 =	sadd.s32 s3, s5;
	[dreg:$0x0] =	wrdreg $0x0  }
0xa8: {  	s5 =	sshll.u32 s28, $0x1;
	[dreg:$0x2] =	wrdreg s3  }
0xa9: {  	[dreg:$0x3] =	wrdreg s5  }
0xaa: {  	[dreg:$0x4] =	wrdreg $0xC0  }
0xab: {  	_ =	task [dreg:s7], $0x5FFFF  }
0xac: {  	[dreg:$0x1] =	wrdreg $0xFFFFFFFF  }
0xad: {  	[dreg:$0x0] =	wrdreg $0x60  }
0xae: {  	[dreg:$0x2] =	wrdreg s2  }
0xaf: {  	[dreg:$0x3] =	wrdreg s24  }
0xb0: {  	[dreg:$0x4] =	wrdreg $0x0  }
0xb1: {  	[dreg:$0x5] =	wrdreg $0x9  }
0xb2: {  	_ =	task.clear_ibuf [dreg:s7], $0x6FFFF;
	_ =	strace $0x90000058  }
0xb3: {  	s29 =	simm.s32 $0x9;
	_ =	strace $0x8000005A  }
0xb4: {  	_ =	swait.ge [sflag:s29], $0x1  }
0xb5: {  	[sflag:s29] =	ssyncadd.s32 $0xFFFFFFFF  }
0xb6: {  	_ =	strace $0x9000005A  }
0xb7: {  	_ =	sfence  }
0xb8: {  	s30 =	sld [smem:$0x0];
	_ =	sdelay $0x2  }
0xb9: {  	s31 =	sshll.u32 s1, $0xD;
	s1 =	sshrl.u32 s1, $0x2  }
0xba: {  	s3 =	sand.u32 $0x4000, s31;
	s1 =	sadd.s32 s1, s30  }
0xbb: {  	s0 =	sor.u32 s3, s0;
	s1 =	sshll.u32 s1, $0x11  }
0xbc: {  	s0 =	sor.u32 s1, s0  }
0xbd: {  	s0 =	sadd.s32 $0x8F2B, s0  }
0xbe: {  	[sflag:s0] =	ssyncadd.remote.s32 $0x1  }
0xbf: {  	_ =	sfence.sel $0xFFFF  }
0xc0: {  	[dreg:$0x0] =	wrdreg $0xFFFFFFFF;
	(pc) =	sbr.abs _section_cstart, $3  }
0xc1: {  	[dreg:$0x1] =	wrdreg $0xFFFFFFFF  }
0xc2: {  	_ =	task.clear_ibuf [dreg:s7], $0x2FFFF;
	_ =	strace $0x9FFFFFFF  }
0xc3: {  	(tm) =	ssettm $0x7FFFFFFF  }
tec
execute0_lowered:
.L_overlay_start_1:
0x0: {  	(tag) =	ssettag $0x1  }
0x1: {  	s1 =	rddreg [dreg:$0x0]  }
0x2: {  	s9 =	rddreg [dreg:$0x1]  }
0x3: {  	s2 =	rddreg [dreg:$0x2]  }
0x4: {  	s0 =	rddreg [dreg:$0x3];
	s3 =	simm.s32 $0x0  }
0x5: {  	s8 =	srdreg.scid;
	s4 =	stileid.u32;
	s19 =	simm.s32 $0x28  }
0x6: {  	s20 =	simm.s32 $0x1D600;
	s21 =	simm.s32 $0x1;
	s22 =	simm.s32 $0x1EA00  }
0x7: {  	s28 =	simm.s32 $0x0;
	[smem:$0x7FF] =	sst s3;
	s5 =	sadd.s32 $0x4CA00, s9  }
0x8: {  	s6 =	sadd.s32 $0x42C00, s9;
	s7 =	sadd.s32 $0xAA2E00, s9;
	s10 =	sand.u32 $0x1, s8  }
0x9: {  	s8 =	sadd.s32 $0xA1B000, s9;
	s12 =	smul.u32 $0x76000, s4;
	s13 =	sadd.s32 $0xA1EC00, s9  }
0xa: {  	s15 =	smul.u32 $0x1D800, s4;
	s18 =	sadd.s32 $0x1BA800, s2;
	p0 =	seq.s32 s4, $0xF  }
0xb: {  	_ =	strace $0x80000059;
	s11 =	ssub.s32 $0x2, s10;
	s14 =	smul.u32 $0x1D5000, s10  }
0xc: {  	s10 =	sshll.u32 s10, $0x4;
	s26 =	sshrl.u32 s11, $0x1;
	s12 =	sshrl.u32 s12, $0x2  }
0xd: {  	s29 =	sor.u32 s4, s10;
	s16 =	ssub.s32 s11, s26;
	s17 =	sadd.s32 s12, s2  }
0xe: {  	s30 =	sadd.s32 s15, s14;
	s31 =	sshrl.u32 s14, $0x3;
	s9 =	smul.u32 $0x2710, s29  }
0xf: {  	s14 =	sshll.u32 @!p0 s4, $0x6;
	s10 =	sshrl.u32 s30, $0x3;
	s11 =	sadd.s32 s13, s31  }
0x10: {  	s12 =	smax.u32 s16, $0x1;
	s14 =	sor.u32 @!p0 $0x1C02, s14;
	s15 =	sshrl.u32 @!p0 s17, $0x3  }
0x11: {  	s16 =	simm.s32 $0x1D500;
	s17 =	simm.s32 $0x2;
	s10 =	sadd.s32 s13, s10  }
0x12: {  	s11 =	sadd.s32 $0x37500, s11;
	s13 =	sshrl.u32 @p0 s18, $0x3;
	s18 =	simm.s32 $0x1D580  }
.LBB2_1:
0x13: {  	s23 =	simm.s32 @p0 $0x1FC2  }
0x14: {  	[spmem:s13], [sflag:s23] =	dma.local @p0 [hbm:s8], $0x3500  }
0x15: {  	s23 =	simm.s32 @p0 $0x2  }
0x16: {  	_ =	swait.ge @p0 [sflag:s23], $0x3500  }
0x17: {  	[sflag:s23] =	ssyncset.done @p0 $0x0  }
0x18: {  	[sflag:s23] =	ssyncadd.s32 @p0 $0xFFFFCB00;
	s23 =	simm.s32 @!p0 $0x2  }
0x19: {  	[spmem:s15], [sflag:s14] =	dma.local @!p0 [hbm:s8], $0x3B00  }
0x1a: {  	_ =	swait.ge @!p0 [sflag:s23], $0x3B00  }
0x1b: {  	[sflag:s23] =	ssyncset.done @!p0 $0x0  }
0x1c: {  	[sflag:s23] =	ssyncadd.s32 @!p0 $0xFFFFC500  }
0x1d: {  	s23 =	simm.s32 $0x0;
	[bflag:$0x0] =	sbarrier.arrive $0xFFFF  }
.LBB2_2:
0x1e: {  	s24 =	smul.u32 $0x28, s23;
	_ =	sdelay $0x1  }
0x1f: {  	s24 =	sadd.s32 s9, s24  }
0x20: {  	s25 =	sshrl.u32 s24, $0x3  }
0x21: {  	s26 =	sadd.s32 s5, s25  }
0x22: {  	[tilespmem:s16], [sflag:$0x2] =	stream.linear.gather [hbm4b:s26+s28], $0x28, $0x38;
	[tilespmem:$0x1FE00] =	vst v63  }
0x23: {  	_ =	swait.ge [sflag:s17], $0x28  }
0x24: {  	[sflag:s17] =	ssyncset.done $0x0  }
0x25: {  	s25 =	sadd.s32 s6, s25;
	[sflag:s17] =	ssyncadd.s32 $0xFFFFFFD8  }
0x26: {  	[tilespmem:s18], [sflag:$0x2] =	stream.linear.gather [hbm4b:s25+s28], $0x28, $0x38;
	[tilespmem:$0x1FE00] =	vst v63  }
0x27: {  	_ =	swait.ge [sflag:s17], $0x28  }
0x28: {  	[sflag:s17] =	ssyncset.done $0x0  }
0x29: {  	[sflag:s17] =	ssyncadd.s32 $0xFFFFFFD8  }
0x2a: {  	[tilespmem:s20], [sflag:$0x1] =	stream.indirect.gather [hbm4b:s1+s19], $0x80, s16, s19, $0xb8;
	[tilespmem:$0x1FE00] =	vst v63  }
0x2b: {  	_ =	swait.ge [sflag:s21], $0x1400  }
0x2c: {  	s24 =	sshll.u32 s24, $0x4;
	[sflag:s21] =	ssyncset.done $0x0  }
0x2d: {  	s24 =	sadd.s32 s7, s24;
	[sflag:s21] =	ssyncadd.s32 $0xFFFFEC00  }
0x2e: {  	[tilespmem:s22], [sflag:$0x2] =	stream.linear.gather [hbm4b:s24+s28], $0x1400, $0x38;
	[tilespmem:$0x1FE00] =	vst v63  }
0x2f: {  	_ =	swait.ge [sflag:s17], $0x1400  }
0x30: {  	[sflag:s17] =	ssyncset.done $0x0  }
0x31: {  	s24 =	simm.s32 $0x0;
	[sflag:s17] =	ssyncadd.s32 $0xFFFFEC00  }
0x32: {  	v6 =	vld [tilespmem:s24+$0x1EA00]  }
0x33: {  	v11 =	vld [tilespmem:s24+$0x1EA10]  }
0x34: {  	v5 =	vld [tilespmem:s24+$0x1EA20]  }
0x35: {  	v4 =	vld [tilespmem:s24+$0x1EA30]  }
0x36: {  	v3 =	vld [tilespmem:s24+$0x1EA40]  }
0x37: {  	v2 =	vld [tilespmem:s24+$0x1EA50]  }
0x38: {  	v1 =	vld [tilespmem:s24+$0x1EA60]  }
0x39: {  	v0 =	vld [tilespmem:s24+$0x1EA70]  }
0x3a: {  	v12 =	vld [tilespmem:s24+$0x1D600]  }
0x3b: {  	v13 =	vld [tilespmem:s24+$0x1D610]  }
0x3c: {  	v10 =	vld [tilespmem:s24+$0x1D620]  }
0x3d: {  	v9 =	vld [tilespmem:s24+$0x1D630]  }
0x3e: {  	v8 =	vld [tilespmem:s24+$0x1D640]  }
0x3f: {  	v7 =	vld [tilespmem:s24+$0x1D650];
	v12 =	vadd.f32 v6, v12  }
0x40: {  	s25 =	simm.s32 $0x200;
	v11 =	vadd.f32 v11, v13;
	v6 =	vld [tilespmem:s24+$0x1D660]  }
.LBB2_3:
0x41: {  	s26 =	sshra.s32 s25, $0x2;
	p1 =	sne.s32 s25, $0x4E00;
	v12 =	vmax.f32 v12, $0.0e+00;
	v5 =	vadd.f32 v5, v10;
	v10 =	vld [tilespmem:s24+$0x1D670]  }
0x42: {  	v13 =	vld [tilespmem:s26+$0x1EA00];
	[tilespmem:s24+$0x1D600] =	vst v12;
	v11 =	vmax.f32 v11, $0.0e+00;
	v4 =	vadd.f32 v4, v9  }
0x43: {  	v14 =	vld [tilespmem:s26+$0x1EA10];
	[tilespmem:s24+$0x1D610] =	vst v11;
	v9 =	vmax.f32 v5, $0.0e+00;
	v3 =	vadd.f32 v3, v8  }
0x44: {  	v5 =	vld [tilespmem:s26+$0x1EA20];
	[tilespmem:s24+$0x1D620] =	vst v9;
	v8 =	vmax.f32 v4, $0.0e+00;
	v2 =	vadd.f32 v2, v7  }
0x45: {  	v4 =	vld [tilespmem:s26+$0x1EA30];
	[tilespmem:s24+$0x1D630] =	vst v8;
	v7 =	vmax.f32 v3, $0.0e+00;
	v1 =	vadd.f32 v1, v6  }
0x46: {  	v3 =	vld [tilespmem:s26+$0x1EA40];
	[tilespmem:s24+$0x1D640] =	vst v7;
	v6 =	vmax.f32 v2, $0.0e+00;
	v0 =	vadd.f32 v0, v10  }
0x47: {  	v2 =	vld [tilespmem:s26+$0x1EA50];
	[tilespmem:s24+$0x1D650] =	vst v6;
	v6 =	vmax.f32 v1, $0.0e+00  }
0x48: {  	v1 =	vld [tilespmem:s26+$0x1EA60];
	[tilespmem:s24+$0x1D660] =	vst v6;
	v6 =	vmax.f32 v0, $0.0e+00  }
0x49: {  	v0 =	vld [tilespmem:s26+$0x1EA70];
	[tilespmem:s24+$0x1D670] =	vst v6;
	s24 =	smov.u32 s26  }
0x4a: {  	v6 =	vld [tilespmem:s24+$0x1D600]  }
0x4b: {  	v11 =	vld [tilespmem:s24+$0x1D610]  }
.Ltmp0:
0x4c: {  	v10 =	vld [tilespmem:s24+$0x1D620];
	(pc) =	sbr.rel @p1 .LBB2_3-.Ltmp0, $4  }
0x4d: {  	v9 =	vld [tilespmem:s24+$0x1D630]  }
0x4e: {  	v8 =	vld [tilespmem:s24+$0x1D640]  }
0x4f: {  	v12 =	vadd.f32 v13, v6;
	v7 =	vld [tilespmem:s24+$0x1D650]  }
0x50: {  	s25 =	sadd.s32 $0x200, s25;
	v11 =	vadd.f32 v14, v11;
	v6 =	vld [tilespmem:s24+$0x1D660]  }
0x51: {  	v12 =	vmax.f32 v12, $0.0e+00;
	v5 =	vadd.f32 v5, v10;
	v63 =	vld [tilespmem:s24+$0x1D670]  }
0x52: {  	[tilespmem:s24+$0x1D600] =	vst v12;
	v11 =	vmax.f32 v11, $0.0e+00;
	v4 =	vadd.f32 v4, v9  }
0x53: {  	[tilespmem:s24+$0x1D610] =	vst v11;
	v5 =	vmax.f32 v5, $0.0e+00;
	v3 =	vadd.f32 v3, v8  }
0x54: {  	[tilespmem:s24+$0x1D620] =	vst v5;
	v4 =	vmax.f32 v4, $0.0e+00;
	v2 =	vadd.f32 v2, v7  }
0x55: {  	[tilespmem:s24+$0x1D630] =	vst v4;
	v3 =	vmax.f32 v3, $0.0e+00;
	v1 =	vadd.f32 v1, v6  }
0x56: {  	[tilespmem:s24+$0x1D640] =	vst v3;
	v2 =	vmax.f32 v2, $0.0e+00;
	v0 =	vadd.f32 v0, v63  }
0x57: {  	s23 =	sadd.s32 $0x1, s23;
	[tilespmem:s24+$0x1D650] =	vst v2;
	v1 =	vmax.f32 v1, $0.0e+00  }
0x58: {  	p1 =	sne.s32 s23, $0xFA;
	[tilespmem:s24+$0x1D660] =	vst v1;
	v0 =	vmax.f32 v0, $0.0e+00  }
.Ltmp1:
0x59: {  	[tilespmem:s24+$0x1D670] =	vst v0;
	(pc) =	sbr.rel @p1 .LBB2_2-.Ltmp1, $4  }
0x5a: {  	[spmem:s2] =	stream.indirect.scatter.add.f32 [tilespmem:s20], [sflag:$0x2], $0x80, s18, s19, $0xb8;
	[tilespmem:$0x1FE00] =	vst v63  }
0x5b: {  	_ =	swait.ge [sflag:s17], $0x1400  }
0x5c: {  	[sflag:s17] =	ssyncset.done $0x0  }
0x5d: {  	[sflag:s17] =	ssyncadd.s32 $0xFFFFEC00  }
0x5e: {  	[bflag:$0x0] =	sbarrier.arrive $0xFFFF;
	s23 =	simm.s32 @p0 $0x1FC2  }
0x5f: {  	[hbm:s11], [sflag:s23] =	dma.local @p0 [spmem:s13], $0x3500  }
0x60: {  	s23 =	simm.s32 @p0 $0x2  }
0x61: {  	s3 =	sadd.s32 $0x1, s3;
	_ =	swait.ge @p0 [sflag:s23], $0x3500  }
0x62: {  	p1 =	sne.s32 s3, s12;
	[sflag:s23] =	ssyncset.done @p0 $0x0  }
.Ltmp2:
0x63: {  	[sflag:s23] =	ssyncadd.s32 @p0 $0xFFFFCB00;
	s23 =	simm.s32 @!p0 $0x2;
	(pc) =	sbr.rel @p1 .LBB2_1-.Ltmp2, $4  }
0x64: {  	[hbm:s10], [sflag:s14] =	dma.local @!p0 [spmem:s15], $0x3B00  }
0x65: {  	_ =	swait.ge @!p0 [sflag:s23], $0x3B00  }
0x66: {  	[sflag:s23] =	ssyncset.done @!p0 $0x0  }
0x67: {  	[sflag:s23] =	ssyncadd.s32 @!p0 $0xFFFFC500  }
0x68: {  	_ =	sfence.sel $0x180000  }
0x69: {  	[bflag:$0x0] =	sbarrier.arrive $0xFFFF  }
0x6a: {  	p0 =	sne.s32 s4, $0x0;
	_ =	strace $0x90000059  }
0x6b: {  	s0 =	sadd.s32 @!p0 $0x100000, s0;
	[bflag:$0x2] =	sbarrier.arrive $0xFFFF  }
0x6c: {  	[sflag:s0] =	ssyncadd.tile.s32 @!p0 $0x1;
	_ =	shalt  }
.Lfunc_end2:
_tile_overlayer_lowered:
.L_overlay_start_2:
0x6d: {  	(tag) =	ssettag $0x2  }
0x6e: {  	s0 =	rddreg [dreg:$0x0];
	s2 =	stileid.u32  }
0x6f: {  	s1 =	rddreg [dreg:$0x1];
	p0 =	sne.s32 s2, $0x0  }
0x70: {  	s3 =	rddreg [dreg:$0x2];
	[bflag:$0x3] =	sbarrier.arrive $0xFFFF;
	s2 =	simm.s32 @!p0 $0x1C02  }
0x71: {  	[timem:s3], [sflag:s2] =	dma.local @!p0 [hbm:s0], s1  }
0x72: {  	s0 =	simm.s32 @!p0 $0x2  }
0x73: {  	_ =	swait.ge @!p0 [sflag:s0], s1  }
0x74: {  	s1 =	ssub.s32 @!p0 $0x0, s1;
	[sflag:s0] =	ssyncset.done @!p0 $0x0  }
0x75: {  	[sflag:s0] =	ssyncadd.s32 @!p0 s1  }
0x76: {  	[bflag:$0x3] =	sbarrier.arrive $0xFFFF  }
0x77: {  	_ =	shalt  }

</sc_bundles>
